<compile_context>
chip_gen: v7x
topology: tpu7x:2x2x1
jax: 0.10.2.dev20260603
libtpu: 0.0.44.dev20260713+nightly
codegen_flags: <defaults>
</compile_context>

<pallas_src>
import functools

import jax
import jax.numpy as jnp
from jax import lax
from jax.experimental import pallas as pl
from jax.experimental.pallas import tpu as pltpu
from jax.experimental.pallas import tpu_sc as plsc

B = 16384
V = 64
G = 8
GS = 8

_info = plsc.get_sparse_core_info()
_NC, _NS, L = _info.num_cores, _info.num_subcores, _info.num_lanes
NWK = _NC * _NS
RPW = B // NWK
NRB = RPW // L

_LN2 = 0.6931471805599453
_SQRT2 = 1.4142135623730951


def _vlog(y):
    bits = lax.bitcast_convert_type(y, jnp.int32)
    e = lax.shift_right_arithmetic(bits, 23) - 127
    m = lax.bitcast_convert_type(
        jnp.bitwise_or(jnp.bitwise_and(bits, 0x007FFFFF), 0x3F800000),
        jnp.float32)
    big = m > _SQRT2
    m = jnp.where(big, m * 0.5, m)
    e = jnp.where(big, e + 1, e)
    t = (m - 1.0) / (m + 1.0)
    t2 = t * t
    p = 2.0 + t2 * (2.0 / 3.0 + t2 * (2.0 / 5.0 + t2 * (2.0 / 7.0
                                                        + t2 * (2.0 / 9.0))))
    return e.astype(jnp.float32) * _LN2 + t * p


def _splat(ref, i):
    return plsc.load_gather(ref, [jnp.full((L,), i, jnp.int32)])


@functools.partial(
    pl.kernel,
    out_type=jax.ShapeDtypeStruct((B,), jnp.float32),
    mesh=plsc.VectorSubcoreMesh(core_axis_name="c", subcore_axis_name="s"),
    compiler_params=pltpu.CompilerParams(
        needs_layout_passes=False, use_tc_tiling_on_sc=False),
    scratch_types=[
        pltpu.VMEM((RPW, V + 1), jnp.float32),
        pltpu.VMEM((8 + 2 * V,), jnp.float32),
        pltpu.VMEM((RPW,), jnp.float32),
        pltpu.VMEM((RPW,), jnp.float32),
    ],
)
def _pc_sc(x_hbm, w_hbm, out_hbm, xv, wv, accv, outv):
    wid = lax.axis_index("s") * _NC + lax.axis_index("c")
    base = wid * RPW
    pltpu.sync_copy(x_hbm.at[pl.ds(base, RPW), pl.ds(0, V)],
                    xv.at[:, pl.ds(0, V)])
    pltpu.sync_copy(w_hbm, wv)

    iv = lax.iota(jnp.int32, L)
    tv = wv[pl.ds(0, L)]
    ev = jnp.where(iv < G, jnp.exp(tv), 0.0)
    wtv = ev / jnp.sum(ev)
    for g in range(G):
        wt = jnp.sum(jnp.where(iv == g, wtv, 0.0))
        avs, bvs = [], []
        for j in range(GS):
            k = G + 2 * (g * GS + j)
            w0 = _splat(wv, k)
            w1 = _splat(wv, k + 1)
            e1 = jnp.exp(w1 - w0)
            inv = 1.0 / (1.0 + e1)
            avs.append(inv * (1.0 - e1))
            bvs.append(inv * e1)

        @plsc.parallel_loop(0, NRB, unroll=4)
        def rb_body(rb, g=g, wt=wt, avs=avs, bvs=bvs, iv=iv):
            ridx = iv + rb * L
            u = []
            for j in range(GS):
                cidx = jnp.full((L,), g * GS + j, jnp.int32)
                col = plsc.load_gather(xv, [ridx, cidx])
                u.append(avs[j] * col + bvs[j])
            u01 = u[0] * u[1]
            u23 = u[2] * u[3]
            u45 = u[4] * u[5]
            u67 = u[6] * u[7]
            term = wt * ((u01 * u23) * (u45 * u67))
            if g == 0:
                accv[pl.ds(rb * L, L)] = term
            else:
                plsc.addupdate(accv.at[pl.ds(rb * L, L)], term)

    @plsc.parallel_loop(0, NRB, unroll=4)
    def log_body(rb):
        outv[pl.ds(rb * L, L)] = _vlog(accv[pl.ds(rb * L, L)])

    pltpu.sync_copy(outv, out_hbm.at[pl.ds(base, RPW)])


def kernel(x, W):
    return _pc_sc(x, W)

# --- scband reference (transcript-rebuilt; emitter-appended) ---
"""Pipeline reference for scband-pccircuit-86114094285102 (READ-ONLY COPY).

The authoritative reference and input builder live on the scoring server;
editing this copy changes nothing except your own understanding.
"""

import jax, jax.numpy as jnp
import numpy as np

N_VARS = 64
GROUPS = 8
GSIZE = 8
BATCH = 16384
NW = 8 + 2 * N_VARS  # top sum node: 8 weights; per-variable sum nodes: 2 weights each (traversal order: top first, then depth-first)


def setup_inputs(seed: int = 0) -> dict:
    key = jax.random.key(seed)
    k1, k2 = jax.random.split(key)
    # probabilities in (0,1); avoid exact 0/1 so log(x) and log(1-x) stay finite
    x = jax.random.uniform(k1, (BATCH, N_VARS), dtype=jnp.float32, minval=0.01, maxval=0.99)
    # learned parameter W (circuit_type='train' -> torch.randn(number_of_weights))
    W = jax.random.normal(k2, (NW,), dtype=jnp.float32)
    return {"x": x, "W": W}


def reference(x, W):
    # Faithful evaluation of the PCCircuit recursion for the fixed tree:
    #   leaves: node 2i -> log(x_i); node 2i+1 -> log(1 - x_i)
    #   sum node per variable i (children [2i, 2i+1]): logsumexp(child_logs + log_softmax(w_i))
    #   product node per group g of 8 vars: sum of child log-values
    #   top sum node over 8 product nodes: logsumexp(child_logs + log_softmax(w_top))
    log_x = jnp.log(x)            # [B, V]  (even leaf ids)
    log_1mx = jnp.log(1.0 - x)    # [B, V]  (odd leaf ids)
    # weight_dict traversal order: top sum node gets weight ids 0..7,
    # then depth-first over products 192..199, so sum node for var i gets ids 8+2i, 9+2i
    w_pairs = W[8:].reshape(N_VARS, 2)                      # [V, 2]
    log_w = jax.nn.log_softmax(w_pairs, axis=1)             # softmax then log == log_softmax
    stacked = jnp.stack([log_x, log_1mx], axis=-1)          # [B, V, 2]
    s = jax.scipy.special.logsumexp(stacked + log_w[None, :, :], axis=-1)  # [B, V]
    # product nodes: sum log-values of their 8 sum-node children
    p = s.reshape(x.shape[0], GROUPS, GSIZE).sum(axis=-1)   # [B, 8]
    # top sum node
    log_w_top = jax.nn.log_softmax(W[:8])                   # [8]
    out = jax.scipy.special.logsumexp(p + log_w_top[None, :], axis=-1)     # [B]
    return out

if __name__ == "__main__":
    import jax
    _d = setup_inputs()
    print(jax.jit(kernel)(*tuple(_d.values())))

</pallas_src>

<mosaic_0001>
#map = affine_map<(d0, d1) -> (0, 0)>
#map1 = affine_map<(d0, d1) -> (0)>
module attributes {stable_mosaic.version = 14 : i64} {
  func.func @_pc_sc(%arg0: i32, %arg1: i32, %arg2: memref<16384x64xf32, #tpu.memory_space<hbm>>, %arg3: memref<136xf32, #tpu.memory_space<hbm>>, %arg4: memref<16384xf32, #tpu.memory_space<hbm>>, %arg5: memref<512x65xf32, #tpu.memory_space<vmem>>, %arg6: memref<136xf32, #tpu.memory_space<vmem>>, %arg7: memref<512xf32, #tpu.memory_space<vmem>>, %arg8: memref<512xf32, #tpu.memory_space<vmem>>) attributes {dimension_semantics = [#tpu.dimension_semantics<core_parallel>, #tpu.dimension_semantics<subcore_parallel>], iteration_bounds = array<i64: 2, 16>, scalar_prefetch = 0 : i64, scratch_operands = 4 : i64, tpu.core_type = #tpu.core_type<sc_vector_subcore>, window_params = [{transform_indices = #map}, {transform_indices = #map1}, {transform_indices = #map1}]} {
    %mul3A = arith.constant 2 : i32
    %mul3A_0 = arith.muli %arg1, %mul3A : i32
    %add3A = arith.addi %mul3A_0, %arg0 : i32
    %mul3A_1 = arith.constant 512 : i32
    %mul3A_2 = arith.muli %add3A, %mul3A_1 : i32
    "tpu.region"() ({
      %run_scoped3A = tpu.sem_alloc : memref<!tpu.dma_semaphore, #tpu.memory_space<semaphore_mem>>
      %dma_start3A = arith.constant 0 : i32
      %dma_start3A_1329 = arith.constant 0 : i32
      %dma_start3A_1330 = tpu.memref_slice %arg5[%dma_start3A, %dma_start3A_1329] : memref<512x65xf32, #tpu.memory_space<vmem>> -> memref<512x64xf32, #tpu.memory_space<vmem>>
      %dma_start3A_1331 = arith.constant 0 : i32
      %dma_start3A_1332 = tpu.memref_slice %arg2[%mul3A_2, %dma_start3A_1331] : memref<16384x64xf32, #tpu.memory_space<hbm>> -> memref<512x64xf32, #tpu.memory_space<hbm>>
      %dma_start3A_1333 = arith.constant 0 : i32
      %dma_start3A_1334 = arith.constant 0 : i32
      %dma_start3A_1335 = tpu.memref_slice %arg5[%dma_start3A_1333, %dma_start3A_1334] : memref<512x65xf32, #tpu.memory_space<vmem>> -> memref<512x64xf32, #tpu.memory_space<vmem>>
      %dma_start3A_1336 = arith.constant 0 : i32
      %dma_start3A_1337 = tpu.memref_slice %arg2[%mul3A_2, %dma_start3A_1336] : memref<16384x64xf32, #tpu.memory_space<hbm>> -> memref<512x64xf32, #tpu.memory_space<hbm>>
      tpu.enqueue_dma source(%dma_start3A_1337 : memref<512x64xf32, #tpu.memory_space<hbm>>) target(%dma_start3A_1335 : memref<512x64xf32, #tpu.memory_space<vmem>>) target_semaphore(%run_scoped3A : memref<!tpu.dma_semaphore, #tpu.memory_space<semaphore_mem>>)
      %dma_wait3A = arith.constant 0 : i32
      %dma_wait3A_1338 = arith.constant 0 : i32
      %dma_wait3A_1339 = tpu.memref_slice %arg5[%dma_wait3A, %dma_wait3A_1338] : memref<512x65xf32, #tpu.memory_space<vmem>> -> memref<512x64xf32, #tpu.memory_space<vmem>>
      %dma_wait3A_1340 = arith.constant 0 : i32
      %dma_wait3A_1341 = tpu.memref_slice %arg2[%mul3A_2, %dma_wait3A_1340] : memref<16384x64xf32, #tpu.memory_space<hbm>> -> memref<512x64xf32, #tpu.memory_space<hbm>>
      %dma_wait3A_1342 = arith.constant 0 : i32
      %dma_wait3A_1343 = arith.constant 0 : i32
      %dma_wait3A_1344 = tpu.memref_slice %arg5[%dma_wait3A_1342, %dma_wait3A_1343] : memref<512x65xf32, #tpu.memory_space<vmem>> -> memref<512x64xf32, #tpu.memory_space<vmem>>
      %dma_wait3A_1345 = arith.constant 0 : i32
      %dma_wait3A_1346 = tpu.memref_slice %arg2[%mul3A_2, %dma_wait3A_1345] : memref<16384x64xf32, #tpu.memory_space<hbm>> -> memref<512x64xf32, #tpu.memory_space<hbm>>
      tpu.wait_dma2 semaphore(%run_scoped3A : memref<!tpu.dma_semaphore, #tpu.memory_space<semaphore_mem>>) src(%dma_wait3A_1346 : memref<512x64xf32, #tpu.memory_space<hbm>>) dst(%dma_wait3A_1344 : memref<512x64xf32, #tpu.memory_space<vmem>>)
      tpu.yield
    }) : () -> ()
    "tpu.region"() ({
      %run_scoped3A = tpu.sem_alloc : memref<!tpu.dma_semaphore, #tpu.memory_space<semaphore_mem>>
      tpu.enqueue_dma source(%arg3 : memref<136xf32, #tpu.memory_space<hbm>>) target(%arg6 : memref<136xf32, #tpu.memory_space<vmem>>) target_semaphore(%run_scoped3A : memref<!tpu.dma_semaphore, #tpu.memory_space<semaphore_mem>>)
      tpu.wait_dma2 semaphore(%run_scoped3A : memref<!tpu.dma_semaphore, #tpu.memory_space<semaphore_mem>>) src(%arg3 : memref<136xf32, #tpu.memory_space<hbm>>) dst(%arg6 : memref<136xf32, #tpu.memory_space<vmem>>)
      tpu.yield
    }) : () -> ()
    %iota3A = tpu.iota {dimensions = array<i32: 0>} : vector<16xi32>
    %get3A = arith.constant 0 : index
    %get3A_3 = tpu.vector_load %arg6[%get3A] {strides = array<i32>} : memref<136xf32, #tpu.memory_space<vmem>>, vector<16xf32>,
    %lt3A = arith.constant 8 : i32
    %lt3A_4 = vector.broadcast %lt3A : i32 to vector<16xi32>
    %lt3A_5 = arith.cmpi slt, %iota3A, %lt3A_4 : vector<16xi32>
    %exp3A = math.exp %get3A_3 : vector<16xf32>
    %jit3A = arith.constant 0.000000e+00 : f32
    %broadcast_in_dim3A = vector.broadcast %jit3A : f32 to vector<16xf32>
    %select_n3A = arith.select %lt3A_5, %exp3A, %broadcast_in_dim3A : vector<16xi1>, vector<16xf32>
    %reduce_sum3A = arith.constant true
    %reduce_sum3A_6 = vector.broadcast %reduce_sum3A : i1 to vector<16xi1>
    %reduce_sum3A_7 = tpu.scan <sum>, %select_n3A masked %reduce_sum3A_6 : vector<16xf32>, vector<16xi1> -> vector<16xf32>
    %reduce_sum3A_8 = vector.extract %reduce_sum3A_7[15] : f32 from vector<16xf32>
    %div3A = vector.broadcast %reduce_sum3A_8 : f32 to vector<16xf32>
    %div3A_9 = arith.divf %select_n3A, %div3A : vector<16xf32>
    %eq3A = arith.constant 0 : i32
    %eq3A_10 = vector.broadcast %eq3A : i32 to vector<16xi32>
    %eq3A_11 = arith.cmpi eq, %iota3A, %eq3A_10 : vector<16xi32>
    %jit3A_12 = arith.constant 0.000000e+00 : f32
    %broadcast_in_dim3A_13 = vector.broadcast %jit3A_12 : f32 to vector<16xf32>
    %select_n3A_14 = arith.select %eq3A_11, %div3A_9, %broadcast_in_dim3A_13 : vector<16xi1>, vector<16xf32>
    %reduce_sum3A_15 = arith.constant true
    %reduce_sum3A_16 = vector.broadcast %reduce_sum3A_15 : i1 to vector<16xi1>
    %reduce_sum3A_17 = tpu.scan <sum>, %select_n3A_14 masked %reduce_sum3A_16 : vector<16xf32>, vector<16xi1> -> vector<16xf32>
    %reduce_sum3A_18 = vector.extract %reduce_sum3A_17[15] : f32 from vector<16xf32>
    %broadcast_in_dim3A_19 = arith.constant 8 : i32
    %broadcast_in_dim3A_20 = vector.broadcast %broadcast_in_dim3A_19 : i32 to vector<16xi32>
    %gather3A = tpu.vector_load_idx %arg6[%broadcast_in_dim3A_20] : memref<136xf32, #tpu.memory_space<vmem>>[vector<16xi32>], vector<16xf32>,
    %broadcast_in_dim3A_21 = arith.constant 9 : i32
    %broadcast_in_dim3A_22 = vector.broadcast %broadcast_in_dim3A_21 : i32 to vector<16xi32>
    %gather3A_23 = tpu.vector_load_idx %arg6[%broadcast_in_dim3A_22] : memref<136xf32, #tpu.memory_space<vmem>>[vector<16xi32>], vector<16xf32>,
    %sub3A = arith.subf %gather3A_23, %gather3A : vector<16xf32>
    %exp3A_24 = math.exp %sub3A : vector<16xf32>
    %add3A_25 = arith.constant 1.000000e+00 : f32
    %add3A_26 = vector.broadcast %add3A_25 : f32 to vector<16xf32>
    %add3A_27 = arith.addf %add3A_26, %exp3A_24 : vector<16xf32>
    %div3A_28 = arith.constant 1.000000e+00 : f32
    %div3A_29 = vector.broadcast %div3A_28 : f32 to vector<16xf32>
    %div3A_30 = arith.divf %div3A_29, %add3A_27 : vector<16xf32>
    %sub3A_31 = arith.constant 1.000000e+00 : f32
    %sub3A_32 = vector.broadcast %sub3A_31 : f32 to vector<16xf32>
    %sub3A_33 = arith.subf %sub3A_32, %exp3A_24 : vector<16xf32>
    %mul3A_34 = arith.mulf %div3A_30, %sub3A_33 : vector<16xf32>
    %mul3A_35 = arith.mulf %div3A_30, %exp3A_24 : vector<16xf32>
    %broadcast_in_dim3A_36 = arith.constant 10 : i32
    %broadcast_in_dim3A_37 = vector.broadcast %broadcast_in_dim3A_36 : i32 to vector<16xi32>
    %gather3A_38 = tpu.vector_load_idx %arg6[%broadcast_in_dim3A_37] : memref<136xf32, #tpu.memory_space<vmem>>[vector<16xi32>], vector<16xf32>,
    %broadcast_in_dim3A_39 = arith.constant 11 : i32
    %broadcast_in_dim3A_40 = vector.broadcast %broadcast_in_dim3A_39 : i32 to vector<16xi32>
    %gather3A_41 = tpu.vector_load_idx %arg6[%broadcast_in_dim3A_40] : memref<136xf32, #tpu.memory_space<vmem>>[vector<16xi32>], vector<16xf32>,
    %sub3A_42 = arith.subf %gather3A_41, %gather3A_38 : vector<16xf32>
    %exp3A_43 = math.exp %sub3A_42 : vector<16xf32>
    %add3A_44 = arith.constant 1.000000e+00 : f32
    %add3A_45 = vector.broadcast %add3A_44 : f32 to vector<16xf32>
    %add3A_46 = arith.addf %add3A_45, %exp3A_43 : vector<16xf32>
    %div3A_47 = arith.constant 1.000000e+00 : f32
    %div3A_48 = vector.broadcast %div3A_47 : f32 to vector<16xf32>
    %div3A_49 = arith.divf %div3A_48, %add3A_46 : vector<16xf32>
    %sub3A_50 = arith.constant 1.000000e+00 : f32
    %sub3A_51 = vector.broadcast %sub3A_50 : f32 to vector<16xf32>
    %sub3A_52 = arith.subf %sub3A_51, %exp3A_43 : vector<16xf32>
    %mul3A_53 = arith.mulf %div3A_49, %sub3A_52 : vector<16xf32>
    %mul3A_54 = arith.mulf %div3A_49, %exp3A_43 : vector<16xf32>
    %broadcast_in_dim3A_55 = arith.constant 12 : i32
    %broadcast_in_dim3A_56 = vector.broadcast %broadcast_in_dim3A_55 : i32 to vector<16xi32>
    %gather3A_57 = tpu.vector_load_idx %arg6[%broadcast_in_dim3A_56] : memref<136xf32, #tpu.memory_space<vmem>>[vector<16xi32>], vector<16xf32>,
    %broadcast_in_dim3A_58 = arith.constant 13 : i32
    %broadcast_in_dim3A_59 = vector.broadcast %broadcast_in_dim3A_58 : i32 to vector<16xi32>
    %gather3A_60 = tpu.vector_load_idx %arg6[%broadcast_in_dim3A_59] : memref<136xf32, #tpu.memory_space<vmem>>[vector<16xi32>], vector<16xf32>,
    %sub3A_61 = arith.subf %gather3A_60, %gather3A_57 : vector<16xf32>
    %exp3A_62 = math.exp %sub3A_61 : vector<16xf32>
    %add3A_63 = arith.constant 1.000000e+00 : f32
    %add3A_64 = vector.broadcast %add3A_63 : f32 to vector<16xf32>
    %add3A_65 = arith.addf %add3A_64, %exp3A_62 : vector<16xf32>
    %div3A_66 = arith.constant 1.000000e+00 : f32
    %div3A_67 = vector.broadcast %div3A_66 : f32 to vector<16xf32>
    %div3A_68 = arith.divf %div3A_67, %add3A_65 : vector<16xf32>
    %sub3A_69 = arith.constant 1.000000e+00 : f32
    %sub3A_70 = vector.broadcast %sub3A_69 : f32 to vector<16xf32>
    %sub3A_71 = arith.subf %sub3A_70, %exp3A_62 : vector<16xf32>
    %mul3A_72 = arith.mulf %div3A_68, %sub3A_71 : vector<16xf32>
    %mul3A_73 = arith.mulf %div3A_68, %exp3A_62 : vector<16xf32>
    %broadcast_in_dim3A_74 = arith.constant 14 : i32
    %broadcast_in_dim3A_75 = vector.broadcast %broadcast_in_dim3A_74 : i32 to vector<16xi32>
    %gather3A_76 = tpu.vector_load_idx %arg6[%broadcast_in_dim3A_75] : memref<136xf32, #tpu.memory_space<vmem>>[vector<16xi32>], vector<16xf32>,
    %broadcast_in_dim3A_77 = arith.constant 15 : i32
    %broadcast_in_dim3A_78 = vector.broadcast %broadcast_in_dim3A_77 : i32 to vector<16xi32>
    %gather3A_79 = tpu.vector_load_idx %arg6[%broadcast_in_dim3A_78] : memref<136xf32, #tpu.memory_space<vmem>>[vector<16xi32>], vector<16xf32>,
    %sub3A_80 = arith.subf %gather3A_79, %gather3A_76 : vector<16xf32>
    %exp3A_81 = math.exp %sub3A_80 : vector<16xf32>
    %add3A_82 = arith.constant 1.000000e+00 : f32
    %add3A_83 = vector.broadcast %add3A_82 : f32 to vector<16xf32>
    %add3A_84 = arith.addf %add3A_83, %exp3A_81 : vector<16xf32>
    %div3A_85 = arith.constant 1.000000e+00 : f32
    %div3A_86 = vector.broadcast %div3A_85 : f32 to vector<16xf32>
    %div3A_87 = arith.divf %div3A_86, %add3A_84 : vector<16xf32>
    %sub3A_88 = arith.constant 1.000000e+00 : f32
    %sub3A_89 = vector.broadcast %sub3A_88 : f32 to vector<16xf32>
    %sub3A_90 = arith.subf %sub3A_89, %exp3A_81 : vector<16xf32>
    %mul3A_91 = arith.mulf %div3A_87, %sub3A_90 : vector<16xf32>
    %mul3A_92 = arith.mulf %div3A_87, %exp3A_81 : vector<16xf32>
    %broadcast_in_dim3A_93 = arith.constant 16 : i32
    %broadcast_in_dim3A_94 = vector.broadcast %broadcast_in_dim3A_93 : i32 to vector<16xi32>
    %gather3A_95 = tpu.vector_load_idx %arg6[%broadcast_in_dim3A_94] : memref<136xf32, #tpu.memory_space<vmem>>[vector<16xi32>], vector<16xf32>,
    %broadcast_in_dim3A_96 = arith.constant 17 : i32
    %broadcast_in_dim3A_97 = vector.broadcast %broadcast_in_dim3A_96 : i32 to vector<16xi32>
    %gather3A_98 = tpu.vector_load_idx %arg6[%broadcast_in_dim3A_97] : memref<136xf32, #tpu.memory_space<vmem>>[vector<16xi32>], vector<16xf32>,
    %sub3A_99 = arith.subf %gather3A_98, %gather3A_95 : vector<16xf32>
    %exp3A_100 = math.exp %sub3A_99 : vector<16xf32>
    %add3A_101 = arith.constant 1.000000e+00 : f32
    %add3A_102 = vector.broadcast %add3A_101 : f32 to vector<16xf32>
    %add3A_103 = arith.addf %add3A_102, %exp3A_100 : vector<16xf32>
    %div3A_104 = arith.constant 1.000000e+00 : f32
    %div3A_105 = vector.broadcast %div3A_104 : f32 to vector<16xf32>
    %div3A_106 = arith.divf %div3A_105, %add3A_103 : vector<16xf32>
    %sub3A_107 = arith.constant 1.000000e+00 : f32
    %sub3A_108 = vector.broadcast %sub3A_107 : f32 to vector<16xf32>
    %sub3A_109 = arith.subf %sub3A_108, %exp3A_100 : vector<16xf32>
    %mul3A_110 = arith.mulf %div3A_106, %sub3A_109 : vector<16xf32>
    %mul3A_111 = arith.mulf %div3A_106, %exp3A_100 : vector<16xf32>
    %broadcast_in_dim3A_112 = arith.constant 18 : i32
    %broadcast_in_dim3A_113 = vector.broadcast %broadcast_in_dim3A_112 : i32 to vector<16xi32>
    %gather3A_114 = tpu.vector_load_idx %arg6[%broadcast_in_dim3A_113] : memref<136xf32, #tpu.memory_space<vmem>>[vector<16xi32>], vector<16xf32>,
    %broadcast_in_dim3A_115 = arith.constant 19 : i32
    %broadcast_in_dim3A_116 = vector.broadcast %broadcast_in_dim3A_115 : i32 to vector<16xi32>
    %gather3A_117 = tpu.vector_load_idx %arg6[%broadcast_in_dim3A_116] : memref<136xf32, #tpu.memory_space<vmem>>[vector<16xi32>], vector<16xf32>,
    %sub3A_118 = arith.subf %gather3A_117, %gather3A_114 : vector<16xf32>
    %exp3A_119 = math.exp %sub3A_118 : vector<16xf32>
    %add3A_120 = arith.constant 1.000000e+00 : f32
    %add3A_121 = vector.broadcast %add3A_120 : f32 to vector<16xf32>
    %add3A_122 = arith.addf %add3A_121, %exp3A_119 : vector<16xf32>
    %div3A_123 = arith.constant 1.000000e+00 : f32
    %div3A_124 = vector.broadcast %div3A_123 : f32 to vector<16xf32>
    %div3A_125 = arith.divf %div3A_124, %add3A_122 : vector<16xf32>
    %sub3A_126 = arith.constant 1.000000e+00 : f32
    %sub3A_127 = vector.broadcast %sub3A_126 : f32 to vector<16xf32>
    %sub3A_128 = arith.subf %sub3A_127, %exp3A_119 : vector<16xf32>
    %mul3A_129 = arith.mulf %div3A_125, %sub3A_128 : vector<16xf32>
    %mul3A_130 = arith.mulf %div3A_125, %exp3A_119 : vector<16xf32>
    %broadcast_in_dim3A_131 = arith.constant 20 : i32
    %broadcast_in_dim3A_132 = vector.broadcast %broadcast_in_dim3A_131 : i32 to vector<16xi32>
    %gather3A_133 = tpu.vector_load_idx %arg6[%broadcast_in_dim3A_132] : memref<136xf32, #tpu.memory_space<vmem>>[vector<16xi32>], vector<16xf32>,
    %broadcast_in_dim3A_134 = arith.constant 21 : i32
    %broadcast_in_dim3A_135 = vector.broadcast %broadcast_in_dim3A_134 : i32 to vector<16xi32>
    %gather3A_136 = tpu.vector_load_idx %arg6[%broadcast_in_dim3A_135] : memref<136xf32, #tpu.memory_space<vmem>>[vector<16xi32>], vector<16xf32>,
    %sub3A_137 = arith.subf %gather3A_136, %gather3A_133 : vector<16xf32>
    %exp3A_138 = math.exp %sub3A_137 : vector<16xf32>
    %add3A_139 = arith.constant 1.000000e+00 : f32
    %add3A_140 = vector.broadcast %add3A_139 : f32 to vector<16xf32>
    %add3A_141 = arith.addf %add3A_140, %exp3A_138 : vector<16xf32>
    %div3A_142 = arith.constant 1.000000e+00 : f32
    %div3A_143 = vector.broadcast %div3A_142 : f32 to vector<16xf32>
    %div3A_144 = arith.divf %div3A_143, %add3A_141 : vector<16xf32>
    %sub3A_145 = arith.constant 1.000000e+00 : f32
    %sub3A_146 = vector.broadcast %sub3A_145 : f32 to vector<16xf32>
    %sub3A_147 = arith.subf %sub3A_146, %exp3A_138 : vector<16xf32>
    %mul3A_148 = arith.mulf %div3A_144, %sub3A_147 : vector<16xf32>
    %mul3A_149 = arith.mulf %div3A_144, %exp3A_138 : vector<16xf32>
    %broadcast_in_dim3A_150 = arith.constant 22 : i32
    %broadcast_in_dim3A_151 = vector.broadcast %broadcast_in_dim3A_150 : i32 to vector<16xi32>
    %gather3A_152 = tpu.vector_load_idx %arg6[%broadcast_in_dim3A_151] : memref<136xf32, #tpu.memory_space<vmem>>[vector<16xi32>], vector<16xf32>,
    %broadcast_in_dim3A_153 = arith.constant 23 : i32
    %broadcast_in_dim3A_154 = vector.broadcast %broadcast_in_dim3A_153 : i32 to vector<16xi32>
    %gather3A_155 = tpu.vector_load_idx %arg6[%broadcast_in_dim3A_154] : memref<136xf32, #tpu.memory_space<vmem>>[vector<16xi32>], vector<16xf32>,
    %sub3A_156 = arith.subf %gather3A_155, %gather3A_152 : vector<16xf32>
    %exp3A_157 = math.exp %sub3A_156 : vector<16xf32>
    %add3A_158 = arith.constant 1.000000e+00 : f32
    %add3A_159 = vector.broadcast %add3A_158 : f32 to vector<16xf32>
    %add3A_160 = arith.addf %add3A_159, %exp3A_157 : vector<16xf32>
    %div3A_161 = arith.constant 1.000000e+00 : f32
    %div3A_162 = vector.broadcast %div3A_161 : f32 to vector<16xf32>
    %div3A_163 = arith.divf %div3A_162, %add3A_160 : vector<16xf32>
    %sub3A_164 = arith.constant 1.000000e+00 : f32
    %sub3A_165 = vector.broadcast %sub3A_164 : f32 to vector<16xf32>
    %sub3A_166 = arith.subf %sub3A_165, %exp3A_157 : vector<16xf32>
    %mul3A_167 = arith.mulf %div3A_163, %sub3A_166 : vector<16xf32>
    %mul3A_168 = arith.mulf %div3A_163, %exp3A_157 : vector<16xf32>
    %parallel_loop3A = arith.constant 0 : i32
    %parallel_loop3A_169 = arith.constant 32 : i32
    %parallel_loop3A_170 = arith.constant 1 : i32
    scf.for %parallel_loop3A_1329 = %parallel_loop3A to %parallel_loop3A_169 step %parallel_loop3A_170  : i32 {
      %parallel_loop3A_1330 = arith.constant 16 : i32
      %parallel_loop3A_1331 = arith.muli %parallel_loop3A_1329, %parallel_loop3A_1330 : i32
      %parallel_loop3A_1332 = vector.broadcast %parallel_loop3A_1331 : i32 to vector<16xi32>
      %parallel_loop3A_1333 = arith.addi %iota3A, %parallel_loop3A_1332 : vector<16xi32>
      %parallel_loop3A_1334 = arith.constant 0 : i32
      %parallel_loop3A_1335 = vector.broadcast %parallel_loop3A_1334 : i32 to vector<16xi32>
      %parallel_loop3A_1336 = tpu.vector_load_idx %arg5[%parallel_loop3A_1333, %parallel_loop3A_1335] : memref<512x65xf32, #tpu.memory_space<vmem>>[vector<16xi32>, vector<16xi32>], vector<16xf32>,
      %parallel_loop3A_1337 = arith.mulf %mul3A_34, %parallel_loop3A_1336 : vector<16xf32>
      %parallel_loop3A_1338 = arith.addf %parallel_loop3A_1337, %mul3A_35 : vector<16xf32>
      %parallel_loop3A_1339 = arith.constant 1 : i32
      %parallel_loop3A_1340 = vector.broadcast %parallel_loop3A_1339 : i32 to vector<16xi32>
      %parallel_loop3A_1341 = tpu.vector_load_idx %arg5[%parallel_loop3A_1333, %parallel_loop3A_1340] : memref<512x65xf32, #tpu.memory_space<vmem>>[vector<16xi32>, vector<16xi32>], vector<16xf32>,
      %parallel_loop3A_1342 = arith.mulf %mul3A_53, %parallel_loop3A_1341 : vector<16xf32>
      %parallel_loop3A_1343 = arith.addf %parallel_loop3A_1342, %mul3A_54 : vector<16xf32>
      %parallel_loop3A_1344 = arith.constant 2 : i32
      %parallel_loop3A_1345 = vector.broadcast %parallel_loop3A_1344 : i32 to vector<16xi32>
      %parallel_loop3A_1346 = tpu.vector_load_idx %arg5[%parallel_loop3A_1333, %parallel_loop3A_1345] : memref<512x65xf32, #tpu.memory_space<vmem>>[vector<16xi32>, vector<16xi32>], vector<16xf32>,
      %parallel_loop3A_1347 = arith.mulf %mul3A_72, %parallel_loop3A_1346 : vector<16xf32>
      %parallel_loop3A_1348 = arith.addf %parallel_loop3A_1347, %mul3A_73 : vector<16xf32>
      %parallel_loop3A_1349 = arith.constant 3 : i32
      %parallel_loop3A_1350 = vector.broadcast %parallel_loop3A_1349 : i32 to vector<16xi32>
      %parallel_loop3A_1351 = tpu.vector_load_idx %arg5[%parallel_loop3A_1333, %parallel_loop3A_1350] : memref<512x65xf32, #tpu.memory_space<vmem>>[vector<16xi32>, vector<16xi32>], vector<16xf32>,
      %parallel_loop3A_1352 = arith.mulf %mul3A_91, %parallel_loop3A_1351 : vector<16xf32>
      %parallel_loop3A_1353 = arith.addf %parallel_loop3A_1352, %mul3A_92 : vector<16xf32>
      %parallel_loop3A_1354 = arith.constant 4 : i32
      %parallel_loop3A_1355 = vector.broadcast %parallel_loop3A_1354 : i32 to vector<16xi32>
      %parallel_loop3A_1356 = tpu.vector_load_idx %arg5[%parallel_loop3A_1333, %parallel_loop3A_1355] : memref<512x65xf32, #tpu.memory_space<vmem>>[vector<16xi32>, vector<16xi32>], vector<16xf32>,
      %parallel_loop3A_1357 = arith.mulf %mul3A_110, %parallel_loop3A_1356 : vector<16xf32>
      %parallel_loop3A_1358 = arith.addf %parallel_loop3A_1357, %mul3A_111 : vector<16xf32>
      %parallel_loop3A_1359 = arith.constant 5 : i32
      %parallel_loop3A_1360 = vector.broadcast %parallel_loop3A_1359 : i32 to vector<16xi32>
      %parallel_loop3A_1361 = tpu.vector_load_idx %arg5[%parallel_loop3A_1333, %parallel_loop3A_1360] : memref<512x65xf32, #tpu.memory_space<vmem>>[vector<16xi32>, vector<16xi32>], vector<16xf32>,
      %parallel_loop3A_1362 = arith.mulf %mul3A_129, %parallel_loop3A_1361 : vector<16xf32>
      %parallel_loop3A_1363 = arith.addf %parallel_loop3A_1362, %mul3A_130 : vector<16xf32>
      %parallel_loop3A_1364 = arith.constant 6 : i32
      %parallel_loop3A_1365 = vector.broadcast %parallel_loop3A_1364 : i32 to vector<16xi32>
      %parallel_loop3A_1366 = tpu.vector_load_idx %arg5[%parallel_loop3A_1333, %parallel_loop3A_1365] : memref<512x65xf32, #tpu.memory_space<vmem>>[vector<16xi32>, vector<16xi32>], vector<16xf32>,
      %parallel_loop3A_1367 = arith.mulf %mul3A_148, %parallel_loop3A_1366 : vector<16xf32>
      %parallel_loop3A_1368 = arith.addf %parallel_loop3A_1367, %mul3A_149 : vector<16xf32>
      %parallel_loop3A_1369 = arith.constant 7 : i32
      %parallel_loop3A_1370 = vector.broadcast %parallel_loop3A_1369 : i32 to vector<16xi32>
      %parallel_loop3A_1371 = tpu.vector_load_idx %arg5[%parallel_loop3A_1333, %parallel_loop3A_1370] : memref<512x65xf32, #tpu.memory_space<vmem>>[vector<16xi32>, vector<16xi32>], vector<16xf32>,
      %parallel_loop3A_1372 = arith.mulf %mul3A_167, %parallel_loop3A_1371 : vector<16xf32>
      %parallel_loop3A_1373 = arith.addf %parallel_loop3A_1372, %mul3A_168 : vector<16xf32>
      %parallel_loop3A_1374 = arith.mulf %parallel_loop3A_1338, %parallel_loop3A_1343 : vector<16xf32>
      %parallel_loop3A_1375 = arith.mulf %parallel_loop3A_1348, %parallel_loop3A_1353 : vector<16xf32>
      %parallel_loop3A_1376 = arith.mulf %parallel_loop3A_1358, %parallel_loop3A_1363 : vector<16xf32>
      %parallel_loop3A_1377 = arith.mulf %parallel_loop3A_1368, %parallel_loop3A_1373 : vector<16xf32>
      %parallel_loop3A_1378 = arith.mulf %parallel_loop3A_1374, %parallel_loop3A_1375 : vector<16xf32>
      %parallel_loop3A_1379 = arith.mulf %parallel_loop3A_1376, %parallel_loop3A_1377 : vector<16xf32>
      %parallel_loop3A_1380 = arith.mulf %parallel_loop3A_1378, %parallel_loop3A_1379 : vector<16xf32>
      %parallel_loop3A_1381 = vector.broadcast %reduce_sum3A_18 : f32 to vector<16xf32>
      %parallel_loop3A_1382 = arith.mulf %parallel_loop3A_1381, %parallel_loop3A_1380 : vector<16xf32>
      %parallel_loop3A_1383 = arith.constant 16 : i32
      %parallel_loop3A_1384 = arith.muli %parallel_loop3A_1329, %parallel_loop3A_1383 : i32
      %parallel_loop3A_1385 = arith.index_cast %parallel_loop3A_1384 : i32 to index
      %parallel_loop3A_1386 = tpu.vector_load %arg7[%parallel_loop3A_1385] {strides = array<i32>} : memref<512xf32, #tpu.memory_space<vmem>>, vector<16xf32>,
      tpu.vector_store %arg7[%parallel_loop3A_1385], %parallel_loop3A_1382 {strides = array<i32>} : memref<512xf32, #tpu.memory_space<vmem>>, vector<16xf32>,
    } {sc.loop_unroll_factor = 4 : i64, sc.parallel_access}
    %eq3A_171 = arith.constant 1 : i32
    %eq3A_172 = vector.broadcast %eq3A_171 : i32 to vector<16xi32>
    %eq3A_173 = arith.cmpi eq, %iota3A, %eq3A_172 : vector<16xi32>
    %jit3A_174 = arith.constant 0.000000e+00 : f32
    %broadcast_in_dim3A_175 = vector.broadcast %jit3A_174 : f32 to vector<16xf32>
    %select_n3A_176 = arith.select %eq3A_173, %div3A_9, %broadcast_in_dim3A_175 : vector<16xi1>, vector<16xf32>
    %reduce_sum3A_177 = arith.constant true
    %reduce_sum3A_178 = vector.broadcast %reduce_sum3A_177 : i1 to vector<16xi1>
    %reduce_sum3A_179 = tpu.scan <sum>, %select_n3A_176 masked %reduce_sum3A_178 : vector<16xf32>, vector<16xi1> -> vector<16xf32>
    %reduce_sum3A_180 = vector.extract %reduce_sum3A_179[15] : f32 from vector<16xf32>
    %broadcast_in_dim3A_181 = arith.constant 24 : i32
    %broadcast_in_dim3A_182 = vector.broadcast %broadcast_in_dim3A_181 : i32 to vector<16xi32>
    %gather3A_183 = tpu.vector_load_idx %arg6[%broadcast_in_dim3A_182] : memref<136xf32, #tpu.memory_space<vmem>>[vector<16xi32>], vector<16xf32>,
    %broadcast_in_dim3A_184 = arith.constant 25 : i32
    %broadcast_in_dim3A_185 = vector.broadcast %broadcast_in_dim3A_184 : i32 to vector<16xi32>
    %gather3A_186 = tpu.vector_load_idx %arg6[%broadcast_in_dim3A_185] : memref<136xf32, #tpu.memory_space<vmem>>[vector<16xi32>], vector<16xf32>,
    %sub3A_187 = arith.subf %gather3A_186, %gather3A_183 : vector<16xf32>
    %exp3A_188 = math.exp %sub3A_187 : vector<16xf32>
    %add3A_189 = arith.constant 1.000000e+00 : f32
    %add3A_190 = vector.broadcast %add3A_189 : f32 to vector<16xf32>
    %add3A_191 = arith.addf %add3A_190, %exp3A_188 : vector<16xf32>
    %div3A_192 = arith.constant 1.000000e+00 : f32
    %div3A_193 = vector.broadcast %div3A_192 : f32 to vector<16xf32>
    %div3A_194 = arith.divf %div3A_193, %add3A_191 : vector<16xf32>
    %sub3A_195 = arith.constant 1.000000e+00 : f32
    %sub3A_196 = vector.broadcast %sub3A_195 : f32 to vector<16xf32>
    %sub3A_197 = arith.subf %sub3A_196, %exp3A_188 : vector<16xf32>
    %mul3A_198 = arith.mulf %div3A_194, %sub3A_197 : vector<16xf32>
    %mul3A_199 = arith.mulf %div3A_194, %exp3A_188 : vector<16xf32>
    %broadcast_in_dim3A_200 = arith.constant 26 : i32
    %broadcast_in_dim3A_201 = vector.broadcast %broadcast_in_dim3A_200 : i32 to vector<16xi32>
    %gather3A_202 = tpu.vector_load_idx %arg6[%broadcast_in_dim3A_201] : memref<136xf32, #tpu.memory_space<vmem>>[vector<16xi32>], vector<16xf32>,
    %broadcast_in_dim3A_203 = arith.constant 27 : i32
    %broadcast_in_dim3A_204 = vector.broadcast %broadcast_in_dim3A_203 : i32 to vector<16xi32>
    %gather3A_205 = tpu.vector_load_idx %arg6[%broadcast_in_dim3A_204] : memref<136xf32, #tpu.memory_space<vmem>>[vector<16xi32>], vector<16xf32>,
    %sub3A_206 = arith.subf %gather3A_205, %gather3A_202 : vector<16xf32>
    %exp3A_207 = math.exp %sub3A_206 : vector<16xf32>
    %add3A_208 = arith.constant 1.000000e+00 : f32
    %add3A_209 = vector.broadcast %add3A_208 : f32 to vector<16xf32>
    %add3A_210 = arith.addf %add3A_209, %exp3A_207 : vector<16xf32>
    %div3A_211 = arith.constant 1.000000e+00 : f32
    %div3A_212 = vector.broadcast %div3A_211 : f32 to vector<16xf32>
    %div3A_213 = arith.divf %div3A_212, %add3A_210 : vector<16xf32>
    %sub3A_214 = arith.constant 1.000000e+00 : f32
    %sub3A_215 = vector.broadcast %sub3A_214 : f32 to vector<16xf32>
    %sub3A_216 = arith.subf %sub3A_215, %exp3A_207 : vector<16xf32>
    %mul3A_217 = arith.mulf %div3A_213, %sub3A_216 : vector<16xf32>
    %mul3A_218 = arith.mulf %div3A_213, %exp3A_207 : vector<16xf32>
    %broadcast_in_dim3A_219 = arith.constant 28 : i32
    %broadcast_in_dim3A_220 = vector.broadcast %broadcast_in_dim3A_219 : i32 to vector<16xi32>
    %gather3A_221 = tpu.vector_load_idx %arg6[%broadcast_in_dim3A_220] : memref<136xf32, #tpu.memory_space<vmem>>[vector<16xi32>], vector<16xf32>,
    %broadcast_in_dim3A_222 = arith.constant 29 : i32
    %broadcast_in_dim3A_223 = vector.broadcast %broadcast_in_dim3A_222 : i32 to vector<16xi32>
    %gather3A_224 = tpu.vector_load_idx %arg6[%broadcast_in_dim3A_223] : memref<136xf32, #tpu.memory_space<vmem>>[vector<16xi32>], vector<16xf32>,
    %sub3A_225 = arith.subf %gather3A_224, %gather3A_221 : vector<16xf32>
    %exp3A_226 = math.exp %sub3A_225 : vector<16xf32>
    %add3A_227 = arith.constant 1.000000e+00 : f32
    %add3A_228 = vector.broadcast %add3A_227 : f32 to vector<16xf32>
    %add3A_229 = arith.addf %add3A_228, %exp3A_226 : vector<16xf32>
    %div3A_230 = arith.constant 1.000000e+00 : f32
    %div3A_231 = vector.broadcast %div3A_230 : f32 to vector<16xf32>
    %div3A_232 = arith.divf %div3A_231, %add3A_229 : vector<16xf32>
    %sub3A_233 = arith.constant 1.000000e+00 : f32
    %sub3A_234 = vector.broadcast %sub3A_233 : f32 to vector<16xf32>
    %sub3A_235 = arith.subf %sub3A_234, %exp3A_226 : vector<16xf32>
    %mul3A_236 = arith.mulf %div3A_232, %sub3A_235 : vector<16xf32>
    %mul3A_237 = arith.mulf %div3A_232, %exp3A_226 : vector<16xf32>
    %broadcast_in_dim3A_238 = arith.constant 30 : i32
    %broadcast_in_dim3A_239 = vector.broadcast %broadcast_in_dim3A_238 : i32 to vector<16xi32>
    %gather3A_240 = tpu.vector_load_idx %arg6[%broadcast_in_dim3A_239] : memref<136xf32, #tpu.memory_space<vmem>>[vector<16xi32>], vector<16xf32>,
    %broadcast_in_dim3A_241 = arith.constant 31 : i32
    %broadcast_in_dim3A_242 = vector.broadcast %broadcast_in_dim3A_241 : i32 to vector<16xi32>
    %gather3A_243 = tpu.vector_load_idx %arg6[%broadcast_in_dim3A_242] : memref<136xf32, #tpu.memory_space<vmem>>[vector<16xi32>], vector<16xf32>,
    %sub3A_244 = arith.subf %gather3A_243, %gather3A_240 : vector<16xf32>
    %exp3A_245 = math.exp %sub3A_244 : vector<16xf32>
    %add3A_246 = arith.constant 1.000000e+00 : f32
    %add3A_247 = vector.broadcast %add3A_246 : f32 to vector<16xf32>
    %add3A_248 = arith.addf %add3A_247, %exp3A_245 : vector<16xf32>
    %div3A_249 = arith.constant 1.000000e+00 : f32
    %div3A_250 = vector.broadcast %div3A_249 : f32 to vector<16xf32>
    %div3A_251 = arith.divf %div3A_250, %add3A_248 : vector<16xf32>
    %sub3A_252 = arith.constant 1.000000e+00 : f32
    %sub3A_253 = vector.broadcast %sub3A_252 : f32 to vector<16xf32>
    %sub3A_254 = arith.subf %sub3A_253, %exp3A_245 : vector<16xf32>
    %mul3A_255 = arith.mulf %div3A_251, %sub3A_254 : vector<16xf32>
    %mul3A_256 = arith.mulf %div3A_251, %exp3A_245 : vector<16xf32>
    %broadcast_in_dim3A_257 = arith.constant 32 : i32
    %broadcast_in_dim3A_258 = vector.broadcast %broadcast_in_dim3A_257 : i32 to vector<16xi32>
    %gather3A_259 = tpu.vector_load_idx %arg6[%broadcast_in_dim3A_258] : memref<136xf32, #tpu.memory_space<vmem>>[vector<16xi32>], vector<16xf32>,
    %broadcast_in_dim3A_260 = arith.constant 33 : i32
    %broadcast_in_dim3A_261 = vector.broadcast %broadcast_in_dim3A_260 : i32 to vector<16xi32>
    %gather3A_262 = tpu.vector_load_idx %arg6[%broadcast_in_dim3A_261] : memref<136xf32, #tpu.memory_space<vmem>>[vector<16xi32>], vector<16xf32>,
    %sub3A_263 = arith.subf %gather3A_262, %gather3A_259 : vector<16xf32>
    %exp3A_264 = math.exp %sub3A_263 : vector<16xf32>
    %add3A_265 = arith.constant 1.000000e+00 : f32
    %add3A_266 = vector.broadcast %add3A_265 : f32 to vector<16xf32>
    %add3A_267 = arith.addf %add3A_266, %exp3A_264 : vector<16xf32>
    %div3A_268 = arith.constant 1.000000e+00 : f32
    %div3A_269 = vector.broadcast %div3A_268 : f32 to vector<16xf32>
    %div3A_270 = arith.divf %div3A_269, %add3A_267 : vector<16xf32>
    %sub3A_271 = arith.constant 1.000000e+00 : f32
    %sub3A_272 = vector.broadcast %sub3A_271 : f32 to vector<16xf32>
    %sub3A_273 = arith.subf %sub3A_272, %exp3A_264 : vector<16xf32>
    %mul3A_274 = arith.mulf %div3A_270, %sub3A_273 : vector<16xf32>
    %mul3A_275 = arith.mulf %div3A_270, %exp3A_264 : vector<16xf32>
    %broadcast_in_dim3A_276 = arith.constant 34 : i32
    %broadcast_in_dim3A_277 = vector.broadcast %broadcast_in_dim3A_276 : i32 to vector<16xi32>
    %gather3A_278 = tpu.vector_load_idx %arg6[%broadcast_in_dim3A_277] : memref<136xf32, #tpu.memory_space<vmem>>[vector<16xi32>], vector<16xf32>,
    %broadcast_in_dim3A_279 = arith.constant 35 : i32
    %broadcast_in_dim3A_280 = vector.broadcast %broadcast_in_dim3A_279 : i32 to vector<16xi32>
    %gather3A_281 = tpu.vector_load_idx %arg6[%broadcast_in_dim3A_280] : memref<136xf32, #tpu.memory_space<vmem>>[vector<16xi32>], vector<16xf32>,
    %sub3A_282 = arith.subf %gather3A_281, %gather3A_278 : vector<16xf32>
    %exp3A_283 = math.exp %sub3A_282 : vector<16xf32>
    %add3A_284 = arith.constant 1.000000e+00 : f32
    %add3A_285 = vector.broadcast %add3A_284 : f32 to vector<16xf32>
    %add3A_286 = arith.addf %add3A_285, %exp3A_283 : vector<16xf32>
    %div3A_287 = arith.constant 1.000000e+00 : f32
    %div3A_288 = vector.broadcast %div3A_287 : f32 to vector<16xf32>
    %div3A_289 = arith.divf %div3A_288, %add3A_286 : vector<16xf32>
    %sub3A_290 = arith.constant 1.000000e+00 : f32
    %sub3A_291 = vector.broadcast %sub3A_290 : f32 to vector<16xf32>
    %sub3A_292 = arith.subf %sub3A_291, %exp3A_283 : vector<16xf32>
    %mul3A_293 = arith.mulf %div3A_289, %sub3A_292 : vector<16xf32>
    %mul3A_294 = arith.mulf %div3A_289, %exp3A_283 : vector<16xf32>
    %broadcast_in_dim3A_295 = arith.constant 36 : i32
    %broadcast_in_dim3A_296 = vector.broadcast %broadcast_in_dim3A_295 : i32 to vector<16xi32>
    %gather3A_297 = tpu.vector_load_idx %arg6[%broadcast_in_dim3A_296] : memref<136xf32, #tpu.memory_space<vmem>>[vector<16xi32>], vector<16xf32>,
    %broadcast_in_dim3A_298 = arith.constant 37 : i32
    %broadcast_in_dim3A_299 = vector.broadcast %broadcast_in_dim3A_298 : i32 to vector<16xi32>
    %gather3A_300 = tpu.vector_load_idx %arg6[%broadcast_in_dim3A_299] : memref<136xf32, #tpu.memory_space<vmem>>[vector<16xi32>], vector<16xf32>,
    %sub3A_301 = arith.subf %gather3A_300, %gather3A_297 : vector<16xf32>
    %exp3A_302 = math.exp %sub3A_301 : vector<16xf32>
    %add3A_303 = arith.constant 1.000000e+00 : f32
    %add3A_304 = vector.broadcast %add3A_303 : f32 to vector<16xf32>
    %add3A_305 = arith.addf %add3A_304, %exp3A_302 : vector<16xf32>
    %div3A_306 = arith.constant 1.000000e+00 : f32
    %div3A_307 = vector.broadcast %div3A_306 : f32 to vector<16xf32>
    %div3A_308 = arith.divf %div3A_307, %add3A_305 : vector<16xf32>
    %sub3A_309 = arith.constant 1.000000e+00 : f32
    %sub3A_310 = vector.broadcast %sub3A_309 : f32 to vector<16xf32>
    %sub3A_311 = arith.subf %sub3A_310, %exp3A_302 : vector<16xf32>
    %mul3A_312 = arith.mulf %div3A_308, %sub3A_311 : vector<16xf32>
    %mul3A_313 = arith.mulf %div3A_308, %exp3A_302 : vector<16xf32>
    %broadcast_in_dim3A_314 = arith.constant 38 : i32
    %broadcast_in_dim3A_315 = vector.broadcast %broadcast_in_dim3A_314 : i32 to vector<16xi32>
    %gather3A_316 = tpu.vector_load_idx %arg6[%broadcast_in_dim3A_315] : memref<136xf32, #tpu.memory_space<vmem>>[vector<16xi32>], vector<16xf32>,
    %broadcast_in_dim3A_317 = arith.constant 39 : i32
    %broadcast_in_dim3A_318 = vector.broadcast %broadcast_in_dim3A_317 : i32 to vector<16xi32>
    %gather3A_319 = tpu.vector_load_idx %arg6[%broadcast_in_dim3A_318] : memref<136xf32, #tpu.memory_space<vmem>>[vector<16xi32>], vector<16xf32>,
    %sub3A_320 = arith.subf %gather3A_319, %gather3A_316 : vector<16xf32>
    %exp3A_321 = math.exp %sub3A_320 : vector<16xf32>
    %add3A_322 = arith.constant 1.000000e+00 : f32
    %add3A_323 = vector.broadcast %add3A_322 : f32 to vector<16xf32>
    %add3A_324 = arith.addf %add3A_323, %exp3A_321 : vector<16xf32>
    %div3A_325 = arith.constant 1.000000e+00 : f32
    %div3A_326 = vector.broadcast %div3A_325 : f32 to vector<16xf32>
    %div3A_327 = arith.divf %div3A_326, %add3A_324 : vector<16xf32>
    %sub3A_328 = arith.constant 1.000000e+00 : f32
    %sub3A_329 = vector.broadcast %sub3A_328 : f32 to vector<16xf32>
    %sub3A_330 = arith.subf %sub3A_329, %exp3A_321 : vector<16xf32>
    %mul3A_331 = arith.mulf %div3A_327, %sub3A_330 : vector<16xf32>
    %mul3A_332 = arith.mulf %div3A_327, %exp3A_321 : vector<16xf32>
    %parallel_loop3A_333 = arith.constant 0 : i32
    %parallel_loop3A_334 = arith.constant 32 : i32
    %parallel_loop3A_335 = arith.constant 1 : i32
    scf.for %parallel_loop3A_1329 = %parallel_loop3A_333 to %parallel_loop3A_334 step %parallel_loop3A_335  : i32 {
      %parallel_loop3A_1330 = arith.constant 16 : i32
      %parallel_loop3A_1331 = arith.muli %parallel_loop3A_1329, %parallel_loop3A_1330 : i32
      %parallel_loop3A_1332 = vector.broadcast %parallel_loop3A_1331 : i32 to vector<16xi32>
      %parallel_loop3A_1333 = arith.addi %iota3A, %parallel_loop3A_1332 : vector<16xi32>
      %parallel_loop3A_1334 = arith.constant 8 : i32
      %parallel_loop3A_1335 = vector.broadcast %parallel_loop3A_1334 : i32 to vector<16xi32>
      %parallel_loop3A_1336 = tpu.vector_load_idx %arg5[%parallel_loop3A_1333, %parallel_loop3A_1335] : memref<512x65xf32, #tpu.memory_space<vmem>>[vector<16xi32>, vector<16xi32>], vector<16xf32>,
      %parallel_loop3A_1337 = arith.mulf %mul3A_198, %parallel_loop3A_1336 : vector<16xf32>
      %parallel_loop3A_1338 = arith.addf %parallel_loop3A_1337, %mul3A_199 : vector<16xf32>
      %parallel_loop3A_1339 = arith.constant 9 : i32
      %parallel_loop3A_1340 = vector.broadcast %parallel_loop3A_1339 : i32 to vector<16xi32>
      %parallel_loop3A_1341 = tpu.vector_load_idx %arg5[%parallel_loop3A_1333, %parallel_loop3A_1340] : memref<512x65xf32, #tpu.memory_space<vmem>>[vector<16xi32>, vector<16xi32>], vector<16xf32>,
      %parallel_loop3A_1342 = arith.mulf %mul3A_217, %parallel_loop3A_1341 : vector<16xf32>
      %parallel_loop3A_1343 = arith.addf %parallel_loop3A_1342, %mul3A_218 : vector<16xf32>
      %parallel_loop3A_1344 = arith.constant 10 : i32
      %parallel_loop3A_1345 = vector.broadcast %parallel_loop3A_1344 : i32 to vector<16xi32>
      %parallel_loop3A_1346 = tpu.vector_load_idx %arg5[%parallel_loop3A_1333, %parallel_loop3A_1345] : memref<512x65xf32, #tpu.memory_space<vmem>>[vector<16xi32>, vector<16xi32>], vector<16xf32>,
      %parallel_loop3A_1347 = arith.mulf %mul3A_236, %parallel_loop3A_1346 : vector<16xf32>
      %parallel_loop3A_1348 = arith.addf %parallel_loop3A_1347, %mul3A_237 : vector<16xf32>
      %parallel_loop3A_1349 = arith.constant 11 : i32
      %parallel_loop3A_1350 = vector.broadcast %parallel_loop3A_1349 : i32 to vector<16xi32>
      %parallel_loop3A_1351 = tpu.vector_load_idx %arg5[%parallel_loop3A_1333, %parallel_loop3A_1350] : memref<512x65xf32, #tpu.memory_space<vmem>>[vector<16xi32>, vector<16xi32>], vector<16xf32>,
      %parallel_loop3A_1352 = arith.mulf %mul3A_255, %parallel_loop3A_1351 : vector<16xf32>
      %parallel_loop3A_1353 = arith.addf %parallel_loop3A_1352, %mul3A_256 : vector<16xf32>
      %parallel_loop3A_1354 = arith.constant 12 : i32
      %parallel_loop3A_1355 = vector.broadcast %parallel_loop3A_1354 : i32 to vector<16xi32>
      %parallel_loop3A_1356 = tpu.vector_load_idx %arg5[%parallel_loop3A_1333, %parallel_loop3A_1355] : memref<512x65xf32, #tpu.memory_space<vmem>>[vector<16xi32>, vector<16xi32>], vector<16xf32>,
      %parallel_loop3A_1357 = arith.mulf %mul3A_274, %parallel_loop3A_1356 : vector<16xf32>
      %parallel_loop3A_1358 = arith.addf %parallel_loop3A_1357, %mul3A_275 : vector<16xf32>
      %parallel_loop3A_1359 = arith.constant 13 : i32
      %parallel_loop3A_1360 = vector.broadcast %parallel_loop3A_1359 : i32 to vector<16xi32>
      %parallel_loop3A_1361 = tpu.vector_load_idx %arg5[%parallel_loop3A_1333, %parallel_loop3A_1360] : memref<512x65xf32, #tpu.memory_space<vmem>>[vector<16xi32>, vector<16xi32>], vector<16xf32>,
      %parallel_loop3A_1362 = arith.mulf %mul3A_293, %parallel_loop3A_1361 : vector<16xf32>
      %parallel_loop3A_1363 = arith.addf %parallel_loop3A_1362, %mul3A_294 : vector<16xf32>
      %parallel_loop3A_1364 = arith.constant 14 : i32
      %parallel_loop3A_1365 = vector.broadcast %parallel_loop3A_1364 : i32 to vector<16xi32>
      %parallel_loop3A_1366 = tpu.vector_load_idx %arg5[%parallel_loop3A_1333, %parallel_loop3A_1365] : memref<512x65xf32, #tpu.memory_space<vmem>>[vector<16xi32>, vector<16xi32>], vector<16xf32>,
      %parallel_loop3A_1367 = arith.mulf %mul3A_312, %parallel_loop3A_1366 : vector<16xf32>
      %parallel_loop3A_1368 = arith.addf %parallel_loop3A_1367, %mul3A_313 : vector<16xf32>
      %parallel_loop3A_1369 = arith.constant 15 : i32
      %parallel_loop3A_1370 = vector.broadcast %parallel_loop3A_1369 : i32 to vector<16xi32>
      %parallel_loop3A_1371 = tpu.vector_load_idx %arg5[%parallel_loop3A_1333, %parallel_loop3A_1370] : memref<512x65xf32, #tpu.memory_space<vmem>>[vector<16xi32>, vector<16xi32>], vector<16xf32>,
      %parallel_loop3A_1372 = arith.mulf %mul3A_331, %parallel_loop3A_1371 : vector<16xf32>
      %parallel_loop3A_1373 = arith.addf %parallel_loop3A_1372, %mul3A_332 : vector<16xf32>
      %parallel_loop3A_1374 = arith.mulf %parallel_loop3A_1338, %parallel_loop3A_1343 : vector<16xf32>
      %parallel_loop3A_1375 = arith.mulf %parallel_loop3A_1348, %parallel_loop3A_1353 : vector<16xf32>
      %parallel_loop3A_1376 = arith.mulf %parallel_loop3A_1358, %parallel_loop3A_1363 : vector<16xf32>
      %parallel_loop3A_1377 = arith.mulf %parallel_loop3A_1368, %parallel_loop3A_1373 : vector<16xf32>
      %parallel_loop3A_1378 = arith.mulf %parallel_loop3A_1374, %parallel_loop3A_1375 : vector<16xf32>
      %parallel_loop3A_1379 = arith.mulf %parallel_loop3A_1376, %parallel_loop3A_1377 : vector<16xf32>
      %parallel_loop3A_1380 = arith.mulf %parallel_loop3A_1378, %parallel_loop3A_1379 : vector<16xf32>
      %parallel_loop3A_1381 = vector.broadcast %reduce_sum3A_180 : f32 to vector<16xf32>
      %parallel_loop3A_1382 = arith.mulf %parallel_loop3A_1381, %parallel_loop3A_1380 : vector<16xf32>
      %parallel_loop3A_1383 = arith.constant 16 : i32
      %parallel_loop3A_1384 = arith.muli %parallel_loop3A_1329, %parallel_loop3A_1383 : i32
      %parallel_loop3A_1385 = arith.index_cast %parallel_loop3A_1384 : i32 to index
      %parallel_loop3A_1386 = tpu.vector_load %arg7[%parallel_loop3A_1385] {strides = array<i32>} : memref<512xf32, #tpu.memory_space<vmem>>, vector<16xf32>,
      tpu.vector_store %arg7[%parallel_loop3A_1385], %parallel_loop3A_1382 {add = true, strides = array<i32>} : memref<512xf32, #tpu.memory_space<vmem>>, vector<16xf32>,
    } {sc.loop_unroll_factor = 4 : i64, sc.parallel_access}
    %eq3A_336 = arith.constant 2 : i32
    %eq3A_337 = vector.broadcast %eq3A_336 : i32 to vector<16xi32>
    %eq3A_338 = arith.cmpi eq, %iota3A, %eq3A_337 : vector<16xi32>
    %jit3A_339 = arith.constant 0.000000e+00 : f32
    %broadcast_in_dim3A_340 = vector.broadcast %jit3A_339 : f32 to vector<16xf32>
    %select_n3A_341 = arith.select %eq3A_338, %div3A_9, %broadcast_in_dim3A_340 : vector<16xi1>, vector<16xf32>
    %reduce_sum3A_342 = arith.constant true
    %reduce_sum3A_343 = vector.broadcast %reduce_sum3A_342 : i1 to vector<16xi1>
    %reduce_sum3A_344 = tpu.scan <sum>, %select_n3A_341 masked %reduce_sum3A_343 : vector<16xf32>, vector<16xi1> -> vector<16xf32>
    %reduce_sum3A_345 = vector.extract %reduce_sum3A_344[15] : f32 from vector<16xf32>
    %broadcast_in_dim3A_346 = arith.constant 40 : i32
    %broadcast_in_dim3A_347 = vector.broadcast %broadcast_in_dim3A_346 : i32 to vector<16xi32>
    %gather3A_348 = tpu.vector_load_idx %arg6[%broadcast_in_dim3A_347] : memref<136xf32, #tpu.memory_space<vmem>>[vector<16xi32>], vector<16xf32>,
    %broadcast_in_dim3A_349 = arith.constant 41 : i32
    %broadcast_in_dim3A_350 = vector.broadcast %broadcast_in_dim3A_349 : i32 to vector<16xi32>
    %gather3A_351 = tpu.vector_load_idx %arg6[%broadcast_in_dim3A_350] : memref<136xf32, #tpu.memory_space<vmem>>[vector<16xi32>], vector<16xf32>,
    %sub3A_352 = arith.subf %gather3A_351, %gather3A_348 : vector<16xf32>
    %exp3A_353 = math.exp %sub3A_352 : vector<16xf32>
    %add3A_354 = arith.constant 1.000000e+00 : f32
    %add3A_355 = vector.broadcast %add3A_354 : f32 to vector<16xf32>
    %add3A_356 = arith.addf %add3A_355, %exp3A_353 : vector<16xf32>
    %div3A_357 = arith.constant 1.000000e+00 : f32
    %div3A_358 = vector.broadcast %div3A_357 : f32 to vector<16xf32>
    %div3A_359 = arith.divf %div3A_358, %add3A_356 : vector<16xf32>
    %sub3A_360 = arith.constant 1.000000e+00 : f32
    %sub3A_361 = vector.broadcast %sub3A_360 : f32 to vector<16xf32>
    %sub3A_362 = arith.subf %sub3A_361, %exp3A_353 : vector<16xf32>
    %mul3A_363 = arith.mulf %div3A_359, %sub3A_362 : vector<16xf32>
    %mul3A_364 = arith.mulf %div3A_359, %exp3A_353 : vector<16xf32>
    %broadcast_in_dim3A_365 = arith.constant 42 : i32
    %broadcast_in_dim3A_366 = vector.broadcast %broadcast_in_dim3A_365 : i32 to vector<16xi32>
    %gather3A_367 = tpu.vector_load_idx %arg6[%broadcast_in_dim3A_366] : memref<136xf32, #tpu.memory_space<vmem>>[vector<16xi32>], vector<16xf32>,
    %broadcast_in_dim3A_368 = arith.constant 43 : i32
    %broadcast_in_dim3A_369 = vector.broadcast %broadcast_in_dim3A_368 : i32 to vector<16xi32>
    %gather3A_370 = tpu.vector_load_idx %arg6[%broadcast_in_dim3A_369] : memref<136xf32, #tpu.memory_space<vmem>>[vector<16xi32>], vector<16xf32>,
    %sub3A_371 = arith.subf %gather3A_370, %gather3A_367 : vector<16xf32>
    %exp3A_372 = math.exp %sub3A_371 : vector<16xf32>
    %add3A_373 = arith.constant 1.000000e+00 : f32
    %add3A_374 = vector.broadcast %add3A_373 : f32 to vector<16xf32>
    %add3A_375 = arith.addf %add3A_374, %exp3A_372 : vector<16xf32>
    %div3A_376 = arith.constant 1.000000e+00 : f32
    %div3A_377 = vector.broadcast %div3A_376 : f32 to vector<16xf32>
    %div3A_378 = arith.divf %div3A_377, %add3A_375 : vector<16xf32>
    %sub3A_379 = arith.constant 1.000000e+00 : f32
    %sub3A_380 = vector.broadcast %sub3A_379 : f32 to vector<16xf32>
    %sub3A_381 = arith.subf %sub3A_380, %exp3A_372 : vector<16xf32>
    %mul3A_382 = arith.mulf %div3A_378, %sub3A_381 : vector<16xf32>
    %mul3A_383 = arith.mulf %div3A_378, %exp3A_372 : vector<16xf32>
    %broadcast_in_dim3A_384 = arith.constant 44 : i32
    %broadcast_in_dim3A_385 = vector.broadcast %broadcast_in_dim3A_384 : i32 to vector<16xi32>
    %gather3A_386 = tpu.vector_load_idx %arg6[%broadcast_in_dim3A_385] : memref<136xf32, #tpu.memory_space<vmem>>[vector<16xi32>], vector<16xf32>,
    %broadcast_in_dim3A_387 = arith.constant 45 : i32
    %broadcast_in_dim3A_388 = vector.broadcast %broadcast_in_dim3A_387 : i32 to vector<16xi32>
    %gather3A_389 = tpu.vector_load_idx %arg6[%broadcast_in_dim3A_388] : memref<136xf32, #tpu.memory_space<vmem>>[vector<16xi32>], vector<16xf32>,
    %sub3A_390 = arith.subf %gather3A_389, %gather3A_386 : vector<16xf32>
    %exp3A_391 = math.exp %sub3A_390 : vector<16xf32>
    %add3A_392 = arith.constant 1.000000e+00 : f32
    %add3A_393 = vector.broadcast %add3A_392 : f32 to vector<16xf32>
    %add3A_394 = arith.addf %add3A_393, %exp3A_391 : vector<16xf32>
    %div3A_395 = arith.constant 1.000000e+00 : f32
    %div3A_396 = vector.broadcast %div3A_395 : f32 to vector<16xf32>
    %div3A_397 = arith.divf %div3A_396, %add3A_394 : vector<16xf32>
    %sub3A_398 = arith.constant 1.000000e+00 : f32
    %sub3A_399 = vector.broadcast %sub3A_398 : f32 to vector<16xf32>
    %sub3A_400 = arith.subf %sub3A_399, %exp3A_391 : vector<16xf32>
    %mul3A_401 = arith.mulf %div3A_397, %sub3A_400 : vector<16xf32>
    %mul3A_402 = arith.mulf %div3A_397, %exp3A_391 : vector<16xf32>
    %broadcast_in_dim3A_403 = arith.constant 46 : i32
    %broadcast_in_dim3A_404 = vector.broadcast %broadcast_in_dim3A_403 : i32 to vector<16xi32>
    %gather3A_405 = tpu.vector_load_idx %arg6[%broadcast_in_dim3A_404] : memref<136xf32, #tpu.memory_space<vmem>>[vector<16xi32>], vector<16xf32>,
    %broadcast_in_dim3A_406 = arith.constant 47 : i32
    %broadcast_in_dim3A_407 = vector.broadcast %broadcast_in_dim3A_406 : i32 to vector<16xi32>
    %gather3A_408 = tpu.vector_load_idx %arg6[%broadcast_in_dim3A_407] : memref<136xf32, #tpu.memory_space<vmem>>[vector<16xi32>], vector<16xf32>,
    %sub3A_409 = arith.subf %gather3A_408, %gather3A_405 : vector<16xf32>
    %exp3A_410 = math.exp %sub3A_409 : vector<16xf32>
    %add3A_411 = arith.constant 1.000000e+00 : f32
    %add3A_412 = vector.broadcast %add3A_411 : f32 to vector<16xf32>
    %add3A_413 = arith.addf %add3A_412, %exp3A_410 : vector<16xf32>
    %div3A_414 = arith.constant 1.000000e+00 : f32
    %div3A_415 = vector.broadcast %div3A_414 : f32 to vector<16xf32>
    %div3A_416 = arith.divf %div3A_415, %add3A_413 : vector<16xf32>
    %sub3A_417 = arith.constant 1.000000e+00 : f32
    %sub3A_418 = vector.broadcast %sub3A_417 : f32 to vector<16xf32>
    %sub3A_419 = arith.subf %sub3A_418, %exp3A_410 : vector<16xf32>
    %mul3A_420 = arith.mulf %div3A_416, %sub3A_419 : vector<16xf32>
    %mul3A_421 = arith.mulf %div3A_416, %exp3A_410 : vector<16xf32>
    %broadcast_in_dim3A_422 = arith.constant 48 : i32
    %broadcast_in_dim3A_423 = vector.broadcast %broadcast_in_dim3A_422 : i32 to vector<16xi32>
    %gather3A_424 = tpu.vector_load_idx %arg6[%broadcast_in_dim3A_423] : memref<136xf32, #tpu.memory_space<vmem>>[vector<16xi32>], vector<16xf32>,
    %broadcast_in_dim3A_425 = arith.constant 49 : i32
    %broadcast_in_dim3A_426 = vector.broadcast %broadcast_in_dim3A_425 : i32 to vector<16xi32>
    %gather3A_427 = tpu.vector_load_idx %arg6[%broadcast_in_dim3A_426] : memref<136xf32, #tpu.memory_space<vmem>>[vector<16xi32>], vector<16xf32>,
    %sub3A_428 = arith.subf %gather3A_427, %gather3A_424 : vector<16xf32>
    %exp3A_429 = math.exp %sub3A_428 : vector<16xf32>
    %add3A_430 = arith.constant 1.000000e+00 : f32
    %add3A_431 = vector.broadcast %add3A_430 : f32 to vector<16xf32>
    %add3A_432 = arith.addf %add3A_431, %exp3A_429 : vector<16xf32>
    %div3A_433 = arith.constant 1.000000e+00 : f32
    %div3A_434 = vector.broadcast %div3A_433 : f32 to vector<16xf32>
    %div3A_435 = arith.divf %div3A_434, %add3A_432 : vector<16xf32>
    %sub3A_436 = arith.constant 1.000000e+00 : f32
    %sub3A_437 = vector.broadcast %sub3A_436 : f32 to vector<16xf32>
    %sub3A_438 = arith.subf %sub3A_437, %exp3A_429 : vector<16xf32>
    %mul3A_439 = arith.mulf %div3A_435, %sub3A_438 : vector<16xf32>
    %mul3A_440 = arith.mulf %div3A_435, %exp3A_429 : vector<16xf32>
    %broadcast_in_dim3A_441 = arith.constant 50 : i32
    %broadcast_in_dim3A_442 = vector.broadcast %broadcast_in_dim3A_441 : i32 to vector<16xi32>
    %gather3A_443 = tpu.vector_load_idx %arg6[%broadcast_in_dim3A_442] : memref<136xf32, #tpu.memory_space<vmem>>[vector<16xi32>], vector<16xf32>,
    %broadcast_in_dim3A_444 = arith.constant 51 : i32
    %broadcast_in_dim3A_445 = vector.broadcast %broadcast_in_dim3A_444 : i32 to vector<16xi32>
    %gather3A_446 = tpu.vector_load_idx %arg6[%broadcast_in_dim3A_445] : memref<136xf32, #tpu.memory_space<vmem>>[vector<16xi32>], vector<16xf32>,
    %sub3A_447 = arith.subf %gather3A_446, %gather3A_443 : vector<16xf32>
    %exp3A_448 = math.exp %sub3A_447 : vector<16xf32>
    %add3A_449 = arith.constant 1.000000e+00 : f32
    %add3A_450 = vector.broadcast %add3A_449 : f32 to vector<16xf32>
    %add3A_451 = arith.addf %add3A_450, %exp3A_448 : vector<16xf32>
    %div3A_452 = arith.constant 1.000000e+00 : f32
    %div3A_453 = vector.broadcast %div3A_452 : f32 to vector<16xf32>
    %div3A_454 = arith.divf %div3A_453, %add3A_451 : vector<16xf32>
    %sub3A_455 = arith.constant 1.000000e+00 : f32
    %sub3A_456 = vector.broadcast %sub3A_455 : f32 to vector<16xf32>
    %sub3A_457 = arith.subf %sub3A_456, %exp3A_448 : vector<16xf32>
    %mul3A_458 = arith.mulf %div3A_454, %sub3A_457 : vector<16xf32>
    %mul3A_459 = arith.mulf %div3A_454, %exp3A_448 : vector<16xf32>
    %broadcast_in_dim3A_460 = arith.constant 52 : i32
    %broadcast_in_dim3A_461 = vector.broadcast %broadcast_in_dim3A_460 : i32 to vector<16xi32>
    %gather3A_462 = tpu.vector_load_idx %arg6[%broadcast_in_dim3A_461] : memref<136xf32, #tpu.memory_space<vmem>>[vector<16xi32>], vector<16xf32>,
    %broadcast_in_dim3A_463 = arith.constant 53 : i32
    %broadcast_in_dim3A_464 = vector.broadcast %broadcast_in_dim3A_463 : i32 to vector<16xi32>
    %gather3A_465 = tpu.vector_load_idx %arg6[%broadcast_in_dim3A_464] : memref<136xf32, #tpu.memory_space<vmem>>[vector<16xi32>], vector<16xf32>,
    %sub3A_466 = arith.subf %gather3A_465, %gather3A_462 : vector<16xf32>
    %exp3A_467 = math.exp %sub3A_466 : vector<16xf32>
    %add3A_468 = arith.constant 1.000000e+00 : f32
    %add3A_469 = vector.broadcast %add3A_468 : f32 to vector<16xf32>
    %add3A_470 = arith.addf %add3A_469, %exp3A_467 : vector<16xf32>
    %div3A_471 = arith.constant 1.000000e+00 : f32
    %div3A_472 = vector.broadcast %div3A_471 : f32 to vector<16xf32>
    %div3A_473 = arith.divf %div3A_472, %add3A_470 : vector<16xf32>
    %sub3A_474 = arith.constant 1.000000e+00 : f32
    %sub3A_475 = vector.broadcast %sub3A_474 : f32 to vector<16xf32>
    %sub3A_476 = arith.subf %sub3A_475, %exp3A_467 : vector<16xf32>
    %mul3A_477 = arith.mulf %div3A_473, %sub3A_476 : vector<16xf32>
    %mul3A_478 = arith.mulf %div3A_473, %exp3A_467 : vector<16xf32>
    %broadcast_in_dim3A_479 = arith.constant 54 : i32
    %broadcast_in_dim3A_480 = vector.broadcast %broadcast_in_dim3A_479 : i32 to vector<16xi32>
    %gather3A_481 = tpu.vector_load_idx %arg6[%broadcast_in_dim3A_480] : memref<136xf32, #tpu.memory_space<vmem>>[vector<16xi32>], vector<16xf32>,
    %broadcast_in_dim3A_482 = arith.constant 55 : i32
    %broadcast_in_dim3A_483 = vector.broadcast %broadcast_in_dim3A_482 : i32 to vector<16xi32>
    %gather3A_484 = tpu.vector_load_idx %arg6[%broadcast_in_dim3A_483] : memref<136xf32, #tpu.memory_space<vmem>>[vector<16xi32>], vector<16xf32>,
    %sub3A_485 = arith.subf %gather3A_484, %gather3A_481 : vector<16xf32>
    %exp3A_486 = math.exp %sub3A_485 : vector<16xf32>
    %add3A_487 = arith.constant 1.000000e+00 : f32
    %add3A_488 = vector.broadcast %add3A_487 : f32 to vector<16xf32>
    %add3A_489 = arith.addf %add3A_488, %exp3A_486 : vector<16xf32>
    %div3A_490 = arith.constant 1.000000e+00 : f32
    %div3A_491 = vector.broadcast %div3A_490 : f32 to vector<16xf32>
    %div3A_492 = arith.divf %div3A_491, %add3A_489 : vector<16xf32>
    %sub3A_493 = arith.constant 1.000000e+00 : f32
    %sub3A_494 = vector.broadcast %sub3A_493 : f32 to vector<16xf32>
    %sub3A_495 = arith.subf %sub3A_494, %exp3A_486 : vector<16xf32>
    %mul3A_496 = arith.mulf %div3A_492, %sub3A_495 : vector<16xf32>
    %mul3A_497 = arith.mulf %div3A_492, %exp3A_486 : vector<16xf32>
    %parallel_loop3A_498 = arith.constant 0 : i32
    %parallel_loop3A_499 = arith.constant 32 : i32
    %parallel_loop3A_500 = arith.constant 1 : i32
    scf.for %parallel_loop3A_1329 = %parallel_loop3A_498 to %parallel_loop3A_499 step %parallel_loop3A_500  : i32 {
      %parallel_loop3A_1330 = arith.constant 16 : i32
      %parallel_loop3A_1331 = arith.muli %parallel_loop3A_1329, %parallel_loop3A_1330 : i32
      %parallel_loop3A_1332 = vector.broadcast %parallel_loop3A_1331 : i32 to vector<16xi32>
      %parallel_loop3A_1333 = arith.addi %iota3A, %parallel_loop3A_1332 : vector<16xi32>
      %parallel_loop3A_1334 = arith.constant 16 : i32
      %parallel_loop3A_1335 = vector.broadcast %parallel_loop3A_1334 : i32 to vector<16xi32>
      %parallel_loop3A_1336 = tpu.vector_load_idx %arg5[%parallel_loop3A_1333, %parallel_loop3A_1335] : memref<512x65xf32, #tpu.memory_space<vmem>>[vector<16xi32>, vector<16xi32>], vector<16xf32>,
      %parallel_loop3A_1337 = arith.mulf %mul3A_363, %parallel_loop3A_1336 : vector<16xf32>
      %parallel_loop3A_1338 = arith.addf %parallel_loop3A_1337, %mul3A_364 : vector<16xf32>
      %parallel_loop3A_1339 = arith.constant 17 : i32
      %parallel_loop3A_1340 = vector.broadcast %parallel_loop3A_1339 : i32 to vector<16xi32>
      %parallel_loop3A_1341 = tpu.vector_load_idx %arg5[%parallel_loop3A_1333, %parallel_loop3A_1340] : memref<512x65xf32, #tpu.memory_space<vmem>>[vector<16xi32>, vector<16xi32>], vector<16xf32>,
      %parallel_loop3A_1342 = arith.mulf %mul3A_382, %parallel_loop3A_1341 : vector<16xf32>
      %parallel_loop3A_1343 = arith.addf %parallel_loop3A_1342, %mul3A_383 : vector<16xf32>
      %parallel_loop3A_1344 = arith.constant 18 : i32
      %parallel_loop3A_1345 = vector.broadcast %parallel_loop3A_1344 : i32 to vector<16xi32>
      %parallel_loop3A_1346 = tpu.vector_load_idx %arg5[%parallel_loop3A_1333, %parallel_loop3A_1345] : memref<512x65xf32, #tpu.memory_space<vmem>>[vector<16xi32>, vector<16xi32>], vector<16xf32>,
      %parallel_loop3A_1347 = arith.mulf %mul3A_401, %parallel_loop3A_1346 : vector<16xf32>
      %parallel_loop3A_1348 = arith.addf %parallel_loop3A_1347, %mul3A_402 : vector<16xf32>
      %parallel_loop3A_1349 = arith.constant 19 : i32
      %parallel_loop3A_1350 = vector.broadcast %parallel_loop3A_1349 : i32 to vector<16xi32>
      %parallel_loop3A_1351 = tpu.vector_load_idx %arg5[%parallel_loop3A_1333, %parallel_loop3A_1350] : memref<512x65xf32, #tpu.memory_space<vmem>>[vector<16xi32>, vector<16xi32>], vector<16xf32>,
      %parallel_loop3A_1352 = arith.mulf %mul3A_420, %parallel_loop3A_1351 : vector<16xf32>
      %parallel_loop3A_1353 = arith.addf %parallel_loop3A_1352, %mul3A_421 : vector<16xf32>
      %parallel_loop3A_1354 = arith.constant 20 : i32
      %parallel_loop3A_1355 = vector.broadcast %parallel_loop3A_1354 : i32 to vector<16xi32>
      %parallel_loop3A_1356 = tpu.vector_load_idx %arg5[%parallel_loop3A_1333, %parallel_loop3A_1355] : memref<512x65xf32, #tpu.memory_space<vmem>>[vector<16xi32>, vector<16xi32>], vector<16xf32>,
      %parallel_loop3A_1357 = arith.mulf %mul3A_439, %parallel_loop3A_1356 : vector<16xf32>
      %parallel_loop3A_1358 = arith.addf %parallel_loop3A_1357, %mul3A_440 : vector<16xf32>
      %parallel_loop3A_1359 = arith.constant 21 : i32
      %parallel_loop3A_1360 = vector.broadcast %parallel_loop3A_1359 : i32 to vector<16xi32>
      %parallel_loop3A_1361 = tpu.vector_load_idx %arg5[%parallel_loop3A_1333, %parallel_loop3A_1360] : memref<512x65xf32, #tpu.memory_space<vmem>>[vector<16xi32>, vector<16xi32>], vector<16xf32>,
      %parallel_loop3A_1362 = arith.mulf %mul3A_458, %parallel_loop3A_1361 : vector<16xf32>
      %parallel_loop3A_1363 = arith.addf %parallel_loop3A_1362, %mul3A_459 : vector<16xf32>
      %parallel_loop3A_1364 = arith.constant 22 : i32
      %parallel_loop3A_1365 = vector.broadcast %parallel_loop3A_1364 : i32 to vector<16xi32>
      %parallel_loop3A_1366 = tpu.vector_load_idx %arg5[%parallel_loop3A_1333, %parallel_loop3A_1365] : memref<512x65xf32, #tpu.memory_space<vmem>>[vector<16xi32>, vector<16xi32>], vector<16xf32>,
      %parallel_loop3A_1367 = arith.mulf %mul3A_477, %parallel_loop3A_1366 : vector<16xf32>
      %parallel_loop3A_1368 = arith.addf %parallel_loop3A_1367, %mul3A_478 : vector<16xf32>
      %parallel_loop3A_1369 = arith.constant 23 : i32
      %parallel_loop3A_1370 = vector.broadcast %parallel_loop3A_1369 : i32 to vector<16xi32>
      %parallel_loop3A_1371 = tpu.vector_load_idx %arg5[%parallel_loop3A_1333, %parallel_loop3A_1370] : memref<512x65xf32, #tpu.memory_space<vmem>>[vector<16xi32>, vector<16xi32>], vector<16xf32>,
      %parallel_loop3A_1372 = arith.mulf %mul3A_496, %parallel_loop3A_1371 : vector<16xf32>
      %parallel_loop3A_1373 = arith.addf %parallel_loop3A_1372, %mul3A_497 : vector<16xf32>
      %parallel_loop3A_1374 = arith.mulf %parallel_loop3A_1338, %parallel_loop3A_1343 : vector<16xf32>
      %parallel_loop3A_1375 = arith.mulf %parallel_loop3A_1348, %parallel_loop3A_1353 : vector<16xf32>
      %parallel_loop3A_1376 = arith.mulf %parallel_loop3A_1358, %parallel_loop3A_1363 : vector<16xf32>
      %parallel_loop3A_1377 = arith.mulf %parallel_loop3A_1368, %parallel_loop3A_1373 : vector<16xf32>
      %parallel_loop3A_1378 = arith.mulf %parallel_loop3A_1374, %parallel_loop3A_1375 : vector<16xf32>
      %parallel_loop3A_1379 = arith.mulf %parallel_loop3A_1376, %parallel_loop3A_1377 : vector<16xf32>
      %parallel_loop3A_1380 = arith.mulf %parallel_loop3A_1378, %parallel_loop3A_1379 : vector<16xf32>
      %parallel_loop3A_1381 = vector.broadcast %reduce_sum3A_345 : f32 to vector<16xf32>
      %parallel_loop3A_1382 = arith.mulf %parallel_loop3A_1381, %parallel_loop3A_1380 : vector<16xf32>
      %parallel_loop3A_1383 = arith.constant 16 : i32
      %parallel_loop3A_1384 = arith.muli %parallel_loop3A_1329, %parallel_loop3A_1383 : i32
      %parallel_loop3A_1385 = arith.index_cast %parallel_loop3A_1384 : i32 to index
      %parallel_loop3A_1386 = tpu.vector_load %arg7[%parallel_loop3A_1385] {strides = array<i32>} : memref<512xf32, #tpu.memory_space<vmem>>, vector<16xf32>,
      tpu.vector_store %arg7[%parallel_loop3A_1385], %parallel_loop3A_1382 {add = true, strides = array<i32>} : memref<512xf32, #tpu.memory_space<vmem>>, vector<16xf32>,
    } {sc.loop_unroll_factor = 4 : i64, sc.parallel_access}
    %eq3A_501 = arith.constant 3 : i32
    %eq3A_502 = vector.broadcast %eq3A_501 : i32 to vector<16xi32>
    %eq3A_503 = arith.cmpi eq, %iota3A, %eq3A_502 : vector<16xi32>
    %jit3A_504 = arith.constant 0.000000e+00 : f32
    %broadcast_in_dim3A_505 = vector.broadcast %jit3A_504 : f32 to vector<16xf32>
    %select_n3A_506 = arith.select %eq3A_503, %div3A_9, %broadcast_in_dim3A_505 : vector<16xi1>, vector<16xf32>
    %reduce_sum3A_507 = arith.constant true
    %reduce_sum3A_508 = vector.broadcast %reduce_sum3A_507 : i1 to vector<16xi1>
    %reduce_sum3A_509 = tpu.scan <sum>, %select_n3A_506 masked %reduce_sum3A_508 : vector<16xf32>, vector<16xi1> -> vector<16xf32>
    %reduce_sum3A_510 = vector.extract %reduce_sum3A_509[15] : f32 from vector<16xf32>
    %broadcast_in_dim3A_511 = arith.constant 56 : i32
    %broadcast_in_dim3A_512 = vector.broadcast %broadcast_in_dim3A_511 : i32 to vector<16xi32>
    %gather3A_513 = tpu.vector_load_idx %arg6[%broadcast_in_dim3A_512] : memref<136xf32, #tpu.memory_space<vmem>>[vector<16xi32>], vector<16xf32>,
    %broadcast_in_dim3A_514 = arith.constant 57 : i32
    %broadcast_in_dim3A_515 = vector.broadcast %broadcast_in_dim3A_514 : i32 to vector<16xi32>
    %gather3A_516 = tpu.vector_load_idx %arg6[%broadcast_in_dim3A_515] : memref<136xf32, #tpu.memory_space<vmem>>[vector<16xi32>], vector<16xf32>,
    %sub3A_517 = arith.subf %gather3A_516, %gather3A_513 : vector<16xf32>
    %exp3A_518 = math.exp %sub3A_517 : vector<16xf32>
    %add3A_519 = arith.constant 1.000000e+00 : f32
    %add3A_520 = vector.broadcast %add3A_519 : f32 to vector<16xf32>
    %add3A_521 = arith.addf %add3A_520, %exp3A_518 : vector<16xf32>
    %div3A_522 = arith.constant 1.000000e+00 : f32
    %div3A_523 = vector.broadcast %div3A_522 : f32 to vector<16xf32>
    %div3A_524 = arith.divf %div3A_523, %add3A_521 : vector<16xf32>
    %sub3A_525 = arith.constant 1.000000e+00 : f32
    %sub3A_526 = vector.broadcast %sub3A_525 : f32 to vector<16xf32>
    %sub3A_527 = arith.subf %sub3A_526, %exp3A_518 : vector<16xf32>
    %mul3A_528 = arith.mulf %div3A_524, %sub3A_527 : vector<16xf32>
    %mul3A_529 = arith.mulf %div3A_524, %exp3A_518 : vector<16xf32>
    %broadcast_in_dim3A_530 = arith.constant 58 : i32
    %broadcast_in_dim3A_531 = vector.broadcast %broadcast_in_dim3A_530 : i32 to vector<16xi32>
    %gather3A_532 = tpu.vector_load_idx %arg6[%broadcast_in_dim3A_531] : memref<136xf32, #tpu.memory_space<vmem>>[vector<16xi32>], vector<16xf32>,
    %broadcast_in_dim3A_533 = arith.constant 59 : i32
    %broadcast_in_dim3A_534 = vector.broadcast %broadcast_in_dim3A_533 : i32 to vector<16xi32>
    %gather3A_535 = tpu.vector_load_idx %arg6[%broadcast_in_dim3A_534] : memref<136xf32, #tpu.memory_space<vmem>>[vector<16xi32>], vector<16xf32>,
    %sub3A_536 = arith.subf %gather3A_535, %gather3A_532 : vector<16xf32>
    %exp3A_537 = math.exp %sub3A_536 : vector<16xf32>
    %add3A_538 = arith.constant 1.000000e+00 : f32
    %add3A_539 = vector.broadcast %add3A_538 : f32 to vector<16xf32>
    %add3A_540 = arith.addf %add3A_539, %exp3A_537 : vector<16xf32>
    %div3A_541 = arith.constant 1.000000e+00 : f32
    %div3A_542 = vector.broadcast %div3A_541 : f32 to vector<16xf32>
    %div3A_543 = arith.divf %div3A_542, %add3A_540 : vector<16xf32>
    %sub3A_544 = arith.constant 1.000000e+00 : f32
    %sub3A_545 = vector.broadcast %sub3A_544 : f32 to vector<16xf32>
    %sub3A_546 = arith.subf %sub3A_545, %exp3A_537 : vector<16xf32>
    %mul3A_547 = arith.mulf %div3A_543, %sub3A_546 : vector<16xf32>
    %mul3A_548 = arith.mulf %div3A_543, %exp3A_537 : vector<16xf32>
    %broadcast_in_dim3A_549 = arith.constant 60 : i32
    %broadcast_in_dim3A_550 = vector.broadcast %broadcast_in_dim3A_549 : i32 to vector<16xi32>
    %gather3A_551 = tpu.vector_load_idx %arg6[%broadcast_in_dim3A_550] : memref<136xf32, #tpu.memory_space<vmem>>[vector<16xi32>], vector<16xf32>,
    %broadcast_in_dim3A_552 = arith.constant 61 : i32
    %broadcast_in_dim3A_553 = vector.broadcast %broadcast_in_dim3A_552 : i32 to vector<16xi32>
    %gather3A_554 = tpu.vector_load_idx %arg6[%broadcast_in_dim3A_553] : memref<136xf32, #tpu.memory_space<vmem>>[vector<16xi32>], vector<16xf32>,
    %sub3A_555 = arith.subf %gather3A_554, %gather3A_551 : vector<16xf32>
    %exp3A_556 = math.exp %sub3A_555 : vector<16xf32>
    %add3A_557 = arith.constant 1.000000e+00 : f32
    %add3A_558 = vector.broadcast %add3A_557 : f32 to vector<16xf32>
    %add3A_559 = arith.addf %add3A_558, %exp3A_556 : vector<16xf32>
    %div3A_560 = arith.constant 1.000000e+00 : f32
    %div3A_561 = vector.broadcast %div3A_560 : f32 to vector<16xf32>
    %div3A_562 = arith.divf %div3A_561, %add3A_559 : vector<16xf32>
    %sub3A_563 = arith.constant 1.000000e+00 : f32
    %sub3A_564 = vector.broadcast %sub3A_563 : f32 to vector<16xf32>
    %sub3A_565 = arith.subf %sub3A_564, %exp3A_556 : vector<16xf32>
    %mul3A_566 = arith.mulf %div3A_562, %sub3A_565 : vector<16xf32>
    %mul3A_567 = arith.mulf %div3A_562, %exp3A_556 : vector<16xf32>
    %broadcast_in_dim3A_568 = arith.constant 62 : i32
    %broadcast_in_dim3A_569 = vector.broadcast %broadcast_in_dim3A_568 : i32 to vector<16xi32>
    %gather3A_570 = tpu.vector_load_idx %arg6[%broadcast_in_dim3A_569] : memref<136xf32, #tpu.memory_space<vmem>>[vector<16xi32>], vector<16xf32>,
    %broadcast_in_dim3A_571 = arith.constant 63 : i32
    %broadcast_in_dim3A_572 = vector.broadcast %broadcast_in_dim3A_571 : i32 to vector<16xi32>
    %gather3A_573 = tpu.vector_load_idx %arg6[%broadcast_in_dim3A_572] : memref<136xf32, #tpu.memory_space<vmem>>[vector<16xi32>], vector<16xf32>,
    %sub3A_574 = arith.subf %gather3A_573, %gather3A_570 : vector<16xf32>
    %exp3A_575 = math.exp %sub3A_574 : vector<16xf32>
    %add3A_576 = arith.constant 1.000000e+00 : f32
    %add3A_577 = vector.broadcast %add3A_576 : f32 to vector<16xf32>
    %add3A_578 = arith.addf %add3A_577, %exp3A_575 : vector<16xf32>
    %div3A_579 = arith.constant 1.000000e+00 : f32
    %div3A_580 = vector.broadcast %div3A_579 : f32 to vector<16xf32>
    %div3A_581 = arith.divf %div3A_580, %add3A_578 : vector<16xf32>
    %sub3A_582 = arith.constant 1.000000e+00 : f32
    %sub3A_583 = vector.broadcast %sub3A_582 : f32 to vector<16xf32>
    %sub3A_584 = arith.subf %sub3A_583, %exp3A_575 : vector<16xf32>
    %mul3A_585 = arith.mulf %div3A_581, %sub3A_584 : vector<16xf32>
    %mul3A_586 = arith.mulf %div3A_581, %exp3A_575 : vector<16xf32>
    %broadcast_in_dim3A_587 = arith.constant 64 : i32
    %broadcast_in_dim3A_588 = vector.broadcast %broadcast_in_dim3A_587 : i32 to vector<16xi32>
    %gather3A_589 = tpu.vector_load_idx %arg6[%broadcast_in_dim3A_588] : memref<136xf32, #tpu.memory_space<vmem>>[vector<16xi32>], vector<16xf32>,
    %broadcast_in_dim3A_590 = arith.constant 65 : i32
    %broadcast_in_dim3A_591 = vector.broadcast %broadcast_in_dim3A_590 : i32 to vector<16xi32>
    %gather3A_592 = tpu.vector_load_idx %arg6[%broadcast_in_dim3A_591] : memref<136xf32, #tpu.memory_space<vmem>>[vector<16xi32>], vector<16xf32>,
    %sub3A_593 = arith.subf %gather3A_592, %gather3A_589 : vector<16xf32>
    %exp3A_594 = math.exp %sub3A_593 : vector<16xf32>
    %add3A_595 = arith.constant 1.000000e+00 : f32
    %add3A_596 = vector.broadcast %add3A_595 : f32 to vector<16xf32>
    %add3A_597 = arith.addf %add3A_596, %exp3A_594 : vector<16xf32>
    %div3A_598 = arith.constant 1.000000e+00 : f32
    %div3A_599 = vector.broadcast %div3A_598 : f32 to vector<16xf32>
    %div3A_600 = arith.divf %div3A_599, %add3A_597 : vector<16xf32>
    %sub3A_601 = arith.constant 1.000000e+00 : f32
    %sub3A_602 = vector.broadcast %sub3A_601 : f32 to vector<16xf32>
    %sub3A_603 = arith.subf %sub3A_602, %exp3A_594 : vector<16xf32>
    %mul3A_604 = arith.mulf %div3A_600, %sub3A_603 : vector<16xf32>
    %mul3A_605 = arith.mulf %div3A_600, %exp3A_594 : vector<16xf32>
    %broadcast_in_dim3A_606 = arith.constant 66 : i32
    %broadcast_in_dim3A_607 = vector.broadcast %broadcast_in_dim3A_606 : i32 to vector<16xi32>
    %gather3A_608 = tpu.vector_load_idx %arg6[%broadcast_in_dim3A_607] : memref<136xf32, #tpu.memory_space<vmem>>[vector<16xi32>], vector<16xf32>,
    %broadcast_in_dim3A_609 = arith.constant 67 : i32
    %broadcast_in_dim3A_610 = vector.broadcast %broadcast_in_dim3A_609 : i32 to vector<16xi32>
    %gather3A_611 = tpu.vector_load_idx %arg6[%broadcast_in_dim3A_610] : memref<136xf32, #tpu.memory_space<vmem>>[vector<16xi32>], vector<16xf32>,
    %sub3A_612 = arith.subf %gather3A_611, %gather3A_608 : vector<16xf32>
    %exp3A_613 = math.exp %sub3A_612 : vector<16xf32>
    %add3A_614 = arith.constant 1.000000e+00 : f32
    %add3A_615 = vector.broadcast %add3A_614 : f32 to vector<16xf32>
    %add3A_616 = arith.addf %add3A_615, %exp3A_613 : vector<16xf32>
    %div3A_617 = arith.constant 1.000000e+00 : f32
    %div3A_618 = vector.broadcast %div3A_617 : f32 to vector<16xf32>
    %div3A_619 = arith.divf %div3A_618, %add3A_616 : vector<16xf32>
    %sub3A_620 = arith.constant 1.000000e+00 : f32
    %sub3A_621 = vector.broadcast %sub3A_620 : f32 to vector<16xf32>
    %sub3A_622 = arith.subf %sub3A_621, %exp3A_613 : vector<16xf32>
    %mul3A_623 = arith.mulf %div3A_619, %sub3A_622 : vector<16xf32>
    %mul3A_624 = arith.mulf %div3A_619, %exp3A_613 : vector<16xf32>
    %broadcast_in_dim3A_625 = arith.constant 68 : i32
    %broadcast_in_dim3A_626 = vector.broadcast %broadcast_in_dim3A_625 : i32 to vector<16xi32>
    %gather3A_627 = tpu.vector_load_idx %arg6[%broadcast_in_dim3A_626] : memref<136xf32, #tpu.memory_space<vmem>>[vector<16xi32>], vector<16xf32>,
    %broadcast_in_dim3A_628 = arith.constant 69 : i32
    %broadcast_in_dim3A_629 = vector.broadcast %broadcast_in_dim3A_628 : i32 to vector<16xi32>
    %gather3A_630 = tpu.vector_load_idx %arg6[%broadcast_in_dim3A_629] : memref<136xf32, #tpu.memory_space<vmem>>[vector<16xi32>], vector<16xf32>,
    %sub3A_631 = arith.subf %gather3A_630, %gather3A_627 : vector<16xf32>
    %exp3A_632 = math.exp %sub3A_631 : vector<16xf32>
    %add3A_633 = arith.constant 1.000000e+00 : f32
    %add3A_634 = vector.broadcast %add3A_633 : f32 to vector<16xf32>
    %add3A_635 = arith.addf %add3A_634, %exp3A_632 : vector<16xf32>
    %div3A_636 = arith.constant 1.000000e+00 : f32
    %div3A_637 = vector.broadcast %div3A_636 : f32 to vector<16xf32>
    %div3A_638 = arith.divf %div3A_637, %add3A_635 : vector<16xf32>
    %sub3A_639 = arith.constant 1.000000e+00 : f32
    %sub3A_640 = vector.broadcast %sub3A_639 : f32 to vector<16xf32>
    %sub3A_641 = arith.subf %sub3A_640, %exp3A_632 : vector<16xf32>
    %mul3A_642 = arith.mulf %div3A_638, %sub3A_641 : vector<16xf32>
    %mul3A_643 = arith.mulf %div3A_638, %exp3A_632 : vector<16xf32>
    %broadcast_in_dim3A_644 = arith.constant 70 : i32
    %broadcast_in_dim3A_645 = vector.broadcast %broadcast_in_dim3A_644 : i32 to vector<16xi32>
    %gather3A_646 = tpu.vector_load_idx %arg6[%broadcast_in_dim3A_645] : memref<136xf32, #tpu.memory_space<vmem>>[vector<16xi32>], vector<16xf32>,
    %broadcast_in_dim3A_647 = arith.constant 71 : i32
    %broadcast_in_dim3A_648 = vector.broadcast %broadcast_in_dim3A_647 : i32 to vector<16xi32>
    %gather3A_649 = tpu.vector_load_idx %arg6[%broadcast_in_dim3A_648] : memref<136xf32, #tpu.memory_space<vmem>>[vector<16xi32>], vector<16xf32>,
    %sub3A_650 = arith.subf %gather3A_649, %gather3A_646 : vector<16xf32>
    %exp3A_651 = math.exp %sub3A_650 : vector<16xf32>
    %add3A_652 = arith.constant 1.000000e+00 : f32
    %add3A_653 = vector.broadcast %add3A_652 : f32 to vector<16xf32>
    %add3A_654 = arith.addf %add3A_653, %exp3A_651 : vector<16xf32>
    %div3A_655 = arith.constant 1.000000e+00 : f32
    %div3A_656 = vector.broadcast %div3A_655 : f32 to vector<16xf32>
    %div3A_657 = arith.divf %div3A_656, %add3A_654 : vector<16xf32>
    %sub3A_658 = arith.constant 1.000000e+00 : f32
    %sub3A_659 = vector.broadcast %sub3A_658 : f32 to vector<16xf32>
    %sub3A_660 = arith.subf %sub3A_659, %exp3A_651 : vector<16xf32>
    %mul3A_661 = arith.mulf %div3A_657, %sub3A_660 : vector<16xf32>
    %mul3A_662 = arith.mulf %div3A_657, %exp3A_651 : vector<16xf32>
    %parallel_loop3A_663 = arith.constant 0 : i32
    %parallel_loop3A_664 = arith.constant 32 : i32
    %parallel_loop3A_665 = arith.constant 1 : i32
    scf.for %parallel_loop3A_1329 = %parallel_loop3A_663 to %parallel_loop3A_664 step %parallel_loop3A_665  : i32 {
      %parallel_loop3A_1330 = arith.constant 16 : i32
      %parallel_loop3A_1331 = arith.muli %parallel_loop3A_1329, %parallel_loop3A_1330 : i32
      %parallel_loop3A_1332 = vector.broadcast %parallel_loop3A_1331 : i32 to vector<16xi32>
      %parallel_loop3A_1333 = arith.addi %iota3A, %parallel_loop3A_1332 : vector<16xi32>
      %parallel_loop3A_1334 = arith.constant 24 : i32
      %parallel_loop3A_1335 = vector.broadcast %parallel_loop3A_1334 : i32 to vector<16xi32>
      %parallel_loop3A_1336 = tpu.vector_load_idx %arg5[%parallel_loop3A_1333, %parallel_loop3A_1335] : memref<512x65xf32, #tpu.memory_space<vmem>>[vector<16xi32>, vector<16xi32>], vector<16xf32>,
      %parallel_loop3A_1337 = arith.mulf %mul3A_528, %parallel_loop3A_1336 : vector<16xf32>
      %parallel_loop3A_1338 = arith.addf %parallel_loop3A_1337, %mul3A_529 : vector<16xf32>
      %parallel_loop3A_1339 = arith.constant 25 : i32
      %parallel_loop3A_1340 = vector.broadcast %parallel_loop3A_1339 : i32 to vector<16xi32>
      %parallel_loop3A_1341 = tpu.vector_load_idx %arg5[%parallel_loop3A_1333, %parallel_loop3A_1340] : memref<512x65xf32, #tpu.memory_space<vmem>>[vector<16xi32>, vector<16xi32>], vector<16xf32>,
      %parallel_loop3A_1342 = arith.mulf %mul3A_547, %parallel_loop3A_1341 : vector<16xf32>
      %parallel_loop3A_1343 = arith.addf %parallel_loop3A_1342, %mul3A_548 : vector<16xf32>
      %parallel_loop3A_1344 = arith.constant 26 : i32
      %parallel_loop3A_1345 = vector.broadcast %parallel_loop3A_1344 : i32 to vector<16xi32>
      %parallel_loop3A_1346 = tpu.vector_load_idx %arg5[%parallel_loop3A_1333, %parallel_loop3A_1345] : memref<512x65xf32, #tpu.memory_space<vmem>>[vector<16xi32>, vector<16xi32>], vector<16xf32>,
      %parallel_loop3A_1347 = arith.mulf %mul3A_566, %parallel_loop3A_1346 : vector<16xf32>
      %parallel_loop3A_1348 = arith.addf %parallel_loop3A_1347, %mul3A_567 : vector<16xf32>
      %parallel_loop3A_1349 = arith.constant 27 : i32
      %parallel_loop3A_1350 = vector.broadcast %parallel_loop3A_1349 : i32 to vector<16xi32>
      %parallel_loop3A_1351 = tpu.vector_load_idx %arg5[%parallel_loop3A_1333, %parallel_loop3A_1350] : memref<512x65xf32, #tpu.memory_space<vmem>>[vector<16xi32>, vector<16xi32>], vector<16xf32>,
      %parallel_loop3A_1352 = arith.mulf %mul3A_585, %parallel_loop3A_1351 : vector<16xf32>
      %parallel_loop3A_1353 = arith.addf %parallel_loop3A_1352, %mul3A_586 : vector<16xf32>
      %parallel_loop3A_1354 = arith.constant 28 : i32
      %parallel_loop3A_1355 = vector.broadcast %parallel_loop3A_1354 : i32 to vector<16xi32>
      %parallel_loop3A_1356 = tpu.vector_load_idx %arg5[%parallel_loop3A_1333, %parallel_loop3A_1355] : memref<512x65xf32, #tpu.memory_space<vmem>>[vector<16xi32>, vector<16xi32>], vector<16xf32>,
      %parallel_loop3A_1357 = arith.mulf %mul3A_604, %parallel_loop3A_1356 : vector<16xf32>
      %parallel_loop3A_1358 = arith.addf %parallel_loop3A_1357, %mul3A_605 : vector<16xf32>
      %parallel_loop3A_1359 = arith.constant 29 : i32
      %parallel_loop3A_1360 = vector.broadcast %parallel_loop3A_1359 : i32 to vector<16xi32>
      %parallel_loop3A_1361 = tpu.vector_load_idx %arg5[%parallel_loop3A_1333, %parallel_loop3A_1360] : memref<512x65xf32, #tpu.memory_space<vmem>>[vector<16xi32>, vector<16xi32>], vector<16xf32>,
      %parallel_loop3A_1362 = arith.mulf %mul3A_623, %parallel_loop3A_1361 : vector<16xf32>
      %parallel_loop3A_1363 = arith.addf %parallel_loop3A_1362, %mul3A_624 : vector<16xf32>
      %parallel_loop3A_1364 = arith.constant 30 : i32
      %parallel_loop3A_1365 = vector.broadcast %parallel_loop3A_1364 : i32 to vector<16xi32>
      %parallel_loop3A_1366 = tpu.vector_load_idx %arg5[%parallel_loop3A_1333, %parallel_loop3A_1365] : memref<512x65xf32, #tpu.memory_space<vmem>>[vector<16xi32>, vector<16xi32>], vector<16xf32>,
      %parallel_loop3A_1367 = arith.mulf %mul3A_642, %parallel_loop3A_1366 : vector<16xf32>
      %parallel_loop3A_1368 = arith.addf %parallel_loop3A_1367, %mul3A_643 : vector<16xf32>
      %parallel_loop3A_1369 = arith.constant 31 : i32
      %parallel_loop3A_1370 = vector.broadcast %parallel_loop3A_1369 : i32 to vector<16xi32>
      %parallel_loop3A_1371 = tpu.vector_load_idx %arg5[%parallel_loop3A_1333, %parallel_loop3A_1370] : memref<512x65xf32, #tpu.memory_space<vmem>>[vector<16xi32>, vector<16xi32>], vector<16xf32>,
      %parallel_loop3A_1372 = arith.mulf %mul3A_661, %parallel_loop3A_1371 : vector<16xf32>
      %parallel_loop3A_1373 = arith.addf %parallel_loop3A_1372, %mul3A_662 : vector<16xf32>
      %parallel_loop3A_1374 = arith.mulf %parallel_loop3A_1338, %parallel_loop3A_1343 : vector<16xf32>
      %parallel_loop3A_1375 = arith.mulf %parallel_loop3A_1348, %parallel_loop3A_1353 : vector<16xf32>
      %parallel_loop3A_1376 = arith.mulf %parallel_loop3A_1358, %parallel_loop3A_1363 : vector<16xf32>
      %parallel_loop3A_1377 = arith.mulf %parallel_loop3A_1368, %parallel_loop3A_1373 : vector<16xf32>
      %parallel_loop3A_1378 = arith.mulf %parallel_loop3A_1374, %parallel_loop3A_1375 : vector<16xf32>
      %parallel_loop3A_1379 = arith.mulf %parallel_loop3A_1376, %parallel_loop3A_1377 : vector<16xf32>
      %parallel_loop3A_1380 = arith.mulf %parallel_loop3A_1378, %parallel_loop3A_1379 : vector<16xf32>
      %parallel_loop3A_1381 = vector.broadcast %reduce_sum3A_510 : f32 to vector<16xf32>
      %parallel_loop3A_1382 = arith.mulf %parallel_loop3A_1381, %parallel_loop3A_1380 : vector<16xf32>
      %parallel_loop3A_1383 = arith.constant 16 : i32
      %parallel_loop3A_1384 = arith.muli %parallel_loop3A_1329, %parallel_loop3A_1383 : i32
      %parallel_loop3A_1385 = arith.index_cast %parallel_loop3A_1384 : i32 to index
      %parallel_loop3A_1386 = tpu.vector_load %arg7[%parallel_loop3A_1385] {strides = array<i32>} : memref<512xf32, #tpu.memory_space<vmem>>, vector<16xf32>,
      tpu.vector_store %arg7[%parallel_loop3A_1385], %parallel_loop3A_1382 {add = true, strides = array<i32>} : memref<512xf32, #tpu.memory_space<vmem>>, vector<16xf32>,
    } {sc.loop_unroll_factor = 4 : i64, sc.parallel_access}
    %eq3A_666 = arith.constant 4 : i32
    %eq3A_667 = vector.broadcast %eq3A_666 : i32 to vector<16xi32>
    %eq3A_668 = arith.cmpi eq, %iota3A, %eq3A_667 : vector<16xi32>
    %jit3A_669 = arith.constant 0.000000e+00 : f32
    %broadcast_in_dim3A_670 = vector.broadcast %jit3A_669 : f32 to vector<16xf32>
    %select_n3A_671 = arith.select %eq3A_668, %div3A_9, %broadcast_in_dim3A_670 : vector<16xi1>, vector<16xf32>
    %reduce_sum3A_672 = arith.constant true
    %reduce_sum3A_673 = vector.broadcast %reduce_sum3A_672 : i1 to vector<16xi1>
    %reduce_sum3A_674 = tpu.scan <sum>, %select_n3A_671 masked %reduce_sum3A_673 : vector<16xf32>, vector<16xi1> -> vector<16xf32>
    %reduce_sum3A_675 = vector.extract %reduce_sum3A_674[15] : f32 from vector<16xf32>
    %broadcast_in_dim3A_676 = arith.constant 72 : i32
    %broadcast_in_dim3A_677 = vector.broadcast %broadcast_in_dim3A_676 : i32 to vector<16xi32>
    %gather3A_678 = tpu.vector_load_idx %arg6[%broadcast_in_dim3A_677] : memref<136xf32, #tpu.memory_space<vmem>>[vector<16xi32>], vector<16xf32>,
    %broadcast_in_dim3A_679 = arith.constant 73 : i32
    %broadcast_in_dim3A_680 = vector.broadcast %broadcast_in_dim3A_679 : i32 to vector<16xi32>
    %gather3A_681 = tpu.vector_load_idx %arg6[%broadcast_in_dim3A_680] : memref<136xf32, #tpu.memory_space<vmem>>[vector<16xi32>], vector<16xf32>,
    %sub3A_682 = arith.subf %gather3A_681, %gather3A_678 : vector<16xf32>
    %exp3A_683 = math.exp %sub3A_682 : vector<16xf32>
    %add3A_684 = arith.constant 1.000000e+00 : f32
    %add3A_685 = vector.broadcast %add3A_684 : f32 to vector<16xf32>
    %add3A_686 = arith.addf %add3A_685, %exp3A_683 : vector<16xf32>
    %div3A_687 = arith.constant 1.000000e+00 : f32
    %div3A_688 = vector.broadcast %div3A_687 : f32 to vector<16xf32>
    %div3A_689 = arith.divf %div3A_688, %add3A_686 : vector<16xf32>
    %sub3A_690 = arith.constant 1.000000e+00 : f32
    %sub3A_691 = vector.broadcast %sub3A_690 : f32 to vector<16xf32>
    %sub3A_692 = arith.subf %sub3A_691, %exp3A_683 : vector<16xf32>
    %mul3A_693 = arith.mulf %div3A_689, %sub3A_692 : vector<16xf32>
    %mul3A_694 = arith.mulf %div3A_689, %exp3A_683 : vector<16xf32>
    %broadcast_in_dim3A_695 = arith.constant 74 : i32
    %broadcast_in_dim3A_696 = vector.broadcast %broadcast_in_dim3A_695 : i32 to vector<16xi32>
    %gather3A_697 = tpu.vector_load_idx %arg6[%broadcast_in_dim3A_696] : memref<136xf32, #tpu.memory_space<vmem>>[vector<16xi32>], vector<16xf32>,
    %broadcast_in_dim3A_698 = arith.constant 75 : i32
    %broadcast_in_dim3A_699 = vector.broadcast %broadcast_in_dim3A_698 : i32 to vector<16xi32>
    %gather3A_700 = tpu.vector_load_idx %arg6[%broadcast_in_dim3A_699] : memref<136xf32, #tpu.memory_space<vmem>>[vector<16xi32>], vector<16xf32>,
    %sub3A_701 = arith.subf %gather3A_700, %gather3A_697 : vector<16xf32>
    %exp3A_702 = math.exp %sub3A_701 : vector<16xf32>
    %add3A_703 = arith.constant 1.000000e+00 : f32
    %add3A_704 = vector.broadcast %add3A_703 : f32 to vector<16xf32>
    %add3A_705 = arith.addf %add3A_704, %exp3A_702 : vector<16xf32>
    %div3A_706 = arith.constant 1.000000e+00 : f32
    %div3A_707 = vector.broadcast %div3A_706 : f32 to vector<16xf32>
    %div3A_708 = arith.divf %div3A_707, %add3A_705 : vector<16xf32>
    %sub3A_709 = arith.constant 1.000000e+00 : f32
    %sub3A_710 = vector.broadcast %sub3A_709 : f32 to vector<16xf32>
    %sub3A_711 = arith.subf %sub3A_710, %exp3A_702 : vector<16xf32>
    %mul3A_712 = arith.mulf %div3A_708, %sub3A_711 : vector<16xf32>
    %mul3A_713 = arith.mulf %div3A_708, %exp3A_702 : vector<16xf32>
    %broadcast_in_dim3A_714 = arith.constant 76 : i32
    %broadcast_in_dim3A_715 = vector.broadcast %broadcast_in_dim3A_714 : i32 to vector<16xi32>
    %gather3A_716 = tpu.vector_load_idx %arg6[%broadcast_in_dim3A_715] : memref<136xf32, #tpu.memory_space<vmem>>[vector<16xi32>], vector<16xf32>,
    %broadcast_in_dim3A_717 = arith.constant 77 : i32
    %broadcast_in_dim3A_718 = vector.broadcast %broadcast_in_dim3A_717 : i32 to vector<16xi32>
    %gather3A_719 = tpu.vector_load_idx %arg6[%broadcast_in_dim3A_718] : memref<136xf32, #tpu.memory_space<vmem>>[vector<16xi32>], vector<16xf32>,
    %sub3A_720 = arith.subf %gather3A_719, %gather3A_716 : vector<16xf32>
    %exp3A_721 = math.exp %sub3A_720 : vector<16xf32>
    %add3A_722 = arith.constant 1.000000e+00 : f32
    %add3A_723 = vector.broadcast %add3A_722 : f32 to vector<16xf32>
    %add3A_724 = arith.addf %add3A_723, %exp3A_721 : vector<16xf32>
    %div3A_725 = arith.constant 1.000000e+00 : f32
    %div3A_726 = vector.broadcast %div3A_725 : f32 to vector<16xf32>
    %div3A_727 = arith.divf %div3A_726, %add3A_724 : vector<16xf32>
    %sub3A_728 = arith.constant 1.000000e+00 : f32
    %sub3A_729 = vector.broadcast %sub3A_728 : f32 to vector<16xf32>
    %sub3A_730 = arith.subf %sub3A_729, %exp3A_721 : vector<16xf32>
    %mul3A_731 = arith.mulf %div3A_727, %sub3A_730 : vector<16xf32>
    %mul3A_732 = arith.mulf %div3A_727, %exp3A_721 : vector<16xf32>
    %broadcast_in_dim3A_733 = arith.constant 78 : i32
    %broadcast_in_dim3A_734 = vector.broadcast %broadcast_in_dim3A_733 : i32 to vector<16xi32>
    %gather3A_735 = tpu.vector_load_idx %arg6[%broadcast_in_dim3A_734] : memref<136xf32, #tpu.memory_space<vmem>>[vector<16xi32>], vector<16xf32>,
    %broadcast_in_dim3A_736 = arith.constant 79 : i32
    %broadcast_in_dim3A_737 = vector.broadcast %broadcast_in_dim3A_736 : i32 to vector<16xi32>
    %gather3A_738 = tpu.vector_load_idx %arg6[%broadcast_in_dim3A_737] : memref<136xf32, #tpu.memory_space<vmem>>[vector<16xi32>], vector<16xf32>,
    %sub3A_739 = arith.subf %gather3A_738, %gather3A_735 : vector<16xf32>
    %exp3A_740 = math.exp %sub3A_739 : vector<16xf32>
    %add3A_741 = arith.constant 1.000000e+00 : f32
    %add3A_742 = vector.broadcast %add3A_741 : f32 to vector<16xf32>
    %add3A_743 = arith.addf %add3A_742, %exp3A_740 : vector<16xf32>
    %div3A_744 = arith.constant 1.000000e+00 : f32
    %div3A_745 = vector.broadcast %div3A_744 : f32 to vector<16xf32>
    %div3A_746 = arith.divf %div3A_745, %add3A_743 : vector<16xf32>
    %sub3A_747 = arith.constant 1.000000e+00 : f32
    %sub3A_748 = vector.broadcast %sub3A_747 : f32 to vector<16xf32>
    %sub3A_749 = arith.subf %sub3A_748, %exp3A_740 : vector<16xf32>
    %mul3A_750 = arith.mulf %div3A_746, %sub3A_749 : vector<16xf32>
    %mul3A_751 = arith.mulf %div3A_746, %exp3A_740 : vector<16xf32>
    %broadcast_in_dim3A_752 = arith.constant 80 : i32
    %broadcast_in_dim3A_753 = vector.broadcast %broadcast_in_dim3A_752 : i32 to vector<16xi32>
    %gather3A_754 = tpu.vector_load_idx %arg6[%broadcast_in_dim3A_753] : memref<136xf32, #tpu.memory_space<vmem>>[vector<16xi32>], vector<16xf32>,
    %broadcast_in_dim3A_755 = arith.constant 81 : i32
    %broadcast_in_dim3A_756 = vector.broadcast %broadcast_in_dim3A_755 : i32 to vector<16xi32>
    %gather3A_757 = tpu.vector_load_idx %arg6[%broadcast_in_dim3A_756] : memref<136xf32, #tpu.memory_space<vmem>>[vector<16xi32>], vector<16xf32>,
    %sub3A_758 = arith.subf %gather3A_757, %gather3A_754 : vector<16xf32>
    %exp3A_759 = math.exp %sub3A_758 : vector<16xf32>
    %add3A_760 = arith.constant 1.000000e+00 : f32
    %add3A_761 = vector.broadcast %add3A_760 : f32 to vector<16xf32>
    %add3A_762 = arith.addf %add3A_761, %exp3A_759 : vector<16xf32>
    %div3A_763 = arith.constant 1.000000e+00 : f32
    %div3A_764 = vector.broadcast %div3A_763 : f32 to vector<16xf32>
    %div3A_765 = arith.divf %div3A_764, %add3A_762 : vector<16xf32>
    %sub3A_766 = arith.constant 1.000000e+00 : f32
    %sub3A_767 = vector.broadcast %sub3A_766 : f32 to vector<16xf32>
    %sub3A_768 = arith.subf %sub3A_767, %exp3A_759 : vector<16xf32>
    %mul3A_769 = arith.mulf %div3A_765, %sub3A_768 : vector<16xf32>
    %mul3A_770 = arith.mulf %div3A_765, %exp3A_759 : vector<16xf32>
    %broadcast_in_dim3A_771 = arith.constant 82 : i32
    %broadcast_in_dim3A_772 = vector.broadcast %broadcast_in_dim3A_771 : i32 to vector<16xi32>
    %gather3A_773 = tpu.vector_load_idx %arg6[%broadcast_in_dim3A_772] : memref<136xf32, #tpu.memory_space<vmem>>[vector<16xi32>], vector<16xf32>,
    %broadcast_in_dim3A_774 = arith.constant 83 : i32
    %broadcast_in_dim3A_775 = vector.broadcast %broadcast_in_dim3A_774 : i32 to vector<16xi32>
    %gather3A_776 = tpu.vector_load_idx %arg6[%broadcast_in_dim3A_775] : memref<136xf32, #tpu.memory_space<vmem>>[vector<16xi32>], vector<16xf32>,
    %sub3A_777 = arith.subf %gather3A_776, %gather3A_773 : vector<16xf32>
    %exp3A_778 = math.exp %sub3A_777 : vector<16xf32>
    %add3A_779 = arith.constant 1.000000e+00 : f32
    %add3A_780 = vector.broadcast %add3A_779 : f32 to vector<16xf32>
    %add3A_781 = arith.addf %add3A_780, %exp3A_778 : vector<16xf32>
    %div3A_782 = arith.constant 1.000000e+00 : f32
    %div3A_783 = vector.broadcast %div3A_782 : f32 to vector<16xf32>
    %div3A_784 = arith.divf %div3A_783, %add3A_781 : vector<16xf32>
    %sub3A_785 = arith.constant 1.000000e+00 : f32
    %sub3A_786 = vector.broadcast %sub3A_785 : f32 to vector<16xf32>
    %sub3A_787 = arith.subf %sub3A_786, %exp3A_778 : vector<16xf32>
    %mul3A_788 = arith.mulf %div3A_784, %sub3A_787 : vector<16xf32>
    %mul3A_789 = arith.mulf %div3A_784, %exp3A_778 : vector<16xf32>
    %broadcast_in_dim3A_790 = arith.constant 84 : i32
    %broadcast_in_dim3A_791 = vector.broadcast %broadcast_in_dim3A_790 : i32 to vector<16xi32>
    %gather3A_792 = tpu.vector_load_idx %arg6[%broadcast_in_dim3A_791] : memref<136xf32, #tpu.memory_space<vmem>>[vector<16xi32>], vector<16xf32>,
    %broadcast_in_dim3A_793 = arith.constant 85 : i32
    %broadcast_in_dim3A_794 = vector.broadcast %broadcast_in_dim3A_793 : i32 to vector<16xi32>
    %gather3A_795 = tpu.vector_load_idx %arg6[%broadcast_in_dim3A_794] : memref<136xf32, #tpu.memory_space<vmem>>[vector<16xi32>], vector<16xf32>,
    %sub3A_796 = arith.subf %gather3A_795, %gather3A_792 : vector<16xf32>
    %exp3A_797 = math.exp %sub3A_796 : vector<16xf32>
    %add3A_798 = arith.constant 1.000000e+00 : f32
    %add3A_799 = vector.broadcast %add3A_798 : f32 to vector<16xf32>
    %add3A_800 = arith.addf %add3A_799, %exp3A_797 : vector<16xf32>
    %div3A_801 = arith.constant 1.000000e+00 : f32
    %div3A_802 = vector.broadcast %div3A_801 : f32 to vector<16xf32>
    %div3A_803 = arith.divf %div3A_802, %add3A_800 : vector<16xf32>
    %sub3A_804 = arith.constant 1.000000e+00 : f32
    %sub3A_805 = vector.broadcast %sub3A_804 : f32 to vector<16xf32>
    %sub3A_806 = arith.subf %sub3A_805, %exp3A_797 : vector<16xf32>
    %mul3A_807 = arith.mulf %div3A_803, %sub3A_806 : vector<16xf32>
    %mul3A_808 = arith.mulf %div3A_803, %exp3A_797 : vector<16xf32>
    %broadcast_in_dim3A_809 = arith.constant 86 : i32
    %broadcast_in_dim3A_810 = vector.broadcast %broadcast_in_dim3A_809 : i32 to vector<16xi32>
    %gather3A_811 = tpu.vector_load_idx %arg6[%broadcast_in_dim3A_810] : memref<136xf32, #tpu.memory_space<vmem>>[vector<16xi32>], vector<16xf32>,
    %broadcast_in_dim3A_812 = arith.constant 87 : i32
    %broadcast_in_dim3A_813 = vector.broadcast %broadcast_in_dim3A_812 : i32 to vector<16xi32>
    %gather3A_814 = tpu.vector_load_idx %arg6[%broadcast_in_dim3A_813] : memref<136xf32, #tpu.memory_space<vmem>>[vector<16xi32>], vector<16xf32>,
    %sub3A_815 = arith.subf %gather3A_814, %gather3A_811 : vector<16xf32>
    %exp3A_816 = math.exp %sub3A_815 : vector<16xf32>
    %add3A_817 = arith.constant 1.000000e+00 : f32
    %add3A_818 = vector.broadcast %add3A_817 : f32 to vector<16xf32>
    %add3A_819 = arith.addf %add3A_818, %exp3A_816 : vector<16xf32>
    %div3A_820 = arith.constant 1.000000e+00 : f32
    %div3A_821 = vector.broadcast %div3A_820 : f32 to vector<16xf32>
    %div3A_822 = arith.divf %div3A_821, %add3A_819 : vector<16xf32>
    %sub3A_823 = arith.constant 1.000000e+00 : f32
    %sub3A_824 = vector.broadcast %sub3A_823 : f32 to vector<16xf32>
    %sub3A_825 = arith.subf %sub3A_824, %exp3A_816 : vector<16xf32>
    %mul3A_826 = arith.mulf %div3A_822, %sub3A_825 : vector<16xf32>
    %mul3A_827 = arith.mulf %div3A_822, %exp3A_816 : vector<16xf32>
    %parallel_loop3A_828 = arith.constant 0 : i32
    %parallel_loop3A_829 = arith.constant 32 : i32
    %parallel_loop3A_830 = arith.constant 1 : i32
    scf.for %parallel_loop3A_1329 = %parallel_loop3A_828 to %parallel_loop3A_829 step %parallel_loop3A_830  : i32 {
      %parallel_loop3A_1330 = arith.constant 16 : i32
      %parallel_loop3A_1331 = arith.muli %parallel_loop3A_1329, %parallel_loop3A_1330 : i32
      %parallel_loop3A_1332 = vector.broadcast %parallel_loop3A_1331 : i32 to vector<16xi32>
      %parallel_loop3A_1333 = arith.addi %iota3A, %parallel_loop3A_1332 : vector<16xi32>
      %parallel_loop3A_1334 = arith.constant 32 : i32
      %parallel_loop3A_1335 = vector.broadcast %parallel_loop3A_1334 : i32 to vector<16xi32>
      %parallel_loop3A_1336 = tpu.vector_load_idx %arg5[%parallel_loop3A_1333, %parallel_loop3A_1335] : memref<512x65xf32, #tpu.memory_space<vmem>>[vector<16xi32>, vector<16xi32>], vector<16xf32>,
      %parallel_loop3A_1337 = arith.mulf %mul3A_693, %parallel_loop3A_1336 : vector<16xf32>
      %parallel_loop3A_1338 = arith.addf %parallel_loop3A_1337, %mul3A_694 : vector<16xf32>
      %parallel_loop3A_1339 = arith.constant 33 : i32
      %parallel_loop3A_1340 = vector.broadcast %parallel_loop3A_1339 : i32 to vector<16xi32>
      %parallel_loop3A_1341 = tpu.vector_load_idx %arg5[%parallel_loop3A_1333, %parallel_loop3A_1340] : memref<512x65xf32, #tpu.memory_space<vmem>>[vector<16xi32>, vector<16xi32>], vector<16xf32>,
      %parallel_loop3A_1342 = arith.mulf %mul3A_712, %parallel_loop3A_1341 : vector<16xf32>
      %parallel_loop3A_1343 = arith.addf %parallel_loop3A_1342, %mul3A_713 : vector<16xf32>
      %parallel_loop3A_1344 = arith.constant 34 : i32
      %parallel_loop3A_1345 = vector.broadcast %parallel_loop3A_1344 : i32 to vector<16xi32>
      %parallel_loop3A_1346 = tpu.vector_load_idx %arg5[%parallel_loop3A_1333, %parallel_loop3A_1345] : memref<512x65xf32, #tpu.memory_space<vmem>>[vector<16xi32>, vector<16xi32>], vector<16xf32>,
      %parallel_loop3A_1347 = arith.mulf %mul3A_731, %parallel_loop3A_1346 : vector<16xf32>
      %parallel_loop3A_1348 = arith.addf %parallel_loop3A_1347, %mul3A_732 : vector<16xf32>
      %parallel_loop3A_1349 = arith.constant 35 : i32
      %parallel_loop3A_1350 = vector.broadcast %parallel_loop3A_1349 : i32 to vector<16xi32>
      %parallel_loop3A_1351 = tpu.vector_load_idx %arg5[%parallel_loop3A_1333, %parallel_loop3A_1350] : memref<512x65xf32, #tpu.memory_space<vmem>>[vector<16xi32>, vector<16xi32>], vector<16xf32>,
      %parallel_loop3A_1352 = arith.mulf %mul3A_750, %parallel_loop3A_1351 : vector<16xf32>
      %parallel_loop3A_1353 = arith.addf %parallel_loop3A_1352, %mul3A_751 : vector<16xf32>
      %parallel_loop3A_1354 = arith.constant 36 : i32
      %parallel_loop3A_1355 = vector.broadcast %parallel_loop3A_1354 : i32 to vector<16xi32>
      %parallel_loop3A_1356 = tpu.vector_load_idx %arg5[%parallel_loop3A_1333, %parallel_loop3A_1355] : memref<512x65xf32, #tpu.memory_space<vmem>>[vector<16xi32>, vector<16xi32>], vector<16xf32>,
      %parallel_loop3A_1357 = arith.mulf %mul3A_769, %parallel_loop3A_1356 : vector<16xf32>
      %parallel_loop3A_1358 = arith.addf %parallel_loop3A_1357, %mul3A_770 : vector<16xf32>
      %parallel_loop3A_1359 = arith.constant 37 : i32
      %parallel_loop3A_1360 = vector.broadcast %parallel_loop3A_1359 : i32 to vector<16xi32>
      %parallel_loop3A_1361 = tpu.vector_load_idx %arg5[%parallel_loop3A_1333, %parallel_loop3A_1360] : memref<512x65xf32, #tpu.memory_space<vmem>>[vector<16xi32>, vector<16xi32>], vector<16xf32>,
      %parallel_loop3A_1362 = arith.mulf %mul3A_788, %parallel_loop3A_1361 : vector<16xf32>
      %parallel_loop3A_1363 = arith.addf %parallel_loop3A_1362, %mul3A_789 : vector<16xf32>
      %parallel_loop3A_1364 = arith.constant 38 : i32
      %parallel_loop3A_1365 = vector.broadcast %parallel_loop3A_1364 : i32 to vector<16xi32>
      %parallel_loop3A_1366 = tpu.vector_load_idx %arg5[%parallel_loop3A_1333, %parallel_loop3A_1365] : memref<512x65xf32, #tpu.memory_space<vmem>>[vector<16xi32>, vector<16xi32>], vector<16xf32>,
      %parallel_loop3A_1367 = arith.mulf %mul3A_807, %parallel_loop3A_1366 : vector<16xf32>
      %parallel_loop3A_1368 = arith.addf %parallel_loop3A_1367, %mul3A_808 : vector<16xf32>
      %parallel_loop3A_1369 = arith.constant 39 : i32
      %parallel_loop3A_1370 = vector.broadcast %parallel_loop3A_1369 : i32 to vector<16xi32>
      %parallel_loop3A_1371 = tpu.vector_load_idx %arg5[%parallel_loop3A_1333, %parallel_loop3A_1370] : memref<512x65xf32, #tpu.memory_space<vmem>>[vector<16xi32>, vector<16xi32>], vector<16xf32>,
      %parallel_loop3A_1372 = arith.mulf %mul3A_826, %parallel_loop3A_1371 : vector<16xf32>
      %parallel_loop3A_1373 = arith.addf %parallel_loop3A_1372, %mul3A_827 : vector<16xf32>
      %parallel_loop3A_1374 = arith.mulf %parallel_loop3A_1338, %parallel_loop3A_1343 : vector<16xf32>
      %parallel_loop3A_1375 = arith.mulf %parallel_loop3A_1348, %parallel_loop3A_1353 : vector<16xf32>
      %parallel_loop3A_1376 = arith.mulf %parallel_loop3A_1358, %parallel_loop3A_1363 : vector<16xf32>
      %parallel_loop3A_1377 = arith.mulf %parallel_loop3A_1368, %parallel_loop3A_1373 : vector<16xf32>
      %parallel_loop3A_1378 = arith.mulf %parallel_loop3A_1374, %parallel_loop3A_1375 : vector<16xf32>
      %parallel_loop3A_1379 = arith.mulf %parallel_loop3A_1376, %parallel_loop3A_1377 : vector<16xf32>
      %parallel_loop3A_1380 = arith.mulf %parallel_loop3A_1378, %parallel_loop3A_1379 : vector<16xf32>
      %parallel_loop3A_1381 = vector.broadcast %reduce_sum3A_675 : f32 to vector<16xf32>
      %parallel_loop3A_1382 = arith.mulf %parallel_loop3A_1381, %parallel_loop3A_1380 : vector<16xf32>
      %parallel_loop3A_1383 = arith.constant 16 : i32
      %parallel_loop3A_1384 = arith.muli %parallel_loop3A_1329, %parallel_loop3A_1383 : i32
      %parallel_loop3A_1385 = arith.index_cast %parallel_loop3A_1384 : i32 to index
      %parallel_loop3A_1386 = tpu.vector_load %arg7[%parallel_loop3A_1385] {strides = array<i32>} : memref<512xf32, #tpu.memory_space<vmem>>, vector<16xf32>,
      tpu.vector_store %arg7[%parallel_loop3A_1385], %parallel_loop3A_1382 {add = true, strides = array<i32>} : memref<512xf32, #tpu.memory_space<vmem>>, vector<16xf32>,
    } {sc.loop_unroll_factor = 4 : i64, sc.parallel_access}
    %eq3A_831 = arith.constant 5 : i32
    %eq3A_832 = vector.broadcast %eq3A_831 : i32 to vector<16xi32>
    %eq3A_833 = arith.cmpi eq, %iota3A, %eq3A_832 : vector<16xi32>
    %jit3A_834 = arith.constant 0.000000e+00 : f32
    %broadcast_in_dim3A_835 = vector.broadcast %jit3A_834 : f32 to vector<16xf32>
    %select_n3A_836 = arith.select %eq3A_833, %div3A_9, %broadcast_in_dim3A_835 : vector<16xi1>, vector<16xf32>
    %reduce_sum3A_837 = arith.constant true
    %reduce_sum3A_838 = vector.broadcast %reduce_sum3A_837 : i1 to vector<16xi1>
    %reduce_sum3A_839 = tpu.scan <sum>, %select_n3A_836 masked %reduce_sum3A_838 : vector<16xf32>, vector<16xi1> -> vector<16xf32>
    %reduce_sum3A_840 = vector.extract %reduce_sum3A_839[15] : f32 from vector<16xf32>
    %broadcast_in_dim3A_841 = arith.constant 88 : i32
    %broadcast_in_dim3A_842 = vector.broadcast %broadcast_in_dim3A_841 : i32 to vector<16xi32>
    %gather3A_843 = tpu.vector_load_idx %arg6[%broadcast_in_dim3A_842] : memref<136xf32, #tpu.memory_space<vmem>>[vector<16xi32>], vector<16xf32>,
    %broadcast_in_dim3A_844 = arith.constant 89 : i32
    %broadcast_in_dim3A_845 = vector.broadcast %broadcast_in_dim3A_844 : i32 to vector<16xi32>
    %gather3A_846 = tpu.vector_load_idx %arg6[%broadcast_in_dim3A_845] : memref<136xf32, #tpu.memory_space<vmem>>[vector<16xi32>], vector<16xf32>,
    %sub3A_847 = arith.subf %gather3A_846, %gather3A_843 : vector<16xf32>
    %exp3A_848 = math.exp %sub3A_847 : vector<16xf32>
    %add3A_849 = arith.constant 1.000000e+00 : f32
    %add3A_850 = vector.broadcast %add3A_849 : f32 to vector<16xf32>
    %add3A_851 = arith.addf %add3A_850, %exp3A_848 : vector<16xf32>
    %div3A_852 = arith.constant 1.000000e+00 : f32
    %div3A_853 = vector.broadcast %div3A_852 : f32 to vector<16xf32>
    %div3A_854 = arith.divf %div3A_853, %add3A_851 : vector<16xf32>
    %sub3A_855 = arith.constant 1.000000e+00 : f32
    %sub3A_856 = vector.broadcast %sub3A_855 : f32 to vector<16xf32>
    %sub3A_857 = arith.subf %sub3A_856, %exp3A_848 : vector<16xf32>
    %mul3A_858 = arith.mulf %div3A_854, %sub3A_857 : vector<16xf32>
    %mul3A_859 = arith.mulf %div3A_854, %exp3A_848 : vector<16xf32>
    %broadcast_in_dim3A_860 = arith.constant 90 : i32
    %broadcast_in_dim3A_861 = vector.broadcast %broadcast_in_dim3A_860 : i32 to vector<16xi32>
    %gather3A_862 = tpu.vector_load_idx %arg6[%broadcast_in_dim3A_861] : memref<136xf32, #tpu.memory_space<vmem>>[vector<16xi32>], vector<16xf32>,
    %broadcast_in_dim3A_863 = arith.constant 91 : i32
    %broadcast_in_dim3A_864 = vector.broadcast %broadcast_in_dim3A_863 : i32 to vector<16xi32>
    %gather3A_865 = tpu.vector_load_idx %arg6[%broadcast_in_dim3A_864] : memref<136xf32, #tpu.memory_space<vmem>>[vector<16xi32>], vector<16xf32>,
    %sub3A_866 = arith.subf %gather3A_865, %gather3A_862 : vector<16xf32>
    %exp3A_867 = math.exp %sub3A_866 : vector<16xf32>
    %add3A_868 = arith.constant 1.000000e+00 : f32
    %add3A_869 = vector.broadcast %add3A_868 : f32 to vector<16xf32>
    %add3A_870 = arith.addf %add3A_869, %exp3A_867 : vector<16xf32>
    %div3A_871 = arith.constant 1.000000e+00 : f32
    %div3A_872 = vector.broadcast %div3A_871 : f32 to vector<16xf32>
    %div3A_873 = arith.divf %div3A_872, %add3A_870 : vector<16xf32>
    %sub3A_874 = arith.constant 1.000000e+00 : f32
    %sub3A_875 = vector.broadcast %sub3A_874 : f32 to vector<16xf32>
    %sub3A_876 = arith.subf %sub3A_875, %exp3A_867 : vector<16xf32>
    %mul3A_877 = arith.mulf %div3A_873, %sub3A_876 : vector<16xf32>
    %mul3A_878 = arith.mulf %div3A_873, %exp3A_867 : vector<16xf32>
    %broadcast_in_dim3A_879 = arith.constant 92 : i32
    %broadcast_in_dim3A_880 = vector.broadcast %broadcast_in_dim3A_879 : i32 to vector<16xi32>
    %gather3A_881 = tpu.vector_load_idx %arg6[%broadcast_in_dim3A_880] : memref<136xf32, #tpu.memory_space<vmem>>[vector<16xi32>], vector<16xf32>,
    %broadcast_in_dim3A_882 = arith.constant 93 : i32
    %broadcast_in_dim3A_883 = vector.broadcast %broadcast_in_dim3A_882 : i32 to vector<16xi32>
    %gather3A_884 = tpu.vector_load_idx %arg6[%broadcast_in_dim3A_883] : memref<136xf32, #tpu.memory_space<vmem>>[vector<16xi32>], vector<16xf32>,
    %sub3A_885 = arith.subf %gather3A_884, %gather3A_881 : vector<16xf32>
    %exp3A_886 = math.exp %sub3A_885 : vector<16xf32>
    %add3A_887 = arith.constant 1.000000e+00 : f32
    %add3A_888 = vector.broadcast %add3A_887 : f32 to vector<16xf32>
    %add3A_889 = arith.addf %add3A_888, %exp3A_886 : vector<16xf32>
    %div3A_890 = arith.constant 1.000000e+00 : f32
    %div3A_891 = vector.broadcast %div3A_890 : f32 to vector<16xf32>
    %div3A_892 = arith.divf %div3A_891, %add3A_889 : vector<16xf32>
    %sub3A_893 = arith.constant 1.000000e+00 : f32
    %sub3A_894 = vector.broadcast %sub3A_893 : f32 to vector<16xf32>
    %sub3A_895 = arith.subf %sub3A_894, %exp3A_886 : vector<16xf32>
    %mul3A_896 = arith.mulf %div3A_892, %sub3A_895 : vector<16xf32>
    %mul3A_897 = arith.mulf %div3A_892, %exp3A_886 : vector<16xf32>
    %broadcast_in_dim3A_898 = arith.constant 94 : i32
    %broadcast_in_dim3A_899 = vector.broadcast %broadcast_in_dim3A_898 : i32 to vector<16xi32>
    %gather3A_900 = tpu.vector_load_idx %arg6[%broadcast_in_dim3A_899] : memref<136xf32, #tpu.memory_space<vmem>>[vector<16xi32>], vector<16xf32>,
    %broadcast_in_dim3A_901 = arith.constant 95 : i32
    %broadcast_in_dim3A_902 = vector.broadcast %broadcast_in_dim3A_901 : i32 to vector<16xi32>
    %gather3A_903 = tpu.vector_load_idx %arg6[%broadcast_in_dim3A_902] : memref<136xf32, #tpu.memory_space<vmem>>[vector<16xi32>], vector<16xf32>,
    %sub3A_904 = arith.subf %gather3A_903, %gather3A_900 : vector<16xf32>
    %exp3A_905 = math.exp %sub3A_904 : vector<16xf32>
    %add3A_906 = arith.constant 1.000000e+00 : f32
    %add3A_907 = vector.broadcast %add3A_906 : f32 to vector<16xf32>
    %add3A_908 = arith.addf %add3A_907, %exp3A_905 : vector<16xf32>
    %div3A_909 = arith.constant 1.000000e+00 : f32
    %div3A_910 = vector.broadcast %div3A_909 : f32 to vector<16xf32>
    %div3A_911 = arith.divf %div3A_910, %add3A_908 : vector<16xf32>
    %sub3A_912 = arith.constant 1.000000e+00 : f32
    %sub3A_913 = vector.broadcast %sub3A_912 : f32 to vector<16xf32>
    %sub3A_914 = arith.subf %sub3A_913, %exp3A_905 : vector<16xf32>
    %mul3A_915 = arith.mulf %div3A_911, %sub3A_914 : vector<16xf32>
    %mul3A_916 = arith.mulf %div3A_911, %exp3A_905 : vector<16xf32>
    %broadcast_in_dim3A_917 = arith.constant 96 : i32
    %broadcast_in_dim3A_918 = vector.broadcast %broadcast_in_dim3A_917 : i32 to vector<16xi32>
    %gather3A_919 = tpu.vector_load_idx %arg6[%broadcast_in_dim3A_918] : memref<136xf32, #tpu.memory_space<vmem>>[vector<16xi32>], vector<16xf32>,
    %broadcast_in_dim3A_920 = arith.constant 97 : i32
    %broadcast_in_dim3A_921 = vector.broadcast %broadcast_in_dim3A_920 : i32 to vector<16xi32>
    %gather3A_922 = tpu.vector_load_idx %arg6[%broadcast_in_dim3A_921] : memref<136xf32, #tpu.memory_space<vmem>>[vector<16xi32>], vector<16xf32>,
    %sub3A_923 = arith.subf %gather3A_922, %gather3A_919 : vector<16xf32>
    %exp3A_924 = math.exp %sub3A_923 : vector<16xf32>
    %add3A_925 = arith.constant 1.000000e+00 : f32
    %add3A_926 = vector.broadcast %add3A_925 : f32 to vector<16xf32>
    %add3A_927 = arith.addf %add3A_926, %exp3A_924 : vector<16xf32>
    %div3A_928 = arith.constant 1.000000e+00 : f32
    %div3A_929 = vector.broadcast %div3A_928 : f32 to vector<16xf32>
    %div3A_930 = arith.divf %div3A_929, %add3A_927 : vector<16xf32>
    %sub3A_931 = arith.constant 1.000000e+00 : f32
    %sub3A_932 = vector.broadcast %sub3A_931 : f32 to vector<16xf32>
    %sub3A_933 = arith.subf %sub3A_932, %exp3A_924 : vector<16xf32>
    %mul3A_934 = arith.mulf %div3A_930, %sub3A_933 : vector<16xf32>
    %mul3A_935 = arith.mulf %div3A_930, %exp3A_924 : vector<16xf32>
    %broadcast_in_dim3A_936 = arith.constant 98 : i32
    %broadcast_in_dim3A_937 = vector.broadcast %broadcast_in_dim3A_936 : i32 to vector<16xi32>
    %gather3A_938 = tpu.vector_load_idx %arg6[%broadcast_in_dim3A_937] : memref<136xf32, #tpu.memory_space<vmem>>[vector<16xi32>], vector<16xf32>,
    %broadcast_in_dim3A_939 = arith.constant 99 : i32
    %broadcast_in_dim3A_940 = vector.broadcast %broadcast_in_dim3A_939 : i32 to vector<16xi32>
    %gather3A_941 = tpu.vector_load_idx %arg6[%broadcast_in_dim3A_940] : memref<136xf32, #tpu.memory_space<vmem>>[vector<16xi32>], vector<16xf32>,
    %sub3A_942 = arith.subf %gather3A_941, %gather3A_938 : vector<16xf32>
    %exp3A_943 = math.exp %sub3A_942 : vector<16xf32>
    %add3A_944 = arith.constant 1.000000e+00 : f32
    %add3A_945 = vector.broadcast %add3A_944 : f32 to vector<16xf32>
    %add3A_946 = arith.addf %add3A_945, %exp3A_943 : vector<16xf32>
    %div3A_947 = arith.constant 1.000000e+00 : f32
    %div3A_948 = vector.broadcast %div3A_947 : f32 to vector<16xf32>
    %div3A_949 = arith.divf %div3A_948, %add3A_946 : vector<16xf32>
    %sub3A_950 = arith.constant 1.000000e+00 : f32
    %sub3A_951 = vector.broadcast %sub3A_950 : f32 to vector<16xf32>
    %sub3A_952 = arith.subf %sub3A_951, %exp3A_943 : vector<16xf32>
    %mul3A_953 = arith.mulf %div3A_949, %sub3A_952 : vector<16xf32>
    %mul3A_954 = arith.mulf %div3A_949, %exp3A_943 : vector<16xf32>
    %broadcast_in_dim3A_955 = arith.constant 100 : i32
    %broadcast_in_dim3A_956 = vector.broadcast %broadcast_in_dim3A_955 : i32 to vector<16xi32>
    %gather3A_957 = tpu.vector_load_idx %arg6[%broadcast_in_dim3A_956] : memref<136xf32, #tpu.memory_space<vmem>>[vector<16xi32>], vector<16xf32>,
    %broadcast_in_dim3A_958 = arith.constant 101 : i32
    %broadcast_in_dim3A_959 = vector.broadcast %broadcast_in_dim3A_958 : i32 to vector<16xi32>
    %gather3A_960 = tpu.vector_load_idx %arg6[%broadcast_in_dim3A_959] : memref<136xf32, #tpu.memory_space<vmem>>[vector<16xi32>], vector<16xf32>,
    %sub3A_961 = arith.subf %gather3A_960, %gather3A_957 : vector<16xf32>
    %exp3A_962 = math.exp %sub3A_961 : vector<16xf32>
    %add3A_963 = arith.constant 1.000000e+00 : f32
    %add3A_964 = vector.broadcast %add3A_963 : f32 to vector<16xf32>
    %add3A_965 = arith.addf %add3A_964, %exp3A_962 : vector<16xf32>
    %div3A_966 = arith.constant 1.000000e+00 : f32
    %div3A_967 = vector.broadcast %div3A_966 : f32 to vector<16xf32>
    %div3A_968 = arith.divf %div3A_967, %add3A_965 : vector<16xf32>
    %sub3A_969 = arith.constant 1.000000e+00 : f32
    %sub3A_970 = vector.broadcast %sub3A_969 : f32 to vector<16xf32>
    %sub3A_971 = arith.subf %sub3A_970, %exp3A_962 : vector<16xf32>
    %mul3A_972 = arith.mulf %div3A_968, %sub3A_971 : vector<16xf32>
    %mul3A_973 = arith.mulf %div3A_968, %exp3A_962 : vector<16xf32>
    %broadcast_in_dim3A_974 = arith.constant 102 : i32
    %broadcast_in_dim3A_975 = vector.broadcast %broadcast_in_dim3A_974 : i32 to vector<16xi32>
    %gather3A_976 = tpu.vector_load_idx %arg6[%broadcast_in_dim3A_975] : memref<136xf32, #tpu.memory_space<vmem>>[vector<16xi32>], vector<16xf32>,
    %broadcast_in_dim3A_977 = arith.constant 103 : i32
    %broadcast_in_dim3A_978 = vector.broadcast %broadcast_in_dim3A_977 : i32 to vector<16xi32>
    %gather3A_979 = tpu.vector_load_idx %arg6[%broadcast_in_dim3A_978] : memref<136xf32, #tpu.memory_space<vmem>>[vector<16xi32>], vector<16xf32>,
    %sub3A_980 = arith.subf %gather3A_979, %gather3A_976 : vector<16xf32>
    %exp3A_981 = math.exp %sub3A_980 : vector<16xf32>
    %add3A_982 = arith.constant 1.000000e+00 : f32
    %add3A_983 = vector.broadcast %add3A_982 : f32 to vector<16xf32>
    %add3A_984 = arith.addf %add3A_983, %exp3A_981 : vector<16xf32>
    %div3A_985 = arith.constant 1.000000e+00 : f32
    %div3A_986 = vector.broadcast %div3A_985 : f32 to vector<16xf32>
    %div3A_987 = arith.divf %div3A_986, %add3A_984 : vector<16xf32>
    %sub3A_988 = arith.constant 1.000000e+00 : f32
    %sub3A_989 = vector.broadcast %sub3A_988 : f32 to vector<16xf32>
    %sub3A_990 = arith.subf %sub3A_989, %exp3A_981 : vector<16xf32>
    %mul3A_991 = arith.mulf %div3A_987, %sub3A_990 : vector<16xf32>
    %mul3A_992 = arith.mulf %div3A_987, %exp3A_981 : vector<16xf32>
    %parallel_loop3A_993 = arith.constant 0 : i32
    %parallel_loop3A_994 = arith.constant 32 : i32
    %parallel_loop3A_995 = arith.constant 1 : i32
    scf.for %parallel_loop3A_1329 = %parallel_loop3A_993 to %parallel_loop3A_994 step %parallel_loop3A_995  : i32 {
      %parallel_loop3A_1330 = arith.constant 16 : i32
      %parallel_loop3A_1331 = arith.muli %parallel_loop3A_1329, %parallel_loop3A_1330 : i32
      %parallel_loop3A_1332 = vector.broadcast %parallel_loop3A_1331 : i32 to vector<16xi32>
      %parallel_loop3A_1333 = arith.addi %iota3A, %parallel_loop3A_1332 : vector<16xi32>
      %parallel_loop3A_1334 = arith.constant 40 : i32
      %parallel_loop3A_1335 = vector.broadcast %parallel_loop3A_1334 : i32 to vector<16xi32>
      %parallel_loop3A_1336 = tpu.vector_load_idx %arg5[%parallel_loop3A_1333, %parallel_loop3A_1335] : memref<512x65xf32, #tpu.memory_space<vmem>>[vector<16xi32>, vector<16xi32>], vector<16xf32>,
      %parallel_loop3A_1337 = arith.mulf %mul3A_858, %parallel_loop3A_1336 : vector<16xf32>
      %parallel_loop3A_1338 = arith.addf %parallel_loop3A_1337, %mul3A_859 : vector<16xf32>
      %parallel_loop3A_1339 = arith.constant 41 : i32
      %parallel_loop3A_1340 = vector.broadcast %parallel_loop3A_1339 : i32 to vector<16xi32>
      %parallel_loop3A_1341 = tpu.vector_load_idx %arg5[%parallel_loop3A_1333, %parallel_loop3A_1340] : memref<512x65xf32, #tpu.memory_space<vmem>>[vector<16xi32>, vector<16xi32>], vector<16xf32>,
      %parallel_loop3A_1342 = arith.mulf %mul3A_877, %parallel_loop3A_1341 : vector<16xf32>
      %parallel_loop3A_1343 = arith.addf %parallel_loop3A_1342, %mul3A_878 : vector<16xf32>
      %parallel_loop3A_1344 = arith.constant 42 : i32
      %parallel_loop3A_1345 = vector.broadcast %parallel_loop3A_1344 : i32 to vector<16xi32>
      %parallel_loop3A_1346 = tpu.vector_load_idx %arg5[%parallel_loop3A_1333, %parallel_loop3A_1345] : memref<512x65xf32, #tpu.memory_space<vmem>>[vector<16xi32>, vector<16xi32>], vector<16xf32>,
      %parallel_loop3A_1347 = arith.mulf %mul3A_896, %parallel_loop3A_1346 : vector<16xf32>
      %parallel_loop3A_1348 = arith.addf %parallel_loop3A_1347, %mul3A_897 : vector<16xf32>
      %parallel_loop3A_1349 = arith.constant 43 : i32
      %parallel_loop3A_1350 = vector.broadcast %parallel_loop3A_1349 : i32 to vector<16xi32>
      %parallel_loop3A_1351 = tpu.vector_load_idx %arg5[%parallel_loop3A_1333, %parallel_loop3A_1350] : memref<512x65xf32, #tpu.memory_space<vmem>>[vector<16xi32>, vector<16xi32>], vector<16xf32>,
      %parallel_loop3A_1352 = arith.mulf %mul3A_915, %parallel_loop3A_1351 : vector<16xf32>
      %parallel_loop3A_1353 = arith.addf %parallel_loop3A_1352, %mul3A_916 : vector<16xf32>
      %parallel_loop3A_1354 = arith.constant 44 : i32
      %parallel_loop3A_1355 = vector.broadcast %parallel_loop3A_1354 : i32 to vector<16xi32>
      %parallel_loop3A_1356 = tpu.vector_load_idx %arg5[%parallel_loop3A_1333, %parallel_loop3A_1355] : memref<512x65xf32, #tpu.memory_space<vmem>>[vector<16xi32>, vector<16xi32>], vector<16xf32>,
      %parallel_loop3A_1357 = arith.mulf %mul3A_934, %parallel_loop3A_1356 : vector<16xf32>
      %parallel_loop3A_1358 = arith.addf %parallel_loop3A_1357, %mul3A_935 : vector<16xf32>
      %parallel_loop3A_1359 = arith.constant 45 : i32
      %parallel_loop3A_1360 = vector.broadcast %parallel_loop3A_1359 : i32 to vector<16xi32>
      %parallel_loop3A_1361 = tpu.vector_load_idx %arg5[%parallel_loop3A_1333, %parallel_loop3A_1360] : memref<512x65xf32, #tpu.memory_space<vmem>>[vector<16xi32>, vector<16xi32>], vector<16xf32>,
      %parallel_loop3A_1362 = arith.mulf %mul3A_953, %parallel_loop3A_1361 : vector<16xf32>
      %parallel_loop3A_1363 = arith.addf %parallel_loop3A_1362, %mul3A_954 : vector<16xf32>
      %parallel_loop3A_1364 = arith.constant 46 : i32
      %parallel_loop3A_1365 = vector.broadcast %parallel_loop3A_1364 : i32 to vector<16xi32>
      %parallel_loop3A_1366 = tpu.vector_load_idx %arg5[%parallel_loop3A_1333, %parallel_loop3A_1365] : memref<512x65xf32, #tpu.memory_space<vmem>>[vector<16xi32>, vector<16xi32>], vector<16xf32>,
      %parallel_loop3A_1367 = arith.mulf %mul3A_972, %parallel_loop3A_1366 : vector<16xf32>
      %parallel_loop3A_1368 = arith.addf %parallel_loop3A_1367, %mul3A_973 : vector<16xf32>
      %parallel_loop3A_1369 = arith.constant 47 : i32
      %parallel_loop3A_1370 = vector.broadcast %parallel_loop3A_1369 : i32 to vector<16xi32>
      %parallel_loop3A_1371 = tpu.vector_load_idx %arg5[%parallel_loop3A_1333, %parallel_loop3A_1370] : memref<512x65xf32, #tpu.memory_space<vmem>>[vector<16xi32>, vector<16xi32>], vector<16xf32>,
      %parallel_loop3A_1372 = arith.mulf %mul3A_991, %parallel_loop3A_1371 : vector<16xf32>
      %parallel_loop3A_1373 = arith.addf %parallel_loop3A_1372, %mul3A_992 : vector<16xf32>
      %parallel_loop3A_1374 = arith.mulf %parallel_loop3A_1338, %parallel_loop3A_1343 : vector<16xf32>
      %parallel_loop3A_1375 = arith.mulf %parallel_loop3A_1348, %parallel_loop3A_1353 : vector<16xf32>
      %parallel_loop3A_1376 = arith.mulf %parallel_loop3A_1358, %parallel_loop3A_1363 : vector<16xf32>
      %parallel_loop3A_1377 = arith.mulf %parallel_loop3A_1368, %parallel_loop3A_1373 : vector<16xf32>
      %parallel_loop3A_1378 = arith.mulf %parallel_loop3A_1374, %parallel_loop3A_1375 : vector<16xf32>
      %parallel_loop3A_1379 = arith.mulf %parallel_loop3A_1376, %parallel_loop3A_1377 : vector<16xf32>
      %parallel_loop3A_1380 = arith.mulf %parallel_loop3A_1378, %parallel_loop3A_1379 : vector<16xf32>
      %parallel_loop3A_1381 = vector.broadcast %reduce_sum3A_840 : f32 to vector<16xf32>
      %parallel_loop3A_1382 = arith.mulf %parallel_loop3A_1381, %parallel_loop3A_1380 : vector<16xf32>
      %parallel_loop3A_1383 = arith.constant 16 : i32
      %parallel_loop3A_1384 = arith.muli %parallel_loop3A_1329, %parallel_loop3A_1383 : i32
      %parallel_loop3A_1385 = arith.index_cast %parallel_loop3A_1384 : i32 to index
      %parallel_loop3A_1386 = tpu.vector_load %arg7[%parallel_loop3A_1385] {strides = array<i32>} : memref<512xf32, #tpu.memory_space<vmem>>, vector<16xf32>,
      tpu.vector_store %arg7[%parallel_loop3A_1385], %parallel_loop3A_1382 {add = true, strides = array<i32>} : memref<512xf32, #tpu.memory_space<vmem>>, vector<16xf32>,
    } {sc.loop_unroll_factor = 4 : i64, sc.parallel_access}
    %eq3A_996 = arith.constant 6 : i32
    %eq3A_997 = vector.broadcast %eq3A_996 : i32 to vector<16xi32>
    %eq3A_998 = arith.cmpi eq, %iota3A, %eq3A_997 : vector<16xi32>
    %jit3A_999 = arith.constant 0.000000e+00 : f32
    %broadcast_in_dim3A_1000 = vector.broadcast %jit3A_999 : f32 to vector<16xf32>
    %select_n3A_1001 = arith.select %eq3A_998, %div3A_9, %broadcast_in_dim3A_1000 : vector<16xi1>, vector<16xf32>
    %reduce_sum3A_1002 = arith.constant true
    %reduce_sum3A_1003 = vector.broadcast %reduce_sum3A_1002 : i1 to vector<16xi1>
    %reduce_sum3A_1004 = tpu.scan <sum>, %select_n3A_1001 masked %reduce_sum3A_1003 : vector<16xf32>, vector<16xi1> -> vector<16xf32>
    %reduce_sum3A_1005 = vector.extract %reduce_sum3A_1004[15] : f32 from vector<16xf32>
    %broadcast_in_dim3A_1006 = arith.constant 104 : i32
    %broadcast_in_dim3A_1007 = vector.broadcast %broadcast_in_dim3A_1006 : i32 to vector<16xi32>
    %gather3A_1008 = tpu.vector_load_idx %arg6[%broadcast_in_dim3A_1007] : memref<136xf32, #tpu.memory_space<vmem>>[vector<16xi32>], vector<16xf32>,
    %broadcast_in_dim3A_1009 = arith.constant 105 : i32
    %broadcast_in_dim3A_1010 = vector.broadcast %broadcast_in_dim3A_1009 : i32 to vector<16xi32>
    %gather3A_1011 = tpu.vector_load_idx %arg6[%broadcast_in_dim3A_1010] : memref<136xf32, #tpu.memory_space<vmem>>[vector<16xi32>], vector<16xf32>,
    %sub3A_1012 = arith.subf %gather3A_1011, %gather3A_1008 : vector<16xf32>
    %exp3A_1013 = math.exp %sub3A_1012 : vector<16xf32>
    %add3A_1014 = arith.constant 1.000000e+00 : f32
    %add3A_1015 = vector.broadcast %add3A_1014 : f32 to vector<16xf32>
    %add3A_1016 = arith.addf %add3A_1015, %exp3A_1013 : vector<16xf32>
    %div3A_1017 = arith.constant 1.000000e+00 : f32
    %div3A_1018 = vector.broadcast %div3A_1017 : f32 to vector<16xf32>
    %div3A_1019 = arith.divf %div3A_1018, %add3A_1016 : vector<16xf32>
    %sub3A_1020 = arith.constant 1.000000e+00 : f32
    %sub3A_1021 = vector.broadcast %sub3A_1020 : f32 to vector<16xf32>
    %sub3A_1022 = arith.subf %sub3A_1021, %exp3A_1013 : vector<16xf32>
    %mul3A_1023 = arith.mulf %div3A_1019, %sub3A_1022 : vector<16xf32>
    %mul3A_1024 = arith.mulf %div3A_1019, %exp3A_1013 : vector<16xf32>
    %broadcast_in_dim3A_1025 = arith.constant 106 : i32
    %broadcast_in_dim3A_1026 = vector.broadcast %broadcast_in_dim3A_1025 : i32 to vector<16xi32>
    %gather3A_1027 = tpu.vector_load_idx %arg6[%broadcast_in_dim3A_1026] : memref<136xf32, #tpu.memory_space<vmem>>[vector<16xi32>], vector<16xf32>,
    %broadcast_in_dim3A_1028 = arith.constant 107 : i32
    %broadcast_in_dim3A_1029 = vector.broadcast %broadcast_in_dim3A_1028 : i32 to vector<16xi32>
    %gather3A_1030 = tpu.vector_load_idx %arg6[%broadcast_in_dim3A_1029] : memref<136xf32, #tpu.memory_space<vmem>>[vector<16xi32>], vector<16xf32>,
    %sub3A_1031 = arith.subf %gather3A_1030, %gather3A_1027 : vector<16xf32>
    %exp3A_1032 = math.exp %sub3A_1031 : vector<16xf32>
    %add3A_1033 = arith.constant 1.000000e+00 : f32
    %add3A_1034 = vector.broadcast %add3A_1033 : f32 to vector<16xf32>
    %add3A_1035 = arith.addf %add3A_1034, %exp3A_1032 : vector<16xf32>
    %div3A_1036 = arith.constant 1.000000e+00 : f32
    %div3A_1037 = vector.broadcast %div3A_1036 : f32 to vector<16xf32>
    %div3A_1038 = arith.divf %div3A_1037, %add3A_1035 : vector<16xf32>
    %sub3A_1039 = arith.constant 1.000000e+00 : f32
    %sub3A_1040 = vector.broadcast %sub3A_1039 : f32 to vector<16xf32>
    %sub3A_1041 = arith.subf %sub3A_1040, %exp3A_1032 : vector<16xf32>
    %mul3A_1042 = arith.mulf %div3A_1038, %sub3A_1041 : vector<16xf32>
    %mul3A_1043 = arith.mulf %div3A_1038, %exp3A_1032 : vector<16xf32>
    %broadcast_in_dim3A_1044 = arith.constant 108 : i32
    %broadcast_in_dim3A_1045 = vector.broadcast %broadcast_in_dim3A_1044 : i32 to vector<16xi32>
    %gather3A_1046 = tpu.vector_load_idx %arg6[%broadcast_in_dim3A_1045] : memref<136xf32, #tpu.memory_space<vmem>>[vector<16xi32>], vector<16xf32>,
    %broadcast_in_dim3A_1047 = arith.constant 109 : i32
    %broadcast_in_dim3A_1048 = vector.broadcast %broadcast_in_dim3A_1047 : i32 to vector<16xi32>
    %gather3A_1049 = tpu.vector_load_idx %arg6[%broadcast_in_dim3A_1048] : memref<136xf32, #tpu.memory_space<vmem>>[vector<16xi32>], vector<16xf32>,
    %sub3A_1050 = arith.subf %gather3A_1049, %gather3A_1046 : vector<16xf32>
    %exp3A_1051 = math.exp %sub3A_1050 : vector<16xf32>
    %add3A_1052 = arith.constant 1.000000e+00 : f32
    %add3A_1053 = vector.broadcast %add3A_1052 : f32 to vector<16xf32>
    %add3A_1054 = arith.addf %add3A_1053, %exp3A_1051 : vector<16xf32>
    %div3A_1055 = arith.constant 1.000000e+00 : f32
    %div3A_1056 = vector.broadcast %div3A_1055 : f32 to vector<16xf32>
    %div3A_1057 = arith.divf %div3A_1056, %add3A_1054 : vector<16xf32>
    %sub3A_1058 = arith.constant 1.000000e+00 : f32
    %sub3A_1059 = vector.broadcast %sub3A_1058 : f32 to vector<16xf32>
    %sub3A_1060 = arith.subf %sub3A_1059, %exp3A_1051 : vector<16xf32>
    %mul3A_1061 = arith.mulf %div3A_1057, %sub3A_1060 : vector<16xf32>
    %mul3A_1062 = arith.mulf %div3A_1057, %exp3A_1051 : vector<16xf32>
    %broadcast_in_dim3A_1063 = arith.constant 110 : i32
    %broadcast_in_dim3A_1064 = vector.broadcast %broadcast_in_dim3A_1063 : i32 to vector<16xi32>
    %gather3A_1065 = tpu.vector_load_idx %arg6[%broadcast_in_dim3A_1064] : memref<136xf32, #tpu.memory_space<vmem>>[vector<16xi32>], vector<16xf32>,
    %broadcast_in_dim3A_1066 = arith.constant 111 : i32
    %broadcast_in_dim3A_1067 = vector.broadcast %broadcast_in_dim3A_1066 : i32 to vector<16xi32>
    %gather3A_1068 = tpu.vector_load_idx %arg6[%broadcast_in_dim3A_1067] : memref<136xf32, #tpu.memory_space<vmem>>[vector<16xi32>], vector<16xf32>,
    %sub3A_1069 = arith.subf %gather3A_1068, %gather3A_1065 : vector<16xf32>
    %exp3A_1070 = math.exp %sub3A_1069 : vector<16xf32>
    %add3A_1071 = arith.constant 1.000000e+00 : f32
    %add3A_1072 = vector.broadcast %add3A_1071 : f32 to vector<16xf32>
    %add3A_1073 = arith.addf %add3A_1072, %exp3A_1070 : vector<16xf32>
    %div3A_1074 = arith.constant 1.000000e+00 : f32
    %div3A_1075 = vector.broadcast %div3A_1074 : f32 to vector<16xf32>
    %div3A_1076 = arith.divf %div3A_1075, %add3A_1073 : vector<16xf32>
    %sub3A_1077 = arith.constant 1.000000e+00 : f32
    %sub3A_1078 = vector.broadcast %sub3A_1077 : f32 to vector<16xf32>
    %sub3A_1079 = arith.subf %sub3A_1078, %exp3A_1070 : vector<16xf32>
    %mul3A_1080 = arith.mulf %div3A_1076, %sub3A_1079 : vector<16xf32>
    %mul3A_1081 = arith.mulf %div3A_1076, %exp3A_1070 : vector<16xf32>
    %broadcast_in_dim3A_1082 = arith.constant 112 : i32
    %broadcast_in_dim3A_1083 = vector.broadcast %broadcast_in_dim3A_1082 : i32 to vector<16xi32>
    %gather3A_1084 = tpu.vector_load_idx %arg6[%broadcast_in_dim3A_1083] : memref<136xf32, #tpu.memory_space<vmem>>[vector<16xi32>], vector<16xf32>,
    %broadcast_in_dim3A_1085 = arith.constant 113 : i32
    %broadcast_in_dim3A_1086 = vector.broadcast %broadcast_in_dim3A_1085 : i32 to vector<16xi32>
    %gather3A_1087 = tpu.vector_load_idx %arg6[%broadcast_in_dim3A_1086] : memref<136xf32, #tpu.memory_space<vmem>>[vector<16xi32>], vector<16xf32>,
    %sub3A_1088 = arith.subf %gather3A_1087, %gather3A_1084 : vector<16xf32>
    %exp3A_1089 = math.exp %sub3A_1088 : vector<16xf32>
    %add3A_1090 = arith.constant 1.000000e+00 : f32
    %add3A_1091 = vector.broadcast %add3A_1090 : f32 to vector<16xf32>
    %add3A_1092 = arith.addf %add3A_1091, %exp3A_1089 : vector<16xf32>
    %div3A_1093 = arith.constant 1.000000e+00 : f32
    %div3A_1094 = vector.broadcast %div3A_1093 : f32 to vector<16xf32>
    %div3A_1095 = arith.divf %div3A_1094, %add3A_1092 : vector<16xf32>
    %sub3A_1096 = arith.constant 1.000000e+00 : f32
    %sub3A_1097 = vector.broadcast %sub3A_1096 : f32 to vector<16xf32>
    %sub3A_1098 = arith.subf %sub3A_1097, %exp3A_1089 : vector<16xf32>
    %mul3A_1099 = arith.mulf %div3A_1095, %sub3A_1098 : vector<16xf32>
    %mul3A_1100 = arith.mulf %div3A_1095, %exp3A_1089 : vector<16xf32>
    %broadcast_in_dim3A_1101 = arith.constant 114 : i32
    %broadcast_in_dim3A_1102 = vector.broadcast %broadcast_in_dim3A_1101 : i32 to vector<16xi32>
    %gather3A_1103 = tpu.vector_load_idx %arg6[%broadcast_in_dim3A_1102] : memref<136xf32, #tpu.memory_space<vmem>>[vector<16xi32>], vector<16xf32>,
    %broadcast_in_dim3A_1104 = arith.constant 115 : i32
    %broadcast_in_dim3A_1105 = vector.broadcast %broadcast_in_dim3A_1104 : i32 to vector<16xi32>
    %gather3A_1106 = tpu.vector_load_idx %arg6[%broadcast_in_dim3A_1105] : memref<136xf32, #tpu.memory_space<vmem>>[vector<16xi32>], vector<16xf32>,
    %sub3A_1107 = arith.subf %gather3A_1106, %gather3A_1103 : vector<16xf32>
    %exp3A_1108 = math.exp %sub3A_1107 : vector<16xf32>
    %add3A_1109 = arith.constant 1.000000e+00 : f32
    %add3A_1110 = vector.broadcast %add3A_1109 : f32 to vector<16xf32>
    %add3A_1111 = arith.addf %add3A_1110, %exp3A_1108 : vector<16xf32>
    %div3A_1112 = arith.constant 1.000000e+00 : f32
    %div3A_1113 = vector.broadcast %div3A_1112 : f32 to vector<16xf32>
    %div3A_1114 = arith.divf %div3A_1113, %add3A_1111 : vector<16xf32>
    %sub3A_1115 = arith.constant 1.000000e+00 : f32
    %sub3A_1116 = vector.broadcast %sub3A_1115 : f32 to vector<16xf32>
    %sub3A_1117 = arith.subf %sub3A_1116, %exp3A_1108 : vector<16xf32>
    %mul3A_1118 = arith.mulf %div3A_1114, %sub3A_1117 : vector<16xf32>
    %mul3A_1119 = arith.mulf %div3A_1114, %exp3A_1108 : vector<16xf32>
    %broadcast_in_dim3A_1120 = arith.constant 116 : i32
    %broadcast_in_dim3A_1121 = vector.broadcast %broadcast_in_dim3A_1120 : i32 to vector<16xi32>
    %gather3A_1122 = tpu.vector_load_idx %arg6[%broadcast_in_dim3A_1121] : memref<136xf32, #tpu.memory_space<vmem>>[vector<16xi32>], vector<16xf32>,
    %broadcast_in_dim3A_1123 = arith.constant 117 : i32
    %broadcast_in_dim3A_1124 = vector.broadcast %broadcast_in_dim3A_1123 : i32 to vector<16xi32>
    %gather3A_1125 = tpu.vector_load_idx %arg6[%broadcast_in_dim3A_1124] : memref<136xf32, #tpu.memory_space<vmem>>[vector<16xi32>], vector<16xf32>,
    %sub3A_1126 = arith.subf %gather3A_1125, %gather3A_1122 : vector<16xf32>
    %exp3A_1127 = math.exp %sub3A_1126 : vector<16xf32>
    %add3A_1128 = arith.constant 1.000000e+00 : f32
    %add3A_1129 = vector.broadcast %add3A_1128 : f32 to vector<16xf32>
    %add3A_1130 = arith.addf %add3A_1129, %exp3A_1127 : vector<16xf32>
    %div3A_1131 = arith.constant 1.000000e+00 : f32
    %div3A_1132 = vector.broadcast %div3A_1131 : f32 to vector<16xf32>
    %div3A_1133 = arith.divf %div3A_1132, %add3A_1130 : vector<16xf32>
    %sub3A_1134 = arith.constant 1.000000e+00 : f32
    %sub3A_1135 = vector.broadcast %sub3A_1134 : f32 to vector<16xf32>
    %sub3A_1136 = arith.subf %sub3A_1135, %exp3A_1127 : vector<16xf32>
    %mul3A_1137 = arith.mulf %div3A_1133, %sub3A_1136 : vector<16xf32>
    %mul3A_1138 = arith.mulf %div3A_1133, %exp3A_1127 : vector<16xf32>
    %broadcast_in_dim3A_1139 = arith.constant 118 : i32
    %broadcast_in_dim3A_1140 = vector.broadcast %broadcast_in_dim3A_1139 : i32 to vector<16xi32>
    %gather3A_1141 = tpu.vector_load_idx %arg6[%broadcast_in_dim3A_1140] : memref<136xf32, #tpu.memory_space<vmem>>[vector<16xi32>], vector<16xf32>,
    %broadcast_in_dim3A_1142 = arith.constant 119 : i32
    %broadcast_in_dim3A_1143 = vector.broadcast %broadcast_in_dim3A_1142 : i32 to vector<16xi32>
    %gather3A_1144 = tpu.vector_load_idx %arg6[%broadcast_in_dim3A_1143] : memref<136xf32, #tpu.memory_space<vmem>>[vector<16xi32>], vector<16xf32>,
    %sub3A_1145 = arith.subf %gather3A_1144, %gather3A_1141 : vector<16xf32>
    %exp3A_1146 = math.exp %sub3A_1145 : vector<16xf32>
    %add3A_1147 = arith.constant 1.000000e+00 : f32
    %add3A_1148 = vector.broadcast %add3A_1147 : f32 to vector<16xf32>
    %add3A_1149 = arith.addf %add3A_1148, %exp3A_1146 : vector<16xf32>
    %div3A_1150 = arith.constant 1.000000e+00 : f32
    %div3A_1151 = vector.broadcast %div3A_1150 : f32 to vector<16xf32>
    %div3A_1152 = arith.divf %div3A_1151, %add3A_1149 : vector<16xf32>
    %sub3A_1153 = arith.constant 1.000000e+00 : f32
    %sub3A_1154 = vector.broadcast %sub3A_1153 : f32 to vector<16xf32>
    %sub3A_1155 = arith.subf %sub3A_1154, %exp3A_1146 : vector<16xf32>
    %mul3A_1156 = arith.mulf %div3A_1152, %sub3A_1155 : vector<16xf32>
    %mul3A_1157 = arith.mulf %div3A_1152, %exp3A_1146 : vector<16xf32>
    %parallel_loop3A_1158 = arith.constant 0 : i32
    %parallel_loop3A_1159 = arith.constant 32 : i32
    %parallel_loop3A_1160 = arith.constant 1 : i32
    scf.for %parallel_loop3A_1329 = %parallel_loop3A_1158 to %parallel_loop3A_1159 step %parallel_loop3A_1160  : i32 {
      %parallel_loop3A_1330 = arith.constant 16 : i32
      %parallel_loop3A_1331 = arith.muli %parallel_loop3A_1329, %parallel_loop3A_1330 : i32
      %parallel_loop3A_1332 = vector.broadcast %parallel_loop3A_1331 : i32 to vector<16xi32>
      %parallel_loop3A_1333 = arith.addi %iota3A, %parallel_loop3A_1332 : vector<16xi32>
      %parallel_loop3A_1334 = arith.constant 48 : i32
      %parallel_loop3A_1335 = vector.broadcast %parallel_loop3A_1334 : i32 to vector<16xi32>
      %parallel_loop3A_1336 = tpu.vector_load_idx %arg5[%parallel_loop3A_1333, %parallel_loop3A_1335] : memref<512x65xf32, #tpu.memory_space<vmem>>[vector<16xi32>, vector<16xi32>], vector<16xf32>,
      %parallel_loop3A_1337 = arith.mulf %mul3A_1023, %parallel_loop3A_1336 : vector<16xf32>
      %parallel_loop3A_1338 = arith.addf %parallel_loop3A_1337, %mul3A_1024 : vector<16xf32>
      %parallel_loop3A_1339 = arith.constant 49 : i32
      %parallel_loop3A_1340 = vector.broadcast %parallel_loop3A_1339 : i32 to vector<16xi32>
      %parallel_loop3A_1341 = tpu.vector_load_idx %arg5[%parallel_loop3A_1333, %parallel_loop3A_1340] : memref<512x65xf32, #tpu.memory_space<vmem>>[vector<16xi32>, vector<16xi32>], vector<16xf32>,
      %parallel_loop3A_1342 = arith.mulf %mul3A_1042, %parallel_loop3A_1341 : vector<16xf32>
      %parallel_loop3A_1343 = arith.addf %parallel_loop3A_1342, %mul3A_1043 : vector<16xf32>
      %parallel_loop3A_1344 = arith.constant 50 : i32
      %parallel_loop3A_1345 = vector.broadcast %parallel_loop3A_1344 : i32 to vector<16xi32>
      %parallel_loop3A_1346 = tpu.vector_load_idx %arg5[%parallel_loop3A_1333, %parallel_loop3A_1345] : memref<512x65xf32, #tpu.memory_space<vmem>>[vector<16xi32>, vector<16xi32>], vector<16xf32>,
      %parallel_loop3A_1347 = arith.mulf %mul3A_1061, %parallel_loop3A_1346 : vector<16xf32>
      %parallel_loop3A_1348 = arith.addf %parallel_loop3A_1347, %mul3A_1062 : vector<16xf32>
      %parallel_loop3A_1349 = arith.constant 51 : i32
      %parallel_loop3A_1350 = vector.broadcast %parallel_loop3A_1349 : i32 to vector<16xi32>
      %parallel_loop3A_1351 = tpu.vector_load_idx %arg5[%parallel_loop3A_1333, %parallel_loop3A_1350] : memref<512x65xf32, #tpu.memory_space<vmem>>[vector<16xi32>, vector<16xi32>], vector<16xf32>,
      %parallel_loop3A_1352 = arith.mulf %mul3A_1080, %parallel_loop3A_1351 : vector<16xf32>
      %parallel_loop3A_1353 = arith.addf %parallel_loop3A_1352, %mul3A_1081 : vector<16xf32>
      %parallel_loop3A_1354 = arith.constant 52 : i32
      %parallel_loop3A_1355 = vector.broadcast %parallel_loop3A_1354 : i32 to vector<16xi32>
      %parallel_loop3A_1356 = tpu.vector_load_idx %arg5[%parallel_loop3A_1333, %parallel_loop3A_1355] : memref<512x65xf32, #tpu.memory_space<vmem>>[vector<16xi32>, vector<16xi32>], vector<16xf32>,
      %parallel_loop3A_1357 = arith.mulf %mul3A_1099, %parallel_loop3A_1356 : vector<16xf32>
      %parallel_loop3A_1358 = arith.addf %parallel_loop3A_1357, %mul3A_1100 : vector<16xf32>
      %parallel_loop3A_1359 = arith.constant 53 : i32
      %parallel_loop3A_1360 = vector.broadcast %parallel_loop3A_1359 : i32 to vector<16xi32>
      %parallel_loop3A_1361 = tpu.vector_load_idx %arg5[%parallel_loop3A_1333, %parallel_loop3A_1360] : memref<512x65xf32, #tpu.memory_space<vmem>>[vector<16xi32>, vector<16xi32>], vector<16xf32>,
      %parallel_loop3A_1362 = arith.mulf %mul3A_1118, %parallel_loop3A_1361 : vector<16xf32>
      %parallel_loop3A_1363 = arith.addf %parallel_loop3A_1362, %mul3A_1119 : vector<16xf32>
      %parallel_loop3A_1364 = arith.constant 54 : i32
      %parallel_loop3A_1365 = vector.broadcast %parallel_loop3A_1364 : i32 to vector<16xi32>
      %parallel_loop3A_1366 = tpu.vector_load_idx %arg5[%parallel_loop3A_1333, %parallel_loop3A_1365] : memref<512x65xf32, #tpu.memory_space<vmem>>[vector<16xi32>, vector<16xi32>], vector<16xf32>,
      %parallel_loop3A_1367 = arith.mulf %mul3A_1137, %parallel_loop3A_1366 : vector<16xf32>
      %parallel_loop3A_1368 = arith.addf %parallel_loop3A_1367, %mul3A_1138 : vector<16xf32>
      %parallel_loop3A_1369 = arith.constant 55 : i32
      %parallel_loop3A_1370 = vector.broadcast %parallel_loop3A_1369 : i32 to vector<16xi32>
      %parallel_loop3A_1371 = tpu.vector_load_idx %arg5[%parallel_loop3A_1333, %parallel_loop3A_1370] : memref<512x65xf32, #tpu.memory_space<vmem>>[vector<16xi32>, vector<16xi32>], vector<16xf32>,
      %parallel_loop3A_1372 = arith.mulf %mul3A_1156, %parallel_loop3A_1371 : vector<16xf32>
      %parallel_loop3A_1373 = arith.addf %parallel_loop3A_1372, %mul3A_1157 : vector<16xf32>
      %parallel_loop3A_1374 = arith.mulf %parallel_loop3A_1338, %parallel_loop3A_1343 : vector<16xf32>
      %parallel_loop3A_1375 = arith.mulf %parallel_loop3A_1348, %parallel_loop3A_1353 : vector<16xf32>
      %parallel_loop3A_1376 = arith.mulf %parallel_loop3A_1358, %parallel_loop3A_1363 : vector<16xf32>
      %parallel_loop3A_1377 = arith.mulf %parallel_loop3A_1368, %parallel_loop3A_1373 : vector<16xf32>
      %parallel_loop3A_1378 = arith.mulf %parallel_loop3A_1374, %parallel_loop3A_1375 : vector<16xf32>
      %parallel_loop3A_1379 = arith.mulf %parallel_loop3A_1376, %parallel_loop3A_1377 : vector<16xf32>
      %parallel_loop3A_1380 = arith.mulf %parallel_loop3A_1378, %parallel_loop3A_1379 : vector<16xf32>
      %parallel_loop3A_1381 = vector.broadcast %reduce_sum3A_1005 : f32 to vector<16xf32>
      %parallel_loop3A_1382 = arith.mulf %parallel_loop3A_1381, %parallel_loop3A_1380 : vector<16xf32>
      %parallel_loop3A_1383 = arith.constant 16 : i32
      %parallel_loop3A_1384 = arith.muli %parallel_loop3A_1329, %parallel_loop3A_1383 : i32
      %parallel_loop3A_1385 = arith.index_cast %parallel_loop3A_1384 : i32 to index
      %parallel_loop3A_1386 = tpu.vector_load %arg7[%parallel_loop3A_1385] {strides = array<i32>} : memref<512xf32, #tpu.memory_space<vmem>>, vector<16xf32>,
      tpu.vector_store %arg7[%parallel_loop3A_1385], %parallel_loop3A_1382 {add = true, strides = array<i32>} : memref<512xf32, #tpu.memory_space<vmem>>, vector<16xf32>,
    } {sc.loop_unroll_factor = 4 : i64, sc.parallel_access}
    %eq3A_1161 = arith.constant 7 : i32
    %eq3A_1162 = vector.broadcast %eq3A_1161 : i32 to vector<16xi32>
    %eq3A_1163 = arith.cmpi eq, %iota3A, %eq3A_1162 : vector<16xi32>
    %jit3A_1164 = arith.constant 0.000000e+00 : f32
    %broadcast_in_dim3A_1165 = vector.broadcast %jit3A_1164 : f32 to vector<16xf32>
    %select_n3A_1166 = arith.select %eq3A_1163, %div3A_9, %broadcast_in_dim3A_1165 : vector<16xi1>, vector<16xf32>
    %reduce_sum3A_1167 = arith.constant true
    %reduce_sum3A_1168 = vector.broadcast %reduce_sum3A_1167 : i1 to vector<16xi1>
    %reduce_sum3A_1169 = tpu.scan <sum>, %select_n3A_1166 masked %reduce_sum3A_1168 : vector<16xf32>, vector<16xi1> -> vector<16xf32>
    %reduce_sum3A_1170 = vector.extract %reduce_sum3A_1169[15] : f32 from vector<16xf32>
    %broadcast_in_dim3A_1171 = arith.constant 120 : i32
    %broadcast_in_dim3A_1172 = vector.broadcast %broadcast_in_dim3A_1171 : i32 to vector<16xi32>
    %gather3A_1173 = tpu.vector_load_idx %arg6[%broadcast_in_dim3A_1172] : memref<136xf32, #tpu.memory_space<vmem>>[vector<16xi32>], vector<16xf32>,
    %broadcast_in_dim3A_1174 = arith.constant 121 : i32
    %broadcast_in_dim3A_1175 = vector.broadcast %broadcast_in_dim3A_1174 : i32 to vector<16xi32>
    %gather3A_1176 = tpu.vector_load_idx %arg6[%broadcast_in_dim3A_1175] : memref<136xf32, #tpu.memory_space<vmem>>[vector<16xi32>], vector<16xf32>,
    %sub3A_1177 = arith.subf %gather3A_1176, %gather3A_1173 : vector<16xf32>
    %exp3A_1178 = math.exp %sub3A_1177 : vector<16xf32>
    %add3A_1179 = arith.constant 1.000000e+00 : f32
    %add3A_1180 = vector.broadcast %add3A_1179 : f32 to vector<16xf32>
    %add3A_1181 = arith.addf %add3A_1180, %exp3A_1178 : vector<16xf32>
    %div3A_1182 = arith.constant 1.000000e+00 : f32
    %div3A_1183 = vector.broadcast %div3A_1182 : f32 to vector<16xf32>
    %div3A_1184 = arith.divf %div3A_1183, %add3A_1181 : vector<16xf32>
    %sub3A_1185 = arith.constant 1.000000e+00 : f32
    %sub3A_1186 = vector.broadcast %sub3A_1185 : f32 to vector<16xf32>
    %sub3A_1187 = arith.subf %sub3A_1186, %exp3A_1178 : vector<16xf32>
    %mul3A_1188 = arith.mulf %div3A_1184, %sub3A_1187 : vector<16xf32>
    %mul3A_1189 = arith.mulf %div3A_1184, %exp3A_1178 : vector<16xf32>
    %broadcast_in_dim3A_1190 = arith.constant 122 : i32
    %broadcast_in_dim3A_1191 = vector.broadcast %broadcast_in_dim3A_1190 : i32 to vector<16xi32>
    %gather3A_1192 = tpu.vector_load_idx %arg6[%broadcast_in_dim3A_1191] : memref<136xf32, #tpu.memory_space<vmem>>[vector<16xi32>], vector<16xf32>,
    %broadcast_in_dim3A_1193 = arith.constant 123 : i32
    %broadcast_in_dim3A_1194 = vector.broadcast %broadcast_in_dim3A_1193 : i32 to vector<16xi32>
    %gather3A_1195 = tpu.vector_load_idx %arg6[%broadcast_in_dim3A_1194] : memref<136xf32, #tpu.memory_space<vmem>>[vector<16xi32>], vector<16xf32>,
    %sub3A_1196 = arith.subf %gather3A_1195, %gather3A_1192 : vector<16xf32>
    %exp3A_1197 = math.exp %sub3A_1196 : vector<16xf32>
    %add3A_1198 = arith.constant 1.000000e+00 : f32
    %add3A_1199 = vector.broadcast %add3A_1198 : f32 to vector<16xf32>
    %add3A_1200 = arith.addf %add3A_1199, %exp3A_1197 : vector<16xf32>
    %div3A_1201 = arith.constant 1.000000e+00 : f32
    %div3A_1202 = vector.broadcast %div3A_1201 : f32 to vector<16xf32>
    %div3A_1203 = arith.divf %div3A_1202, %add3A_1200 : vector<16xf32>
    %sub3A_1204 = arith.constant 1.000000e+00 : f32
    %sub3A_1205 = vector.broadcast %sub3A_1204 : f32 to vector<16xf32>
    %sub3A_1206 = arith.subf %sub3A_1205, %exp3A_1197 : vector<16xf32>
    %mul3A_1207 = arith.mulf %div3A_1203, %sub3A_1206 : vector<16xf32>
    %mul3A_1208 = arith.mulf %div3A_1203, %exp3A_1197 : vector<16xf32>
    %broadcast_in_dim3A_1209 = arith.constant 124 : i32
    %broadcast_in_dim3A_1210 = vector.broadcast %broadcast_in_dim3A_1209 : i32 to vector<16xi32>
    %gather3A_1211 = tpu.vector_load_idx %arg6[%broadcast_in_dim3A_1210] : memref<136xf32, #tpu.memory_space<vmem>>[vector<16xi32>], vector<16xf32>,
    %broadcast_in_dim3A_1212 = arith.constant 125 : i32
    %broadcast_in_dim3A_1213 = vector.broadcast %broadcast_in_dim3A_1212 : i32 to vector<16xi32>
    %gather3A_1214 = tpu.vector_load_idx %arg6[%broadcast_in_dim3A_1213] : memref<136xf32, #tpu.memory_space<vmem>>[vector<16xi32>], vector<16xf32>,
    %sub3A_1215 = arith.subf %gather3A_1214, %gather3A_1211 : vector<16xf32>
    %exp3A_1216 = math.exp %sub3A_1215 : vector<16xf32>
    %add3A_1217 = arith.constant 1.000000e+00 : f32
    %add3A_1218 = vector.broadcast %add3A_1217 : f32 to vector<16xf32>
    %add3A_1219 = arith.addf %add3A_1218, %exp3A_1216 : vector<16xf32>
    %div3A_1220 = arith.constant 1.000000e+00 : f32
    %div3A_1221 = vector.broadcast %div3A_1220 : f32 to vector<16xf32>
    %div3A_1222 = arith.divf %div3A_1221, %add3A_1219 : vector<16xf32>
    %sub3A_1223 = arith.constant 1.000000e+00 : f32
    %sub3A_1224 = vector.broadcast %sub3A_1223 : f32 to vector<16xf32>
    %sub3A_1225 = arith.subf %sub3A_1224, %exp3A_1216 : vector<16xf32>
    %mul3A_1226 = arith.mulf %div3A_1222, %sub3A_1225 : vector<16xf32>
    %mul3A_1227 = arith.mulf %div3A_1222, %exp3A_1216 : vector<16xf32>
    %broadcast_in_dim3A_1228 = arith.constant 126 : i32
    %broadcast_in_dim3A_1229 = vector.broadcast %broadcast_in_dim3A_1228 : i32 to vector<16xi32>
    %gather3A_1230 = tpu.vector_load_idx %arg6[%broadcast_in_dim3A_1229] : memref<136xf32, #tpu.memory_space<vmem>>[vector<16xi32>], vector<16xf32>,
    %broadcast_in_dim3A_1231 = arith.constant 127 : i32
    %broadcast_in_dim3A_1232 = vector.broadcast %broadcast_in_dim3A_1231 : i32 to vector<16xi32>
    %gather3A_1233 = tpu.vector_load_idx %arg6[%broadcast_in_dim3A_1232] : memref<136xf32, #tpu.memory_space<vmem>>[vector<16xi32>], vector<16xf32>,
    %sub3A_1234 = arith.subf %gather3A_1233, %gather3A_1230 : vector<16xf32>
    %exp3A_1235 = math.exp %sub3A_1234 : vector<16xf32>
    %add3A_1236 = arith.constant 1.000000e+00 : f32
    %add3A_1237 = vector.broadcast %add3A_1236 : f32 to vector<16xf32>
    %add3A_1238 = arith.addf %add3A_1237, %exp3A_1235 : vector<16xf32>
    %div3A_1239 = arith.constant 1.000000e+00 : f32
    %div3A_1240 = vector.broadcast %div3A_1239 : f32 to vector<16xf32>
    %div3A_1241 = arith.divf %div3A_1240, %add3A_1238 : vector<16xf32>
    %sub3A_1242 = arith.constant 1.000000e+00 : f32
    %sub3A_1243 = vector.broadcast %sub3A_1242 : f32 to vector<16xf32>
    %sub3A_1244 = arith.subf %sub3A_1243, %exp3A_1235 : vector<16xf32>
    %mul3A_1245 = arith.mulf %div3A_1241, %sub3A_1244 : vector<16xf32>
    %mul3A_1246 = arith.mulf %div3A_1241, %exp3A_1235 : vector<16xf32>
    %broadcast_in_dim3A_1247 = arith.constant 128 : i32
    %broadcast_in_dim3A_1248 = vector.broadcast %broadcast_in_dim3A_1247 : i32 to vector<16xi32>
    %gather3A_1249 = tpu.vector_load_idx %arg6[%broadcast_in_dim3A_1248] : memref<136xf32, #tpu.memory_space<vmem>>[vector<16xi32>], vector<16xf32>,
    %broadcast_in_dim3A_1250 = arith.constant 129 : i32
    %broadcast_in_dim3A_1251 = vector.broadcast %broadcast_in_dim3A_1250 : i32 to vector<16xi32>
    %gather3A_1252 = tpu.vector_load_idx %arg6[%broadcast_in_dim3A_1251] : memref<136xf32, #tpu.memory_space<vmem>>[vector<16xi32>], vector<16xf32>,
    %sub3A_1253 = arith.subf %gather3A_1252, %gather3A_1249 : vector<16xf32>
    %exp3A_1254 = math.exp %sub3A_1253 : vector<16xf32>
    %add3A_1255 = arith.constant 1.000000e+00 : f32
    %add3A_1256 = vector.broadcast %add3A_1255 : f32 to vector<16xf32>
    %add3A_1257 = arith.addf %add3A_1256, %exp3A_1254 : vector<16xf32>
    %div3A_1258 = arith.constant 1.000000e+00 : f32
    %div3A_1259 = vector.broadcast %div3A_1258 : f32 to vector<16xf32>
    %div3A_1260 = arith.divf %div3A_1259, %add3A_1257 : vector<16xf32>
    %sub3A_1261 = arith.constant 1.000000e+00 : f32
    %sub3A_1262 = vector.broadcast %sub3A_1261 : f32 to vector<16xf32>
    %sub3A_1263 = arith.subf %sub3A_1262, %exp3A_1254 : vector<16xf32>
    %mul3A_1264 = arith.mulf %div3A_1260, %sub3A_1263 : vector<16xf32>
    %mul3A_1265 = arith.mulf %div3A_1260, %exp3A_1254 : vector<16xf32>
    %broadcast_in_dim3A_1266 = arith.constant 130 : i32
    %broadcast_in_dim3A_1267 = vector.broadcast %broadcast_in_dim3A_1266 : i32 to vector<16xi32>
    %gather3A_1268 = tpu.vector_load_idx %arg6[%broadcast_in_dim3A_1267] : memref<136xf32, #tpu.memory_space<vmem>>[vector<16xi32>], vector<16xf32>,
    %broadcast_in_dim3A_1269 = arith.constant 131 : i32
    %broadcast_in_dim3A_1270 = vector.broadcast %broadcast_in_dim3A_1269 : i32 to vector<16xi32>
    %gather3A_1271 = tpu.vector_load_idx %arg6[%broadcast_in_dim3A_1270] : memref<136xf32, #tpu.memory_space<vmem>>[vector<16xi32>], vector<16xf32>,
    %sub3A_1272 = arith.subf %gather3A_1271, %gather3A_1268 : vector<16xf32>
    %exp3A_1273 = math.exp %sub3A_1272 : vector<16xf32>
    %add3A_1274 = arith.constant 1.000000e+00 : f32
    %add3A_1275 = vector.broadcast %add3A_1274 : f32 to vector<16xf32>
    %add3A_1276 = arith.addf %add3A_1275, %exp3A_1273 : vector<16xf32>
    %div3A_1277 = arith.constant 1.000000e+00 : f32
    %div3A_1278 = vector.broadcast %div3A_1277 : f32 to vector<16xf32>
    %div3A_1279 = arith.divf %div3A_1278, %add3A_1276 : vector<16xf32>
    %sub3A_1280 = arith.constant 1.000000e+00 : f32
    %sub3A_1281 = vector.broadcast %sub3A_1280 : f32 to vector<16xf32>
    %sub3A_1282 = arith.subf %sub3A_1281, %exp3A_1273 : vector<16xf32>
    %mul3A_1283 = arith.mulf %div3A_1279, %sub3A_1282 : vector<16xf32>
    %mul3A_1284 = arith.mulf %div3A_1279, %exp3A_1273 : vector<16xf32>
    %broadcast_in_dim3A_1285 = arith.constant 132 : i32
    %broadcast_in_dim3A_1286 = vector.broadcast %broadcast_in_dim3A_1285 : i32 to vector<16xi32>
    %gather3A_1287 = tpu.vector_load_idx %arg6[%broadcast_in_dim3A_1286] : memref<136xf32, #tpu.memory_space<vmem>>[vector<16xi32>], vector<16xf32>,
    %broadcast_in_dim3A_1288 = arith.constant 133 : i32
    %broadcast_in_dim3A_1289 = vector.broadcast %broadcast_in_dim3A_1288 : i32 to vector<16xi32>
    %gather3A_1290 = tpu.vector_load_idx %arg6[%broadcast_in_dim3A_1289] : memref<136xf32, #tpu.memory_space<vmem>>[vector<16xi32>], vector<16xf32>,
    %sub3A_1291 = arith.subf %gather3A_1290, %gather3A_1287 : vector<16xf32>
    %exp3A_1292 = math.exp %sub3A_1291 : vector<16xf32>
    %add3A_1293 = arith.constant 1.000000e+00 : f32
    %add3A_1294 = vector.broadcast %add3A_1293 : f32 to vector<16xf32>
    %add3A_1295 = arith.addf %add3A_1294, %exp3A_1292 : vector<16xf32>
    %div3A_1296 = arith.constant 1.000000e+00 : f32
    %div3A_1297 = vector.broadcast %div3A_1296 : f32 to vector<16xf32>
    %div3A_1298 = arith.divf %div3A_1297, %add3A_1295 : vector<16xf32>
    %sub3A_1299 = arith.constant 1.000000e+00 : f32
    %sub3A_1300 = vector.broadcast %sub3A_1299 : f32 to vector<16xf32>
    %sub3A_1301 = arith.subf %sub3A_1300, %exp3A_1292 : vector<16xf32>
    %mul3A_1302 = arith.mulf %div3A_1298, %sub3A_1301 : vector<16xf32>
    %mul3A_1303 = arith.mulf %div3A_1298, %exp3A_1292 : vector<16xf32>
    %broadcast_in_dim3A_1304 = arith.constant 134 : i32
    %broadcast_in_dim3A_1305 = vector.broadcast %broadcast_in_dim3A_1304 : i32 to vector<16xi32>
    %gather3A_1306 = tpu.vector_load_idx %arg6[%broadcast_in_dim3A_1305] : memref<136xf32, #tpu.memory_space<vmem>>[vector<16xi32>], vector<16xf32>,
    %broadcast_in_dim3A_1307 = arith.constant 135 : i32
    %broadcast_in_dim3A_1308 = vector.broadcast %broadcast_in_dim3A_1307 : i32 to vector<16xi32>
    %gather3A_1309 = tpu.vector_load_idx %arg6[%broadcast_in_dim3A_1308] : memref<136xf32, #tpu.memory_space<vmem>>[vector<16xi32>], vector<16xf32>,
    %sub3A_1310 = arith.subf %gather3A_1309, %gather3A_1306 : vector<16xf32>
    %exp3A_1311 = math.exp %sub3A_1310 : vector<16xf32>
    %add3A_1312 = arith.constant 1.000000e+00 : f32
    %add3A_1313 = vector.broadcast %add3A_1312 : f32 to vector<16xf32>
    %add3A_1314 = arith.addf %add3A_1313, %exp3A_1311 : vector<16xf32>
    %div3A_1315 = arith.constant 1.000000e+00 : f32
    %div3A_1316 = vector.broadcast %div3A_1315 : f32 to vector<16xf32>
    %div3A_1317 = arith.divf %div3A_1316, %add3A_1314 : vector<16xf32>
    %sub3A_1318 = arith.constant 1.000000e+00 : f32
    %sub3A_1319 = vector.broadcast %sub3A_1318 : f32 to vector<16xf32>
    %sub3A_1320 = arith.subf %sub3A_1319, %exp3A_1311 : vector<16xf32>
    %mul3A_1321 = arith.mulf %div3A_1317, %sub3A_1320 : vector<16xf32>
    %mul3A_1322 = arith.mulf %div3A_1317, %exp3A_1311 : vector<16xf32>
    %parallel_loop3A_1323 = arith.constant 0 : i32
    %parallel_loop3A_1324 = arith.constant 32 : i32
    %parallel_loop3A_1325 = arith.constant 1 : i32
    scf.for %parallel_loop3A_1329 = %parallel_loop3A_1323 to %parallel_loop3A_1324 step %parallel_loop3A_1325  : i32 {
      %parallel_loop3A_1330 = arith.constant 16 : i32
      %parallel_loop3A_1331 = arith.muli %parallel_loop3A_1329, %parallel_loop3A_1330 : i32
      %parallel_loop3A_1332 = vector.broadcast %parallel_loop3A_1331 : i32 to vector<16xi32>
      %parallel_loop3A_1333 = arith.addi %iota3A, %parallel_loop3A_1332 : vector<16xi32>
      %parallel_loop3A_1334 = arith.constant 56 : i32
      %parallel_loop3A_1335 = vector.broadcast %parallel_loop3A_1334 : i32 to vector<16xi32>
      %parallel_loop3A_1336 = tpu.vector_load_idx %arg5[%parallel_loop3A_1333, %parallel_loop3A_1335] : memref<512x65xf32, #tpu.memory_space<vmem>>[vector<16xi32>, vector<16xi32>], vector<16xf32>,
      %parallel_loop3A_1337 = arith.mulf %mul3A_1188, %parallel_loop3A_1336 : vector<16xf32>
      %parallel_loop3A_1338 = arith.addf %parallel_loop3A_1337, %mul3A_1189 : vector<16xf32>
      %parallel_loop3A_1339 = arith.constant 57 : i32
      %parallel_loop3A_1340 = vector.broadcast %parallel_loop3A_1339 : i32 to vector<16xi32>
      %parallel_loop3A_1341 = tpu.vector_load_idx %arg5[%parallel_loop3A_1333, %parallel_loop3A_1340] : memref<512x65xf32, #tpu.memory_space<vmem>>[vector<16xi32>, vector<16xi32>], vector<16xf32>,
      %parallel_loop3A_1342 = arith.mulf %mul3A_1207, %parallel_loop3A_1341 : vector<16xf32>
      %parallel_loop3A_1343 = arith.addf %parallel_loop3A_1342, %mul3A_1208 : vector<16xf32>
      %parallel_loop3A_1344 = arith.constant 58 : i32
      %parallel_loop3A_1345 = vector.broadcast %parallel_loop3A_1344 : i32 to vector<16xi32>
      %parallel_loop3A_1346 = tpu.vector_load_idx %arg5[%parallel_loop3A_1333, %parallel_loop3A_1345] : memref<512x65xf32, #tpu.memory_space<vmem>>[vector<16xi32>, vector<16xi32>], vector<16xf32>,
      %parallel_loop3A_1347 = arith.mulf %mul3A_1226, %parallel_loop3A_1346 : vector<16xf32>
      %parallel_loop3A_1348 = arith.addf %parallel_loop3A_1347, %mul3A_1227 : vector<16xf32>
      %parallel_loop3A_1349 = arith.constant 59 : i32
      %parallel_loop3A_1350 = vector.broadcast %parallel_loop3A_1349 : i32 to vector<16xi32>
      %parallel_loop3A_1351 = tpu.vector_load_idx %arg5[%parallel_loop3A_1333, %parallel_loop3A_1350] : memref<512x65xf32, #tpu.memory_space<vmem>>[vector<16xi32>, vector<16xi32>], vector<16xf32>,
      %parallel_loop3A_1352 = arith.mulf %mul3A_1245, %parallel_loop3A_1351 : vector<16xf32>
      %parallel_loop3A_1353 = arith.addf %parallel_loop3A_1352, %mul3A_1246 : vector<16xf32>
      %parallel_loop3A_1354 = arith.constant 60 : i32
      %parallel_loop3A_1355 = vector.broadcast %parallel_loop3A_1354 : i32 to vector<16xi32>
      %parallel_loop3A_1356 = tpu.vector_load_idx %arg5[%parallel_loop3A_1333, %parallel_loop3A_1355] : memref<512x65xf32, #tpu.memory_space<vmem>>[vector<16xi32>, vector<16xi32>], vector<16xf32>,
      %parallel_loop3A_1357 = arith.mulf %mul3A_1264, %parallel_loop3A_1356 : vector<16xf32>
      %parallel_loop3A_1358 = arith.addf %parallel_loop3A_1357, %mul3A_1265 : vector<16xf32>
      %parallel_loop3A_1359 = arith.constant 61 : i32
      %parallel_loop3A_1360 = vector.broadcast %parallel_loop3A_1359 : i32 to vector<16xi32>
      %parallel_loop3A_1361 = tpu.vector_load_idx %arg5[%parallel_loop3A_1333, %parallel_loop3A_1360] : memref<512x65xf32, #tpu.memory_space<vmem>>[vector<16xi32>, vector<16xi32>], vector<16xf32>,
      %parallel_loop3A_1362 = arith.mulf %mul3A_1283, %parallel_loop3A_1361 : vector<16xf32>
      %parallel_loop3A_1363 = arith.addf %parallel_loop3A_1362, %mul3A_1284 : vector<16xf32>
      %parallel_loop3A_1364 = arith.constant 62 : i32
      %parallel_loop3A_1365 = vector.broadcast %parallel_loop3A_1364 : i32 to vector<16xi32>
      %parallel_loop3A_1366 = tpu.vector_load_idx %arg5[%parallel_loop3A_1333, %parallel_loop3A_1365] : memref<512x65xf32, #tpu.memory_space<vmem>>[vector<16xi32>, vector<16xi32>], vector<16xf32>,
      %parallel_loop3A_1367 = arith.mulf %mul3A_1302, %parallel_loop3A_1366 : vector<16xf32>
      %parallel_loop3A_1368 = arith.addf %parallel_loop3A_1367, %mul3A_1303 : vector<16xf32>
      %parallel_loop3A_1369 = arith.constant 63 : i32
      %parallel_loop3A_1370 = vector.broadcast %parallel_loop3A_1369 : i32 to vector<16xi32>
      %parallel_loop3A_1371 = tpu.vector_load_idx %arg5[%parallel_loop3A_1333, %parallel_loop3A_1370] : memref<512x65xf32, #tpu.memory_space<vmem>>[vector<16xi32>, vector<16xi32>], vector<16xf32>,
      %parallel_loop3A_1372 = arith.mulf %mul3A_1321, %parallel_loop3A_1371 : vector<16xf32>
      %parallel_loop3A_1373 = arith.addf %parallel_loop3A_1372, %mul3A_1322 : vector<16xf32>
      %parallel_loop3A_1374 = arith.mulf %parallel_loop3A_1338, %parallel_loop3A_1343 : vector<16xf32>
      %parallel_loop3A_1375 = arith.mulf %parallel_loop3A_1348, %parallel_loop3A_1353 : vector<16xf32>
      %parallel_loop3A_1376 = arith.mulf %parallel_loop3A_1358, %parallel_loop3A_1363 : vector<16xf32>
      %parallel_loop3A_1377 = arith.mulf %parallel_loop3A_1368, %parallel_loop3A_1373 : vector<16xf32>
      %parallel_loop3A_1378 = arith.mulf %parallel_loop3A_1374, %parallel_loop3A_1375 : vector<16xf32>
      %parallel_loop3A_1379 = arith.mulf %parallel_loop3A_1376, %parallel_loop3A_1377 : vector<16xf32>
      %parallel_loop3A_1380 = arith.mulf %parallel_loop3A_1378, %parallel_loop3A_1379 : vector<16xf32>
      %parallel_loop3A_1381 = vector.broadcast %reduce_sum3A_1170 : f32 to vector<16xf32>
      %parallel_loop3A_1382 = arith.mulf %parallel_loop3A_1381, %parallel_loop3A_1380 : vector<16xf32>
      %parallel_loop3A_1383 = arith.constant 16 : i32
      %parallel_loop3A_1384 = arith.muli %parallel_loop3A_1329, %parallel_loop3A_1383 : i32
      %parallel_loop3A_1385 = arith.index_cast %parallel_loop3A_1384 : i32 to index
      %parallel_loop3A_1386 = tpu.vector_load %arg7[%parallel_loop3A_1385] {strides = array<i32>} : memref<512xf32, #tpu.memory_space<vmem>>, vector<16xf32>,
      tpu.vector_store %arg7[%parallel_loop3A_1385], %parallel_loop3A_1382 {add = true, strides = array<i32>} : memref<512xf32, #tpu.memory_space<vmem>>, vector<16xf32>,
    } {sc.loop_unroll_factor = 4 : i64, sc.parallel_access}
    %parallel_loop3A_1326 = arith.constant 0 : i32
    %parallel_loop3A_1327 = arith.constant 32 : i32
    %parallel_loop3A_1328 = arith.constant 1 : i32
    scf.for %parallel_loop3A_1329 = %parallel_loop3A_1326 to %parallel_loop3A_1327 step %parallel_loop3A_1328  : i32 {
      %parallel_loop3A_1330 = arith.constant 16 : i32
      %parallel_loop3A_1331 = arith.muli %parallel_loop3A_1329, %parallel_loop3A_1330 : i32
      %parallel_loop3A_1332 = arith.index_cast %parallel_loop3A_1331 : i32 to index
      %parallel_loop3A_1333 = tpu.vector_load %arg7[%parallel_loop3A_1332] {strides = array<i32>} : memref<512xf32, #tpu.memory_space<vmem>>, vector<16xf32>,
      %parallel_loop3A_1334 = tpu.bitcast %parallel_loop3A_1333 : vector<16xf32> -> vector<16xi32>
      %parallel_loop3A_1335 = arith.constant 23 : i32
      %parallel_loop3A_1336 = vector.broadcast %parallel_loop3A_1335 : i32 to vector<16xi32>
      %parallel_loop3A_1337 = arith.shrsi %parallel_loop3A_1334, %parallel_loop3A_1336 : vector<16xi32>
      %parallel_loop3A_1338 = arith.constant 127 : i32
      %parallel_loop3A_1339 = vector.broadcast %parallel_loop3A_1338 : i32 to vector<16xi32>
      %parallel_loop3A_1340 = arith.subi %parallel_loop3A_1337, %parallel_loop3A_1339 : vector<16xi32>
      %parallel_loop3A_1341 = arith.constant 8388607 : i32
      %parallel_loop3A_1342 = vector.broadcast %parallel_loop3A_1341 : i32 to vector<16xi32>
      %parallel_loop3A_1343 = arith.andi %parallel_loop3A_1334, %parallel_loop3A_1342 : vector<16xi32>
      %parallel_loop3A_1344 = arith.constant 1065353216 : i32
      %parallel_loop3A_1345 = vector.broadcast %parallel_loop3A_1344 : i32 to vector<16xi32>
      %parallel_loop3A_1346 = arith.ori %parallel_loop3A_1343, %parallel_loop3A_1345 : vector<16xi32>
      %parallel_loop3A_1347 = tpu.bitcast %parallel_loop3A_1346 : vector<16xi32> -> vector<16xf32>
      %parallel_loop3A_1348 = arith.constant 1.41421354 : f32
      %parallel_loop3A_1349 = vector.broadcast %parallel_loop3A_1348 : f32 to vector<16xf32>
      %parallel_loop3A_1350 = arith.cmpf ogt, %parallel_loop3A_1347, %parallel_loop3A_1349 : vector<16xf32>
      %parallel_loop3A_1351 = arith.constant 5.000000e-01 : f32
      %parallel_loop3A_1352 = vector.broadcast %parallel_loop3A_1351 : f32 to vector<16xf32>
      %parallel_loop3A_1353 = arith.mulf %parallel_loop3A_1347, %parallel_loop3A_1352 : vector<16xf32>
      %parallel_loop3A_1354 = arith.select %parallel_loop3A_1350, %parallel_loop3A_1353, %parallel_loop3A_1347 : vector<16xi1>, vector<16xf32>
      %parallel_loop3A_1355 = arith.constant 1 : i32
      %parallel_loop3A_1356 = vector.broadcast %parallel_loop3A_1355 : i32 to vector<16xi32>
      %parallel_loop3A_1357 = arith.addi %parallel_loop3A_1340, %parallel_loop3A_1356 : vector<16xi32>
      %parallel_loop3A_1358 = arith.select %parallel_loop3A_1350, %parallel_loop3A_1357, %parallel_loop3A_1340 : vector<16xi1>, vector<16xi32>
      %parallel_loop3A_1359 = arith.constant 1.000000e+00 : f32
      %parallel_loop3A_1360 = vector.broadcast %parallel_loop3A_1359 : f32 to vector<16xf32>
      %parallel_loop3A_1361 = arith.subf %parallel_loop3A_1354, %parallel_loop3A_1360 : vector<16xf32>
      %parallel_loop3A_1362 = arith.constant 1.000000e+00 : f32
      %parallel_loop3A_1363 = vector.broadcast %parallel_loop3A_1362 : f32 to vector<16xf32>
      %parallel_loop3A_1364 = arith.addf %parallel_loop3A_1354, %parallel_loop3A_1363 : vector<16xf32>
      %parallel_loop3A_1365 = arith.divf %parallel_loop3A_1361, %parallel_loop3A_1364 : vector<16xf32>
      %parallel_loop3A_1366 = arith.mulf %parallel_loop3A_1365, %parallel_loop3A_1365 : vector<16xf32>
      %parallel_loop3A_1367 = arith.constant 0.222222224 : f32
      %parallel_loop3A_1368 = vector.broadcast %parallel_loop3A_1367 : f32 to vector<16xf32>
      %parallel_loop3A_1369 = arith.mulf %parallel_loop3A_1366, %parallel_loop3A_1368 : vector<16xf32>
      %parallel_loop3A_1370 = arith.constant 0.285714298 : f32
      %parallel_loop3A_1371 = vector.broadcast %parallel_loop3A_1370 : f32 to vector<16xf32>
      %parallel_loop3A_1372 = arith.addf %parallel_loop3A_1371, %parallel_loop3A_1369 : vector<16xf32>
      %parallel_loop3A_1373 = arith.mulf %parallel_loop3A_1366, %parallel_loop3A_1372 : vector<16xf32>
      %parallel_loop3A_1374 = arith.constant 4.000000e-01 : f32
      %parallel_loop3A_1375 = vector.broadcast %parallel_loop3A_1374 : f32 to vector<16xf32>
      %parallel_loop3A_1376 = arith.addf %parallel_loop3A_1375, %parallel_loop3A_1373 : vector<16xf32>
      %parallel_loop3A_1377 = arith.mulf %parallel_loop3A_1366, %parallel_loop3A_1376 : vector<16xf32>
      %parallel_loop3A_1378 = arith.constant 0.666666686 : f32
      %parallel_loop3A_1379 = vector.broadcast %parallel_loop3A_1378 : f32 to vector<16xf32>
      %parallel_loop3A_1380 = arith.addf %parallel_loop3A_1379, %parallel_loop3A_1377 : vector<16xf32>
      %parallel_loop3A_1381 = arith.mulf %parallel_loop3A_1366, %parallel_loop3A_1380 : vector<16xf32>
      %parallel_loop3A_1382 = arith.constant 2.000000e+00 : f32
      %parallel_loop3A_1383 = vector.broadcast %parallel_loop3A_1382 : f32 to vector<16xf32>
      %parallel_loop3A_1384 = arith.addf %parallel_loop3A_1383, %parallel_loop3A_1381 : vector<16xf32>
      %parallel_loop3A_1385 = arith.sitofp %parallel_loop3A_1358 : vector<16xi32> to vector<16xf32>
      %parallel_loop3A_1386 = arith.constant 0.693147182 : f32
      %parallel_loop3A_1387 = vector.broadcast %parallel_loop3A_1386 : f32 to vector<16xf32>
      %parallel_loop3A_1388 = arith.mulf %parallel_loop3A_1385, %parallel_loop3A_1387 : vector<16xf32>
      %parallel_loop3A_1389 = arith.mulf %parallel_loop3A_1365, %parallel_loop3A_1384 : vector<16xf32>
      %parallel_loop3A_1390 = arith.addf %parallel_loop3A_1388, %parallel_loop3A_1389 : vector<16xf32>
      %parallel_loop3A_1391 = arith.constant 16 : i32
      %parallel_loop3A_1392 = arith.muli %parallel_loop3A_1329, %parallel_loop3A_1391 : i32
      %parallel_loop3A_1393 = arith.index_cast %parallel_loop3A_1392 : i32 to index
      %parallel_loop3A_1394 = tpu.vector_load %arg8[%parallel_loop3A_1393] {strides = array<i32>} : memref<512xf32, #tpu.memory_space<vmem>>, vector<16xf32>,
      tpu.vector_store %arg8[%parallel_loop3A_1393], %parallel_loop3A_1390 {strides = array<i32>} : memref<512xf32, #tpu.memory_space<vmem>>, vector<16xf32>,
    } {sc.loop_unroll_factor = 4 : i64, sc.parallel_access}
    "tpu.region"() ({
      %run_scoped3A = tpu.sem_alloc : memref<!tpu.dma_semaphore, #tpu.memory_space<semaphore_mem>>
      %dma_start3A = tpu.memref_slice %arg4[%mul3A_2] : memref<16384xf32, #tpu.memory_space<hbm>> -> memref<512xf32, #tpu.memory_space<hbm>>
      %dma_start3A_1329 = tpu.memref_slice %arg4[%mul3A_2] : memref<16384xf32, #tpu.memory_space<hbm>> -> memref<512xf32, #tpu.memory_space<hbm>>
      tpu.enqueue_dma source(%arg8 : memref<512xf32, #tpu.memory_space<vmem>>) target(%dma_start3A_1329 : memref<512xf32, #tpu.memory_space<hbm>>) target_semaphore(%run_scoped3A : memref<!tpu.dma_semaphore, #tpu.memory_space<semaphore_mem>>)
      %dma_wait3A = tpu.memref_slice %arg4[%mul3A_2] : memref<16384xf32, #tpu.memory_space<hbm>> -> memref<512xf32, #tpu.memory_space<hbm>>
      %dma_wait3A_1330 = tpu.memref_slice %arg4[%mul3A_2] : memref<16384xf32, #tpu.memory_space<hbm>> -> memref<512xf32, #tpu.memory_space<hbm>>
      tpu.wait_dma2 semaphore(%run_scoped3A : memref<!tpu.dma_semaphore, #tpu.memory_space<semaphore_mem>>) src(%arg8 : memref<512xf32, #tpu.memory_space<vmem>>) dst(%dma_wait3A_1330 : memref<512xf32, #tpu.memory_space<hbm>>)
      tpu.yield
    }) : () -> ()
    return
  }
}

</mosaic_0001>

<sc_bundles>
// kernel: kernel.3.cloned.1.call-start
scs
__scs_entry_jumppad:
0x0: {  	(pc) =	sbr.rel $0x88, $3  }
0x1: {  	(tag) =	ssettag $0x0;
	lr =	simm.s32 $0x1  }
0x2: {  	[smem:$0x3F9F] =	sst lr;
	_ =	strace $0xD0000000  }
0x3: {  	_ = 	snop  }
0x4: {  	_ = 	snop  }
0x5: {  	_ = 	snop  }
0x6: {  	_ = 	snop  }
0x7: {  	_ = 	snop  }
__scs_overlays_trampoline_lowered:
0x8: {  	[smem:$0x3FAE] =	sst s0  }
0x9: {  	[smem:$0x3FAF] =	sst s1  }
0xa: {  	[smem:$0x3FB0] =	sst s2  }
0xb: {  	[smem:$0x3FB1] =	sst s3  }
0xc: {  	[smem:$0x3FB2] =	sst s4  }
0xd: {  	[smem:$0x3FB3] =	sst s5  }
0xe: {  	[smem:$0x3FB4] =	sst s6  }
0xf: {  	[smem:$0x3FB5] =	sst s7  }
0x10: {  	[smem:$0x3FB6] =	sst s8  }
0x11: {  	[smem:$0x3FB7] =	sst s9;
	s0 =	simm.s32 @!p0 $0x0  }
0x12: {  	s1 =	sld [smem:$0x3F9D];
	s0 =	simm.s32 @p0 $0x1  }
0x13: {  	[smem:$0x3FB8] =	sst s0;
	s0 =	simm.s32 @!p1 $0x0  }
0x14: {  	s2 =	sld [smem:$0x3F9C];
	s0 =	simm.s32 @p1 $0x1  }
0x15: {  	[smem:$0x3FB9] =	sst s0;
	s0 =	simm.s32 @!p2 $0x0  }
0x16: {  	s3 =	sld [smem:$0x3FDB];
	s0 =	simm.s32 @p2 $0x1  }
0x17: {  	s4 =	simm.s32 $0x1BF5;
	[smem:$0x3FBB] =	sst s0  }
0x18: {  	s0 =	sld [smem:$0x3F9E];
	_ =	swait.ge [sflag:s4], $0x0  }
0x19: {  	s7 =	sld [smem:$0x3F9F]  }
0x1a: {  	s8 =	sadd.s32 $0xFFFFE003, lr  }
0x1b: {  	s9 =	sadd.s32 $0xFFFFFEF7, lr;
	s5 =	simm.s32 $0xFFFFFFFF;
	p2 =	slt.u32 s8, $0xFFFFF086  }
0x1c: {  	p1 =	slt.u32 s9, $0xF7A;
	s5 =	simm.s32 @!p2 $0x0  }
0x1d: {  	s5 =	simm.s32 @p1 $0x1;
	p0 =	seq.s32 s7, s2  }
0x1e: {  	s7 =	smul.u32 @!p0 $0xF7A, s2;
	p2 =	seq.s32 @!p0 s5, $0x0  }
0x1f: {  	s9 =	smul.u32 $0xF7A, s1;
	s8 =	simm.s32 @!p0 $0x1BF5;
	p2 =	por !p2, p0  }
0x20: {  	[sflag:s8] =	ssyncset.s32 @!p0 $0xFFFFF086;
	s6 =	sadd.s32 @!p0 s3, s7;
	s7 =	simm.s32 @!p0 $0x108  }
0x21: {  	s3 =	sadd.s32 s3, s9;
	s6 =	sadd.s32 @!p0 $0x88, s6;
	s7 =	simm.s32 @p2 $0x1082  }
0x22: {  	[simem:s7], [sflag:s8] =	dma.local @!p0 [hbm:s6], $0xF7A  }
0x23: {  	s9 =	sor.u32 $0xD0000000, s2;
	s6 =	simm.s32 $0x108;
	_ =	swait.ge @!p0 [sflag:s8], $0x0  }
0x24: {  	s3 =	sadd.s32 $0x88, s3;
	s6 =	simm.s32 @!p1 $0x1082;
	[sflag:s4] =	ssyncset.s32 $0xFFFFF086  }
0x25: {  	[simem:s6], [sflag:s4] =	dma.local [hbm:s3], $0xF7A  }
0x26: {  	[smem:$0x3F9F] =	sst s1;
	(tag) =	ssettag s2;
	_ =	strace s9  }
0x27: {  	s1 =	sld [smem:$0x3FAF]  }
0x28: {  	s2 =	sld [smem:$0x3FB0]  }
0x29: {  	s4 =	sld [smem:$0x3FB2]  }
0x2a: {  	p0 =	seq.s32 s5, $0x0;
	s5 =	sld [smem:$0x3FB3]  }
0x2b: {  	s6 =	sld [smem:$0x3FB4]  }
0x2c: {  	s7 =	sld [smem:$0x3FB5]  }
0x2d: {  	s3 =	simm.s32 $0x108;
	s8 =	sld [smem:$0x3FB6]  }
0x2e: {  	s3 =	simm.s32 @!p0 $0x1082;
	s9 =	sld [smem:$0x3FB7]  }
0x2f: {  	lr =	sadd.s32 s0, s3;
	s0 =	sld [smem:$0x3FAE]  }
0x30: {  	s3 =	sld [smem:$0x3FB1]  }
0x31: {  	[smem:$0x3FBA] =	sst s10  }
0x32: {  	s10 =	sld [smem:$0x3FB8];
	_ =	sdelay $0x3  }
0x33: {  	p0 =	seq.s32 s10, $0x1;
	s10 =	sld [smem:$0x3FBA];
	_ =	sdelay $0x3  }
0x34: {  	[smem:$0x3FBA] =	sst s10  }
0x35: {  	s10 =	sld [smem:$0x3FB9];
	_ =	sdelay $0x3  }
0x36: {  	p1 =	seq.s32 s10, $0x1;
	s10 =	sld [smem:$0x3FBA];
	_ =	sdelay $0x3  }
0x37: {  	[smem:$0x3FBA] =	sst s10  }
0x38: {  	s10 =	sld [smem:$0x3FBB]  }
0x39: {  	_ = 	snop;
	(pc) =	sbr.ind lr, $3  }
0x3a: {  	_ = 	snop  }
0x3b: {  	_ = 	snop  }
0x3c: {  	p2 =	seq.s32 s10, $0x1;
	s10 =	sld [smem:$0x3FBA]  }
0x3d: {  	_ =	shalt  }
0x3e: {  	_ =	shalt  }
0x3f: {  	_ =	shalt  }
0x40: {  	_ =	shalt  }
0x41: {  	_ =	shalt  }
0x42: {  	_ =	shalt  }
0x43: {  	_ =	shalt  }
0x44: {  	_ =	shalt  }
0x45: {  	_ =	shalt  }
0x46: {  	_ =	shalt  }
0x47: {  	_ =	shalt  }
0x48: {  	_ =	shalt  }
0x49: {  	_ =	shalt  }
0x4a: {  	_ =	shalt  }
0x4b: {  	_ =	shalt  }
0x4c: {  	_ =	shalt  }
0x4d: {  	_ =	shalt  }
0x4e: {  	_ =	shalt  }
0x4f: {  	_ =	shalt  }
0x50: {  	_ =	shalt  }
0x51: {  	_ =	shalt  }
0x52: {  	_ =	shalt  }
0x53: {  	_ =	shalt  }
0x54: {  	_ =	shalt  }
0x55: {  	_ =	shalt  }
0x56: {  	_ =	shalt  }
0x57: {  	_ =	shalt  }
0x58: {  	_ =	shalt  }
0x59: {  	_ =	shalt  }
0x5a: {  	_ =	shalt  }
0x5b: {  	_ =	shalt  }
0x5c: {  	_ =	shalt  }
0x5d: {  	_ =	shalt  }
0x5e: {  	_ =	shalt  }
0x5f: {  	_ =	shalt  }
0x60: {  	_ =	shalt  }
0x61: {  	_ =	shalt  }
0x62: {  	_ =	shalt  }
0x63: {  	_ =	shalt  }
0x64: {  	_ =	shalt  }
0x65: {  	_ =	shalt  }
0x66: {  	_ =	shalt  }
0x67: {  	_ =	shalt  }
0x68: {  	_ =	shalt  }
0x69: {  	_ =	shalt  }
0x6a: {  	_ =	shalt  }
0x6b: {  	_ =	shalt  }
0x6c: {  	_ =	shalt  }
0x6d: {  	_ =	shalt  }
0x6e: {  	_ =	shalt  }
0x6f: {  	_ =	shalt  }
0x70: {  	_ =	shalt  }
0x71: {  	_ =	shalt  }
0x72: {  	_ =	shalt  }
0x73: {  	_ =	shalt  }
0x74: {  	_ =	shalt  }
0x75: {  	_ =	shalt  }
0x76: {  	_ =	shalt  }
0x77: {  	_ =	shalt  }
0x78: {  	_ =	shalt  }
0x79: {  	_ =	shalt  }
0x7a: {  	_ =	shalt  }
0x7b: {  	_ =	shalt  }
0x7c: {  	_ =	shalt  }
0x7d: {  	_ =	shalt  }
0x7e: {  	_ =	shalt  }
0x7f: {  	_ =	shalt  }
0x80: {  	_ =	shalt  }
0x81: {  	_ =	shalt  }
0x82: {  	_ =	shalt  }
0x83: {  	_ =	shalt  }
0x84: {  	_ =	shalt  }
0x85: {  	_ =	shalt  }
0x86: {  	_ =	shalt  }
0x87: {  	_ =	shalt  }
.Lfunc_end0:
.L_simem_size_0:
called_computation_lowered:
.L_overlay_start_0:
0x88: {  	s2 =	sld [smem:$0x3FD9]  }
0x89: {  	s3 =	sld [smem:$0x3FFE];
	_ =	sdelay $0x1  }
0x8a: {  	s1 =	srdreg.scid  }
0x8b: {  	s0 =	sand.u32 $0x1, s1  }
0x8c: {  	s17 =	sshll.u32 s0, $0xA;
	s2 =	sadd.s32 s3, s2  }
0x8d: {  	s2 =	sadd.s32 s2, s17  }
0x8e: {  	[smem:$0x3FC6] =	sst s2  }
0x8f: {  	_ = 	snop  }
0x90: {  	s2 =	sld [smem:$0x3FC8]  }
0x91: {  	s18 =	sld [smem:$0x3FD0];
	(tm) =	ssettm $0x1  }
0x92: {  	s4 =	sld [smem:$0x3FFB];
	_ =	sdelay $0x3  }
0x93: {  	_ =	strace s4  }
0x94: {  	s4 =	sld [smem:$0x3FFC];
	_ =	sdelay $0x3  }
0x95: {  	_ =	strace s4  }
0x96: {  	s4 =	sld [smem:$0x3FFD];
	_ =	sdelay $0x3  }
0x97: {  	_ =	strace s4  }
0x98: {  	_ =	strace $0x8FFFFFFF  }
0x99: {  	s19 =	sld [smem:$0x3FDB];
	_ =	sdelay $0x1  }
0x9a: {  	s5 =	simm.s32 $_scs_section_size  }
0x9b: {  	s6 =	simm.s32 $_size__tile_overlayer_lowered;
	s7 =	simm.s32 $_tile_overlayer_lowered  }
0x9c: {  	s22 =	simm.s32 $0x1BFF;
	s21 =	sshll.u32 s7, $0x1;
	s4 =	sadd.s32 s5, s19  }
0x9d: {  	s8 =	simm.s32 $0x0;
	s20 =	sshll.u32 s6, $0x1;
	s6 =	sadd.s32 s21, s4  }
0x9e: {  	[timem:s8], [sflag:s22] =	dma.local [hbm:s6], s20  }
0x9f: {  	_ =	swait.ge [sflag:s22], s20  }
0xa0: {  	s5 =	ssub.s32 $0x0, s20;
	[sflag:s22] =	ssyncset.done $0x0  }
0xa1: {  	[sflag:s22] =	ssyncadd.s32 s5;
	_ =	sdelay $0x1  }
0xa2: {  	s23 =	simm.s32 $0x1B8B  }
0xa3: {  	_ =	swait.ge [sflag:s23], $0x1  }
0xa4: {  	[sflag:s23] =	ssyncset.done $0x0  }
0xa5: {  	s25 =	simm.s32 $0x1B8E;
	s24 =	sld [smem:$0x3FFE];
	[sflag:s23] =	ssyncadd.s32 $0xFFFFFFFF  }
0xa6: {  	s26 =	simm.s32 $execute0_lowered;
	[smem:$0x3FD2] =	sst s25  }
0xa7: {  	s6 =	sshll.u32 s26, $0x1;
	_ =	strace $0x80000046;
	[dreg:$0x1] =	wrdreg $0xFFFFFFFF  }
0xa8: {  	s28 =	simm.s32 $_size_execute0_lowered;
	s4 =	sadd.s32 s4, s6;
	[dreg:$0x0] =	wrdreg $0x0  }
0xa9: {  	s6 =	sshll.u32 s28, $0x1;
	[dreg:$0x2] =	wrdreg s4  }
0xaa: {  	[dreg:$0x3] =	wrdreg s6  }
0xab: {  	[dreg:$0x4] =	wrdreg $0xC0  }
0xac: {  	_ =	task [dreg:s8], $0x5FFFF  }
0xad: {  	[dreg:$0x1] =	wrdreg $0xFFFFFFFF  }
0xae: {  	[dreg:$0x0] =	wrdreg $0x60  }
0xaf: {  	[dreg:$0x2] =	wrdreg s24  }
0xb0: {  	[dreg:$0x3] =	wrdreg s2  }
0xb1: {  	[dreg:$0x4] =	wrdreg s18  }
0xb2: {  	[dreg:$0x5] =	wrdreg $0x9  }
0xb3: {  	_ =	task.clear_ibuf [dreg:s8], $0x6FFFF;
	_ =	strace $0x90000046  }
0xb4: {  	s29 =	simm.s32 $0x9;
	_ =	strace $0x80000048  }
0xb5: {  	_ =	swait.ge [sflag:s29], $0x1  }
0xb6: {  	[sflag:s29] =	ssyncadd.s32 $0xFFFFFFFF  }
0xb7: {  	_ =	strace $0x90000048  }
0xb8: {  	_ =	sfence  }
0xb9: {  	s30 =	sld [smem:$0x0];
	_ =	sdelay $0x2  }
0xba: {  	s31 =	sshll.u32 s1, $0xD;
	s1 =	sshrl.u32 s1, $0x2  }
0xbb: {  	s3 =	sand.u32 $0x4000, s31;
	s1 =	sadd.s32 s1, s30  }
0xbc: {  	s0 =	sor.u32 s3, s0;
	s1 =	sshll.u32 s1, $0x11  }
0xbd: {  	s0 =	sor.u32 s1, s0  }
0xbe: {  	s0 =	sadd.s32 $0x8F2B, s0  }
0xbf: {  	[sflag:s0] =	ssyncadd.remote.s32 $0x1  }
0xc0: {  	_ =	sfence.sel $0xFFFF  }
0xc1: {  	[dreg:$0x0] =	wrdreg $0xFFFFFFFF;
	(pc) =	sbr.abs _section_cstart, $3  }
0xc2: {  	[dreg:$0x1] =	wrdreg $0xFFFFFFFF  }
0xc3: {  	_ =	task.clear_ibuf [dreg:s8], $0x2FFFF;
	_ =	strace $0x9FFFFFFF  }
0xc4: {  	(tm) =	ssettm $0x7FFFFFFF  }
0xc5: {  	_ =	shalt  }
tec
execute0_lowered:
.L_overlay_start_1:
0x0: {  	(tag) =	ssettag $0x1  }
0x1: {  	s4 =	rddreg [dreg:$0x0]  }
0x2: {  	v0 =	vlaneseq.u32;
	s1 =	rddreg [dreg:$0x1]  }
0x3: {  	s6 =	rddreg [dreg:$0x2];
	s3 =	simm.s32 $0x0;
	v11 =	vmul.u32 $0x48, v0  }
0x4: {  	s2 =	srdreg.scid;
	[smem:$0x7FF] =	sst s3  }
0x5: {  	s5 =	sand.u32 $0x1, s2;
	s2 =	rddreg [dreg:$0x3];
	_ =	strace $0x80000047;
	v15 =	vor.u32 $0x1, v11;
	[tilespmem:$0x1FF80] =	vst v11  }
0x6: {  	v16 =	vor.u32 $0x2, v11;
	[tilespmem:$0x1FF90] =	vst v15  }
0x7: {  	s0 =	stileid.u32;
	s9 =	simm.s32 $0x9288;
	v17 =	vor.u32 $0x3, v11;
	[tilespmem:$0x1FFA0] =	vst v16  }
0x8: {  	s7 =	sshll.u32 s0, $0xA;
	s8 =	sshll.u32 s5, $0x9;
	s5 =	ssub.s32 $0x2, s5;
	v18 =	vor.u32 $0x4, v11;
	[tilespmem:$0x1FFB0] =	vst v17  }
0x9: {  	vm0 =	vmmov $0xff;
	vm1 =	vmmov $0x1;
	s10 =	simm.s32 $0x0;
	v19 =	vor.u32 $0x5, v11;
	s7 =	sor.u32 s8, s7;
	s30 =	sshrl.u32 s5, $0x1;
	[tilespmem:$0x1FFC0] =	vst v18  }
0xa: {  	vm2 =	vcmask $0x308;
	vm3 =	vcmask $0x70C;
	v20 =	vor.u32 $0x6, v11;
	s8 =	sshll.u32 s7, $0x3;
	s31 =	sshrl.u32 s7, $0x3;
	s7 =	simm.s32 $0x1;
	[tilespmem:$0x1FFD0] =	vst v19  }
0xb: {  	vm4 =	vcmask $0xB10;
	vm5 =	vcmask $0xF14;
	v21 =	vor.u32 $0x7, v11;
	[tilespmem:$0x1FFE0] =	vst v20;
	s4 =	sadd.s32 s8, s4;
	s8 =	ssub.s32 s5, s30;
	s5 =	sadd.s32 s6, s31  }
0xc: {  	vm6 =	vcmask $0x1318;
	vm7 =	vcmask $0x171C;
	vm8 =	vcmask $0x1B20;
	[tilespmem:$0x1FFF0] =	vst v21;
	s4 =	sadd.s32 $0x400, s4;
	s6 =	smax.u32 s8, $0x1;
	s8 =	simm.s32 $0x9000  }
.LBB2_1:
0xd: {  	s11 =	simm.s32 $0x8  }
0xe: {  	s14 =	sadd.s32 $0x0, s4;
	s12 =	simm.s32 $0x48;
	s13 =	simm.s32 $0x0  }
.LBB2_2:
0xf: {  	[tilespmem:s13], [sflag:$0x1] =	stream.linear.gather [hbm4b:s14+s3], $0x40, $0x38;
	[tilespmem:$0x9488] =	vst v63  }
0x10: {  	s14 =	smov.u32 s11;
	s13 =	smov.u32 s12;
	p0 =	sne.s32 s11, $0xFF8  }
.Ltmp0:
0x11: {  	s11 =	sadd.s32 $0x8, s11;
	(pc) =	sbr.rel @p0 .LBB2_2-.Ltmp0, $2  }
0x12: {  	_ =	sdelay $0x2  }
0x13: {  	s12 =	sadd.s32 $0x48, s12;
	s14 =	sadd.s32 s14, s4  }
0x14: {  	[tilespmem:s13], [sflag:$0x1] =	stream.linear.gather [hbm4b:s14+s3], $0x40, $0x38;
	[tilespmem:$0x9488] =	vst v63  }
0x15: {  	_ =	swait.ge [sflag:s7], $0x8000  }
0x16: {  	[sflag:s7] =	ssyncset.done $0x0  }
0x17: {  	s11 =	simm.s32 $0x0;
	[sflag:s7] =	ssyncadd.s32 $0xFFFF8000  }
0x18: {  	[tilespmem:s8], [sflag:$0x1] =	stream.linear.gather [hbm4b:s1+s11], $0x88, $0x38;
	[tilespmem:$0x9488] =	vst v63  }
0x19: {  	_ =	swait.ge [sflag:s7], $0x88  }
0x1a: {  	[sflag:s7] =	ssyncset.done $0x0  }
0x1b: {  	[sflag:s7] =	ssyncadd.s32 $0xFFFFFF78  }
0x1c: {  	v0 =	vld [tilespmem:$0x9000];
	_ =	sdelay $0x4  }
0x1d: {  	v0 =	vmul.f32 $1.442695020e+00, v0;
	_ =	sdelay $0x1  }
0x1e: {  	(erf) = vpow2.f32 v0;
	_ =	sdelay $0x8  }
0x1f: {  	v0 =	vpop (erf)  }
0x20: {  	v1 =	vimm.s32 $0x8;
	v0 =	vnsel vm0, $0x0, v0  }
0x21: {  	v2 =	vimm.s32 $0x9;
	(xrf2) =	vadd.scan.msk.f32 $0xffff, v0;
	_ =	sdelay $0x3  }
0x22: {  	v1 =	vld.idx.msk [tilespmem:v1+s8+$0x0], $0xffff  }
0x23: {  	v2 =	vld.idx.msk [tilespmem:v2+s8+$0x0], $0xffff;
	_ =	sdelay $0x4  }
0x24: {  	v1 =	vsub.f32 v2, v1;
	v3, _, _ =	vpop (xrf2)  }
0x25: {  	v2 =	vbroadcast v3, $0xF  }
0x26: {  	v1 =	vmul.f32 $1.442695020e+00, v1  }
0x27: {  	(erf) = vrcp.f32 v2;
	v2 =	vimm.s32 $0xB  }
0x28: {  	(erf) = vpow2.f32 v1;
	v1 =	vimm.s32 $0xA;
	_ =	sdelay $0x3  }
0x29: {  	v2 =	vld.idx.msk [tilespmem:v2+s8+$0x0], $0xffff  }
0x2a: {  	v1 =	vld.idx.msk [tilespmem:v1+s8+$0x0], $0xffff;
	_ =	sdelay $0x3  }
0x2b: {  	v3 =	vpop (erf)  }
0x2c: {  	v4 =	vpop (erf);
	v1 =	vsub.f32 v2, v1  }
0x2d: {  	v2 =	vadd.f32 $1.000000000e+00, v4  }
0x2e: {  	v1 =	vmul.f32 $1.442695020e+00, v1  }
0x2f: {  	(erf) = vrcp.f32 v2;
	v2 =	vimm.s32 $0xD  }
0x30: {  	(erf) = vpow2.f32 v1;
	v1 =	vimm.s32 $0xC;
	_ =	sdelay $0x3  }
0x31: {  	v2 =	vld.idx.msk [tilespmem:v2+s8+$0x0], $0xffff  }
0x32: {  	v1 =	vld.idx.msk [tilespmem:v1+s8+$0x0], $0xffff;
	_ =	sdelay $0x3  }
0x33: {  	v5 =	vpop (erf)  }
0x34: {  	v6 =	vpop (erf);
	v1 =	vsub.f32 v2, v1  }
0x35: {  	v2 =	vadd.f32 $1.000000000e+00, v6  }
0x36: {  	v1 =	vmul.f32 $1.442695020e+00, v1  }
0x37: {  	(erf) = vrcp.f32 v2;
	v2 =	vimm.s32 $0xF  }
0x38: {  	(erf) = vpow2.f32 v1;
	v1 =	vimm.s32 $0xE;
	_ =	sdelay $0x3  }
0x39: {  	v2 =	vld.idx.msk [tilespmem:v2+s8+$0x0], $0xffff  }
0x3a: {  	v1 =	vld.idx.msk [tilespmem:v1+s8+$0x0], $0xffff;
	_ =	sdelay $0x3  }
0x3b: {  	v7 =	vpop (erf)  }
0x3c: {  	v28 =	vpop (erf);
	v1 =	vsub.f32 v2, v1  }
0x3d: {  	v2 =	vadd.f32 $1.000000000e+00, v28  }
0x3e: {  	v1 =	vmul.f32 $1.442695020e+00, v1  }
0x3f: {  	(erf) = vrcp.f32 v2;
	v2 =	vimm.s32 $0x11  }
0x40: {  	(erf) = vpow2.f32 v1;
	v1 =	vimm.s32 $0x10;
	_ =	sdelay $0x3  }
0x41: {  	v2 =	vld.idx.msk [tilespmem:v2+s8+$0x0], $0xffff  }
0x42: {  	v1 =	vld.idx.msk [tilespmem:v1+s8+$0x0], $0xffff;
	_ =	sdelay $0x3  }
0x43: {  	v32 =	vpop (erf)  }
0x44: {  	v33 =	vpop (erf);
	v1 =	vsub.f32 v2, v1  }
0x45: {  	v2 =	vadd.f32 $1.000000000e+00, v33  }
0x46: {  	v1 =	vmul.f32 $1.442695020e+00, v1  }
0x47: {  	(erf) = vrcp.f32 v2;
	v2 =	vimm.s32 $0x13  }
0x48: {  	(erf) = vpow2.f32 v1;
	v1 =	vimm.s32 $0x12;
	_ =	sdelay $0x3  }
0x49: {  	v2 =	vld.idx.msk [tilespmem:v2+s8+$0x0], $0xffff  }
0x4a: {  	v1 =	vld.idx.msk [tilespmem:v1+s8+$0x0], $0xffff;
	_ =	sdelay $0x3  }
0x4b: {  	v35 =	vpop (erf)  }
0x4c: {  	v36 =	vpop (erf);
	v1 =	vsub.f32 v2, v1  }
0x4d: {  	v2 =	vadd.f32 $1.000000000e+00, v36  }
0x4e: {  	v1 =	vmul.f32 $1.442695020e+00, v1  }
0x4f: {  	(erf) = vrcp.f32 v2;
	v2 =	vimm.s32 $0x15  }
0x50: {  	(erf) = vpow2.f32 v1;
	v1 =	vimm.s32 $0x14;
	_ =	sdelay $0x3  }
0x51: {  	v2 =	vld.idx.msk [tilespmem:v2+s8+$0x0], $0xffff  }
0x52: {  	v1 =	vld.idx.msk [tilespmem:v1+s8+$0x0], $0xffff;
	_ =	sdelay $0x3  }
0x53: {  	v37 =	vpop (erf)  }
0x54: {  	v39 =	vpop (erf);
	v1 =	vsub.f32 v2, v1  }
0x55: {  	v2 =	vadd.f32 $1.000000000e+00, v39  }
0x56: {  	v1 =	vmul.f32 $1.442695020e+00, v1  }
0x57: {  	(erf) = vrcp.f32 v2;
	v2 =	vimm.s32 $0x17  }
0x58: {  	(erf) = vpow2.f32 v1;
	v1 =	vimm.s32 $0x16;
	_ =	sdelay $0x3  }
0x59: {  	v2 =	vld.idx.msk [tilespmem:v2+s8+$0x0], $0xffff  }
0x5a: {  	v1 =	vld.idx.msk [tilespmem:v1+s8+$0x0], $0xffff;
	_ =	sdelay $0x3  }
0x5b: {  	v40 =	vpop (erf)  }
0x5c: {  	v41 =	vpop (erf);
	v1 =	vsub.f32 v2, v1  }
0x5d: {  	v2 =	vadd.f32 $1.000000000e+00, v41  }
0x5e: {  	v1 =	vmul.f32 $1.442695020e+00, v1  }
0x5f: {  	(erf) = vrcp.f32 v2  }
0x60: {  	(erf) = vpow2.f32 v1;
	_ =	sdelay $0x2  }
0x61: {  	s12 =	simm.s32 $0x10;
	v23 =	vmul.f32 v3, v0;
	v0 =	vsub.f32 $1.000000000e+00, v6  }
0x62: {  	v31 =	vmul.f32 v5, v4;
	v1 =	vsub.f32 $1.000000000e+00, v4;
	v4 =	vmov s12  }
0x63: {  	v27 =	vmul.f32 v7, v0;
	v0 =	vsub.f32 $1.000000000e+00, v28;
	v4 =	vmul.u32 $0x48, v4  }
0x64: {  	s30 =	simm.s32 $0x20  }
0x65: {  	s31 =	simm.s32 $0x30;
	v30 =	vmul.f32 v32, v0;
	v0 =	vbroadcast v4, $0x0;
	v4 =	vmov s30  }
0x66: {  	v44 =	vmov s31;
	v26 =	vmul.f32 v7, v6;
	v4 =	vmul.u32 $0x48, v4;
	v2 =	vpop (erf)  }
0x67: {  	v7 =	vsub.f32 $1.000000000e+00, v39;
	v29 =	vmul.f32 v5, v1;
	v6 =	vadd.s32 v15, v0;
	v1 =	vpop (erf)  }
0x68: {  	v42 =	vadd.s32 v11, v0;
	v4 =	vbroadcast v4, $0x0;
	v3 =	vadd.f32 $1.000000000e+00, v1  }
0x69: {  	v44 =	vmul.u32 $0x48, v44;
	v38 =	vmul.f32 v40, v7;
	v7 =	vadd.s32 v19, v0  }
0x6a: {  	v56 =	vmov s11;
	v43 =	vadd.s32 v11, v4;
	(erf) = vrcp.f32 v3  }
0x6b: {  	v56 =	vmul.u32 $0x48, v56;
	v44 =	vbroadcast v44, $0x0;
	v45 =	vadd.s32 v15, v4  }
0x6c: {  	v5 =	vsub.f32 $1.000000000e+00, v33;
	v48 =	vadd.s32 v18, v4;
	v6 =	vld.idx.msk [tilespmem:v6+s3+$0x0], $0xffff  }
0x6d: {  	v56 =	vbroadcast v56, $0x0;
	v51 =	vadd.s32 v11, v44;
	v49 =	vadd.s32 v19, v4;
	v42 =	vld.idx.msk [tilespmem:v42+s3+$0x0], $0xffff  }
0x6e: {  	v34 =	vmul.f32 v35, v5;
	v5 =	vsub.f32 $1.000000000e+00, v36;
	v53 =	vadd.s32 v17, v4;
	v7 =	vld.idx.msk [tilespmem:v7+s3+$0x0], $0xffff  }
0x6f: {  	v52 =	vadd.s32 v15, v44;
	v28 =	vmul.f32 v32, v28;
	v47 =	vadd.s32 v16, v4;
	v43 =	vld.idx.msk [tilespmem:v43+s3+$0x0], $0xffff  }
0x70: {  	v33 =	vmul.f32 v35, v33;
	v35 =	vmul.f32 v37, v5;
	v5 =	vadd.s32 v18, v0;
	v45 =	vld.idx.msk [tilespmem:v45+s3+$0x0], $0xffff  }
0x71: {  	v62 =	vsub.f32 $1.000000000e+00, v41;
	v50 =	vadd.s32 v21, v4;
	v4 =	vadd.s32 v20, v4;
	v48 =	vld.idx.msk [tilespmem:v48+s3+$0x0], $0xffff  }
0x72: {  	v32 =	vmul.f32 v40, v39;
	v36 =	vmul.f32 v37, v36;
	v46 =	vadd.s32 v20, v0;
	v49 =	vld.idx.msk [tilespmem:v49+s3+$0x0], $0xffff  }
0x73: {  	v39 =	vmul.f32 v2, v62;
	v37 =	vmul.f32 v2, v41;
	v63 =	vsub.f32 $1.000000000e+00, v1;
	v53 =	vld.idx.msk [tilespmem:v53+s3+$0x0], $0xffff;
	v2 =	vpop (erf)  }
0x74: {  	v54 =	vadd.s32 v17, v44;
	v47 =	vld.idx.msk [tilespmem:v47+s3+$0x0], $0xffff;
	v40 =	vmul.f32 v2, v1;
	v1 =	vadd.s32 v16, v0  }
0x75: {  	v6 =	vmul.f32 v6, v27;
	v41 =	vmul.f32 v2, v63;
	v2 =	vld.idx.msk [tilespmem:v5+s3+$0x0], $0xffff;
	v5 =	vadd.s32 v17, v0  }
0x76: {  	v55 =	vadd.s32 v18, v44;
	v57 =	vadd.s32 v19, v44;
	v3 =	vnsel vm1, $0x0, v23;
	v4 =	vld.idx.msk [tilespmem:v4+s3+$0x0], $0xffff  }
0x77: {  	v42 =	vmul.f32 v42, v29;
	v7 =	vmul.f32 v7, v38;
	v6 =	vadd.f32 v6, v26  }
0x78: {  	v46 =	vld.idx.msk [tilespmem:v46+s3+$0x0], $0xffff;
	v43 =	vmul.f32 v43, v29;
	v45 =	vmul.f32 v45, v27;
	v0 =	vadd.s32 v21, v0  }
0x79: {  	v42 =	vadd.f32 v42, v31;
	v58 =	vmul.f32 v48, v35;
	v59 =	vmul.f32 v49, v38;
	v1 =	vld.idx.msk [tilespmem:v1+s3+$0x0], $0xffff  }
0x7a: {  	v7 =	vadd.f32 v7, v32;
	v60 =	vmul.f32 v53, v34;
	v5 =	vld.idx.msk [tilespmem:v5+s3+$0x0], $0xffff;
	v2 =	vmul.f32 v2, v35  }
0x7b: {  	(xrf2) =	vadd.scan.msk.f32 $0xffff, v3;
	v3 =	vmul.f32 v47, v30;
	v4 =	vmul.f32 v4, v39;
	v45 =	vadd.f32 v45, v26  }
0x7c: {  	v6 =	vmul.f32 v6, v42;
	v43 =	vadd.f32 v43, v31;
	v2 =	vadd.f32 v2, v36  }
0x7d: {  	v42 =	vadd.s32 v21, v44;
	v61 =	vadd.f32 v59, v32;
	v49 =	vadd.f32 v60, v33;
	v0 =	vld.idx.msk [tilespmem:v0+s3+$0x0], $0xffff  }
0x7e: {  	v3 =	vadd.f32 v3, v28;
	v43 =	vmul.f32 v45, v43;
	v2 =	vmul.f32 v7, v2;
	v7 =	vld.idx.msk [tilespmem:v50+s3+$0x0], $0xffff  }
0x7f: {  	v45 =	vadd.f32 v58, v36;
	v5 =	vmul.f32 v5, v34;
	v1 =	vmul.f32 v1, v30  }
0x80: {  	v55 =	vld.idx.msk [tilespmem:v55+s3+$0x0], $0xffff;
	v60 =	vmul.f32 v46, v39;
	v4 =	vadd.f32 v4, v37;
	v50 =	vadd.s32 v20, v44  }
0x81: {  	v48 =	vld.idx.msk [tilespmem:v51+s3+$0x0], $0xffff;
	v47 =	vmul.f32 v61, v45;
	v5 =	vadd.f32 v5, v33;
	v1 =	vadd.f32 v1, v28  }
0x82: {  	v62 =	vld.idx.msk [tilespmem:v52+s3+$0x0], $0xffff;
	v63 =	vadd.s32 v18, v56;
	v45 =	vmul.f32 v49, v3;
	v0 =	vmul.f32 v0, v41  }
0x83: {  	v53 =	vld.idx.msk [tilespmem:v54+s3+$0x0], $0xffff;
	v1 =	vmul.f32 v5, v1;
	v5 =	vadd.s32 v11, v56;
	v7 =	vmul.f32 v7, v41  }
0x84: {  	v3 =	vadd.s32 v19, v56;
	v58 =	vld.idx.msk [tilespmem:v42+s3+$0x0], $0xffff;
	v61 =	vadd.f32 v60, v37;
	v0 =	vadd.f32 v0, v40  }
0x85: {  	v50 =	vld.idx.msk [tilespmem:v50+s3+$0x0], $0xffff;
	v7 =	vadd.f32 v7, v40;
	v46 =	vmul.f32 v1, v6;
	v1 =	vadd.s32 v17, v56  }
0x86: {  	v51 =	vadd.s32 v20, v56;
	v48 =	vmul.f32 v48, v29;
	v6 =	vld.idx.msk [tilespmem:v57+s3+$0x0], $0xffff  }
0x87: {  	v0 =	vmul.f32 v0, v61;
	v57 =	vld.idx.msk [tilespmem:v63+s3+$0x0], $0xffff;
	v4 =	vmul.f32 v7, v4;
	v7 =	vadd.s32 v21, v56  }
0x88: {  	v62 =	vmul.f32 v62, v27;
	v63 =	vadd.f32 v48, v31;
	v5 =	vld.idx.msk [tilespmem:v5+s3+$0x0], $0xffff  }
0x89: {  	v48 =	vmul.f32 v4, v47;
	v4 =	vadd.s32 v16, v44;
	v47 =	vld.idx.msk [tilespmem:v3+s3+$0x0], $0xffff;
	v3 =	vmul.f32 v55, v35  }
0x8a: {  	v59 =	vadd.s32 v16, v56;
	v49 =	vadd.f32 v62, v26;
	v60 =	vld.idx.msk [tilespmem:v1+s3+$0x0], $0xffff  }
0x8b: {  	v53 =	vmul.f32 v53, v34;
	v54 =	vmul.f32 v0, v2;
	v0, _, _ =	vpop (xrf2);
	v52 =	vadd.f32 v3, v36;
	v3 =	vld.idx.msk [tilespmem:v51+s3+$0x0], $0xffff  }
0x8c: {  	v49 =	vmul.f32 v49, v63;
	v42 =	vbroadcast v0, $0xF;
	v2 =	vld.idx.msk [tilespmem:v7+s3+$0x0], $0xffff  }
0x8d: {  	v53 =	vadd.f32 v53, v33;
	v0 =	vmul.f32 v58, v41;
	v5 =	vmul.f32 v5, v29  }
0x8e: {  	v44 =	vadd.s32 v15, v56;
	v1 =	vmul.f32 v50, v39;
	v7 =	vmul.f32 v57, v35;
	v56 =	vld.idx.msk [tilespmem:v4+s3+$0x0], $0xffff  }
0x8f: {  	s13 =	simm.s32 $0x40;
	v50 =	vmul.f32 v47, v38;
	v47 =	vadd.f32 v5, v31;
	v5 =	vmul.f32 v60, v34  }
0x90: {  	s14 =	simm.s32 $0x90E8;
	s11 =	simm.s32 $0x90A8;
	s12 =	simm.s32 $0x0;
	v55 =	vld.idx.msk [tilespmem:v59+s3+$0x0], $0xffff;
	v0 =	vadd.f32 v0, v40;
	v4 =	vmul.f32 v6, v38;
	v51 =	vadd.f32 v7, v36  }
.LBB2_4:
0x91: {  	s15 =	sadd.s32 $0x10, s13;
	s16 =	sadd.s32 $0x20, s13;
	s17 =	sadd.s32 $0x30, s13;
	v5 =	vadd.f32 v5, v33;
	v3 =	vmul.f32 v3, v39;
	v2 =	vmul.f32 v2, v41  }
0x92: {  	s12 =	sadd.s32 $0x4, s12;
	v4 =	vadd.f32 v4, v32;
	v6 =	vmov s15;
	v7 =	vmov s16  }
0x93: {  	v56 =	vmul.f32 v56, v30;
	p0 =	slt.u32 s12, $0x1C;
	v6 =	vmul.u32 $0x48, v6;
	v7 =	vmul.u32 $0x48, v7  }
0x94: {  	v43 =	vmul.f32 v45, v43;
	v1 =	vadd.f32 v1, v37;
	v57 =	vmov s17  }
0x95: {  	v45 =	vmul.u32 $0x48, v57;
	v56 =	vadd.f32 v56, v28;
	v6 =	vbroadcast v6, $0x0  }
0x96: {  	v2 =	vadd.f32 v2, v40;
	v43 =	vmul.f32 v48, v43;
	v7 =	vbroadcast v7, $0x0  }
0x97: {  	v3 =	vadd.f32 v3, v37;
	v48 =	vadd.s32 v11, v6;
	v57 =	vadd.s32 v15, v6  }
0x98: {  	v0 =	vmul.f32 v0, v1;
	v58 =	vadd.s32 v17, v6;
	v59 =	vadd.s32 v18, v6;
	v44 =	vld.idx.msk [tilespmem:v44+s3+$0x0], $0xffff  }
0x99: {  	v46 =	vmul.f32 v54, v46;
	v1 =	vadd.s32 v20, v6;
	v60 =	vadd.s32 v21, v6  }
0x9a: {  	v4 =	vmul.f32 v4, v52;
	v54 =	vadd.s32 v15, v7;
	v61 =	vadd.s32 v16, v7  }
0x9b: {  	v53 =	vmul.f32 v53, v56;
	v52 =	vadd.s32 v18, v7;
	v62 =	vadd.s32 v19, v7  }
0x9c: {  	v55 =	vmul.f32 v55, v30;
	v56 =	vadd.s32 v19, v6;
	v63 =	vadd.s32 v21, v7  }
0x9d: {  	v45 =	vbroadcast v45, $0x0;
	v0 =	vmul.f32 v0, v4;
	v8 =	vadd.s32 v11, v7;
	v57 =	vld.idx.msk [tilespmem:v57+s3+$0x0], $0xffff  }
0x9e: {  	v6 =	vadd.s32 v16, v6;
	v44 =	vmul.f32 v44, v27;
	v4 =	vld.idx.msk [tilespmem:v48+s3+$0x0], $0xffff;
	v48 =	vmul.f32 v53, v49  }
0x9f: {  	v50 =	vadd.f32 v50, v32;
	v53 =	vadd.s32 v11, v45;
	v49 =	vld.idx.msk [tilespmem:v59+s3+$0x0], $0xffff;
	v59 =	vadd.s32 v15, v45  }
0xa0: {  	v9 =	vadd.s32 v17, v7;
	v10 =	vadd.s32 v17, v45;
	v44 =	vadd.f32 v44, v26;
	v60 =	vld.idx.msk [tilespmem:v60+s3+$0x0], $0xffff  }
0xa1: {  	v50 =	vmul.f32 v50, v51;
	v12 =	vadd.s32 v18, v45;
	v13 =	vadd.s32 v19, v45;
	v63 =	vld.idx.msk [tilespmem:v63+s3+$0x0], $0xffff  }
0xa2: {  	v14 =	vadd.s32 v21, v45;
	v0 =	vmul.f32 v0, v48;
	v51 =	vld.idx.msk [tilespmem:v61+s3+$0x0], $0xffff;
	v61 =	vadd.s32 v20, v45  }
0xa3: {  	v2 =	vmul.f32 v2, v3;
	v55 =	vadd.f32 v55, v28;
	v48 =	vmul.f32 v57, v27;
	v6 =	vld.idx.msk [tilespmem:v6+s3+$0x0], $0xffff  }
0xa4: {  	v7 =	vadd.s32 v20, v7;
	v44 =	vmul.f32 v44, v47;
	v3 =	vmul.f32 v4, v29;
	v4 =	vld.idx.msk [tilespmem:v58+s3+$0x0], $0xffff  }
0xa5: {  	v2 =	vmul.f32 v2, v50;
	v47 =	vmov s13;
	v48 =	vadd.f32 v48, v26;
	v1 =	vld.idx.msk [tilespmem:v1+s3+$0x0], $0xffff  }
0xa6: {  	v5 =	vmul.f32 v5, v55;
	v47 =	vmul.u32 $0x48, v47;
	v49 =	vmul.f32 v49, v35;
	v50 =	vld.idx.msk [tilespmem:v56+s3+$0x0], $0xffff  }
0xa7: {  	v55 =	vadd.s32 v16, v45;
	v45 =	vmul.f32 v46, v42;
	v3 =	vadd.f32 v3, v31;
	v8 =	vld.idx.msk [tilespmem:v8+s3+$0x0], $0xffff  }
0xa8: {  	v0 =	vmul.f32 v0, v42;
	v46 =	vbroadcast v47, $0x0;
	v47 =	vadd.f32 v49, v36;
	v9 =	vld.idx.msk [tilespmem:v9+s3+$0x0], $0xffff  }
0xa9: {  	v5 =	vmul.f32 v5, v44;
	v3 =	vmul.f32 v48, v3;
	v48 =	vld.idx.msk [tilespmem:v52+s3+$0x0], $0xffff;
	[tilespmem:s11+$0xFFFFFFF0] =	vst v45  }
0xaa: {  	v49 =	vmul.f32 v60, v41;
	v45 =	vadd.s32 v11, v46;
	v52 =	vld.idx.msk [tilespmem:v54+s3+$0x0], $0xffff;
	[tilespmem:s11+$0x10] =	vst v0  }
0xab: {  	v2 =	vmul.f32 v2, v5;
	v4 =	vmul.f32 v4, v34;
	v0 =	vadd.s32 v18, v46;
	v7 =	vld.idx.msk [tilespmem:v7+s3+$0x0], $0xffff  }
0xac: {  	v5 =	vadd.s32 v19, v46;
	v6 =	vmul.f32 v6, v30;
	v44 =	vmul.f32 v50, v38;
	v50 =	vld.idx.msk [tilespmem:v62+s3+$0x0], $0xffff  }
0xad: {  	v2 =	vmul.f32 v2, v42;
	v54 =	vadd.s32 v20, v46;
	v4 =	vadd.f32 v4, v33;
	v10 =	vld.idx.msk [tilespmem:v10+s3+$0x0], $0xffff  }
0xae: {  	v56 =	vadd.s32 v21, v46;
	v8 =	vmul.f32 v8, v29;
	v57 =	vadd.f32 v44, v32;
	v53 =	vld.idx.msk [tilespmem:v53+s3+$0x0], $0xffff  }
0xaf: {  	v44 =	vadd.s32 v15, v46;
	v9 =	vmul.f32 v9, v34;
	[tilespmem:s11+$0xFFFFFFE0] =	vst v2;
	v2 =	vmul.f32 v43, v42  }
0xb0: {  	v58 =	vadd.s32 v17, v46;
	v48 =	vmul.f32 v48, v35;
	v43 =	vmul.f32 v52, v27;
	v12 =	vld.idx.msk [tilespmem:v12+s3+$0x0], $0xffff  }
0xb1: {  	v60 =	vadd.s32 v16, v46;
	v6 =	vadd.f32 v6, v28;
	v7 =	vmul.f32 v7, v39;
	[tilespmem:s11+$0x0] =	vst v2;
	s11 =	smov.u32 s14  }
0xb2: {  	v46 =	vmul.f32 v63, v41;
	v2 =	vadd.f32 v43, v26;
	v43 =	vmul.f32 v51, v30;
	v14 =	vld.idx.msk [tilespmem:v14+s3+$0x0], $0xffff  }
0xb3: {  	v8 =	vadd.f32 v8, v31;
	v48 =	vadd.f32 v48, v36;
	v50 =	vmul.f32 v50, v38;
	v51 =	vld.idx.msk [tilespmem:v59+s3+$0x0], $0xffff  }
0xb4: {  	v57 =	vmul.f32 v57, v47;
	v9 =	vadd.f32 v9, v33;
	v47 =	vadd.f32 v46, v40;
	v13 =	vld.idx.msk [tilespmem:v13+s3+$0x0], $0xffff  }
0xb5: {  	v10 =	vmul.f32 v10, v34;
	v46 =	vadd.f32 v50, v32;
	v50 =	vmul.f32 v53, v29;
	v53 =	vld.idx.msk [tilespmem:v61+s3+$0x0], $0xffff  }
0xb6: {  	v1 =	vmul.f32 v1, v39;
	v59 =	vld.idx.msk [tilespmem:v45+s3+$0x0], $0xffff;
	v45 =	vadd.f32 v43, v28;
	v43 =	vmul.f32 v2, v8  }
0xb7: {  	v2 =	vadd.f32 v7, v37;
	v8 =	vld.idx.msk [tilespmem:v0+s3+$0x0], $0xffff;
	v0 =	vmul.f32 v4, v6;
	v4 =	vmul.f32 v46, v48  }
0xb8: {  	v7 =	vmul.f32 v12, v35;
	v6 =	vadd.f32 v49, v40;
	v5 =	vld.idx.msk [tilespmem:v5+s3+$0x0], $0xffff;
	v45 =	vmul.f32 v9, v45  }
0xb9: {  	v9 =	vld.idx.msk [tilespmem:v58+s3+$0x0], $0xffff;
	v46 =	vmul.f32 v0, v3;
	v0 =	vmul.f32 v47, v2  }
0xba: {  	v12 =	vadd.f32 v1, v37;
	v49 =	vadd.f32 v50, v31;
	v14 =	vmul.f32 v14, v41;
	v2 =	vld.idx.msk [tilespmem:v56+s3+$0x0], $0xffff  }
0xbb: {  	v52 =	vadd.f32 v7, v36;
	v3 =	vld.idx.msk [tilespmem:v54+s3+$0x0], $0xffff;
	v48 =	vmul.f32 v0, v4;
	v4 =	vmul.f32 v51, v27  }
.Ltmp1:
0xbc: {  	v1 =	vmul.f32 v53, v39;
	v0 =	vadd.f32 v14, v40;
	v56 =	vld.idx.msk [tilespmem:v55+s3+$0x0], $0xffff;
	(pc) =	sbr.rel @p0 .LBB2_4-.Ltmp1, $4  }
0xbd: {  	v53 =	vadd.f32 v10, v33;
	v7 =	vmul.f32 v59, v29;
	v8 =	vmul.f32 v8, v35  }
0xbe: {  	v6 =	vmul.f32 v6, v12;
	v50 =	vmul.f32 v5, v38;
	v10 =	vadd.f32 v4, v26  }
0xbf: {  	v47 =	vadd.f32 v7, v31;
	v4 =	vmul.f32 v13, v38;
	v5 =	vmul.f32 v9, v34;
	v55 =	vld.idx.msk [tilespmem:v60+s3+$0x0], $0xffff  }
0xc0: {  	s13 =	sadd.s32 $0x40, s13;
	s14 =	sadd.s32 $0x40, s14;
	v54 =	vmul.f32 v6, v57;
	v51 =	vadd.f32 v8, v36;
	v49 =	vmul.f32 v10, v49  }
0xc1: {  	_ =	sdelay $0x3  }
0xc2: {  	v6 =	vld.idx.msk [tilespmem:v44+s3+$0x0], $0xffff  }
0xc3: {  	v7 =	vmul.f32 v56, v30  }
0xc4: {  	v2 =	vmul.f32 v2, v41;
	v1 =	vadd.f32 v1, v37;
	v4 =	vadd.f32 v4, v32  }
0xc5: {  	v3 =	vmul.f32 v3, v39;
	v9 =	vadd.f32 v50, v32;
	v7 =	vadd.f32 v7, v28  }
0xc6: {  	v2 =	vadd.f32 v2, v40;
	v0 =	vmul.f32 v0, v1;
	v4 =	vmul.f32 v4, v52  }
0xc7: {  	v1 =	vadd.f32 v3, v37;
	v3 =	vmul.f32 v55, v30;
	v6 =	vmul.f32 v6, v27  }
0xc8: {  	v5 =	vadd.f32 v5, v33;
	v9 =	vmul.f32 v9, v51;
	v7 =	vmul.f32 v53, v7  }
0xc9: {  	v1 =	vmul.f32 v2, v1;
	v3 =	vadd.f32 v3, v28;
	v6 =	vadd.f32 v6, v26  }
0xca: {  	v0 =	vmul.f32 v0, v4;
	v4 =	vmul.f32 v7, v49  }
0xcb: {  	v3 =	vmul.f32 v5, v3;
	v2 =	vmul.f32 v6, v47  }
0xcc: {  	v1 =	vmul.f32 v1, v9;
	v0 =	vmul.f32 v0, v4  }
0xcd: {  	v2 =	vmul.f32 v3, v2;
	v3 =	vmul.f32 v45, v43  }
0xce: {  	v0 =	vmul.f32 v0, v42  }
0xcf: {  	v1 =	vmul.f32 v1, v2;
	v2 =	vmul.f32 v48, v3;
	_ =	sdelay $0x1  }
0xd0: {  	[tilespmem:s11+$0x10] =	vst v0;
	v0 =	vmul.f32 v2, v42  }
0xd1: {  	v1 =	vmul.f32 v1, v42  }
0xd2: {  	v8 =	vmul.f32 v54, v46;
	[tilespmem:s11+$0x0] =	vst v0;
	v0 =	vimm.s32 $0x18  }
0xd3: {  	[tilespmem:s11+$0xFFFFFFE0] =	vst v1;
	v1 =	vimm.s32 $0x19  }
0xd4: {  	v4 =	vmul.f32 v8, v42;
	_ =	sdelay $0x1  }
0xd5: {  	[tilespmem:s11+$0xFFFFFFF0] =	vst v4  }
0xd6: {  	v0 =	vld.idx.msk [tilespmem:v0+s8+$0x0], $0xffff  }
0xd7: {  	v1 =	vld.idx.msk [tilespmem:v1+s8+$0x0], $0xffff;
	_ =	sdelay $0x4  }
0xd8: {  	v0 =	vsub.f32 v1, v0;
	_ =	sdelay $0x1  }
0xd9: {  	v0 =	vmul.f32 $1.442695020e+00, v0  }
0xda: {  	v1 =	vimm.s32 $0x1B  }
0xdb: {  	(erf) = vpow2.f32 v0;
	v0 =	vimm.s32 $0x1A;
	_ =	sdelay $0x3  }
0xdc: {  	v1 =	vld.idx.msk [tilespmem:v1+s8+$0x0], $0xffff  }
0xdd: {  	v0 =	vld.idx.msk [tilespmem:v0+s8+$0x0], $0xffff;
	_ =	sdelay $0x4  }
0xde: {  	v2 =	vpop (erf);
	v0 =	vsub.f32 v1, v0  }
0xdf: {  	v1 =	vadd.f32 $1.000000000e+00, v2  }
0xe0: {  	v0 =	vmul.f32 $1.442695020e+00, v0  }
0xe1: {  	(erf) = vrcp.f32 v1;
	v1 =	vimm.s32 $0x1D  }
0xe2: {  	(erf) = vpow2.f32 v0;
	v0 =	vimm.s32 $0x1C;
	_ =	sdelay $0x3  }
0xe3: {  	v1 =	vld.idx.msk [tilespmem:v1+s8+$0x0], $0xffff  }
0xe4: {  	v0 =	vld.idx.msk [tilespmem:v0+s8+$0x0], $0xffff;
	_ =	sdelay $0x3  }
0xe5: {  	v3 =	vpop (erf)  }
0xe6: {  	v4 =	vpop (erf);
	v0 =	vsub.f32 v1, v0  }
0xe7: {  	v1 =	vadd.f32 $1.000000000e+00, v4  }
0xe8: {  	v0 =	vmul.f32 $1.442695020e+00, v0  }
0xe9: {  	(erf) = vrcp.f32 v1;
	v1 =	vimm.s32 $0x1F  }
0xea: {  	(erf) = vpow2.f32 v0;
	v0 =	vimm.s32 $0x1E;
	_ =	sdelay $0x3  }
0xeb: {  	v1 =	vld.idx.msk [tilespmem:v1+s8+$0x0], $0xffff  }
0xec: {  	v0 =	vld.idx.msk [tilespmem:v0+s8+$0x0], $0xffff;
	_ =	sdelay $0x3  }
0xed: {  	v5 =	vpop (erf)  }
0xee: {  	v6 =	vpop (erf);
	v0 =	vsub.f32 v1, v0  }
0xef: {  	v1 =	vadd.f32 $1.000000000e+00, v6  }
0xf0: {  	v0 =	vmul.f32 $1.442695020e+00, v0  }
0xf1: {  	(erf) = vrcp.f32 v1;
	v1 =	vimm.s32 $0x21  }
0xf2: {  	(erf) = vpow2.f32 v0;
	v0 =	vimm.s32 $0x20;
	_ =	sdelay $0x3  }
0xf3: {  	v1 =	vld.idx.msk [tilespmem:v1+s8+$0x0], $0xffff  }
0xf4: {  	v0 =	vld.idx.msk [tilespmem:v0+s8+$0x0], $0xffff;
	_ =	sdelay $0x3  }
0xf5: {  	v7 =	vpop (erf)  }
0xf6: {  	v8 =	vpop (erf);
	v0 =	vsub.f32 v1, v0  }
0xf7: {  	v1 =	vadd.f32 $1.000000000e+00, v8  }
0xf8: {  	v0 =	vmul.f32 $1.442695020e+00, v0  }
0xf9: {  	(erf) = vrcp.f32 v1;
	v1 =	vimm.s32 $0x23  }
0xfa: {  	(erf) = vpow2.f32 v0;
	v0 =	vimm.s32 $0x22;
	_ =	sdelay $0x3  }
0xfb: {  	v1 =	vld.idx.msk [tilespmem:v1+s8+$0x0], $0xffff  }
0xfc: {  	v0 =	vld.idx.msk [tilespmem:v0+s8+$0x0], $0xffff;
	_ =	sdelay $0x3  }
0xfd: {  	v9 =	vpop (erf)  }
0xfe: {  	v10 =	vpop (erf);
	v0 =	vsub.f32 v1, v0  }
0xff: {  	v1 =	vadd.f32 $1.000000000e+00, v10  }
0x100: {  	v0 =	vmul.f32 $1.442695020e+00, v0  }
0x101: {  	(erf) = vrcp.f32 v1;
	v1 =	vimm.s32 $0x25  }
0x102: {  	(erf) = vpow2.f32 v0;
	v0 =	vimm.s32 $0x24;
	_ =	sdelay $0x3  }
0x103: {  	v1 =	vld.idx.msk [tilespmem:v1+s8+$0x0], $0xffff  }
0x104: {  	v0 =	vld.idx.msk [tilespmem:v0+s8+$0x0], $0xffff;
	_ =	sdelay $0x3  }
0x105: {  	v12 =	vpop (erf)  }
0x106: {  	v13 =	vpop (erf);
	v0 =	vsub.f32 v1, v0  }
0x107: {  	v1 =	vadd.f32 $1.000000000e+00, v13  }
0x108: {  	v0 =	vmul.f32 $1.442695020e+00, v0  }
0x109: {  	(erf) = vrcp.f32 v1;
	v1 =	vimm.s32 $0x27  }
0x10a: {  	(erf) = vpow2.f32 v0;
	v0 =	vimm.s32 $0x26;
	_ =	sdelay $0x3  }
0x10b: {  	v1 =	vld.idx.msk [tilespmem:v1+s8+$0x0], $0xffff  }
0x10c: {  	v0 =	vld.idx.msk [tilespmem:v0+s8+$0x0], $0xffff;
	_ =	sdelay $0x3  }
0x10d: {  	v14 =	vpop (erf)  }
0x10e: {  	v59 =	vpop (erf);
	v0 =	vsub.f32 v1, v0  }
0x10f: {  	v1 =	vadd.f32 $1.000000000e+00, v59  }
0x110: {  	v0 =	vmul.f32 $1.442695020e+00, v0  }
0x111: {  	(erf) = vrcp.f32 v1  }
0x112: {  	(erf) = vpow2.f32 v0;
	_ =	sdelay $0x2  }
0x113: {  	v1 =	vsub.f32 $1.000000000e+00, v4;
	_ =	sdelay $0x1  }
0x114: {  	v27 =	vmul.f32 v5, v1;
	v1 =	vsub.f32 $1.000000000e+00, v8  }
0x115: {  	v0 =	vsub.f32 $1.000000000e+00, v2  }
0x116: {  	s29 =	simm.s32 $0x10;
	v29 =	vmul.f32 v3, v2;
	v26 =	vmul.f32 v5, v4  }
0x117: {  	s28 =	simm.s32 $0x0;
	v5 =	vmov s29;
	v28 =	vmul.f32 v3, v0;
	v0 =	vsub.f32 $1.000000000e+00, v6;
	v2 =	vpop (erf)  }
0x118: {  	v4 =	vmov s28;
	v5 =	vmul.u32 $0x48, v5;
	v32 =	vmul.f32 v9, v1;
	v1 =	vpop (erf)  }
0x119: {  	v31 =	vmul.f32 v7, v0;
	v0 =	vsub.f32 $1.000000000e+00, v10;
	v3 =	vadd.f32 $1.000000000e+00, v1  }
0x11a: {  	v4 =	vmul.u32 $0x48, v4;
	v5 =	vbroadcast v5, $0x0  }
0x11b: {  	v35 =	vmul.f32 v12, v0;
	v0 =	vsub.f32 $1.000000000e+00, v13;
	(erf) = vrcp.f32 v3  }
0x11c: {  	v38 =	vadd.s32 $0x9, v11;
	v39 =	vadd.s32 $0xA, v11;
	v43 =	vadd.s32 $0xF, v11  }
0x11d: {  	v61 =	vadd.s32 v43, v5;
	v37 =	vmul.f32 v14, v0;
	v0 =	vbroadcast v4, $0x0  }
0x11e: {  	v41 =	vadd.s32 $0x8, v11;
	v40 =	vadd.s32 $0xB, v11;
	v62 =	vadd.s32 v38, v5  }
0x11f: {  	v48 =	vadd.s32 $0xE, v11;
	v30 =	vmul.f32 v7, v6;
	v6 =	vadd.s32 v38, v0  }
0x120: {  	s30 =	simm.s32 $0x20;
	v34 =	vmul.f32 v9, v8;
	v33 =	vmul.f32 v12, v10;
	v10 =	vadd.s32 v41, v0  }
0x121: {  	v8 =	vmov s30;
	v4 =	vsub.f32 $1.000000000e+00, v59;
	v7 =	vadd.s32 v39, v0  }
0x122: {  	v36 =	vmul.f32 v14, v13;
	v8 =	vmul.u32 $0x48, v8;
	v9 =	vadd.s32 v40, v0;
	v13 =	vld.idx.msk [tilespmem:v61+s3+$0x0], $0xffff  }
0x123: {  	v63 =	vadd.s32 v48, v5;
	v44 =	vmul.f32 v2, v4;
	v4 =	vsub.f32 $1.000000000e+00, v1;
	v14 =	vld.idx.msk [tilespmem:v62+s3+$0x0], $0xffff  }
0x124: {  	v8 =	vbroadcast v8, $0x0;
	v17 =	vadd.s32 v39, v5;
	v45 =	vmul.f32 v2, v59;
	v6 =	vld.idx.msk [tilespmem:v6+s3+$0x0], $0xffff;
	v2 =	vpop (erf)  }
0x125: {  	s31 =	simm.s32 $0x30;
	v16 =	vadd.s32 v41, v5;
	v46 =	vmul.f32 v2, v4;
	v4 =	vld.idx.msk [tilespmem:v10+s3+$0x0], $0xffff  }
0x126: {  	v42 =	vadd.s32 $0xC, v11;
	v18 =	vadd.s32 v38, v8;
	v59 =	vmov s31;
	v7 =	vld.idx.msk [tilespmem:v7+s3+$0x0], $0xffff  }
0x127: {  	v19 =	vadd.s32 v40, v8;
	v59 =	vmul.u32 $0x48, v59;
	v47 =	vmul.f32 v2, v1;
	v2 =	vld.idx.msk [tilespmem:v9+s3+$0x0], $0xffff  }
0x128: {  	v49 =	vadd.s32 $0xD, v11;
	v55 =	vadd.s32 v42, v5;
	v57 =	vadd.s32 v42, v8;
	v50 =	vld.idx.msk [tilespmem:v63+s3+$0x0], $0xffff  }
0x129: {  	v58 =	vadd.s32 v43, v8;
	v60 =	vadd.s32 v42, v0;
	v53 =	vld.idx.msk [tilespmem:v17+s3+$0x0], $0xffff;
	v59 =	vbroadcast v59, $0x0  }
0x12a: {  	v51 =	vadd.s32 v43, v0;
	v52 =	vld.idx.msk [tilespmem:v16+s3+$0x0], $0xffff;
	v6 =	vmul.f32 v6, v27;
	v4 =	vmul.f32 v4, v28  }
0x12b: {  	v54 =	vld.idx.msk [tilespmem:v18+s3+$0x0], $0xffff;
	v3 =	vsel vm2, $0x0, v23;
	v7 =	vmul.f32 v7, v31;
	v1 =	vadd.s32 v40, v5  }
0x12c: {  	v17 =	vld.idx.msk [tilespmem:v19+s3+$0x0], $0xffff;
	v6 =	vadd.f32 v6, v26;
	v2 =	vmul.f32 v2, v32;
	v4 =	vadd.f32 v4, v29  }
0x12d: {  	v57 =	vld.idx.msk [tilespmem:v57+s3+$0x0], $0xffff;
	v62 =	vadd.s32 v40, v59;
	v10 =	vadd.s32 v49, v0;
	v7 =	vadd.f32 v7, v30  }
0x12e: {  	(xrf2) =	vadd.scan.msk.f32 $0xffff, v3;
	v2 =	vadd.f32 v2, v34;
	v4 =	vmul.f32 v6, v4;
	v6 =	vadd.s32 v48, v8  }
0x12f: {  	v12 =	vld.idx.msk [tilespmem:v60+s3+$0x0], $0xffff;
	v3 =	vmul.f32 v14, v27;
	v16 =	vmul.f32 v50, v44;
	v9 =	vadd.s32 v41, v8  }
0x130: {  	v60 =	vld.idx.msk [tilespmem:v58+s3+$0x0], $0xffff;
	v2 =	vmul.f32 v2, v7;
	v7 =	vadd.s32 v39, v8;
	v8 =	vadd.s32 v49, v8  }
0x131: {  	v18 =	vadd.s32 v48, v59;
	v52 =	vmul.f32 v52, v28;
	v54 =	vmul.f32 v54, v27;
	v1 =	vld.idx.msk [tilespmem:v1+s3+$0x0], $0xffff  }
0x132: {  	v19 =	vadd.s32 v49, v59;
	v63 =	vmul.f32 v17, v32;
	v13 =	vmul.f32 v13, v46;
	v10 =	vld.idx.msk [tilespmem:v10+s3+$0x0], $0xffff  }
0x133: {  	v57 =	vmul.f32 v57, v35;
	v3 =	vadd.f32 v3, v26;
	v52 =	vadd.f32 v52, v29;
	v6 =	vld.idx.msk [tilespmem:v6+s3+$0x0], $0xffff  }
0x134: {  	v14 =	vadd.f32 v16, v45;
	v16 =	vld.idx.msk [tilespmem:v55+s3+$0x0], $0xffff;
	v0 =	vadd.s32 v48, v0;
	v13 =	vadd.f32 v13, v47  }
0x135: {  	v61 =	vadd.f32 v54, v26;
	v58 =	vmul.f32 v3, v52;
	v12 =	vmul.f32 v12, v35;
	v8 =	vld.idx.msk [tilespmem:v8+s3+$0x0], $0xffff  }
0x136: {  	v3 =	vld.idx.msk [tilespmem:v51+s3+$0x0], $0xffff;
	v5 =	vadd.s32 v49, v5;
	v17 =	vmul.f32 v60, v46;
	v56 =	vmul.f32 v13, v14  }
0x137: {  	v51 =	vld.idx.msk [tilespmem:v18+s3+$0x0], $0xffff;
	v12 =	vadd.f32 v12, v33;
	v1 =	vmul.f32 v1, v32;
	v10 =	vmul.f32 v10, v37  }
0x138: {  	v9 =	vld.idx.msk [tilespmem:v9+s3+$0x0], $0xffff;
	v50 =	vmul.f32 v2, v4;
	v2 =	vadd.s32 v41, v59;
	v6 =	vmul.f32 v6, v44  }
0x139: {  	v0 =	vld.idx.msk [tilespmem:v0+s3+$0x0], $0xffff;
	v4 =	vmul.f32 v53, v31;
	v53 =	vadd.f32 v17, v47;
	v10 =	vadd.f32 v10, v36  }
0x13a: {  	v1 =	vadd.f32 v1, v34;
	v7 =	vld.idx.msk [tilespmem:v7+s3+$0x0], $0xffff;
	v8 =	vmul.f32 v8, v37;
	v6 =	vadd.f32 v6, v45  }
0x13b: {  	v5 =	vld.idx.msk [tilespmem:v5+s3+$0x0], $0xffff;
	v4 =	vadd.f32 v4, v30;
	v54 =	vmul.f32 v10, v12;
	v10 =	vadd.s32 v43, v59  }
0x13c: {  	v14 =	vld.idx.msk [tilespmem:v62+s3+$0x0], $0xffff;
	v8 =	vadd.f32 v8, v36;
	v55 =	vmul.f32 v53, v6;
	v6 =	vadd.f32 v57, v33  }
0x13d: {  	v9 =	vmul.f32 v9, v28;
	v60 =	vmul.f32 v1, v4;
	v1 =	vadd.s32 v38, v59;
	v2 =	vld.idx.msk [tilespmem:v2+s3+$0x0], $0xffff  }
0x13e: {  	v3 =	vmul.f32 v3, v46;
	v57 =	vmul.f32 v8, v6;
	v6 =	vadd.s32 v42, v59  }
0x13f: {  	v18 =	vmul.f32 v51, v44;
	v9 =	vadd.f32 v9, v29;
	v7 =	vmul.f32 v7, v31  }
0x140: {  	v52 =	vadd.f32 v63, v34;
	v0 =	vmul.f32 v0, v44;
	v5 =	vmul.f32 v5, v37;
	v4 =	vld.idx.msk [tilespmem:v10+s3+$0x0], $0xffff  }
0x141: {  	v9 =	vmul.f32 v61, v9;
	v10 =	vld.idx.msk [tilespmem:v19+s3+$0x0], $0xffff;
	v7 =	vadd.f32 v7, v30;
	v8 =	vadd.s32 v39, v59  }
0x142: {  	v63 =	vld.idx.msk [tilespmem:v1+s3+$0x0], $0xffff;
	v1 =	vmul.f32 v14, v32;
	v19 =	vmul.f32 v2, v28;
	v2, _, _ =	vpop (xrf2)  }
0x143: {  	v61 =	vadd.f32 v5, v36;
	v51 =	vbroadcast v2, $0xF;
	v7 =	vmul.f32 v52, v7;
	v2 =	vld.idx.msk [tilespmem:v6+s3+$0x0], $0xffff  }
0x144: {  	v1 =	vadd.f32 v1, v34;
	v52 =	vadd.f32 v3, v47;
	v3 =	vmul.f32 v16, v35  }
0x145: {  	v62 =	vadd.f32 v19, v29;
	v53 =	vmul.f32 v7, v9;
	v7 =	vmul.f32 v4, v46  }
0x146: {  	s12 =	simm.s32 $0x0;
	v59 =	vadd.f32 v0, v45;
	v0 =	vadd.f32 v3, v33;
	v4 =	vld.idx.msk [tilespmem:v8+s3+$0x0], $0xffff  }
0x147: {  	s13 =	simm.s32 $0x90F8;
	s14 =	simm.s32 $0x70;
	s11 =	simm.s32 $0x90B8;
	v5 =	vmul.f32 v10, v37;
	v3 =	vadd.f32 v18, v45;
	v6 =	vadd.f32 v7, v47  }
.LBB2_6:
0x148: {  	s15 =	sadd.s32 $0xFFFFFFD0, s14;
	s16 =	sadd.s32 $0xFFFFFFE0, s14;
	s17 =	sadd.s32 $0xFFFFFFF0, s14;
	v2 =	vmul.f32 v2, v35  }
0x149: {  	s12 =	sadd.s32 $0x4, s12;
	v7 =	vmov s15;
	v8 =	vmov s16;
	v3 =	vmul.f32 v6, v3  }
0x14a: {  	p0 =	slt.u32 s12, $0x1C;
	v5 =	vadd.f32 v5, v36;
	v6 =	vmul.u32 $0x48, v7;
	v7 =	vmul.u32 $0x48, v8  }
0x14b: {  	v4 =	vmul.f32 v4, v31  }
0x14c: {  	v8 =	vmov s17;
	v2 =	vadd.f32 v2, v33;
	v6 =	vbroadcast v6, $0x0  }
0x14d: {  	v4 =	vadd.f32 v4, v30  }
0x14e: {  	v12 =	vmul.f32 v63, v27;
	v9 =	vadd.s32 v41, v6;
	v10 =	vadd.s32 v38, v6  }
0x14f: {  	v0 =	vmul.f32 v61, v0  }
0x150: {  	v12 =	vadd.f32 v12, v26;
	v13 =	vadd.s32 v42, v6;
	v14 =	vadd.s32 v49, v6  }
0x151: {  	v1 =	vmul.f32 v1, v4;
	v61 =	vadd.s32 v40, v6;
	v63 =	vadd.s32 v43, v6  }
0x152: {  	v0 =	vmul.f32 v56, v0;
	v7 =	vbroadcast v7, $0x0;
	v4 =	vadd.s32 v39, v6  }
0x153: {  	v56 =	vmul.f32 v60, v58;
	v8 =	vmul.u32 $0x48, v8;
	v6 =	vadd.s32 v48, v6;
	v10 =	vld.idx.msk [tilespmem:v10+s3+$0x0], $0xffff  }
0x154: {  	v12 =	vmul.f32 v12, v62;
	v58 =	vadd.s32 v41, v7;
	v60 =	vadd.s32 v38, v7;
	v9 =	vld.idx.msk [tilespmem:v9+s3+$0x0], $0xffff  }
0x155: {  	v2 =	vmul.f32 v5, v2;
	v62 =	vadd.s32 v39, v7;
	v15 =	vadd.s32 v43, v7;
	v13 =	vld.idx.msk [tilespmem:v13+s3+$0x0], $0xffff  }
0x156: {  	v0 =	vmul.f32 v0, v56;
	v8 =	vbroadcast v8, $0x0;
	v5 =	vld.idx.msk [tilespmem:v63+s3+$0x0], $0xffff;
	v63 =	vadd.s32 v40, v7  }
0x157: {  	v56 =	vadd.s32 v42, v7;
	v16 =	vadd.s32 v49, v7;
	v1 =	vmul.f32 v1, v12;
	v14 =	vld.idx.msk [tilespmem:v14+s3+$0x0], $0xffff  }
0x158: {  	v2 =	vmul.f32 v3, v2;
	v12 =	vadd.s32 v41, v8;
	v25 =	vadd.s32 v38, v8;
	v6 =	vld.idx.msk [tilespmem:v6+s3+$0x0], $0xffff  }
0x159: {  	v0 =	vmul.f32 v0, v51;
	v24 =	vadd.s32 v42, v8;
	v3 =	vld.idx.msk [tilespmem:v4+s3+$0x0], $0xffff;
	v4 =	vadd.s32 v40, v8  }
0x15a: {  	v17 =	vadd.s32 v48, v8;
	v18 =	vadd.s32 v43, v8;
	v1 =	vmul.f32 v2, v1;
	v15 =	vld.idx.msk [tilespmem:v15+s3+$0x0], $0xffff  }
0x15b: {  	v52 =	vmul.f32 v52, v59;
	v2 =	vmul.f32 v9, v28;
	v9 =	vld.idx.msk [tilespmem:v61+s3+$0x0], $0xffff;
	v61 =	vadd.s32 v49, v8  }
0x15c: {  	v1 =	vmul.f32 v1, v51;
	v7 =	vadd.s32 v48, v7;
	v10 =	vmul.f32 v10, v27;
	v59 =	vld.idx.msk [tilespmem:v60+s3+$0x0], $0xffff  }
0x15d: {  	v52 =	vmul.f32 v52, v54;
	v8 =	vadd.s32 v39, v8;
	v60 =	vld.idx.msk [tilespmem:v63+s3+$0x0], $0xffff  }
0x15e: {  	v10 =	vadd.f32 v10, v26;
	v5 =	vmul.f32 v5, v46;
	v12 =	vld.idx.msk [tilespmem:v12+s3+$0x0], $0xffff  }
0x15f: {  	v13 =	vmul.f32 v13, v35;
	v3 =	vmul.f32 v3, v31;
	v54 =	vld.idx.msk [tilespmem:v62+s3+$0x0], $0xffff;
	v62 =	vmov s14  }
0x160: {  	v55 =	vmul.f32 v55, v57;
	v15 =	vmul.f32 v15, v46;
	v24 =	vld.idx.msk [tilespmem:v24+s3+$0x0], $0xffff;
	v62 =	vmul.u32 $0x48, v62  }
0x161: {  	v50 =	vmul.f32 v52, v50;
	v2 =	vadd.f32 v2, v29;
	v9 =	vmul.f32 v9, v32;
	[tilespmem:s11+$0x0] =	vst.add.f32.msk $0xffff, v1  }
0x162: {  	v57 =	vmul.f32 v59, v27;
	v1 =	vld.idx.msk [tilespmem:v58+s3+$0x0], $0xffff;
	v58 =	vbroadcast v62, $0x0  }
0x163: {  	v13 =	vadd.f32 v13, v33;
	v9 =	vadd.f32 v9, v34;
	v52 =	vmul.f32 v60, v32;
	v18 =	vld.idx.msk [tilespmem:v18+s3+$0x0], $0xffff  }
0x164: {  	v3 =	vadd.f32 v3, v30;
	v7 =	vld.idx.msk [tilespmem:v7+s3+$0x0], $0xffff;
	v59 =	vadd.s32 v41, v58;
	v60 =	vadd.s32 v38, v58  }
0x165: {  	v54 =	vmul.f32 v54, v31;
	v62 =	vadd.s32 v40, v58;
	v63 =	vadd.s32 v48, v58;
	v61 =	vld.idx.msk [tilespmem:v61+s3+$0x0], $0xffff  }
0x166: {  	v19 =	vadd.f32 v52, v34;
	v20 =	vadd.s32 v39, v58;
	v21 =	vadd.s32 v42, v58;
	v25 =	vld.idx.msk [tilespmem:v25+s3+$0x0], $0xffff  }
0x167: {  	v14 =	vmul.f32 v14, v37;
	v52 =	vadd.f32 v5, v47;
	v5 =	vld.idx.msk [tilespmem:v8+s3+$0x0], $0xffff;
	v8 =	vadd.s32 v49, v58  }
0x168: {  	v50 =	vmul.f32 v50, v51;
	v1 =	vmul.f32 v1, v28;
	v58 =	vadd.s32 v43, v58;
	v17 =	vld.idx.msk [tilespmem:v17+s3+$0x0], $0xffff  }
0x169: {  	v14 =	vadd.f32 v14, v36;
	v3 =	vmul.f32 v9, v3;
	v9 =	vmul.f32 v55, v53;
	v4 =	vld.idx.msk [tilespmem:v4+s3+$0x0], $0xffff  }
0x16a: {  	v2 =	vmul.f32 v10, v2;
	v10 =	vadd.f32 v57, v26;
	v7 =	vmul.f32 v7, v44;
	[tilespmem:s11+$0xFFFFFFD0] =	vst.add.f32.msk $0xffff, v50  }
0x16b: {  	v24 =	vmul.f32 v24, v35;
	v9 =	vmul.f32 v9, v51;
	v53 =	vld.idx.msk [tilespmem:v56+s3+$0x0], $0xffff  }
0x16c: {  	v1 =	vadd.f32 v1, v29;
	v50 =	vmul.f32 v3, v2;
	v3 =	vmul.f32 v61, v37;
	v2 =	vld.idx.msk [tilespmem:v16+s3+$0x0], $0xffff  }
0x16d: {  	v15 =	vadd.f32 v15, v47;
	v7 =	vadd.f32 v7, v45;
	v5 =	vmul.f32 v5, v31;
	[tilespmem:s11+$0xFFFFFFF0] =	vst.add.f32.msk $0xffff, v9  }
0x16e: {  	v16 =	vadd.f32 v24, v33;
	v9 =	vmul.f32 v25, v27;
	v17 =	vmul.f32 v17, v44;
	[tilespmem:s11+$0xFFFFFFE0] =	vst.add.f32.msk $0xffff, v0;
	s11 =	smov.u32 s13  }
0x16f: {  	v24 =	vadd.f32 v3, v36;
	v3 =	vmul.f32 v18, v46;
	v0 =	vmul.f32 v4, v32;
	v4 =	vld.idx.msk [tilespmem:v62+s3+$0x0], $0xffff  }
0x170: {  	v56 =	vmul.f32 v15, v7;
	v7 =	vmul.f32 v12, v28;
	v12 =	vadd.f32 v17, v45;
	v15 =	vld.idx.msk [tilespmem:v63+s3+$0x0], $0xffff  }
0x171: {  	v6 =	vmul.f32 v6, v44;
	v17 =	vadd.f32 v54, v30;
	v18 =	vmul.f32 v53, v35;
	v25 =	vld.idx.msk [tilespmem:v59+s3+$0x0], $0xffff  }
0x172: {  	v53 =	vmul.f32 v2, v37;
	v2 =	vadd.f32 v7, v29;
	v7 =	vadd.f32 v9, v26;
	v9 =	vld.idx.msk [tilespmem:v58+s3+$0x0], $0xffff  }
0x173: {  	v59 =	vadd.f32 v6, v45;
	v58 =	vmul.f32 v10, v1;
	v1 =	vadd.f32 v5, v30;
	v5 =	vld.idx.msk [tilespmem:v8+s3+$0x0], $0xffff  }
0x174: {  	v3 =	vadd.f32 v3, v47;
	v6 =	vadd.f32 v0, v34;
	v7 =	vmul.f32 v7, v2;
	v63 =	vld.idx.msk [tilespmem:v60+s3+$0x0], $0xffff  }
0x175: {  	v54 =	vmul.f32 v14, v13;
	v0 =	vadd.f32 v18, v33;
	v8 =	vmul.f32 v4, v32;
	v2 =	vld.idx.msk [tilespmem:v21+s3+$0x0], $0xffff  }
.Ltmp2:
0x176: {  	v61 =	vadd.f32 v53, v36;
	v1 =	vmul.f32 v6, v1;
	v6 =	vmul.f32 v15, v44;
	(pc) =	sbr.rel @p0 .LBB2_6-.Ltmp2, $4  }
0x177: {  	v55 =	vmul.f32 v3, v12;
	v10 =	vmul.f32 v25, v28;
	v4 =	vld.idx.msk [tilespmem:v20+s3+$0x0], $0xffff  }
0x178: {  	v60 =	vmul.f32 v19, v17;
	v3 =	vadd.f32 v6, v45;
	v6 =	vmul.f32 v9, v46  }
0x179: {  	v57 =	vmul.f32 v24, v16;
	v53 =	vmul.f32 v1, v7;
	v62 =	vadd.f32 v10, v29  }
0x17a: {  	s14 =	sadd.s32 $0x40, s14;
	s13 =	sadd.s32 $0x40, s13;
	v1 =	vadd.f32 v8, v34;
	v5 =	vmul.f32 v5, v37;
	v6 =	vadd.f32 v6, v47  }
0x17b: {  	v2 =	vmul.f32 v2, v35  }
0x17c: {  	v7 =	vmul.f32 v63, v27;
	v4 =	vmul.f32 v4, v31  }
0x17d: {  	v5 =	vadd.f32 v5, v36;
	v2 =	vadd.f32 v2, v33  }
0x17e: {  	v7 =	vadd.f32 v7, v26;
	v4 =	vadd.f32 v4, v30  }
0x17f: {  	v3 =	vmul.f32 v6, v3;
	v2 =	vmul.f32 v5, v2  }
0x180: {  	v1 =	vmul.f32 v1, v4;
	v4 =	vmul.f32 v7, v62  }
0x181: {  	v0 =	vmul.f32 v61, v0  }
0x182: {  	v2 =	vmul.f32 v3, v2;
	v1 =	vmul.f32 v1, v4  }
0x183: {  	v0 =	vmul.f32 v56, v0;
	v4 =	vmul.f32 v60, v58  }
0x184: {  	v1 =	vmul.f32 v2, v1;
	v2 =	vmul.f32 v55, v57  }
0x185: {  	v5 =	vmul.f32 v52, v59;
	v0 =	vmul.f32 v0, v4  }
0x186: {  	v1 =	vmul.f32 v1, v51;
	v2 =	vmul.f32 v2, v53  }
0x187: {  	v3 =	vmul.f32 v5, v54;
	v0 =	vmul.f32 v0, v51  }
0x188: {  	[tilespmem:s11+$0x0] =	vst.add.f32.msk $0xffff, v1;
	v1 =	vmul.f32 v2, v51  }
0x189: {  	v3 =	vmul.f32 v3, v50;
	[tilespmem:s11+$0xFFFFFFE0] =	vst.add.f32.msk $0xffff, v0;
	v0 =	vimm.s32 $0x28  }
0x18a: {  	[tilespmem:s11+$0xFFFFFFF0] =	vst.add.f32.msk $0xffff, v1;
	v1 =	vimm.s32 $0x29  }
0x18b: {  	v3 =	vmul.f32 v3, v51;
	_ =	sdelay $0x1  }
0x18c: {  	[tilespmem:s11+$0xFFFFFFD0] =	vst.add.f32.msk $0xffff, v3  }
0x18d: {  	v0 =	vld.idx.msk [tilespmem:v0+s8+$0x0], $0xffff  }
0x18e: {  	v1 =	vld.idx.msk [tilespmem:v1+s8+$0x0], $0xffff;
	_ =	sdelay $0x4  }
0x18f: {  	v0 =	vsub.f32 v1, v0;
	_ =	sdelay $0x1  }
0x190: {  	v0 =	vmul.f32 $1.442695020e+00, v0  }
0x191: {  	v1 =	vimm.s32 $0x2B  }
0x192: {  	(erf) = vpow2.f32 v0;
	v0 =	vimm.s32 $0x2A;
	_ =	sdelay $0x3  }
0x193: {  	v1 =	vld.idx.msk [tilespmem:v1+s8+$0x0], $0xffff  }
0x194: {  	v0 =	vld.idx.msk [tilespmem:v0+s8+$0x0], $0xffff;
	_ =	sdelay $0x4  }
0x195: {  	v2 =	vpop (erf);
	v0 =	vsub.f32 v1, v0  }
0x196: {  	v1 =	vadd.f32 $1.000000000e+00, v2  }
0x197: {  	v0 =	vmul.f32 $1.442695020e+00, v0  }
0x198: {  	(erf) = vrcp.f32 v1;
	v1 =	vimm.s32 $0x2D  }
0x199: {  	(erf) = vpow2.f32 v0;
	v0 =	vimm.s32 $0x2C;
	_ =	sdelay $0x3  }
0x19a: {  	v1 =	vld.idx.msk [tilespmem:v1+s8+$0x0], $0xffff  }
0x19b: {  	v0 =	vld.idx.msk [tilespmem:v0+s8+$0x0], $0xffff;
	_ =	sdelay $0x3  }
0x19c: {  	v3 =	vpop (erf)  }
0x19d: {  	v4 =	vpop (erf);
	v0 =	vsub.f32 v1, v0  }
0x19e: {  	v1 =	vadd.f32 $1.000000000e+00, v4  }
0x19f: {  	v0 =	vmul.f32 $1.442695020e+00, v0  }
0x1a0: {  	(erf) = vrcp.f32 v1;
	v1 =	vimm.s32 $0x2F  }
0x1a1: {  	(erf) = vpow2.f32 v0;
	v0 =	vimm.s32 $0x2E;
	_ =	sdelay $0x3  }
0x1a2: {  	v1 =	vld.idx.msk [tilespmem:v1+s8+$0x0], $0xffff  }
0x1a3: {  	v0 =	vld.idx.msk [tilespmem:v0+s8+$0x0], $0xffff;
	_ =	sdelay $0x3  }
0x1a4: {  	v5 =	vpop (erf)  }
0x1a5: {  	v6 =	vpop (erf);
	v0 =	vsub.f32 v1, v0  }
0x1a6: {  	v1 =	vadd.f32 $1.000000000e+00, v6  }
0x1a7: {  	v0 =	vmul.f32 $1.442695020e+00, v0  }
0x1a8: {  	(erf) = vrcp.f32 v1;
	v1 =	vimm.s32 $0x31  }
0x1a9: {  	(erf) = vpow2.f32 v0;
	v0 =	vimm.s32 $0x30;
	_ =	sdelay $0x3  }
0x1aa: {  	v1 =	vld.idx.msk [tilespmem:v1+s8+$0x0], $0xffff  }
0x1ab: {  	v0 =	vld.idx.msk [tilespmem:v0+s8+$0x0], $0xffff;
	_ =	sdelay $0x3  }
0x1ac: {  	v7 =	vpop (erf)  }
0x1ad: {  	v8 =	vpop (erf);
	v0 =	vsub.f32 v1, v0  }
0x1ae: {  	v1 =	vadd.f32 $1.000000000e+00, v8  }
0x1af: {  	v0 =	vmul.f32 $1.442695020e+00, v0  }
0x1b0: {  	(erf) = vrcp.f32 v1;
	v1 =	vimm.s32 $0x33  }
0x1b1: {  	(erf) = vpow2.f32 v0;
	v0 =	vimm.s32 $0x32;
	_ =	sdelay $0x3  }
0x1b2: {  	v1 =	vld.idx.msk [tilespmem:v1+s8+$0x0], $0xffff  }
0x1b3: {  	v0 =	vld.idx.msk [tilespmem:v0+s8+$0x0], $0xffff;
	_ =	sdelay $0x3  }
0x1b4: {  	v9 =	vpop (erf)  }
0x1b5: {  	v10 =	vpop (erf);
	v0 =	vsub.f32 v1, v0  }
0x1b6: {  	v1 =	vadd.f32 $1.000000000e+00, v10  }
0x1b7: {  	v0 =	vmul.f32 $1.442695020e+00, v0  }
0x1b8: {  	(erf) = vrcp.f32 v1;
	v1 =	vimm.s32 $0x35  }
0x1b9: {  	(erf) = vpow2.f32 v0;
	v0 =	vimm.s32 $0x34;
	_ =	sdelay $0x3  }
0x1ba: {  	v1 =	vld.idx.msk [tilespmem:v1+s8+$0x0], $0xffff  }
0x1bb: {  	v0 =	vld.idx.msk [tilespmem:v0+s8+$0x0], $0xffff;
	_ =	sdelay $0x3  }
0x1bc: {  	v12 =	vpop (erf)  }
0x1bd: {  	v13 =	vpop (erf);
	v0 =	vsub.f32 v1, v0  }
0x1be: {  	v1 =	vadd.f32 $1.000000000e+00, v13  }
0x1bf: {  	v0 =	vmul.f32 $1.442695020e+00, v0  }
0x1c0: {  	(erf) = vrcp.f32 v1;
	v1 =	vimm.s32 $0x37  }
0x1c1: {  	(erf) = vpow2.f32 v0;
	v0 =	vimm.s32 $0x36;
	_ =	sdelay $0x3  }
0x1c2: {  	v1 =	vld.idx.msk [tilespmem:v1+s8+$0x0], $0xffff  }
0x1c3: {  	v0 =	vld.idx.msk [tilespmem:v0+s8+$0x0], $0xffff;
	_ =	sdelay $0x3  }
0x1c4: {  	v14 =	vpop (erf)  }
0x1c5: {  	v15 =	vpop (erf);
	v0 =	vsub.f32 v1, v0  }
0x1c6: {  	v1 =	vadd.f32 $1.000000000e+00, v15  }
0x1c7: {  	v0 =	vmul.f32 $1.442695020e+00, v0  }
0x1c8: {  	(erf) = vrcp.f32 v1  }
0x1c9: {  	(erf) = vpow2.f32 v0;
	_ =	sdelay $0x2  }
0x1ca: {  	v1 =	vsub.f32 $1.000000000e+00, v4;
	_ =	sdelay $0x1  }
0x1cb: {  	v27 =	vmul.f32 v5, v1;
	v1 =	vsub.f32 $1.000000000e+00, v8  }
0x1cc: {  	v0 =	vsub.f32 $1.000000000e+00, v2  }
0x1cd: {  	s29 =	simm.s32 $0x10;
	v29 =	vmul.f32 v3, v2;
	v26 =	vmul.f32 v5, v4  }
0x1ce: {  	s28 =	simm.s32 $0x0;
	v5 =	vmov s29;
	v28 =	vmul.f32 v3, v0;
	v0 =	vsub.f32 $1.000000000e+00, v6;
	v2 =	vpop (erf)  }
0x1cf: {  	v4 =	vmov s28;
	v5 =	vmul.u32 $0x48, v5;
	v32 =	vmul.f32 v9, v1;
	v1 =	vpop (erf)  }
0x1d0: {  	v31 =	vmul.f32 v7, v0;
	v0 =	vsub.f32 $1.000000000e+00, v10;
	v3 =	vadd.f32 $1.000000000e+00, v1  }
0x1d1: {  	v38 =	vadd.s32 $0x11, v11;
	v4 =	vmul.u32 $0x48, v4;
	v5 =	vbroadcast v5, $0x0  }
0x1d2: {  	v35 =	vmul.f32 v12, v0;
	v0 =	vsub.f32 $1.000000000e+00, v13;
	(erf) = vrcp.f32 v3  }
0x1d3: {  	v39 =	vadd.s32 $0x12, v11;
	v40 =	vadd.s32 $0x13, v11;
	v43 =	vadd.s32 $0x17, v11  }
0x1d4: {  	v59 =	vadd.s32 v43, v5;
	v37 =	vmul.f32 v14, v0;
	v0 =	vbroadcast v4, $0x0  }
0x1d5: {  	v41 =	vadd.s32 $0x10, v11;
	v48 =	vadd.s32 $0x16, v11;
	s31 =	simm.s32 $0x30;
	v60 =	vadd.s32 v38, v5  }
0x1d6: {  	v61 =	vmov s31;
	v30 =	vmul.f32 v7, v6;
	v6 =	vadd.s32 v38, v0  }
0x1d7: {  	s30 =	simm.s32 $0x20;
	v34 =	vmul.f32 v9, v8;
	v33 =	vmul.f32 v12, v10;
	v10 =	vadd.s32 v41, v0  }
0x1d8: {  	v8 =	vmov s30;
	v4 =	vsub.f32 $1.000000000e+00, v15;
	v7 =	vadd.s32 v39, v0  }
0x1d9: {  	v36 =	vmul.f32 v14, v13;
	v8 =	vmul.u32 $0x48, v8;
	v9 =	vadd.s32 v40, v0;
	v13 =	vld.idx.msk [tilespmem:v59+s3+$0x0], $0xffff  }
0x1da: {  	v16 =	vadd.s32 v48, v5;
	v44 =	vmul.f32 v2, v4;
	v4 =	vsub.f32 $1.000000000e+00, v1;
	v14 =	vld.idx.msk [tilespmem:v60+s3+$0x0], $0xffff  }
0x1db: {  	v8 =	vbroadcast v8, $0x0;
	v18 =	vadd.s32 v39, v5;
	v45 =	vmul.f32 v2, v15;
	v6 =	vld.idx.msk [tilespmem:v6+s3+$0x0], $0xffff;
	v2 =	vpop (erf)  }
0x1dc: {  	v50 =	vmul.u32 $0x48, v61;
	v17 =	vadd.s32 v41, v5;
	v46 =	vmul.f32 v2, v4;
	v4 =	vld.idx.msk [tilespmem:v10+s3+$0x0], $0xffff  }
0x1dd: {  	v20 =	vadd.s32 v38, v8;
	v7 =	vld.idx.msk [tilespmem:v7+s3+$0x0], $0xffff  }
0x1de: {  	v51 =	vbroadcast v50, $0x0;
	v25 =	vadd.s32 v43, v8;
	v47 =	vmul.f32 v2, v1;
	v2 =	vld.idx.msk [tilespmem:v9+s3+$0x0], $0xffff  }
0x1df: {  	v42 =	vadd.s32 $0x14, v11;
	v49 =	vadd.s32 $0x15, v11;
	v21 =	vadd.s32 v40, v8;
	v16 =	vld.idx.msk [tilespmem:v16+s3+$0x0], $0xffff  }
0x1e0: {  	v61 =	vadd.s32 v48, v51;
	v19 =	vadd.s32 v42, v5;
	v24 =	vadd.s32 v42, v8;
	v18 =	vld.idx.msk [tilespmem:v18+s3+$0x0], $0xffff  }
0x1e1: {  	v58 =	vadd.s32 v42, v0;
	v17 =	vld.idx.msk [tilespmem:v17+s3+$0x0], $0xffff;
	v6 =	vmul.f32 v6, v27;
	v4 =	vmul.f32 v4, v28  }
0x1e2: {  	v15 =	vadd.s32 v43, v0;
	v20 =	vld.idx.msk [tilespmem:v20+s3+$0x0], $0xffff;
	v7 =	vmul.f32 v7, v31;
	v9 =	vadd.s32 v41, v8  }
0x1e3: {  	v63 =	vld.idx.msk [tilespmem:v25+s3+$0x0], $0xffff;
	v6 =	vadd.f32 v6, v26;
	v2 =	vmul.f32 v2, v32;
	v4 =	vadd.f32 v4, v29  }
0x1e4: {  	v53 =	vld.idx.msk [tilespmem:v21+s3+$0x0], $0xffff;
	v3 =	vsel vm3, $0x0, v23;
	v10 =	vadd.s32 v49, v0;
	v7 =	vadd.f32 v7, v30  }
0x1e5: {  	(xrf2) =	vadd.scan.msk.f32 $0xffff, v3;
	v2 =	vadd.f32 v2, v34;
	v4 =	vmul.f32 v6, v4;
	v6 =	vadd.s32 v48, v8  }
0x1e6: {  	v12 =	vld.idx.msk [tilespmem:v58+s3+$0x0], $0xffff;
	v3 =	vmul.f32 v14, v27;
	v62 =	vmul.f32 v16, v44;
	v1 =	vadd.s32 v40, v5  }
0x1e7: {  	v21 =	vld.idx.msk [tilespmem:v24+s3+$0x0], $0xffff;
	v2 =	vmul.f32 v2, v7;
	v7 =	vadd.s32 v39, v8;
	v8 =	vadd.s32 v49, v8  }
0x1e8: {  	v60 =	vadd.s32 v40, v51;
	v17 =	vmul.f32 v17, v28;
	v20 =	vmul.f32 v20, v27;
	v9 =	vld.idx.msk [tilespmem:v9+s3+$0x0], $0xffff  }
0x1e9: {  	v14 =	vadd.f32 v62, v45;
	v3 =	vadd.f32 v3, v26;
	v13 =	vmul.f32 v13, v46;
	v10 =	vld.idx.msk [tilespmem:v10+s3+$0x0], $0xffff  }
0x1ea: {  	v17 =	vadd.f32 v17, v29;
	v55 =	vadd.f32 v20, v26;
	v62 =	vmul.f32 v53, v32;
	v6 =	vld.idx.msk [tilespmem:v6+s3+$0x0], $0xffff  }
0x1eb: {  	v12 =	vmul.f32 v12, v35;
	v0 =	vadd.s32 v48, v0;
	v13 =	vadd.f32 v13, v47;
	v1 =	vld.idx.msk [tilespmem:v1+s3+$0x0], $0xffff  }
0x1ec: {  	v58 =	vmul.f32 v3, v17;
	v5 =	vadd.s32 v49, v5;
	v16 =	vmul.f32 v63, v46;
	v8 =	vld.idx.msk [tilespmem:v8+s3+$0x0], $0xffff  }
0x1ed: {  	v12 =	vadd.f32 v12, v33;
	v63 =	vmul.f32 v21, v35;
	v56 =	vmul.f32 v13, v14  }
0x1ee: {  	v3 =	vld.idx.msk [tilespmem:v15+s3+$0x0], $0xffff;
	v16 =	vadd.f32 v16, v47;
	v9 =	vmul.f32 v9, v28;
	v10 =	vmul.f32 v10, v37  }
0x1ef: {  	v15 =	vld.idx.msk [tilespmem:v61+s3+$0x0], $0xffff;
	v50 =	vmul.f32 v2, v4;
	v2 =	vadd.s32 v41, v51;
	v6 =	vmul.f32 v6, v44  }
0x1f0: {  	v0 =	vld.idx.msk [tilespmem:v0+s3+$0x0], $0xffff;
	v1 =	vmul.f32 v1, v32;
	v9 =	vadd.f32 v9, v29;
	v10 =	vadd.f32 v10, v36  }
0x1f1: {  	v4 =	vmul.f32 v18, v31;
	v7 =	vld.idx.msk [tilespmem:v7+s3+$0x0], $0xffff;
	v8 =	vmul.f32 v8, v37;
	v6 =	vadd.f32 v6, v45  }
0x1f2: {  	v5 =	vld.idx.msk [tilespmem:v5+s3+$0x0], $0xffff;
	v9 =	vmul.f32 v55, v9;
	v54 =	vmul.f32 v10, v12;
	v10 =	vadd.s32 v43, v51  }
0x1f3: {  	v12 =	vld.idx.msk [tilespmem:v19+s3+$0x0], $0xffff;
	v8 =	vadd.f32 v8, v36;
	v55 =	vmul.f32 v16, v6;
	v6 =	vadd.f32 v63, v33  }
0x1f4: {  	v13 =	vadd.s32 v49, v51;
	v1 =	vadd.f32 v1, v34;
	v4 =	vadd.f32 v4, v30;
	v2 =	vld.idx.msk [tilespmem:v2+s3+$0x0], $0xffff  }
0x1f5: {  	v3 =	vmul.f32 v3, v46;
	v57 =	vmul.f32 v8, v6;
	v6 =	vadd.s32 v42, v51  }
0x1f6: {  	v14 =	vld.idx.msk [tilespmem:v60+s3+$0x0], $0xffff;
	v60 =	vmul.f32 v1, v4;
	v1 =	vadd.s32 v38, v51;
	v7 =	vmul.f32 v7, v31  }
0x1f7: {  	v17 =	vadd.f32 v62, v34;
	v0 =	vmul.f32 v0, v44;
	v5 =	vmul.f32 v5, v37;
	v4 =	vld.idx.msk [tilespmem:v10+s3+$0x0], $0xffff  }
0x1f8: {  	v18 =	vmul.f32 v15, v44;
	v7 =	vadd.f32 v7, v30;
	v8 =	vadd.s32 v39, v51  }
0x1f9: {  	v52 =	vadd.f32 v3, v47;
	v3 =	vmul.f32 v12, v35;
	v10 =	vld.idx.msk [tilespmem:v13+s3+$0x0], $0xffff;
	v19 =	vmul.f32 v2, v28;
	v2, _, _ =	vpop (xrf2)  }
0x1fa: {  	v7 =	vmul.f32 v17, v7;
	v51 =	vbroadcast v2, $0xF;
	v2 =	vld.idx.msk [tilespmem:v6+s3+$0x0], $0xffff  }
0x1fb: {  	v59 =	vadd.f32 v0, v45;
	v61 =	vadd.f32 v5, v36;
	v63 =	vld.idx.msk [tilespmem:v1+s3+$0x0], $0xffff;
	v1 =	vmul.f32 v14, v32  }
0x1fc: {  	v0 =	vadd.f32 v3, v33;
	v53 =	vmul.f32 v7, v9;
	v7 =	vmul.f32 v4, v46  }
0x1fd: {  	s12 =	simm.s32 $0x0;
	v3 =	vadd.f32 v18, v45;
	v62 =	vadd.f32 v19, v29;
	v4 =	vld.idx.msk [tilespmem:v8+s3+$0x0], $0xffff  }
0x1fe: {  	s13 =	simm.s32 $0x90F8;
	s14 =	simm.s32 $0x70;
	s11 =	simm.s32 $0x90B8;
	v5 =	vmul.f32 v10, v37;
	v1 =	vadd.f32 v1, v34;
	v6 =	vadd.f32 v7, v47  }
.LBB2_8:
0x1ff: {  	s15 =	sadd.s32 $0xFFFFFFD0, s14;
	s16 =	sadd.s32 $0xFFFFFFE0, s14;
	s17 =	sadd.s32 $0xFFFFFFF0, s14;
	v2 =	vmul.f32 v2, v35  }
0x200: {  	s12 =	sadd.s32 $0x4, s12;
	v7 =	vmov s15;
	v8 =	vmov s16;
	v3 =	vmul.f32 v6, v3  }
0x201: {  	p0 =	slt.u32 s12, $0x1C;
	v5 =	vadd.f32 v5, v36;
	v6 =	vmul.u32 $0x48, v7;
	v7 =	vmul.u32 $0x48, v8  }
0x202: {  	v4 =	vmul.f32 v4, v31  }
0x203: {  	v8 =	vmov s17;
	v2 =	vadd.f32 v2, v33;
	v6 =	vbroadcast v6, $0x0  }
0x204: {  	v4 =	vadd.f32 v4, v30  }
0x205: {  	v12 =	vmul.f32 v63, v27;
	v9 =	vadd.s32 v41, v6;
	v10 =	vadd.s32 v38, v6  }
0x206: {  	v0 =	vmul.f32 v61, v0  }
0x207: {  	v12 =	vadd.f32 v12, v26;
	v13 =	vadd.s32 v42, v6;
	v14 =	vadd.s32 v49, v6  }
0x208: {  	v1 =	vmul.f32 v1, v4;
	v15 =	vadd.s32 v40, v6;
	v16 =	vadd.s32 v43, v6  }
0x209: {  	v0 =	vmul.f32 v56, v0;
	v7 =	vbroadcast v7, $0x0;
	v4 =	vadd.s32 v39, v6  }
0x20a: {  	v17 =	vmul.f32 v60, v58;
	v8 =	vmul.u32 $0x48, v8;
	v6 =	vadd.s32 v48, v6;
	v10 =	vld.idx.msk [tilespmem:v10+s3+$0x0], $0xffff  }
0x20b: {  	v12 =	vmul.f32 v12, v62;
	v18 =	vadd.s32 v41, v7;
	v19 =	vadd.s32 v38, v7;
	v9 =	vld.idx.msk [tilespmem:v9+s3+$0x0], $0xffff  }
0x20c: {  	v2 =	vmul.f32 v5, v2;
	v20 =	vadd.s32 v39, v7;
	v21 =	vadd.s32 v43, v7;
	v13 =	vld.idx.msk [tilespmem:v13+s3+$0x0], $0xffff  }
0x20d: {  	v0 =	vmul.f32 v0, v17;
	v8 =	vbroadcast v8, $0x0;
	v5 =	vld.idx.msk [tilespmem:v16+s3+$0x0], $0xffff;
	v16 =	vadd.s32 v40, v7  }
0x20e: {  	v17 =	vadd.s32 v42, v7;
	v24 =	vadd.s32 v49, v7;
	v1 =	vmul.f32 v1, v12;
	v14 =	vld.idx.msk [tilespmem:v14+s3+$0x0], $0xffff  }
0x20f: {  	v2 =	vmul.f32 v3, v2;
	v12 =	vadd.s32 v41, v8;
	v25 =	vadd.s32 v38, v8;
	v6 =	vld.idx.msk [tilespmem:v6+s3+$0x0], $0xffff  }
0x210: {  	v0 =	vmul.f32 v0, v51;
	v56 =	vadd.s32 v42, v8;
	v3 =	vld.idx.msk [tilespmem:v4+s3+$0x0], $0xffff;
	v4 =	vadd.s32 v40, v8  }
0x211: {  	v58 =	vadd.s32 v48, v8;
	v60 =	vadd.s32 v43, v8;
	v1 =	vmul.f32 v2, v1;
	v21 =	vld.idx.msk [tilespmem:v21+s3+$0x0], $0xffff  }
0x212: {  	v52 =	vmul.f32 v52, v59;
	v2 =	vmul.f32 v9, v28;
	v9 =	vld.idx.msk [tilespmem:v15+s3+$0x0], $0xffff;
	v15 =	vadd.s32 v49, v8  }
0x213: {  	v1 =	vmul.f32 v1, v51;
	v7 =	vadd.s32 v48, v7;
	v10 =	vmul.f32 v10, v27;
	v19 =	vld.idx.msk [tilespmem:v19+s3+$0x0], $0xffff  }
0x214: {  	v52 =	vmul.f32 v52, v54;
	v8 =	vadd.s32 v39, v8;
	v16 =	vld.idx.msk [tilespmem:v16+s3+$0x0], $0xffff  }
0x215: {  	v10 =	vadd.f32 v10, v26;
	v5 =	vmul.f32 v5, v46;
	v12 =	vld.idx.msk [tilespmem:v12+s3+$0x0], $0xffff  }
0x216: {  	v54 =	vmov s14;
	v13 =	vmul.f32 v13, v35;
	v3 =	vmul.f32 v3, v31;
	v20 =	vld.idx.msk [tilespmem:v20+s3+$0x0], $0xffff  }
0x217: {  	v55 =	vmul.f32 v55, v57;
	v54 =	vmul.u32 $0x48, v54;
	v21 =	vmul.f32 v21, v46;
	v56 =	vld.idx.msk [tilespmem:v56+s3+$0x0], $0xffff  }
0x218: {  	v50 =	vmul.f32 v52, v50;
	v2 =	vadd.f32 v2, v29;
	v9 =	vmul.f32 v9, v32;
	[tilespmem:s11+$0x0] =	vst.add.f32.msk $0xffff, v1  }
0x219: {  	v1 =	vld.idx.msk [tilespmem:v18+s3+$0x0], $0xffff;
	v18 =	vmul.f32 v19, v27;
	v19 =	vbroadcast v54, $0x0  }
0x21a: {  	v13 =	vadd.f32 v13, v33;
	v9 =	vadd.f32 v9, v34;
	v16 =	vmul.f32 v16, v32;
	v54 =	vld.idx.msk [tilespmem:v60+s3+$0x0], $0xffff  }
0x21b: {  	v3 =	vadd.f32 v3, v30;
	v7 =	vld.idx.msk [tilespmem:v7+s3+$0x0], $0xffff;
	v57 =	vadd.s32 v41, v19;
	v60 =	vadd.s32 v38, v19  }
0x21c: {  	v20 =	vmul.f32 v20, v31;
	v59 =	vadd.s32 v40, v19;
	v61 =	vadd.s32 v48, v19;
	v15 =	vld.idx.msk [tilespmem:v15+s3+$0x0], $0xffff  }
0x21d: {  	v16 =	vadd.f32 v16, v34;
	v62 =	vadd.s32 v39, v19;
	v22 =	vadd.s32 v42, v19;
	v25 =	vld.idx.msk [tilespmem:v25+s3+$0x0], $0xffff  }
0x21e: {  	v14 =	vmul.f32 v14, v37;
	v52 =	vadd.f32 v5, v47;
	v5 =	vld.idx.msk [tilespmem:v8+s3+$0x0], $0xffff;
	v8 =	vadd.s32 v49, v19  }
0x21f: {  	v50 =	vmul.f32 v50, v51;
	v1 =	vmul.f32 v1, v28;
	v19 =	vadd.s32 v43, v19;
	v58 =	vld.idx.msk [tilespmem:v58+s3+$0x0], $0xffff  }
0x220: {  	v14 =	vadd.f32 v14, v36;
	v3 =	vmul.f32 v9, v3;
	v9 =	vmul.f32 v55, v53;
	v4 =	vld.idx.msk [tilespmem:v4+s3+$0x0], $0xffff  }
0x221: {  	v2 =	vmul.f32 v10, v2;
	v10 =	vadd.f32 v18, v26;
	v7 =	vmul.f32 v7, v44;
	[tilespmem:s11+$0xFFFFFFD0] =	vst.add.f32.msk $0xffff, v50  }
0x222: {  	v18 =	vmul.f32 v56, v35;
	v9 =	vmul.f32 v9, v51;
	v17 =	vld.idx.msk [tilespmem:v17+s3+$0x0], $0xffff  }
0x223: {  	v1 =	vadd.f32 v1, v29;
	v50 =	vmul.f32 v3, v2;
	v3 =	vmul.f32 v15, v37;
	v2 =	vld.idx.msk [tilespmem:v24+s3+$0x0], $0xffff  }
0x224: {  	v15 =	vadd.f32 v21, v47;
	v7 =	vadd.f32 v7, v45;
	v5 =	vmul.f32 v5, v31;
	[tilespmem:s11+$0xFFFFFFF0] =	vst.add.f32.msk $0xffff, v9  }
0x225: {  	v18 =	vadd.f32 v18, v33;
	v9 =	vmul.f32 v25, v27;
	v21 =	vmul.f32 v58, v44;
	[tilespmem:s11+$0xFFFFFFE0] =	vst.add.f32.msk $0xffff, v0;
	s11 =	smov.u32 s13  }
0x226: {  	v24 =	vadd.f32 v3, v36;
	v3 =	vmul.f32 v54, v46;
	v0 =	vmul.f32 v4, v32;
	v4 =	vld.idx.msk [tilespmem:v59+s3+$0x0], $0xffff  }
0x227: {  	v56 =	vmul.f32 v15, v7;
	v7 =	vmul.f32 v12, v28;
	v12 =	vadd.f32 v21, v45;
	v15 =	vld.idx.msk [tilespmem:v61+s3+$0x0], $0xffff  }
0x228: {  	v6 =	vmul.f32 v6, v44;
	v20 =	vadd.f32 v20, v30;
	v17 =	vmul.f32 v17, v35;
	v21 =	vld.idx.msk [tilespmem:v57+s3+$0x0], $0xffff  }
0x229: {  	v25 =	vmul.f32 v2, v37;
	v2 =	vadd.f32 v7, v29;
	v7 =	vadd.f32 v9, v26;
	v9 =	vld.idx.msk [tilespmem:v19+s3+$0x0], $0xffff  }
0x22a: {  	v58 =	vmul.f32 v10, v1;
	v1 =	vadd.f32 v5, v30;
	v59 =	vadd.f32 v6, v45;
	v5 =	vld.idx.msk [tilespmem:v8+s3+$0x0], $0xffff  }
0x22b: {  	v3 =	vadd.f32 v3, v47;
	v6 =	vadd.f32 v0, v34;
	v7 =	vmul.f32 v7, v2;
	v63 =	vld.idx.msk [tilespmem:v60+s3+$0x0], $0xffff  }
0x22c: {  	v54 =	vmul.f32 v14, v13;
	v0 =	vadd.f32 v17, v33;
	v8 =	vmul.f32 v4, v32;
	v2 =	vld.idx.msk [tilespmem:v22+s3+$0x0], $0xffff  }
.Ltmp3:
0x22d: {  	v1 =	vmul.f32 v6, v1;
	v61 =	vadd.f32 v25, v36;
	v6 =	vmul.f32 v15, v44;
	(pc) =	sbr.rel @p0 .LBB2_8-.Ltmp3, $4  }
0x22e: {  	v55 =	vmul.f32 v3, v12;
	v10 =	vmul.f32 v21, v28;
	v4 =	vld.idx.msk [tilespmem:v62+s3+$0x0], $0xffff  }
0x22f: {  	v60 =	vmul.f32 v16, v20;
	v3 =	vadd.f32 v6, v45;
	v6 =	vmul.f32 v9, v46  }
0x230: {  	v57 =	vmul.f32 v24, v18;
	v53 =	vmul.f32 v1, v7;
	v62 =	vadd.f32 v10, v29  }
0x231: {  	s14 =	sadd.s32 $0x40, s14;
	s13 =	sadd.s32 $0x40, s13;
	v1 =	vadd.f32 v8, v34;
	v5 =	vmul.f32 v5, v37;
	v6 =	vadd.f32 v6, v47  }
0x232: {  	v2 =	vmul.f32 v2, v35  }
0x233: {  	v7 =	vmul.f32 v63, v27;
	v4 =	vmul.f32 v4, v31  }
0x234: {  	v5 =	vadd.f32 v5, v36;
	v2 =	vadd.f32 v2, v33  }
0x235: {  	v7 =	vadd.f32 v7, v26;
	v4 =	vadd.f32 v4, v30  }
0x236: {  	v3 =	vmul.f32 v6, v3;
	v2 =	vmul.f32 v5, v2  }
0x237: {  	v1 =	vmul.f32 v1, v4;
	v4 =	vmul.f32 v7, v62  }
0x238: {  	v0 =	vmul.f32 v61, v0  }
0x239: {  	v2 =	vmul.f32 v3, v2;
	v1 =	vmul.f32 v1, v4  }
0x23a: {  	v0 =	vmul.f32 v56, v0;
	v4 =	vmul.f32 v60, v58  }
0x23b: {  	v1 =	vmul.f32 v2, v1;
	v2 =	vmul.f32 v55, v57  }
0x23c: {  	v5 =	vmul.f32 v52, v59;
	v0 =	vmul.f32 v0, v4  }
0x23d: {  	v1 =	vmul.f32 v1, v51;
	v2 =	vmul.f32 v2, v53  }
0x23e: {  	v3 =	vmul.f32 v5, v54;
	v0 =	vmul.f32 v0, v51  }
0x23f: {  	[tilespmem:s11+$0x0] =	vst.add.f32.msk $0xffff, v1;
	v1 =	vmul.f32 v2, v51  }
0x240: {  	v3 =	vmul.f32 v3, v50;
	[tilespmem:s11+$0xFFFFFFE0] =	vst.add.f32.msk $0xffff, v0;
	v0 =	vimm.s32 $0x38  }
0x241: {  	[tilespmem:s11+$0xFFFFFFF0] =	vst.add.f32.msk $0xffff, v1;
	v1 =	vimm.s32 $0x39  }
0x242: {  	v3 =	vmul.f32 v3, v51;
	_ =	sdelay $0x1  }
0x243: {  	[tilespmem:s11+$0xFFFFFFD0] =	vst.add.f32.msk $0xffff, v3  }
0x244: {  	v0 =	vld.idx.msk [tilespmem:v0+s8+$0x0], $0xffff  }
0x245: {  	v1 =	vld.idx.msk [tilespmem:v1+s8+$0x0], $0xffff;
	_ =	sdelay $0x4  }
0x246: {  	v0 =	vsub.f32 v1, v0;
	_ =	sdelay $0x1  }
0x247: {  	v0 =	vmul.f32 $1.442695020e+00, v0  }
0x248: {  	v1 =	vimm.s32 $0x3B  }
0x249: {  	(erf) = vpow2.f32 v0;
	v0 =	vimm.s32 $0x3A;
	_ =	sdelay $0x3  }
0x24a: {  	v1 =	vld.idx.msk [tilespmem:v1+s8+$0x0], $0xffff  }
0x24b: {  	v0 =	vld.idx.msk [tilespmem:v0+s8+$0x0], $0xffff;
	_ =	sdelay $0x4  }
0x24c: {  	v2 =	vpop (erf);
	v0 =	vsub.f32 v1, v0  }
0x24d: {  	v1 =	vadd.f32 $1.000000000e+00, v2  }
0x24e: {  	v0 =	vmul.f32 $1.442695020e+00, v0  }
0x24f: {  	(erf) = vrcp.f32 v1;
	v1 =	vimm.s32 $0x3D  }
0x250: {  	(erf) = vpow2.f32 v0;
	v0 =	vimm.s32 $0x3C;
	_ =	sdelay $0x3  }
0x251: {  	v1 =	vld.idx.msk [tilespmem:v1+s8+$0x0], $0xffff  }
0x252: {  	v0 =	vld.idx.msk [tilespmem:v0+s8+$0x0], $0xffff;
	_ =	sdelay $0x3  }
0x253: {  	v3 =	vpop (erf)  }
0x254: {  	v4 =	vpop (erf);
	v0 =	vsub.f32 v1, v0  }
0x255: {  	v1 =	vadd.f32 $1.000000000e+00, v4  }
0x256: {  	v0 =	vmul.f32 $1.442695020e+00, v0  }
0x257: {  	(erf) = vrcp.f32 v1;
	v1 =	vimm.s32 $0x3F  }
0x258: {  	(erf) = vpow2.f32 v0;
	v0 =	vimm.s32 $0x3E;
	_ =	sdelay $0x3  }
0x259: {  	v1 =	vld.idx.msk [tilespmem:v1+s8+$0x0], $0xffff  }
0x25a: {  	v0 =	vld.idx.msk [tilespmem:v0+s8+$0x0], $0xffff;
	_ =	sdelay $0x3  }
0x25b: {  	v5 =	vpop (erf)  }
0x25c: {  	v6 =	vpop (erf);
	v0 =	vsub.f32 v1, v0  }
0x25d: {  	v1 =	vadd.f32 $1.000000000e+00, v6  }
0x25e: {  	v0 =	vmul.f32 $1.442695020e+00, v0  }
0x25f: {  	(erf) = vrcp.f32 v1;
	v1 =	vimm.s32 $0x41  }
0x260: {  	(erf) = vpow2.f32 v0;
	v0 =	vimm.s32 $0x40;
	_ =	sdelay $0x3  }
0x261: {  	v1 =	vld.idx.msk [tilespmem:v1+s8+$0x0], $0xffff  }
0x262: {  	v0 =	vld.idx.msk [tilespmem:v0+s8+$0x0], $0xffff;
	_ =	sdelay $0x3  }
0x263: {  	v7 =	vpop (erf)  }
0x264: {  	v8 =	vpop (erf);
	v0 =	vsub.f32 v1, v0  }
0x265: {  	v1 =	vadd.f32 $1.000000000e+00, v8  }
0x266: {  	v0 =	vmul.f32 $1.442695020e+00, v0  }
0x267: {  	(erf) = vrcp.f32 v1;
	v1 =	vimm.s32 $0x43  }
0x268: {  	(erf) = vpow2.f32 v0;
	v0 =	vimm.s32 $0x42;
	_ =	sdelay $0x3  }
0x269: {  	v1 =	vld.idx.msk [tilespmem:v1+s8+$0x0], $0xffff  }
0x26a: {  	v0 =	vld.idx.msk [tilespmem:v0+s8+$0x0], $0xffff;
	_ =	sdelay $0x3  }
0x26b: {  	v9 =	vpop (erf)  }
0x26c: {  	v10 =	vpop (erf);
	v0 =	vsub.f32 v1, v0  }
0x26d: {  	v1 =	vadd.f32 $1.000000000e+00, v10  }
0x26e: {  	v0 =	vmul.f32 $1.442695020e+00, v0  }
0x26f: {  	(erf) = vrcp.f32 v1;
	v1 =	vimm.s32 $0x45  }
0x270: {  	(erf) = vpow2.f32 v0;
	v0 =	vimm.s32 $0x44;
	_ =	sdelay $0x3  }
0x271: {  	v1 =	vld.idx.msk [tilespmem:v1+s8+$0x0], $0xffff  }
0x272: {  	v0 =	vld.idx.msk [tilespmem:v0+s8+$0x0], $0xffff;
	_ =	sdelay $0x3  }
0x273: {  	v12 =	vpop (erf)  }
0x274: {  	v13 =	vpop (erf);
	v0 =	vsub.f32 v1, v0  }
0x275: {  	v1 =	vadd.f32 $1.000000000e+00, v13  }
0x276: {  	v0 =	vmul.f32 $1.442695020e+00, v0  }
0x277: {  	(erf) = vrcp.f32 v1;
	v1 =	vimm.s32 $0x47  }
0x278: {  	(erf) = vpow2.f32 v0;
	v0 =	vimm.s32 $0x46;
	_ =	sdelay $0x3  }
0x279: {  	v1 =	vld.idx.msk [tilespmem:v1+s8+$0x0], $0xffff  }
0x27a: {  	v0 =	vld.idx.msk [tilespmem:v0+s8+$0x0], $0xffff;
	_ =	sdelay $0x3  }
0x27b: {  	v14 =	vpop (erf)  }
0x27c: {  	v15 =	vpop (erf);
	v0 =	vsub.f32 v1, v0  }
0x27d: {  	v1 =	vadd.f32 $1.000000000e+00, v15  }
0x27e: {  	v0 =	vmul.f32 $1.442695020e+00, v0  }
0x27f: {  	(erf) = vrcp.f32 v1  }
0x280: {  	(erf) = vpow2.f32 v0;
	_ =	sdelay $0x2  }
0x281: {  	v1 =	vsub.f32 $1.000000000e+00, v4;
	_ =	sdelay $0x1  }
0x282: {  	v27 =	vmul.f32 v5, v1;
	v1 =	vsub.f32 $1.000000000e+00, v8  }
0x283: {  	v0 =	vsub.f32 $1.000000000e+00, v2  }
0x284: {  	s29 =	simm.s32 $0x10;
	v29 =	vmul.f32 v3, v2;
	v26 =	vmul.f32 v5, v4  }
0x285: {  	s28 =	simm.s32 $0x0;
	v5 =	vmov s29;
	v28 =	vmul.f32 v3, v0;
	v0 =	vsub.f32 $1.000000000e+00, v6;
	v2 =	vpop (erf)  }
0x286: {  	v4 =	vmov s28;
	v5 =	vmul.u32 $0x48, v5;
	v32 =	vmul.f32 v9, v1;
	v1 =	vpop (erf)  }
0x287: {  	v31 =	vmul.f32 v7, v0;
	v0 =	vsub.f32 $1.000000000e+00, v10;
	v3 =	vadd.f32 $1.000000000e+00, v1  }
0x288: {  	v4 =	vmul.u32 $0x48, v4;
	v5 =	vbroadcast v5, $0x0  }
0x289: {  	v35 =	vmul.f32 v12, v0;
	v0 =	vsub.f32 $1.000000000e+00, v13;
	(erf) = vrcp.f32 v3  }
0x28a: {  	v38 =	vadd.s32 $0x19, v11;
	v39 =	vadd.s32 $0x1A, v11;
	v41 =	vadd.s32 $0x18, v11  }
0x28b: {  	v60 =	vadd.s32 v38, v5;
	v37 =	vmul.f32 v14, v0;
	v0 =	vbroadcast v4, $0x0  }
0x28c: {  	v40 =	vadd.s32 $0x1B, v11;
	v43 =	vadd.s32 $0x1F, v11;
	v17 =	vadd.s32 v41, v5  }
0x28d: {  	v48 =	vadd.s32 $0x1E, v11;
	v30 =	vmul.f32 v7, v6;
	v6 =	vadd.s32 v38, v0  }
0x28e: {  	s30 =	simm.s32 $0x20;
	v34 =	vmul.f32 v9, v8;
	v33 =	vmul.f32 v12, v10;
	v10 =	vadd.s32 v41, v0  }
0x28f: {  	v8 =	vmov s30;
	v4 =	vsub.f32 $1.000000000e+00, v15;
	v7 =	vadd.s32 v39, v0  }
0x290: {  	v36 =	vmul.f32 v14, v13;
	v8 =	vmul.u32 $0x48, v8;
	v9 =	vadd.s32 v40, v0;
	v14 =	vld.idx.msk [tilespmem:v60+s3+$0x0], $0xffff  }
0x291: {  	v59 =	vadd.s32 v43, v5;
	v44 =	vmul.f32 v2, v4;
	v4 =	vsub.f32 $1.000000000e+00, v1;
	v17 =	vld.idx.msk [tilespmem:v17+s3+$0x0], $0xffff  }
0x292: {  	v8 =	vbroadcast v8, $0x0;
	v16 =	vadd.s32 v48, v5;
	v45 =	vmul.f32 v2, v15;
	v6 =	vld.idx.msk [tilespmem:v6+s3+$0x0], $0xffff;
	v2 =	vpop (erf)  }
0x293: {  	v42 =	vadd.s32 $0x1C, v11;
	s31 =	simm.s32 $0x30;
	v18 =	vadd.s32 v39, v5;
	v46 =	vmul.f32 v2, v4;
	v4 =	vld.idx.msk [tilespmem:v10+s3+$0x0], $0xffff  }
0x294: {  	v49 =	vadd.s32 $0x1D, v11;
	v25 =	vmov s31;
	v20 =	vadd.s32 v38, v8;
	v7 =	vld.idx.msk [tilespmem:v7+s3+$0x0], $0xffff  }
0x295: {  	v21 =	vadd.s32 v40, v8;
	v24 =	vadd.s32 v43, v8;
	v47 =	vmul.f32 v2, v1;
	v2 =	vld.idx.msk [tilespmem:v9+s3+$0x0], $0xffff  }
0x296: {  	v22 =	vadd.s32 v42, v8;
	v58 =	vadd.s32 v42, v0;
	v13 =	vld.idx.msk [tilespmem:v59+s3+$0x0], $0xffff;
	v3 =	vsel vm4, $0x0, v23  }
0x297: {  	v25 =	vmul.u32 $0x48, v25;
	v16 =	vld.idx.msk [tilespmem:v16+s3+$0x0], $0xffff;
	(xrf2) =	vadd.scan.msk.f32 $0xffff, v3;
	v3 =	vmul.f32 v14, v27;
	v17 =	vmul.f32 v17, v28  }
0x298: {  	v61 =	vadd.s32 v43, v0;
	v18 =	vld.idx.msk [tilespmem:v18+s3+$0x0], $0xffff;
	v6 =	vmul.f32 v6, v27;
	v4 =	vmul.f32 v4, v28  }
0x299: {  	v20 =	vld.idx.msk [tilespmem:v20+s3+$0x0], $0xffff;
	v3 =	vadd.f32 v3, v26;
	v7 =	vmul.f32 v7, v31;
	v9 =	vadd.s32 v41, v8  }
0x29a: {  	v63 =	vld.idx.msk [tilespmem:v24+s3+$0x0], $0xffff;
	v6 =	vadd.f32 v6, v26;
	v2 =	vmul.f32 v2, v32;
	v4 =	vadd.f32 v4, v29  }
0x29b: {  	v53 =	vld.idx.msk [tilespmem:v21+s3+$0x0], $0xffff;
	v17 =	vadd.f32 v17, v29;
	v10 =	vadd.s32 v49, v0;
	v7 =	vadd.f32 v7, v30  }
0x29c: {  	v21 =	vld.idx.msk [tilespmem:v22+s3+$0x0], $0xffff;
	v2 =	vadd.f32 v2, v34;
	v4 =	vmul.f32 v6, v4;
	v6 =	vadd.s32 v48, v8  }
0x29d: {  	v25 =	vbroadcast v25, $0x0;
	v12 =	vld.idx.msk [tilespmem:v58+s3+$0x0], $0xffff;
	v58 =	vmul.f32 v3, v17;
	v1 =	vadd.s32 v40, v5  }
0x29e: {  	v3 =	vld.idx.msk [tilespmem:v61+s3+$0x0], $0xffff;
	v2 =	vmul.f32 v2, v7;
	v7 =	vadd.s32 v39, v8;
	v8 =	vadd.s32 v49, v8  }
0x29f: {  	v62 =	vmul.f32 v16, v44;
	v20 =	vmul.f32 v20, v27;
	v9 =	vld.idx.msk [tilespmem:v9+s3+$0x0], $0xffff  }
0x2a0: {  	v19 =	vadd.s32 v42, v5;
	v60 =	vadd.s32 v40, v25;
	v13 =	vmul.f32 v13, v46;
	v10 =	vld.idx.msk [tilespmem:v10+s3+$0x0], $0xffff  }
0x2a1: {  	v14 =	vadd.f32 v62, v45;
	v55 =	vadd.f32 v20, v26;
	v61 =	vadd.s32 v48, v25;
	v6 =	vld.idx.msk [tilespmem:v6+s3+$0x0], $0xffff  }
0x2a2: {  	v12 =	vmul.f32 v12, v35;
	v0 =	vadd.s32 v48, v0;
	v13 =	vadd.f32 v13, v47;
	v1 =	vld.idx.msk [tilespmem:v1+s3+$0x0], $0xffff  }
0x2a3: {  	v62 =	vmul.f32 v53, v32;
	v5 =	vadd.s32 v49, v5;
	v16 =	vmul.f32 v63, v46;
	v8 =	vld.idx.msk [tilespmem:v8+s3+$0x0], $0xffff  }
0x2a4: {  	v12 =	vadd.f32 v12, v33;
	v63 =	vmul.f32 v21, v35;
	v56 =	vmul.f32 v13, v14  }
0x2a5: {  	v16 =	vadd.f32 v16, v47;
	v9 =	vmul.f32 v9, v28;
	v10 =	vmul.f32 v10, v37  }
0x2a6: {  	v15 =	vld.idx.msk [tilespmem:v61+s3+$0x0], $0xffff;
	v50 =	vmul.f32 v2, v4;
	v2 =	vadd.s32 v41, v25;
	v6 =	vmul.f32 v6, v44  }
0x2a7: {  	v0 =	vld.idx.msk [tilespmem:v0+s3+$0x0], $0xffff;
	v1 =	vmul.f32 v1, v32;
	v9 =	vadd.f32 v9, v29;
	v10 =	vadd.f32 v10, v36  }
0x2a8: {  	v4 =	vmul.f32 v18, v31;
	v7 =	vld.idx.msk [tilespmem:v7+s3+$0x0], $0xffff;
	v8 =	vmul.f32 v8, v37;
	v6 =	vadd.f32 v6, v45  }
0x2a9: {  	v5 =	vld.idx.msk [tilespmem:v5+s3+$0x0], $0xffff;
	v9 =	vmul.f32 v55, v9;
	v54 =	vmul.f32 v10, v12;
	v10 =	vadd.s32 v43, v25  }
0x2aa: {  	v12 =	vld.idx.msk [tilespmem:v19+s3+$0x0], $0xffff;
	v8 =	vadd.f32 v8, v36;
	v55 =	vmul.f32 v16, v6;
	v6 =	vadd.f32 v63, v33  }
0x2ab: {  	v13 =	vadd.s32 v49, v25;
	v1 =	vadd.f32 v1, v34;
	v4 =	vadd.f32 v4, v30;
	v2 =	vld.idx.msk [tilespmem:v2+s3+$0x0], $0xffff  }
0x2ac: {  	v3 =	vmul.f32 v3, v46;
	v57 =	vmul.f32 v8, v6;
	v6 =	vadd.s32 v42, v25  }
0x2ad: {  	v14 =	vld.idx.msk [tilespmem:v60+s3+$0x0], $0xffff;
	v60 =	vmul.f32 v1, v4;
	v1 =	vadd.s32 v38, v25;
	v7 =	vmul.f32 v7, v31  }
0x2ae: {  	v17 =	vadd.f32 v62, v34;
	v0 =	vmul.f32 v0, v44;
	v5 =	vmul.f32 v5, v37;
	v4 =	vld.idx.msk [tilespmem:v10+s3+$0x0], $0xffff  }
0x2af: {  	v18 =	vmul.f32 v15, v44;
	v7 =	vadd.f32 v7, v30;
	v8 =	vadd.s32 v39, v25  }
0x2b0: {  	v52 =	vadd.f32 v3, v47;
	v3 =	vmul.f32 v12, v35;
	v10 =	vld.idx.msk [tilespmem:v13+s3+$0x0], $0xffff;
	v19 =	vmul.f32 v2, v28;
	v2, _, _ =	vpop (xrf2)  }
0x2b1: {  	v51 =	vbroadcast v2, $0xF;
	v7 =	vmul.f32 v17, v7;
	v2 =	vld.idx.msk [tilespmem:v6+s3+$0x0], $0xffff  }
0x2b2: {  	v59 =	vadd.f32 v0, v45;
	v61 =	vadd.f32 v5, v36;
	v63 =	vld.idx.msk [tilespmem:v1+s3+$0x0], $0xffff;
	v1 =	vmul.f32 v14, v32  }
0x2b3: {  	v0 =	vadd.f32 v3, v33;
	v53 =	vmul.f32 v7, v9;
	v7 =	vmul.f32 v4, v46  }
0x2b4: {  	s12 =	simm.s32 $0x0;
	v3 =	vadd.f32 v18, v45;
	v62 =	vadd.f32 v19, v29;
	v4 =	vld.idx.msk [tilespmem:v8+s3+$0x0], $0xffff  }
0x2b5: {  	s13 =	simm.s32 $0x90F8;
	s14 =	simm.s32 $0x70;
	s11 =	simm.s32 $0x90B8;
	v5 =	vmul.f32 v10, v37;
	v1 =	vadd.f32 v1, v34;
	v6 =	vadd.f32 v7, v47  }
.LBB2_10:
0x2b6: {  	s15 =	sadd.s32 $0xFFFFFFD0, s14;
	s16 =	sadd.s32 $0xFFFFFFE0, s14;
	s17 =	sadd.s32 $0xFFFFFFF0, s14;
	v2 =	vmul.f32 v2, v35  }
0x2b7: {  	s12 =	sadd.s32 $0x4, s12;
	v7 =	vmov s15;
	v8 =	vmov s16;
	v3 =	vmul.f32 v6, v3  }
0x2b8: {  	p0 =	slt.u32 s12, $0x1C;
	v5 =	vadd.f32 v5, v36;
	v6 =	vmul.u32 $0x48, v7;
	v7 =	vmul.u32 $0x48, v8  }
0x2b9: {  	v4 =	vmul.f32 v4, v31  }
0x2ba: {  	v8 =	vmov s17;
	v2 =	vadd.f32 v2, v33;
	v6 =	vbroadcast v6, $0x0  }
0x2bb: {  	v4 =	vadd.f32 v4, v30  }
0x2bc: {  	v12 =	vmul.f32 v63, v27;
	v9 =	vadd.s32 v41, v6;
	v10 =	vadd.s32 v38, v6  }
0x2bd: {  	v0 =	vmul.f32 v61, v0  }
0x2be: {  	v12 =	vadd.f32 v12, v26;
	v13 =	vadd.s32 v42, v6;
	v14 =	vadd.s32 v49, v6  }
0x2bf: {  	v1 =	vmul.f32 v1, v4;
	v15 =	vadd.s32 v40, v6;
	v16 =	vadd.s32 v43, v6  }
0x2c0: {  	v0 =	vmul.f32 v56, v0;
	v7 =	vbroadcast v7, $0x0;
	v4 =	vadd.s32 v39, v6  }
0x2c1: {  	v17 =	vmul.f32 v60, v58;
	v8 =	vmul.u32 $0x48, v8;
	v6 =	vadd.s32 v48, v6;
	v10 =	vld.idx.msk [tilespmem:v10+s3+$0x0], $0xffff  }
0x2c2: {  	v12 =	vmul.f32 v12, v62;
	v18 =	vadd.s32 v41, v7;
	v19 =	vadd.s32 v38, v7;
	v9 =	vld.idx.msk [tilespmem:v9+s3+$0x0], $0xffff  }
0x2c3: {  	v2 =	vmul.f32 v5, v2;
	v20 =	vadd.s32 v39, v7;
	v21 =	vadd.s32 v43, v7;
	v13 =	vld.idx.msk [tilespmem:v13+s3+$0x0], $0xffff  }
0x2c4: {  	v0 =	vmul.f32 v0, v17;
	v8 =	vbroadcast v8, $0x0;
	v5 =	vld.idx.msk [tilespmem:v16+s3+$0x0], $0xffff;
	v16 =	vadd.s32 v40, v7  }
0x2c5: {  	v17 =	vadd.s32 v42, v7;
	v22 =	vadd.s32 v49, v7;
	v1 =	vmul.f32 v1, v12;
	v14 =	vld.idx.msk [tilespmem:v14+s3+$0x0], $0xffff  }
0x2c6: {  	v2 =	vmul.f32 v3, v2;
	v12 =	vadd.s32 v41, v8;
	v24 =	vadd.s32 v38, v8;
	v6 =	vld.idx.msk [tilespmem:v6+s3+$0x0], $0xffff  }
0x2c7: {  	v0 =	vmul.f32 v0, v51;
	v25 =	vadd.s32 v42, v8;
	v3 =	vld.idx.msk [tilespmem:v4+s3+$0x0], $0xffff;
	v4 =	vadd.s32 v40, v8  }
0x2c8: {  	v56 =	vadd.s32 v48, v8;
	v58 =	vadd.s32 v43, v8;
	v1 =	vmul.f32 v2, v1;
	v21 =	vld.idx.msk [tilespmem:v21+s3+$0x0], $0xffff  }
0x2c9: {  	v52 =	vmul.f32 v52, v59;
	v2 =	vmul.f32 v9, v28;
	v9 =	vld.idx.msk [tilespmem:v15+s3+$0x0], $0xffff;
	v15 =	vadd.s32 v49, v8  }
0x2ca: {  	v1 =	vmul.f32 v1, v51;
	v7 =	vadd.s32 v48, v7;
	v10 =	vmul.f32 v10, v27;
	v19 =	vld.idx.msk [tilespmem:v19+s3+$0x0], $0xffff  }
0x2cb: {  	v52 =	vmul.f32 v52, v54;
	v8 =	vadd.s32 v39, v8;
	v16 =	vld.idx.msk [tilespmem:v16+s3+$0x0], $0xffff  }
0x2cc: {  	v10 =	vadd.f32 v10, v26;
	v5 =	vmul.f32 v5, v46;
	v12 =	vld.idx.msk [tilespmem:v12+s3+$0x0], $0xffff  }
0x2cd: {  	v54 =	vmov s14;
	v13 =	vmul.f32 v13, v35;
	v3 =	vmul.f32 v3, v31;
	v20 =	vld.idx.msk [tilespmem:v20+s3+$0x0], $0xffff  }
0x2ce: {  	v55 =	vmul.f32 v55, v57;
	v54 =	vmul.u32 $0x48, v54;
	v21 =	vmul.f32 v21, v46;
	v25 =	vld.idx.msk [tilespmem:v25+s3+$0x0], $0xffff  }
0x2cf: {  	v50 =	vmul.f32 v52, v50;
	v2 =	vadd.f32 v2, v29;
	v9 =	vmul.f32 v9, v32;
	[tilespmem:s11+$0x0] =	vst.add.f32.msk $0xffff, v1  }
0x2d0: {  	v1 =	vld.idx.msk [tilespmem:v18+s3+$0x0], $0xffff;
	v18 =	vmul.f32 v19, v27;
	v19 =	vbroadcast v54, $0x0  }
0x2d1: {  	v13 =	vadd.f32 v13, v33;
	v9 =	vadd.f32 v9, v34;
	v16 =	vmul.f32 v16, v32;
	v54 =	vld.idx.msk [tilespmem:v58+s3+$0x0], $0xffff  }
0x2d2: {  	v3 =	vadd.f32 v3, v30;
	v7 =	vld.idx.msk [tilespmem:v7+s3+$0x0], $0xffff;
	v57 =	vadd.s32 v41, v19;
	v60 =	vadd.s32 v38, v19  }
0x2d3: {  	v20 =	vmul.f32 v20, v31;
	v58 =	vadd.s32 v40, v19;
	v59 =	vadd.s32 v48, v19;
	v15 =	vld.idx.msk [tilespmem:v15+s3+$0x0], $0xffff  }
0x2d4: {  	v16 =	vadd.f32 v16, v34;
	v62 =	vadd.s32 v39, v19;
	v61 =	vadd.s32 v42, v19;
	v24 =	vld.idx.msk [tilespmem:v24+s3+$0x0], $0xffff  }
0x2d5: {  	v14 =	vmul.f32 v14, v37;
	v52 =	vadd.f32 v5, v47;
	v5 =	vld.idx.msk [tilespmem:v8+s3+$0x0], $0xffff;
	v8 =	vadd.s32 v49, v19  }
0x2d6: {  	v50 =	vmul.f32 v50, v51;
	v1 =	vmul.f32 v1, v28;
	v19 =	vadd.s32 v43, v19;
	v56 =	vld.idx.msk [tilespmem:v56+s3+$0x0], $0xffff  }
0x2d7: {  	v14 =	vadd.f32 v14, v36;
	v3 =	vmul.f32 v9, v3;
	v9 =	vmul.f32 v55, v53;
	v4 =	vld.idx.msk [tilespmem:v4+s3+$0x0], $0xffff  }
0x2d8: {  	v2 =	vmul.f32 v10, v2;
	v10 =	vadd.f32 v18, v26;
	v7 =	vmul.f32 v7, v44;
	[tilespmem:s11+$0xFFFFFFD0] =	vst.add.f32.msk $0xffff, v50  }
0x2d9: {  	v18 =	vmul.f32 v25, v35;
	v9 =	vmul.f32 v9, v51;
	v17 =	vld.idx.msk [tilespmem:v17+s3+$0x0], $0xffff  }
0x2da: {  	v1 =	vadd.f32 v1, v29;
	v50 =	vmul.f32 v3, v2;
	v3 =	vmul.f32 v15, v37;
	v2 =	vld.idx.msk [tilespmem:v22+s3+$0x0], $0xffff  }
0x2db: {  	v15 =	vadd.f32 v21, v47;
	v7 =	vadd.f32 v7, v45;
	v5 =	vmul.f32 v5, v31;
	[tilespmem:s11+$0xFFFFFFF0] =	vst.add.f32.msk $0xffff, v9  }
0x2dc: {  	v18 =	vadd.f32 v18, v33;
	v9 =	vmul.f32 v24, v27;
	v21 =	vmul.f32 v56, v44;
	[tilespmem:s11+$0xFFFFFFE0] =	vst.add.f32.msk $0xffff, v0;
	s11 =	smov.u32 s13  }
0x2dd: {  	v22 =	vadd.f32 v3, v36;
	v3 =	vmul.f32 v54, v46;
	v0 =	vmul.f32 v4, v32;
	v4 =	vld.idx.msk [tilespmem:v58+s3+$0x0], $0xffff  }
0x2de: {  	v56 =	vmul.f32 v15, v7;
	v7 =	vmul.f32 v12, v28;
	v12 =	vadd.f32 v21, v45;
	v15 =	vld.idx.msk [tilespmem:v59+s3+$0x0], $0xffff  }
0x2df: {  	v6 =	vmul.f32 v6, v44;
	v20 =	vadd.f32 v20, v30;
	v17 =	vmul.f32 v17, v35;
	v21 =	vld.idx.msk [tilespmem:v57+s3+$0x0], $0xffff  }
0x2e0: {  	v24 =	vmul.f32 v2, v37;
	v2 =	vadd.f32 v7, v29;
	v7 =	vadd.f32 v9, v26;
	v9 =	vld.idx.msk [tilespmem:v19+s3+$0x0], $0xffff  }
0x2e1: {  	v58 =	vmul.f32 v10, v1;
	v1 =	vadd.f32 v5, v30;
	v59 =	vadd.f32 v6, v45;
	v5 =	vld.idx.msk [tilespmem:v8+s3+$0x0], $0xffff  }
0x2e2: {  	v3 =	vadd.f32 v3, v47;
	v6 =	vadd.f32 v0, v34;
	v7 =	vmul.f32 v7, v2;
	v63 =	vld.idx.msk [tilespmem:v60+s3+$0x0], $0xffff  }
0x2e3: {  	v54 =	vmul.f32 v14, v13;
	v0 =	vadd.f32 v17, v33;
	v8 =	vmul.f32 v4, v32;
	v2 =	vld.idx.msk [tilespmem:v61+s3+$0x0], $0xffff  }
.Ltmp4:
0x2e4: {  	v1 =	vmul.f32 v6, v1;
	v61 =	vadd.f32 v24, v36;
	v6 =	vmul.f32 v15, v44;
	(pc) =	sbr.rel @p0 .LBB2_10-.Ltmp4, $4  }
0x2e5: {  	v55 =	vmul.f32 v3, v12;
	v10 =	vmul.f32 v21, v28;
	v4 =	vld.idx.msk [tilespmem:v62+s3+$0x0], $0xffff  }
0x2e6: {  	v60 =	vmul.f32 v16, v20;
	v3 =	vadd.f32 v6, v45;
	v6 =	vmul.f32 v9, v46  }
0x2e7: {  	v57 =	vmul.f32 v22, v18;
	v53 =	vmul.f32 v1, v7;
	v62 =	vadd.f32 v10, v29  }
0x2e8: {  	s14 =	sadd.s32 $0x40, s14;
	s13 =	sadd.s32 $0x40, s13;
	v1 =	vadd.f32 v8, v34;
	v5 =	vmul.f32 v5, v37;
	v6 =	vadd.f32 v6, v47  }
0x2e9: {  	v2 =	vmul.f32 v2, v35  }
0x2ea: {  	v7 =	vmul.f32 v63, v27;
	v4 =	vmul.f32 v4, v31  }
0x2eb: {  	v5 =	vadd.f32 v5, v36;
	v2 =	vadd.f32 v2, v33  }
0x2ec: {  	v7 =	vadd.f32 v7, v26;
	v4 =	vadd.f32 v4, v30  }
0x2ed: {  	v3 =	vmul.f32 v6, v3;
	v2 =	vmul.f32 v5, v2  }
0x2ee: {  	v1 =	vmul.f32 v1, v4;
	v4 =	vmul.f32 v7, v62  }
0x2ef: {  	v0 =	vmul.f32 v61, v0  }
0x2f0: {  	v2 =	vmul.f32 v3, v2;
	v1 =	vmul.f32 v1, v4  }
0x2f1: {  	v0 =	vmul.f32 v56, v0;
	v4 =	vmul.f32 v60, v58  }
0x2f2: {  	v1 =	vmul.f32 v2, v1;
	v2 =	vmul.f32 v55, v57  }
0x2f3: {  	v5 =	vmul.f32 v52, v59;
	v0 =	vmul.f32 v0, v4  }
0x2f4: {  	v1 =	vmul.f32 v1, v51;
	v2 =	vmul.f32 v2, v53  }
0x2f5: {  	v3 =	vmul.f32 v5, v54;
	v0 =	vmul.f32 v0, v51  }
0x2f6: {  	[tilespmem:s11+$0x0] =	vst.add.f32.msk $0xffff, v1;
	v1 =	vmul.f32 v2, v51  }
0x2f7: {  	v3 =	vmul.f32 v3, v50;
	[tilespmem:s11+$0xFFFFFFE0] =	vst.add.f32.msk $0xffff, v0;
	v0 =	vimm.s32 $0x48  }
0x2f8: {  	[tilespmem:s11+$0xFFFFFFF0] =	vst.add.f32.msk $0xffff, v1;
	v1 =	vimm.s32 $0x49  }
0x2f9: {  	v3 =	vmul.f32 v3, v51;
	_ =	sdelay $0x1  }
0x2fa: {  	[tilespmem:s11+$0xFFFFFFD0] =	vst.add.f32.msk $0xffff, v3  }
0x2fb: {  	v0 =	vld.idx.msk [tilespmem:v0+s8+$0x0], $0xffff  }
0x2fc: {  	v1 =	vld.idx.msk [tilespmem:v1+s8+$0x0], $0xffff;
	_ =	sdelay $0x4  }
0x2fd: {  	v0 =	vsub.f32 v1, v0;
	_ =	sdelay $0x1  }
0x2fe: {  	v0 =	vmul.f32 $1.442695020e+00, v0  }
0x2ff: {  	v1 =	vimm.s32 $0x4B  }
0x300: {  	(erf) = vpow2.f32 v0;
	v0 =	vimm.s32 $0x4A;
	_ =	sdelay $0x3  }
0x301: {  	v1 =	vld.idx.msk [tilespmem:v1+s8+$0x0], $0xffff  }
0x302: {  	v0 =	vld.idx.msk [tilespmem:v0+s8+$0x0], $0xffff;
	_ =	sdelay $0x4  }
0x303: {  	v2 =	vpop (erf);
	v0 =	vsub.f32 v1, v0  }
0x304: {  	v1 =	vadd.f32 $1.000000000e+00, v2  }
0x305: {  	v0 =	vmul.f32 $1.442695020e+00, v0  }
0x306: {  	(erf) = vrcp.f32 v1;
	v1 =	vimm.s32 $0x4D  }
0x307: {  	(erf) = vpow2.f32 v0;
	v0 =	vimm.s32 $0x4C;
	_ =	sdelay $0x3  }
0x308: {  	v1 =	vld.idx.msk [tilespmem:v1+s8+$0x0], $0xffff  }
0x309: {  	v0 =	vld.idx.msk [tilespmem:v0+s8+$0x0], $0xffff;
	_ =	sdelay $0x3  }
0x30a: {  	v3 =	vpop (erf)  }
0x30b: {  	v4 =	vpop (erf);
	v0 =	vsub.f32 v1, v0  }
0x30c: {  	v1 =	vadd.f32 $1.000000000e+00, v4  }
0x30d: {  	v0 =	vmul.f32 $1.442695020e+00, v0  }
0x30e: {  	(erf) = vrcp.f32 v1;
	v1 =	vimm.s32 $0x4F  }
0x30f: {  	(erf) = vpow2.f32 v0;
	v0 =	vimm.s32 $0x4E;
	_ =	sdelay $0x3  }
0x310: {  	v1 =	vld.idx.msk [tilespmem:v1+s8+$0x0], $0xffff  }
0x311: {  	v0 =	vld.idx.msk [tilespmem:v0+s8+$0x0], $0xffff;
	_ =	sdelay $0x3  }
0x312: {  	v5 =	vpop (erf)  }
0x313: {  	v6 =	vpop (erf);
	v0 =	vsub.f32 v1, v0  }
0x314: {  	v1 =	vadd.f32 $1.000000000e+00, v6  }
0x315: {  	v0 =	vmul.f32 $1.442695020e+00, v0  }
0x316: {  	(erf) = vrcp.f32 v1;
	v1 =	vimm.s32 $0x51  }
0x317: {  	(erf) = vpow2.f32 v0;
	v0 =	vimm.s32 $0x50;
	_ =	sdelay $0x3  }
0x318: {  	v1 =	vld.idx.msk [tilespmem:v1+s8+$0x0], $0xffff  }
0x319: {  	v0 =	vld.idx.msk [tilespmem:v0+s8+$0x0], $0xffff;
	_ =	sdelay $0x3  }
0x31a: {  	v7 =	vpop (erf)  }
0x31b: {  	v8 =	vpop (erf);
	v0 =	vsub.f32 v1, v0  }
0x31c: {  	v1 =	vadd.f32 $1.000000000e+00, v8  }
0x31d: {  	v0 =	vmul.f32 $1.442695020e+00, v0  }
0x31e: {  	(erf) = vrcp.f32 v1;
	v1 =	vimm.s32 $0x53  }
0x31f: {  	(erf) = vpow2.f32 v0;
	v0 =	vimm.s32 $0x52;
	_ =	sdelay $0x3  }
0x320: {  	v1 =	vld.idx.msk [tilespmem:v1+s8+$0x0], $0xffff  }
0x321: {  	v0 =	vld.idx.msk [tilespmem:v0+s8+$0x0], $0xffff;
	_ =	sdelay $0x3  }
0x322: {  	v9 =	vpop (erf)  }
0x323: {  	v10 =	vpop (erf);
	v0 =	vsub.f32 v1, v0  }
0x324: {  	v1 =	vadd.f32 $1.000000000e+00, v10  }
0x325: {  	v0 =	vmul.f32 $1.442695020e+00, v0  }
0x326: {  	(erf) = vrcp.f32 v1;
	v1 =	vimm.s32 $0x55  }
0x327: {  	(erf) = vpow2.f32 v0;
	v0 =	vimm.s32 $0x54;
	_ =	sdelay $0x3  }
0x328: {  	v1 =	vld.idx.msk [tilespmem:v1+s8+$0x0], $0xffff  }
0x329: {  	v0 =	vld.idx.msk [tilespmem:v0+s8+$0x0], $0xffff;
	_ =	sdelay $0x3  }
0x32a: {  	v12 =	vpop (erf)  }
0x32b: {  	v13 =	vpop (erf);
	v0 =	vsub.f32 v1, v0  }
0x32c: {  	v1 =	vadd.f32 $1.000000000e+00, v13  }
0x32d: {  	v0 =	vmul.f32 $1.442695020e+00, v0  }
0x32e: {  	(erf) = vrcp.f32 v1;
	v1 =	vimm.s32 $0x57  }
0x32f: {  	(erf) = vpow2.f32 v0;
	v0 =	vimm.s32 $0x56;
	_ =	sdelay $0x3  }
0x330: {  	v1 =	vld.idx.msk [tilespmem:v1+s8+$0x0], $0xffff  }
0x331: {  	v0 =	vld.idx.msk [tilespmem:v0+s8+$0x0], $0xffff;
	_ =	sdelay $0x3  }
0x332: {  	v14 =	vpop (erf)  }
0x333: {  	v15 =	vpop (erf);
	v0 =	vsub.f32 v1, v0  }
0x334: {  	v1 =	vadd.f32 $1.000000000e+00, v15  }
0x335: {  	v0 =	vmul.f32 $1.442695020e+00, v0  }
0x336: {  	(erf) = vrcp.f32 v1  }
0x337: {  	(erf) = vpow2.f32 v0;
	_ =	sdelay $0x2  }
0x338: {  	v1 =	vsub.f32 $1.000000000e+00, v4;
	_ =	sdelay $0x1  }
0x339: {  	v27 =	vmul.f32 v5, v1;
	v1 =	vsub.f32 $1.000000000e+00, v8  }
0x33a: {  	v0 =	vsub.f32 $1.000000000e+00, v2  }
0x33b: {  	s29 =	simm.s32 $0x10;
	v29 =	vmul.f32 v3, v2;
	v26 =	vmul.f32 v5, v4  }
0x33c: {  	s28 =	simm.s32 $0x0;
	v5 =	vmov s29;
	v28 =	vmul.f32 v3, v0;
	v0 =	vsub.f32 $1.000000000e+00, v6;
	v2 =	vpop (erf)  }
0x33d: {  	v4 =	vmov s28;
	v5 =	vmul.u32 $0x48, v5;
	v32 =	vmul.f32 v9, v1;
	v1 =	vpop (erf)  }
0x33e: {  	v31 =	vmul.f32 v7, v0;
	v0 =	vsub.f32 $1.000000000e+00, v10;
	v3 =	vadd.f32 $1.000000000e+00, v1  }
0x33f: {  	v4 =	vmul.u32 $0x48, v4;
	v5 =	vbroadcast v5, $0x0  }
0x340: {  	v35 =	vmul.f32 v12, v0;
	v0 =	vsub.f32 $1.000000000e+00, v13;
	(erf) = vrcp.f32 v3  }
0x341: {  	v38 =	vadd.s32 $0x21, v11;
	v39 =	vadd.s32 $0x22, v11;
	v41 =	vadd.s32 $0x20, v11  }
0x342: {  	v60 =	vadd.s32 v38, v5;
	v37 =	vmul.f32 v14, v0;
	v0 =	vbroadcast v4, $0x0  }
0x343: {  	v40 =	vadd.s32 $0x23, v11;
	v43 =	vadd.s32 $0x27, v11;
	v17 =	vadd.s32 v41, v5  }
0x344: {  	v48 =	vadd.s32 $0x26, v11;
	v30 =	vmul.f32 v7, v6;
	v6 =	vadd.s32 v38, v0  }
0x345: {  	s30 =	simm.s32 $0x20;
	v34 =	vmul.f32 v9, v8;
	v33 =	vmul.f32 v12, v10;
	v10 =	vadd.s32 v41, v0  }
0x346: {  	v8 =	vmov s30;
	v4 =	vsub.f32 $1.000000000e+00, v15;
	v7 =	vadd.s32 v39, v0  }
0x347: {  	v36 =	vmul.f32 v14, v13;
	v8 =	vmul.u32 $0x48, v8;
	v9 =	vadd.s32 v40, v0;
	v14 =	vld.idx.msk [tilespmem:v60+s3+$0x0], $0xffff  }
0x348: {  	v59 =	vadd.s32 v43, v5;
	v44 =	vmul.f32 v2, v4;
	v4 =	vsub.f32 $1.000000000e+00, v1;
	v17 =	vld.idx.msk [tilespmem:v17+s3+$0x0], $0xffff  }
0x349: {  	v8 =	vbroadcast v8, $0x0;
	v16 =	vadd.s32 v48, v5;
	v45 =	vmul.f32 v2, v15;
	v6 =	vld.idx.msk [tilespmem:v6+s3+$0x0], $0xffff;
	v2 =	vpop (erf)  }
0x34a: {  	v42 =	vadd.s32 $0x24, v11;
	s31 =	simm.s32 $0x30;
	v18 =	vadd.s32 v39, v5;
	v46 =	vmul.f32 v2, v4;
	v4 =	vld.idx.msk [tilespmem:v10+s3+$0x0], $0xffff  }
0x34b: {  	v49 =	vadd.s32 $0x25, v11;
	v25 =	vmov s31;
	v20 =	vadd.s32 v38, v8;
	v7 =	vld.idx.msk [tilespmem:v7+s3+$0x0], $0xffff  }
0x34c: {  	v21 =	vadd.s32 v40, v8;
	v24 =	vadd.s32 v43, v8;
	v47 =	vmul.f32 v2, v1;
	v2 =	vld.idx.msk [tilespmem:v9+s3+$0x0], $0xffff  }
0x34d: {  	v22 =	vadd.s32 v42, v8;
	v58 =	vadd.s32 v42, v0;
	v13 =	vld.idx.msk [tilespmem:v59+s3+$0x0], $0xffff;
	v3 =	vsel vm5, $0x0, v23  }
0x34e: {  	v25 =	vmul.u32 $0x48, v25;
	v16 =	vld.idx.msk [tilespmem:v16+s3+$0x0], $0xffff;
	(xrf2) =	vadd.scan.msk.f32 $0xffff, v3;
	v3 =	vmul.f32 v14, v27;
	v17 =	vmul.f32 v17, v28  }
0x34f: {  	v61 =	vadd.s32 v43, v0;
	v18 =	vld.idx.msk [tilespmem:v18+s3+$0x0], $0xffff;
	v6 =	vmul.f32 v6, v27;
	v4 =	vmul.f32 v4, v28  }
0x350: {  	v20 =	vld.idx.msk [tilespmem:v20+s3+$0x0], $0xffff;
	v3 =	vadd.f32 v3, v26;
	v7 =	vmul.f32 v7, v31;
	v9 =	vadd.s32 v41, v8  }
0x351: {  	v63 =	vld.idx.msk [tilespmem:v24+s3+$0x0], $0xffff;
	v6 =	vadd.f32 v6, v26;
	v2 =	vmul.f32 v2, v32;
	v4 =	vadd.f32 v4, v29  }
0x352: {  	v53 =	vld.idx.msk [tilespmem:v21+s3+$0x0], $0xffff;
	v17 =	vadd.f32 v17, v29;
	v10 =	vadd.s32 v49, v0;
	v7 =	vadd.f32 v7, v30  }
0x353: {  	v21 =	vld.idx.msk [tilespmem:v22+s3+$0x0], $0xffff;
	v2 =	vadd.f32 v2, v34;
	v4 =	vmul.f32 v6, v4;
	v6 =	vadd.s32 v48, v8  }
0x354: {  	v25 =	vbroadcast v25, $0x0;
	v12 =	vld.idx.msk [tilespmem:v58+s3+$0x0], $0xffff;
	v58 =	vmul.f32 v3, v17;
	v1 =	vadd.s32 v40, v5  }
0x355: {  	v3 =	vld.idx.msk [tilespmem:v61+s3+$0x0], $0xffff;
	v2 =	vmul.f32 v2, v7;
	v7 =	vadd.s32 v39, v8;
	v8 =	vadd.s32 v49, v8  }
0x356: {  	v62 =	vmul.f32 v16, v44;
	v20 =	vmul.f32 v20, v27;
	v9 =	vld.idx.msk [tilespmem:v9+s3+$0x0], $0xffff  }
0x357: {  	v19 =	vadd.s32 v42, v5;
	v60 =	vadd.s32 v40, v25;
	v13 =	vmul.f32 v13, v46;
	v10 =	vld.idx.msk [tilespmem:v10+s3+$0x0], $0xffff  }
0x358: {  	v14 =	vadd.f32 v62, v45;
	v55 =	vadd.f32 v20, v26;
	v61 =	vadd.s32 v48, v25;
	v6 =	vld.idx.msk [tilespmem:v6+s3+$0x0], $0xffff  }
0x359: {  	v12 =	vmul.f32 v12, v35;
	v0 =	vadd.s32 v48, v0;
	v13 =	vadd.f32 v13, v47;
	v1 =	vld.idx.msk [tilespmem:v1+s3+$0x0], $0xffff  }
0x35a: {  	v62 =	vmul.f32 v53, v32;
	v5 =	vadd.s32 v49, v5;
	v16 =	vmul.f32 v63, v46;
	v8 =	vld.idx.msk [tilespmem:v8+s3+$0x0], $0xffff  }
0x35b: {  	v12 =	vadd.f32 v12, v33;
	v63 =	vmul.f32 v21, v35;
	v56 =	vmul.f32 v13, v14  }
0x35c: {  	v16 =	vadd.f32 v16, v47;
	v9 =	vmul.f32 v9, v28;
	v10 =	vmul.f32 v10, v37  }
0x35d: {  	v15 =	vld.idx.msk [tilespmem:v61+s3+$0x0], $0xffff;
	v50 =	vmul.f32 v2, v4;
	v2 =	vadd.s32 v41, v25;
	v6 =	vmul.f32 v6, v44  }
0x35e: {  	v0 =	vld.idx.msk [tilespmem:v0+s3+$0x0], $0xffff;
	v1 =	vmul.f32 v1, v32;
	v9 =	vadd.f32 v9, v29;
	v10 =	vadd.f32 v10, v36  }
0x35f: {  	v4 =	vmul.f32 v18, v31;
	v7 =	vld.idx.msk [tilespmem:v7+s3+$0x0], $0xffff;
	v8 =	vmul.f32 v8, v37;
	v6 =	vadd.f32 v6, v45  }
0x360: {  	v5 =	vld.idx.msk [tilespmem:v5+s3+$0x0], $0xffff;
	v9 =	vmul.f32 v55, v9;
	v54 =	vmul.f32 v10, v12;
	v10 =	vadd.s32 v43, v25  }
0x361: {  	v12 =	vld.idx.msk [tilespmem:v19+s3+$0x0], $0xffff;
	v8 =	vadd.f32 v8, v36;
	v55 =	vmul.f32 v16, v6;
	v6 =	vadd.f32 v63, v33  }
0x362: {  	v13 =	vadd.s32 v49, v25;
	v1 =	vadd.f32 v1, v34;
	v4 =	vadd.f32 v4, v30;
	v2 =	vld.idx.msk [tilespmem:v2+s3+$0x0], $0xffff  }
0x363: {  	v3 =	vmul.f32 v3, v46;
	v57 =	vmul.f32 v8, v6;
	v6 =	vadd.s32 v42, v25  }
0x364: {  	v14 =	vld.idx.msk [tilespmem:v60+s3+$0x0], $0xffff;
	v60 =	vmul.f32 v1, v4;
	v1 =	vadd.s32 v38, v25;
	v7 =	vmul.f32 v7, v31  }
0x365: {  	v17 =	vadd.f32 v62, v34;
	v0 =	vmul.f32 v0, v44;
	v5 =	vmul.f32 v5, v37;
	v4 =	vld.idx.msk [tilespmem:v10+s3+$0x0], $0xffff  }
0x366: {  	v18 =	vmul.f32 v15, v44;
	v7 =	vadd.f32 v7, v30;
	v8 =	vadd.s32 v39, v25  }
0x367: {  	v52 =	vadd.f32 v3, v47;
	v3 =	vmul.f32 v12, v35;
	v10 =	vld.idx.msk [tilespmem:v13+s3+$0x0], $0xffff;
	v19 =	vmul.f32 v2, v28;
	v2, _, _ =	vpop (xrf2)  }
0x368: {  	v51 =	vbroadcast v2, $0xF;
	v7 =	vmul.f32 v17, v7;
	v2 =	vld.idx.msk [tilespmem:v6+s3+$0x0], $0xffff  }
0x369: {  	v59 =	vadd.f32 v0, v45;
	v61 =	vadd.f32 v5, v36;
	v63 =	vld.idx.msk [tilespmem:v1+s3+$0x0], $0xffff;
	v1 =	vmul.f32 v14, v32  }
0x36a: {  	v0 =	vadd.f32 v3, v33;
	v53 =	vmul.f32 v7, v9;
	v7 =	vmul.f32 v4, v46  }
0x36b: {  	s12 =	simm.s32 $0x0;
	v3 =	vadd.f32 v18, v45;
	v62 =	vadd.f32 v19, v29;
	v4 =	vld.idx.msk [tilespmem:v8+s3+$0x0], $0xffff  }
0x36c: {  	s13 =	simm.s32 $0x90F8;
	s14 =	simm.s32 $0x70;
	s11 =	simm.s32 $0x90B8;
	v5 =	vmul.f32 v10, v37;
	v1 =	vadd.f32 v1, v34;
	v6 =	vadd.f32 v7, v47  }
.LBB2_12:
0x36d: {  	s15 =	sadd.s32 $0xFFFFFFD0, s14;
	s16 =	sadd.s32 $0xFFFFFFE0, s14;
	s17 =	sadd.s32 $0xFFFFFFF0, s14;
	v2 =	vmul.f32 v2, v35  }
0x36e: {  	s12 =	sadd.s32 $0x4, s12;
	v7 =	vmov s15;
	v8 =	vmov s16;
	v3 =	vmul.f32 v6, v3  }
0x36f: {  	p0 =	slt.u32 s12, $0x1C;
	v5 =	vadd.f32 v5, v36;
	v6 =	vmul.u32 $0x48, v7;
	v7 =	vmul.u32 $0x48, v8  }
0x370: {  	v4 =	vmul.f32 v4, v31  }
0x371: {  	v8 =	vmov s17;
	v2 =	vadd.f32 v2, v33;
	v6 =	vbroadcast v6, $0x0  }
0x372: {  	v4 =	vadd.f32 v4, v30  }
0x373: {  	v12 =	vmul.f32 v63, v27;
	v9 =	vadd.s32 v41, v6;
	v10 =	vadd.s32 v38, v6  }
0x374: {  	v0 =	vmul.f32 v61, v0  }
0x375: {  	v12 =	vadd.f32 v12, v26;
	v13 =	vadd.s32 v42, v6;
	v14 =	vadd.s32 v49, v6  }
0x376: {  	v1 =	vmul.f32 v1, v4;
	v15 =	vadd.s32 v40, v6;
	v16 =	vadd.s32 v43, v6  }
0x377: {  	v0 =	vmul.f32 v56, v0;
	v7 =	vbroadcast v7, $0x0;
	v4 =	vadd.s32 v39, v6  }
0x378: {  	v17 =	vmul.f32 v60, v58;
	v8 =	vmul.u32 $0x48, v8;
	v6 =	vadd.s32 v48, v6;
	v10 =	vld.idx.msk [tilespmem:v10+s3+$0x0], $0xffff  }
0x379: {  	v12 =	vmul.f32 v12, v62;
	v18 =	vadd.s32 v41, v7;
	v19 =	vadd.s32 v38, v7;
	v9 =	vld.idx.msk [tilespmem:v9+s3+$0x0], $0xffff  }
0x37a: {  	v2 =	vmul.f32 v5, v2;
	v20 =	vadd.s32 v39, v7;
	v21 =	vadd.s32 v43, v7;
	v13 =	vld.idx.msk [tilespmem:v13+s3+$0x0], $0xffff  }
0x37b: {  	v0 =	vmul.f32 v0, v17;
	v8 =	vbroadcast v8, $0x0;
	v5 =	vld.idx.msk [tilespmem:v16+s3+$0x0], $0xffff;
	v16 =	vadd.s32 v40, v7  }
0x37c: {  	v17 =	vadd.s32 v42, v7;
	v22 =	vadd.s32 v49, v7;
	v1 =	vmul.f32 v1, v12;
	v14 =	vld.idx.msk [tilespmem:v14+s3+$0x0], $0xffff  }
0x37d: {  	v2 =	vmul.f32 v3, v2;
	v12 =	vadd.s32 v41, v8;
	v24 =	vadd.s32 v38, v8;
	v6 =	vld.idx.msk [tilespmem:v6+s3+$0x0], $0xffff  }
0x37e: {  	v0 =	vmul.f32 v0, v51;
	v25 =	vadd.s32 v42, v8;
	v3 =	vld.idx.msk [tilespmem:v4+s3+$0x0], $0xffff;
	v4 =	vadd.s32 v40, v8  }
0x37f: {  	v56 =	vadd.s32 v48, v8;
	v58 =	vadd.s32 v43, v8;
	v1 =	vmul.f32 v2, v1;
	v21 =	vld.idx.msk [tilespmem:v21+s3+$0x0], $0xffff  }
0x380: {  	v52 =	vmul.f32 v52, v59;
	v2 =	vmul.f32 v9, v28;
	v9 =	vld.idx.msk [tilespmem:v15+s3+$0x0], $0xffff;
	v15 =	vadd.s32 v49, v8  }
0x381: {  	v1 =	vmul.f32 v1, v51;
	v7 =	vadd.s32 v48, v7;
	v10 =	vmul.f32 v10, v27;
	v19 =	vld.idx.msk [tilespmem:v19+s3+$0x0], $0xffff  }
0x382: {  	v52 =	vmul.f32 v52, v54;
	v8 =	vadd.s32 v39, v8;
	v16 =	vld.idx.msk [tilespmem:v16+s3+$0x0], $0xffff  }
0x383: {  	v10 =	vadd.f32 v10, v26;
	v5 =	vmul.f32 v5, v46;
	v12 =	vld.idx.msk [tilespmem:v12+s3+$0x0], $0xffff  }
0x384: {  	v54 =	vmov s14;
	v13 =	vmul.f32 v13, v35;
	v3 =	vmul.f32 v3, v31;
	v20 =	vld.idx.msk [tilespmem:v20+s3+$0x0], $0xffff  }
0x385: {  	v55 =	vmul.f32 v55, v57;
	v54 =	vmul.u32 $0x48, v54;
	v21 =	vmul.f32 v21, v46;
	v25 =	vld.idx.msk [tilespmem:v25+s3+$0x0], $0xffff  }
0x386: {  	v50 =	vmul.f32 v52, v50;
	v2 =	vadd.f32 v2, v29;
	v9 =	vmul.f32 v9, v32;
	[tilespmem:s11+$0x0] =	vst.add.f32.msk $0xffff, v1  }
0x387: {  	v1 =	vld.idx.msk [tilespmem:v18+s3+$0x0], $0xffff;
	v18 =	vmul.f32 v19, v27;
	v19 =	vbroadcast v54, $0x0  }
0x388: {  	v13 =	vadd.f32 v13, v33;
	v9 =	vadd.f32 v9, v34;
	v16 =	vmul.f32 v16, v32;
	v54 =	vld.idx.msk [tilespmem:v58+s3+$0x0], $0xffff  }
0x389: {  	v3 =	vadd.f32 v3, v30;
	v7 =	vld.idx.msk [tilespmem:v7+s3+$0x0], $0xffff;
	v57 =	vadd.s32 v41, v19;
	v60 =	vadd.s32 v38, v19  }
0x38a: {  	v20 =	vmul.f32 v20, v31;
	v58 =	vadd.s32 v40, v19;
	v59 =	vadd.s32 v48, v19;
	v15 =	vld.idx.msk [tilespmem:v15+s3+$0x0], $0xffff  }
0x38b: {  	v16 =	vadd.f32 v16, v34;
	v62 =	vadd.s32 v39, v19;
	v61 =	vadd.s32 v42, v19;
	v24 =	vld.idx.msk [tilespmem:v24+s3+$0x0], $0xffff  }
0x38c: {  	v14 =	vmul.f32 v14, v37;
	v52 =	vadd.f32 v5, v47;
	v5 =	vld.idx.msk [tilespmem:v8+s3+$0x0], $0xffff;
	v8 =	vadd.s32 v49, v19  }
0x38d: {  	v50 =	vmul.f32 v50, v51;
	v1 =	vmul.f32 v1, v28;
	v19 =	vadd.s32 v43, v19;
	v56 =	vld.idx.msk [tilespmem:v56+s3+$0x0], $0xffff  }
0x38e: {  	v14 =	vadd.f32 v14, v36;
	v3 =	vmul.f32 v9, v3;
	v9 =	vmul.f32 v55, v53;
	v4 =	vld.idx.msk [tilespmem:v4+s3+$0x0], $0xffff  }
0x38f: {  	v2 =	vmul.f32 v10, v2;
	v10 =	vadd.f32 v18, v26;
	v7 =	vmul.f32 v7, v44;
	[tilespmem:s11+$0xFFFFFFD0] =	vst.add.f32.msk $0xffff, v50  }
0x390: {  	v18 =	vmul.f32 v25, v35;
	v9 =	vmul.f32 v9, v51;
	v17 =	vld.idx.msk [tilespmem:v17+s3+$0x0], $0xffff  }
0x391: {  	v1 =	vadd.f32 v1, v29;
	v50 =	vmul.f32 v3, v2;
	v3 =	vmul.f32 v15, v37;
	v2 =	vld.idx.msk [tilespmem:v22+s3+$0x0], $0xffff  }
0x392: {  	v15 =	vadd.f32 v21, v47;
	v7 =	vadd.f32 v7, v45;
	v5 =	vmul.f32 v5, v31;
	[tilespmem:s11+$0xFFFFFFF0] =	vst.add.f32.msk $0xffff, v9  }
0x393: {  	v18 =	vadd.f32 v18, v33;
	v9 =	vmul.f32 v24, v27;
	v21 =	vmul.f32 v56, v44;
	[tilespmem:s11+$0xFFFFFFE0] =	vst.add.f32.msk $0xffff, v0;
	s11 =	smov.u32 s13  }
0x394: {  	v22 =	vadd.f32 v3, v36;
	v3 =	vmul.f32 v54, v46;
	v0 =	vmul.f32 v4, v32;
	v4 =	vld.idx.msk [tilespmem:v58+s3+$0x0], $0xffff  }
0x395: {  	v56 =	vmul.f32 v15, v7;
	v7 =	vmul.f32 v12, v28;
	v12 =	vadd.f32 v21, v45;
	v15 =	vld.idx.msk [tilespmem:v59+s3+$0x0], $0xffff  }
0x396: {  	v6 =	vmul.f32 v6, v44;
	v20 =	vadd.f32 v20, v30;
	v17 =	vmul.f32 v17, v35;
	v21 =	vld.idx.msk [tilespmem:v57+s3+$0x0], $0xffff  }
0x397: {  	v24 =	vmul.f32 v2, v37;
	v2 =	vadd.f32 v7, v29;
	v7 =	vadd.f32 v9, v26;
	v9 =	vld.idx.msk [tilespmem:v19+s3+$0x0], $0xffff  }
0x398: {  	v58 =	vmul.f32 v10, v1;
	v1 =	vadd.f32 v5, v30;
	v59 =	vadd.f32 v6, v45;
	v5 =	vld.idx.msk [tilespmem:v8+s3+$0x0], $0xffff  }
0x399: {  	v3 =	vadd.f32 v3, v47;
	v6 =	vadd.f32 v0, v34;
	v7 =	vmul.f32 v7, v2;
	v63 =	vld.idx.msk [tilespmem:v60+s3+$0x0], $0xffff  }
0x39a: {  	v54 =	vmul.f32 v14, v13;
	v0 =	vadd.f32 v17, v33;
	v8 =	vmul.f32 v4, v32;
	v2 =	vld.idx.msk [tilespmem:v61+s3+$0x0], $0xffff  }
.Ltmp5:
0x39b: {  	v1 =	vmul.f32 v6, v1;
	v61 =	vadd.f32 v24, v36;
	v6 =	vmul.f32 v15, v44;
	(pc) =	sbr.rel @p0 .LBB2_12-.Ltmp5, $4  }
0x39c: {  	v55 =	vmul.f32 v3, v12;
	v10 =	vmul.f32 v21, v28;
	v4 =	vld.idx.msk [tilespmem:v62+s3+$0x0], $0xffff  }
0x39d: {  	v60 =	vmul.f32 v16, v20;
	v3 =	vadd.f32 v6, v45;
	v6 =	vmul.f32 v9, v46  }
0x39e: {  	v57 =	vmul.f32 v22, v18;
	v53 =	vmul.f32 v1, v7;
	v62 =	vadd.f32 v10, v29  }
0x39f: {  	s14 =	sadd.s32 $0x40, s14;
	s13 =	sadd.s32 $0x40, s13;
	v1 =	vadd.f32 v8, v34;
	v5 =	vmul.f32 v5, v37;
	v6 =	vadd.f32 v6, v47  }
0x3a0: {  	v2 =	vmul.f32 v2, v35  }
0x3a1: {  	v7 =	vmul.f32 v63, v27;
	v4 =	vmul.f32 v4, v31  }
0x3a2: {  	v5 =	vadd.f32 v5, v36;
	v2 =	vadd.f32 v2, v33  }
0x3a3: {  	v7 =	vadd.f32 v7, v26;
	v4 =	vadd.f32 v4, v30  }
0x3a4: {  	v3 =	vmul.f32 v6, v3;
	v2 =	vmul.f32 v5, v2  }
0x3a5: {  	v1 =	vmul.f32 v1, v4;
	v4 =	vmul.f32 v7, v62  }
0x3a6: {  	v0 =	vmul.f32 v61, v0  }
0x3a7: {  	v2 =	vmul.f32 v3, v2;
	v1 =	vmul.f32 v1, v4  }
0x3a8: {  	v0 =	vmul.f32 v56, v0;
	v4 =	vmul.f32 v60, v58  }
0x3a9: {  	v1 =	vmul.f32 v2, v1;
	v2 =	vmul.f32 v55, v57  }
0x3aa: {  	v5 =	vmul.f32 v52, v59;
	v0 =	vmul.f32 v0, v4  }
0x3ab: {  	v1 =	vmul.f32 v1, v51;
	v2 =	vmul.f32 v2, v53  }
0x3ac: {  	v3 =	vmul.f32 v5, v54;
	v0 =	vmul.f32 v0, v51  }
0x3ad: {  	[tilespmem:s11+$0x0] =	vst.add.f32.msk $0xffff, v1;
	v1 =	vmul.f32 v2, v51  }
0x3ae: {  	v3 =	vmul.f32 v3, v50;
	[tilespmem:s11+$0xFFFFFFE0] =	vst.add.f32.msk $0xffff, v0;
	v0 =	vimm.s32 $0x58  }
0x3af: {  	[tilespmem:s11+$0xFFFFFFF0] =	vst.add.f32.msk $0xffff, v1;
	v1 =	vimm.s32 $0x59  }
0x3b0: {  	v3 =	vmul.f32 v3, v51;
	_ =	sdelay $0x1  }
0x3b1: {  	[tilespmem:s11+$0xFFFFFFD0] =	vst.add.f32.msk $0xffff, v3  }
0x3b2: {  	v0 =	vld.idx.msk [tilespmem:v0+s8+$0x0], $0xffff  }
0x3b3: {  	v1 =	vld.idx.msk [tilespmem:v1+s8+$0x0], $0xffff;
	_ =	sdelay $0x4  }
0x3b4: {  	v0 =	vsub.f32 v1, v0;
	_ =	sdelay $0x1  }
0x3b5: {  	v0 =	vmul.f32 $1.442695020e+00, v0  }
0x3b6: {  	v1 =	vimm.s32 $0x5B  }
0x3b7: {  	(erf) = vpow2.f32 v0;
	v0 =	vimm.s32 $0x5A;
	_ =	sdelay $0x3  }
0x3b8: {  	v1 =	vld.idx.msk [tilespmem:v1+s8+$0x0], $0xffff  }
0x3b9: {  	v0 =	vld.idx.msk [tilespmem:v0+s8+$0x0], $0xffff;
	_ =	sdelay $0x4  }
0x3ba: {  	v2 =	vpop (erf);
	v0 =	vsub.f32 v1, v0  }
0x3bb: {  	v1 =	vadd.f32 $1.000000000e+00, v2  }
0x3bc: {  	v0 =	vmul.f32 $1.442695020e+00, v0  }
0x3bd: {  	(erf) = vrcp.f32 v1;
	v1 =	vimm.s32 $0x5D  }
0x3be: {  	(erf) = vpow2.f32 v0;
	v0 =	vimm.s32 $0x5C;
	_ =	sdelay $0x3  }
0x3bf: {  	v1 =	vld.idx.msk [tilespmem:v1+s8+$0x0], $0xffff  }
0x3c0: {  	v0 =	vld.idx.msk [tilespmem:v0+s8+$0x0], $0xffff;
	_ =	sdelay $0x3  }
0x3c1: {  	v3 =	vpop (erf)  }
0x3c2: {  	v4 =	vpop (erf);
	v0 =	vsub.f32 v1, v0  }
0x3c3: {  	v1 =	vadd.f32 $1.000000000e+00, v4  }
0x3c4: {  	v0 =	vmul.f32 $1.442695020e+00, v0  }
0x3c5: {  	(erf) = vrcp.f32 v1;
	v1 =	vimm.s32 $0x5F  }
0x3c6: {  	(erf) = vpow2.f32 v0;
	v0 =	vimm.s32 $0x5E;
	_ =	sdelay $0x3  }
0x3c7: {  	v1 =	vld.idx.msk [tilespmem:v1+s8+$0x0], $0xffff  }
0x3c8: {  	v0 =	vld.idx.msk [tilespmem:v0+s8+$0x0], $0xffff;
	_ =	sdelay $0x3  }
0x3c9: {  	v5 =	vpop (erf)  }
0x3ca: {  	v6 =	vpop (erf);
	v0 =	vsub.f32 v1, v0  }
0x3cb: {  	v1 =	vadd.f32 $1.000000000e+00, v6  }
0x3cc: {  	v0 =	vmul.f32 $1.442695020e+00, v0  }
0x3cd: {  	(erf) = vrcp.f32 v1;
	v1 =	vimm.s32 $0x61  }
0x3ce: {  	(erf) = vpow2.f32 v0;
	v0 =	vimm.s32 $0x60;
	_ =	sdelay $0x3  }
0x3cf: {  	v1 =	vld.idx.msk [tilespmem:v1+s8+$0x0], $0xffff  }
0x3d0: {  	v0 =	vld.idx.msk [tilespmem:v0+s8+$0x0], $0xffff;
	_ =	sdelay $0x3  }
0x3d1: {  	v7 =	vpop (erf)  }
0x3d2: {  	v8 =	vpop (erf);
	v0 =	vsub.f32 v1, v0  }
0x3d3: {  	v1 =	vadd.f32 $1.000000000e+00, v8  }
0x3d4: {  	v0 =	vmul.f32 $1.442695020e+00, v0  }
0x3d5: {  	(erf) = vrcp.f32 v1;
	v1 =	vimm.s32 $0x63  }
0x3d6: {  	(erf) = vpow2.f32 v0;
	v0 =	vimm.s32 $0x62;
	_ =	sdelay $0x3  }
0x3d7: {  	v1 =	vld.idx.msk [tilespmem:v1+s8+$0x0], $0xffff  }
0x3d8: {  	v0 =	vld.idx.msk [tilespmem:v0+s8+$0x0], $0xffff;
	_ =	sdelay $0x3  }
0x3d9: {  	v9 =	vpop (erf)  }
0x3da: {  	v10 =	vpop (erf);
	v0 =	vsub.f32 v1, v0  }
0x3db: {  	v1 =	vadd.f32 $1.000000000e+00, v10  }
0x3dc: {  	v0 =	vmul.f32 $1.442695020e+00, v0  }
0x3dd: {  	(erf) = vrcp.f32 v1;
	v1 =	vimm.s32 $0x65  }
0x3de: {  	(erf) = vpow2.f32 v0;
	v0 =	vimm.s32 $0x64;
	_ =	sdelay $0x3  }
0x3df: {  	v1 =	vld.idx.msk [tilespmem:v1+s8+$0x0], $0xffff  }
0x3e0: {  	v0 =	vld.idx.msk [tilespmem:v0+s8+$0x0], $0xffff;
	_ =	sdelay $0x3  }
0x3e1: {  	v12 =	vpop (erf)  }
0x3e2: {  	v13 =	vpop (erf);
	v0 =	vsub.f32 v1, v0  }
0x3e3: {  	v1 =	vadd.f32 $1.000000000e+00, v13  }
0x3e4: {  	v0 =	vmul.f32 $1.442695020e+00, v0  }
0x3e5: {  	(erf) = vrcp.f32 v1;
	v1 =	vimm.s32 $0x67  }
0x3e6: {  	(erf) = vpow2.f32 v0;
	v0 =	vimm.s32 $0x66;
	_ =	sdelay $0x3  }
0x3e7: {  	v1 =	vld.idx.msk [tilespmem:v1+s8+$0x0], $0xffff  }
0x3e8: {  	v0 =	vld.idx.msk [tilespmem:v0+s8+$0x0], $0xffff;
	_ =	sdelay $0x3  }
0x3e9: {  	v14 =	vpop (erf)  }
0x3ea: {  	v15 =	vpop (erf);
	v0 =	vsub.f32 v1, v0  }
0x3eb: {  	v1 =	vadd.f32 $1.000000000e+00, v15  }
0x3ec: {  	v0 =	vmul.f32 $1.442695020e+00, v0  }
0x3ed: {  	(erf) = vrcp.f32 v1  }
0x3ee: {  	(erf) = vpow2.f32 v0;
	_ =	sdelay $0x2  }
0x3ef: {  	v1 =	vsub.f32 $1.000000000e+00, v4;
	_ =	sdelay $0x1  }
0x3f0: {  	v27 =	vmul.f32 v5, v1;
	v1 =	vsub.f32 $1.000000000e+00, v8  }
0x3f1: {  	v0 =	vsub.f32 $1.000000000e+00, v2  }
0x3f2: {  	s29 =	simm.s32 $0x10;
	v29 =	vmul.f32 v3, v2;
	v26 =	vmul.f32 v5, v4  }
0x3f3: {  	s28 =	simm.s32 $0x0;
	v5 =	vmov s29;
	v28 =	vmul.f32 v3, v0;
	v0 =	vsub.f32 $1.000000000e+00, v6;
	v2 =	vpop (erf)  }
0x3f4: {  	v4 =	vmov s28;
	v5 =	vmul.u32 $0x48, v5;
	v32 =	vmul.f32 v9, v1;
	v1 =	vpop (erf)  }
0x3f5: {  	v31 =	vmul.f32 v7, v0;
	v0 =	vsub.f32 $1.000000000e+00, v10;
	v3 =	vadd.f32 $1.000000000e+00, v1  }
0x3f6: {  	v4 =	vmul.u32 $0x48, v4;
	v5 =	vbroadcast v5, $0x0  }
0x3f7: {  	v35 =	vmul.f32 v12, v0;
	v0 =	vsub.f32 $1.000000000e+00, v13;
	(erf) = vrcp.f32 v3  }
0x3f8: {  	v38 =	vadd.s32 $0x29, v11;
	v39 =	vadd.s32 $0x2A, v11;
	v41 =	vadd.s32 $0x28, v11  }
0x3f9: {  	v60 =	vadd.s32 v38, v5;
	v37 =	vmul.f32 v14, v0;
	v0 =	vbroadcast v4, $0x0  }
0x3fa: {  	v40 =	vadd.s32 $0x2B, v11;
	v43 =	vadd.s32 $0x2F, v11;
	v17 =	vadd.s32 v41, v5  }
0x3fb: {  	v48 =	vadd.s32 $0x2E, v11;
	v30 =	vmul.f32 v7, v6;
	v6 =	vadd.s32 v38, v0  }
0x3fc: {  	s30 =	simm.s32 $0x20;
	v34 =	vmul.f32 v9, v8;
	v33 =	vmul.f32 v12, v10;
	v10 =	vadd.s32 v41, v0  }
0x3fd: {  	v8 =	vmov s30;
	v4 =	vsub.f32 $1.000000000e+00, v15;
	v7 =	vadd.s32 v39, v0  }
0x3fe: {  	v36 =	vmul.f32 v14, v13;
	v8 =	vmul.u32 $0x48, v8;
	v9 =	vadd.s32 v40, v0;
	v14 =	vld.idx.msk [tilespmem:v60+s3+$0x0], $0xffff  }
0x3ff: {  	v59 =	vadd.s32 v43, v5;
	v44 =	vmul.f32 v2, v4;
	v4 =	vsub.f32 $1.000000000e+00, v1;
	v17 =	vld.idx.msk [tilespmem:v17+s3+$0x0], $0xffff  }
0x400: {  	v8 =	vbroadcast v8, $0x0;
	v16 =	vadd.s32 v48, v5;
	v45 =	vmul.f32 v2, v15;
	v6 =	vld.idx.msk [tilespmem:v6+s3+$0x0], $0xffff;
	v2 =	vpop (erf)  }
0x401: {  	v42 =	vadd.s32 $0x2C, v11;
	s31 =	simm.s32 $0x30;
	v18 =	vadd.s32 v39, v5;
	v46 =	vmul.f32 v2, v4;
	v4 =	vld.idx.msk [tilespmem:v10+s3+$0x0], $0xffff  }
0x402: {  	v49 =	vadd.s32 $0x2D, v11;
	v25 =	vmov s31;
	v20 =	vadd.s32 v38, v8;
	v7 =	vld.idx.msk [tilespmem:v7+s3+$0x0], $0xffff  }
0x403: {  	v21 =	vadd.s32 v40, v8;
	v24 =	vadd.s32 v43, v8;
	v47 =	vmul.f32 v2, v1;
	v2 =	vld.idx.msk [tilespmem:v9+s3+$0x0], $0xffff  }
0x404: {  	v22 =	vadd.s32 v42, v8;
	v58 =	vadd.s32 v42, v0;
	v13 =	vld.idx.msk [tilespmem:v59+s3+$0x0], $0xffff;
	v3 =	vsel vm6, $0x0, v23  }
0x405: {  	v25 =	vmul.u32 $0x48, v25;
	v16 =	vld.idx.msk [tilespmem:v16+s3+$0x0], $0xffff;
	(xrf2) =	vadd.scan.msk.f32 $0xffff, v3;
	v3 =	vmul.f32 v14, v27;
	v17 =	vmul.f32 v17, v28  }
0x406: {  	v61 =	vadd.s32 v43, v0;
	v18 =	vld.idx.msk [tilespmem:v18+s3+$0x0], $0xffff;
	v6 =	vmul.f32 v6, v27;
	v4 =	vmul.f32 v4, v28  }
0x407: {  	v20 =	vld.idx.msk [tilespmem:v20+s3+$0x0], $0xffff;
	v3 =	vadd.f32 v3, v26;
	v7 =	vmul.f32 v7, v31;
	v9 =	vadd.s32 v41, v8  }
0x408: {  	v63 =	vld.idx.msk [tilespmem:v24+s3+$0x0], $0xffff;
	v6 =	vadd.f32 v6, v26;
	v2 =	vmul.f32 v2, v32;
	v4 =	vadd.f32 v4, v29  }
0x409: {  	v53 =	vld.idx.msk [tilespmem:v21+s3+$0x0], $0xffff;
	v17 =	vadd.f32 v17, v29;
	v10 =	vadd.s32 v49, v0;
	v7 =	vadd.f32 v7, v30  }
0x40a: {  	v21 =	vld.idx.msk [tilespmem:v22+s3+$0x0], $0xffff;
	v2 =	vadd.f32 v2, v34;
	v4 =	vmul.f32 v6, v4;
	v6 =	vadd.s32 v48, v8  }
0x40b: {  	v25 =	vbroadcast v25, $0x0;
	v12 =	vld.idx.msk [tilespmem:v58+s3+$0x0], $0xffff;
	v58 =	vmul.f32 v3, v17;
	v1 =	vadd.s32 v40, v5  }
0x40c: {  	v3 =	vld.idx.msk [tilespmem:v61+s3+$0x0], $0xffff;
	v2 =	vmul.f32 v2, v7;
	v7 =	vadd.s32 v39, v8;
	v8 =	vadd.s32 v49, v8  }
0x40d: {  	v62 =	vmul.f32 v16, v44;
	v20 =	vmul.f32 v20, v27;
	v9 =	vld.idx.msk [tilespmem:v9+s3+$0x0], $0xffff  }
0x40e: {  	v19 =	vadd.s32 v42, v5;
	v60 =	vadd.s32 v40, v25;
	v13 =	vmul.f32 v13, v46;
	v10 =	vld.idx.msk [tilespmem:v10+s3+$0x0], $0xffff  }
0x40f: {  	v14 =	vadd.f32 v62, v45;
	v55 =	vadd.f32 v20, v26;
	v61 =	vadd.s32 v48, v25;
	v6 =	vld.idx.msk [tilespmem:v6+s3+$0x0], $0xffff  }
0x410: {  	v12 =	vmul.f32 v12, v35;
	v0 =	vadd.s32 v48, v0;
	v13 =	vadd.f32 v13, v47;
	v1 =	vld.idx.msk [tilespmem:v1+s3+$0x0], $0xffff  }
0x411: {  	v62 =	vmul.f32 v53, v32;
	v5 =	vadd.s32 v49, v5;
	v16 =	vmul.f32 v63, v46;
	v8 =	vld.idx.msk [tilespmem:v8+s3+$0x0], $0xffff  }
0x412: {  	v12 =	vadd.f32 v12, v33;
	v63 =	vmul.f32 v21, v35;
	v56 =	vmul.f32 v13, v14  }
0x413: {  	v16 =	vadd.f32 v16, v47;
	v9 =	vmul.f32 v9, v28;
	v10 =	vmul.f32 v10, v37  }
0x414: {  	v15 =	vld.idx.msk [tilespmem:v61+s3+$0x0], $0xffff;
	v50 =	vmul.f32 v2, v4;
	v2 =	vadd.s32 v41, v25;
	v6 =	vmul.f32 v6, v44  }
0x415: {  	v0 =	vld.idx.msk [tilespmem:v0+s3+$0x0], $0xffff;
	v1 =	vmul.f32 v1, v32;
	v9 =	vadd.f32 v9, v29;
	v10 =	vadd.f32 v10, v36  }
0x416: {  	v4 =	vmul.f32 v18, v31;
	v7 =	vld.idx.msk [tilespmem:v7+s3+$0x0], $0xffff;
	v8 =	vmul.f32 v8, v37;
	v6 =	vadd.f32 v6, v45  }
0x417: {  	v5 =	vld.idx.msk [tilespmem:v5+s3+$0x0], $0xffff;
	v9 =	vmul.f32 v55, v9;
	v54 =	vmul.f32 v10, v12;
	v10 =	vadd.s32 v43, v25  }
0x418: {  	v12 =	vld.idx.msk [tilespmem:v19+s3+$0x0], $0xffff;
	v8 =	vadd.f32 v8, v36;
	v55 =	vmul.f32 v16, v6;
	v6 =	vadd.f32 v63, v33  }
0x419: {  	v13 =	vadd.s32 v49, v25;
	v1 =	vadd.f32 v1, v34;
	v4 =	vadd.f32 v4, v30;
	v2 =	vld.idx.msk [tilespmem:v2+s3+$0x0], $0xffff  }
0x41a: {  	v3 =	vmul.f32 v3, v46;
	v57 =	vmul.f32 v8, v6;
	v6 =	vadd.s32 v42, v25  }
0x41b: {  	v14 =	vld.idx.msk [tilespmem:v60+s3+$0x0], $0xffff;
	v60 =	vmul.f32 v1, v4;
	v1 =	vadd.s32 v38, v25;
	v7 =	vmul.f32 v7, v31  }
0x41c: {  	v17 =	vadd.f32 v62, v34;
	v0 =	vmul.f32 v0, v44;
	v5 =	vmul.f32 v5, v37;
	v4 =	vld.idx.msk [tilespmem:v10+s3+$0x0], $0xffff  }
0x41d: {  	v18 =	vmul.f32 v15, v44;
	v7 =	vadd.f32 v7, v30;
	v8 =	vadd.s32 v39, v25  }
0x41e: {  	v52 =	vadd.f32 v3, v47;
	v3 =	vmul.f32 v12, v35;
	v10 =	vld.idx.msk [tilespmem:v13+s3+$0x0], $0xffff;
	v19 =	vmul.f32 v2, v28;
	v2, _, _ =	vpop (xrf2)  }
0x41f: {  	v51 =	vbroadcast v2, $0xF;
	v7 =	vmul.f32 v17, v7;
	v2 =	vld.idx.msk [tilespmem:v6+s3+$0x0], $0xffff  }
0x420: {  	v59 =	vadd.f32 v0, v45;
	v61 =	vadd.f32 v5, v36;
	v63 =	vld.idx.msk [tilespmem:v1+s3+$0x0], $0xffff;
	v1 =	vmul.f32 v14, v32  }
0x421: {  	v0 =	vadd.f32 v3, v33;
	v53 =	vmul.f32 v7, v9;
	v7 =	vmul.f32 v4, v46  }
0x422: {  	s12 =	simm.s32 $0x0;
	v3 =	vadd.f32 v18, v45;
	v62 =	vadd.f32 v19, v29;
	v4 =	vld.idx.msk [tilespmem:v8+s3+$0x0], $0xffff  }
0x423: {  	s13 =	simm.s32 $0x90F8;
	s14 =	simm.s32 $0x70;
	s11 =	simm.s32 $0x90B8;
	v5 =	vmul.f32 v10, v37;
	v1 =	vadd.f32 v1, v34;
	v6 =	vadd.f32 v7, v47  }
.LBB2_14:
0x424: {  	s15 =	sadd.s32 $0xFFFFFFD0, s14;
	s16 =	sadd.s32 $0xFFFFFFE0, s14;
	s17 =	sadd.s32 $0xFFFFFFF0, s14;
	v2 =	vmul.f32 v2, v35  }
0x425: {  	s12 =	sadd.s32 $0x4, s12;
	v7 =	vmov s15;
	v8 =	vmov s16;
	v3 =	vmul.f32 v6, v3  }
0x426: {  	p0 =	slt.u32 s12, $0x1C;
	v5 =	vadd.f32 v5, v36;
	v6 =	vmul.u32 $0x48, v7;
	v7 =	vmul.u32 $0x48, v8  }
0x427: {  	v4 =	vmul.f32 v4, v31  }
0x428: {  	v8 =	vmov s17;
	v2 =	vadd.f32 v2, v33;
	v6 =	vbroadcast v6, $0x0  }
0x429: {  	v4 =	vadd.f32 v4, v30  }
0x42a: {  	v12 =	vmul.f32 v63, v27;
	v9 =	vadd.s32 v41, v6;
	v10 =	vadd.s32 v38, v6  }
0x42b: {  	v0 =	vmul.f32 v61, v0  }
0x42c: {  	v12 =	vadd.f32 v12, v26;
	v13 =	vadd.s32 v42, v6;
	v14 =	vadd.s32 v49, v6  }
0x42d: {  	v1 =	vmul.f32 v1, v4;
	v15 =	vadd.s32 v40, v6;
	v16 =	vadd.s32 v43, v6  }
0x42e: {  	v0 =	vmul.f32 v56, v0;
	v7 =	vbroadcast v7, $0x0;
	v4 =	vadd.s32 v39, v6  }
0x42f: {  	v17 =	vmul.f32 v60, v58;
	v8 =	vmul.u32 $0x48, v8;
	v6 =	vadd.s32 v48, v6;
	v10 =	vld.idx.msk [tilespmem:v10+s3+$0x0], $0xffff  }
0x430: {  	v12 =	vmul.f32 v12, v62;
	v18 =	vadd.s32 v41, v7;
	v19 =	vadd.s32 v38, v7;
	v9 =	vld.idx.msk [tilespmem:v9+s3+$0x0], $0xffff  }
0x431: {  	v2 =	vmul.f32 v5, v2;
	v20 =	vadd.s32 v39, v7;
	v21 =	vadd.s32 v43, v7;
	v13 =	vld.idx.msk [tilespmem:v13+s3+$0x0], $0xffff  }
0x432: {  	v0 =	vmul.f32 v0, v17;
	v8 =	vbroadcast v8, $0x0;
	v5 =	vld.idx.msk [tilespmem:v16+s3+$0x0], $0xffff;
	v16 =	vadd.s32 v40, v7  }
0x433: {  	v17 =	vadd.s32 v42, v7;
	v22 =	vadd.s32 v49, v7;
	v1 =	vmul.f32 v1, v12;
	v14 =	vld.idx.msk [tilespmem:v14+s3+$0x0], $0xffff  }
0x434: {  	v2 =	vmul.f32 v3, v2;
	v12 =	vadd.s32 v41, v8;
	v24 =	vadd.s32 v38, v8;
	v6 =	vld.idx.msk [tilespmem:v6+s3+$0x0], $0xffff  }
0x435: {  	v0 =	vmul.f32 v0, v51;
	v25 =	vadd.s32 v42, v8;
	v3 =	vld.idx.msk [tilespmem:v4+s3+$0x0], $0xffff;
	v4 =	vadd.s32 v40, v8  }
0x436: {  	v56 =	vadd.s32 v48, v8;
	v58 =	vadd.s32 v43, v8;
	v1 =	vmul.f32 v2, v1;
	v21 =	vld.idx.msk [tilespmem:v21+s3+$0x0], $0xffff  }
0x437: {  	v52 =	vmul.f32 v52, v59;
	v2 =	vmul.f32 v9, v28;
	v9 =	vld.idx.msk [tilespmem:v15+s3+$0x0], $0xffff;
	v15 =	vadd.s32 v49, v8  }
0x438: {  	v1 =	vmul.f32 v1, v51;
	v7 =	vadd.s32 v48, v7;
	v10 =	vmul.f32 v10, v27;
	v19 =	vld.idx.msk [tilespmem:v19+s3+$0x0], $0xffff  }
0x439: {  	v52 =	vmul.f32 v52, v54;
	v8 =	vadd.s32 v39, v8;
	v16 =	vld.idx.msk [tilespmem:v16+s3+$0x0], $0xffff  }
0x43a: {  	v10 =	vadd.f32 v10, v26;
	v5 =	vmul.f32 v5, v46;
	v12 =	vld.idx.msk [tilespmem:v12+s3+$0x0], $0xffff  }
0x43b: {  	v54 =	vmov s14;
	v13 =	vmul.f32 v13, v35;
	v3 =	vmul.f32 v3, v31;
	v20 =	vld.idx.msk [tilespmem:v20+s3+$0x0], $0xffff  }
0x43c: {  	v55 =	vmul.f32 v55, v57;
	v54 =	vmul.u32 $0x48, v54;
	v21 =	vmul.f32 v21, v46;
	v25 =	vld.idx.msk [tilespmem:v25+s3+$0x0], $0xffff  }
0x43d: {  	v50 =	vmul.f32 v52, v50;
	v2 =	vadd.f32 v2, v29;
	v9 =	vmul.f32 v9, v32;
	[tilespmem:s11+$0x0] =	vst.add.f32.msk $0xffff, v1  }
0x43e: {  	v1 =	vld.idx.msk [tilespmem:v18+s3+$0x0], $0xffff;
	v18 =	vmul.f32 v19, v27;
	v19 =	vbroadcast v54, $0x0  }
0x43f: {  	v13 =	vadd.f32 v13, v33;
	v9 =	vadd.f32 v9, v34;
	v16 =	vmul.f32 v16, v32;
	v54 =	vld.idx.msk [tilespmem:v58+s3+$0x0], $0xffff  }
0x440: {  	v3 =	vadd.f32 v3, v30;
	v7 =	vld.idx.msk [tilespmem:v7+s3+$0x0], $0xffff;
	v57 =	vadd.s32 v41, v19;
	v60 =	vadd.s32 v38, v19  }
0x441: {  	v20 =	vmul.f32 v20, v31;
	v58 =	vadd.s32 v40, v19;
	v59 =	vadd.s32 v48, v19;
	v15 =	vld.idx.msk [tilespmem:v15+s3+$0x0], $0xffff  }
0x442: {  	v16 =	vadd.f32 v16, v34;
	v62 =	vadd.s32 v39, v19;
	v61 =	vadd.s32 v42, v19;
	v24 =	vld.idx.msk [tilespmem:v24+s3+$0x0], $0xffff  }
0x443: {  	v14 =	vmul.f32 v14, v37;
	v52 =	vadd.f32 v5, v47;
	v5 =	vld.idx.msk [tilespmem:v8+s3+$0x0], $0xffff;
	v8 =	vadd.s32 v49, v19  }
0x444: {  	v50 =	vmul.f32 v50, v51;
	v1 =	vmul.f32 v1, v28;
	v19 =	vadd.s32 v43, v19;
	v56 =	vld.idx.msk [tilespmem:v56+s3+$0x0], $0xffff  }
0x445: {  	v14 =	vadd.f32 v14, v36;
	v3 =	vmul.f32 v9, v3;
	v9 =	vmul.f32 v55, v53;
	v4 =	vld.idx.msk [tilespmem:v4+s3+$0x0], $0xffff  }
0x446: {  	v2 =	vmul.f32 v10, v2;
	v10 =	vadd.f32 v18, v26;
	v7 =	vmul.f32 v7, v44;
	[tilespmem:s11+$0xFFFFFFD0] =	vst.add.f32.msk $0xffff, v50  }
0x447: {  	v18 =	vmul.f32 v25, v35;
	v9 =	vmul.f32 v9, v51;
	v17 =	vld.idx.msk [tilespmem:v17+s3+$0x0], $0xffff  }
0x448: {  	v1 =	vadd.f32 v1, v29;
	v50 =	vmul.f32 v3, v2;
	v3 =	vmul.f32 v15, v37;
	v2 =	vld.idx.msk [tilespmem:v22+s3+$0x0], $0xffff  }
0x449: {  	v15 =	vadd.f32 v21, v47;
	v7 =	vadd.f32 v7, v45;
	v5 =	vmul.f32 v5, v31;
	[tilespmem:s11+$0xFFFFFFF0] =	vst.add.f32.msk $0xffff, v9  }
0x44a: {  	v18 =	vadd.f32 v18, v33;
	v9 =	vmul.f32 v24, v27;
	v21 =	vmul.f32 v56, v44;
	[tilespmem:s11+$0xFFFFFFE0] =	vst.add.f32.msk $0xffff, v0;
	s11 =	smov.u32 s13  }
0x44b: {  	v22 =	vadd.f32 v3, v36;
	v3 =	vmul.f32 v54, v46;
	v0 =	vmul.f32 v4, v32;
	v4 =	vld.idx.msk [tilespmem:v58+s3+$0x0], $0xffff  }
0x44c: {  	v56 =	vmul.f32 v15, v7;
	v7 =	vmul.f32 v12, v28;
	v12 =	vadd.f32 v21, v45;
	v15 =	vld.idx.msk [tilespmem:v59+s3+$0x0], $0xffff  }
0x44d: {  	v6 =	vmul.f32 v6, v44;
	v20 =	vadd.f32 v20, v30;
	v17 =	vmul.f32 v17, v35;
	v21 =	vld.idx.msk [tilespmem:v57+s3+$0x0], $0xffff  }
0x44e: {  	v24 =	vmul.f32 v2, v37;
	v2 =	vadd.f32 v7, v29;
	v7 =	vadd.f32 v9, v26;
	v9 =	vld.idx.msk [tilespmem:v19+s3+$0x0], $0xffff  }
0x44f: {  	v58 =	vmul.f32 v10, v1;
	v1 =	vadd.f32 v5, v30;
	v59 =	vadd.f32 v6, v45;
	v5 =	vld.idx.msk [tilespmem:v8+s3+$0x0], $0xffff  }
0x450: {  	v3 =	vadd.f32 v3, v47;
	v6 =	vadd.f32 v0, v34;
	v7 =	vmul.f32 v7, v2;
	v63 =	vld.idx.msk [tilespmem:v60+s3+$0x0], $0xffff  }
0x451: {  	v54 =	vmul.f32 v14, v13;
	v0 =	vadd.f32 v17, v33;
	v8 =	vmul.f32 v4, v32;
	v2 =	vld.idx.msk [tilespmem:v61+s3+$0x0], $0xffff  }
.Ltmp6:
0x452: {  	v1 =	vmul.f32 v6, v1;
	v61 =	vadd.f32 v24, v36;
	v6 =	vmul.f32 v15, v44;
	(pc) =	sbr.rel @p0 .LBB2_14-.Ltmp6, $4  }
0x453: {  	v55 =	vmul.f32 v3, v12;
	v10 =	vmul.f32 v21, v28;
	v4 =	vld.idx.msk [tilespmem:v62+s3+$0x0], $0xffff  }
0x454: {  	v60 =	vmul.f32 v16, v20;
	v3 =	vadd.f32 v6, v45;
	v6 =	vmul.f32 v9, v46  }
0x455: {  	v57 =	vmul.f32 v22, v18;
	v53 =	vmul.f32 v1, v7;
	v62 =	vadd.f32 v10, v29  }
0x456: {  	s14 =	sadd.s32 $0x40, s14;
	s13 =	sadd.s32 $0x40, s13;
	v1 =	vadd.f32 v8, v34;
	v5 =	vmul.f32 v5, v37;
	v6 =	vadd.f32 v6, v47  }
0x457: {  	v2 =	vmul.f32 v2, v35  }
0x458: {  	v7 =	vmul.f32 v63, v27;
	v4 =	vmul.f32 v4, v31  }
0x459: {  	v5 =	vadd.f32 v5, v36;
	v2 =	vadd.f32 v2, v33  }
0x45a: {  	v7 =	vadd.f32 v7, v26;
	v4 =	vadd.f32 v4, v30  }
0x45b: {  	v3 =	vmul.f32 v6, v3;
	v2 =	vmul.f32 v5, v2  }
0x45c: {  	v1 =	vmul.f32 v1, v4;
	v4 =	vmul.f32 v7, v62  }
0x45d: {  	v0 =	vmul.f32 v61, v0  }
0x45e: {  	v2 =	vmul.f32 v3, v2;
	v1 =	vmul.f32 v1, v4  }
0x45f: {  	v0 =	vmul.f32 v56, v0;
	v4 =	vmul.f32 v60, v58  }
0x460: {  	v1 =	vmul.f32 v2, v1;
	v2 =	vmul.f32 v55, v57  }
0x461: {  	v5 =	vmul.f32 v52, v59;
	v0 =	vmul.f32 v0, v4  }
0x462: {  	v1 =	vmul.f32 v1, v51;
	v2 =	vmul.f32 v2, v53  }
0x463: {  	v3 =	vmul.f32 v5, v54;
	v0 =	vmul.f32 v0, v51  }
0x464: {  	[tilespmem:s11+$0x0] =	vst.add.f32.msk $0xffff, v1;
	v1 =	vmul.f32 v2, v51  }
0x465: {  	v3 =	vmul.f32 v3, v50;
	[tilespmem:s11+$0xFFFFFFE0] =	vst.add.f32.msk $0xffff, v0;
	v0 =	vimm.s32 $0x68  }
0x466: {  	[tilespmem:s11+$0xFFFFFFF0] =	vst.add.f32.msk $0xffff, v1;
	v1 =	vimm.s32 $0x69  }
0x467: {  	v3 =	vmul.f32 v3, v51;
	_ =	sdelay $0x1  }
0x468: {  	[tilespmem:s11+$0xFFFFFFD0] =	vst.add.f32.msk $0xffff, v3  }
0x469: {  	v0 =	vld.idx.msk [tilespmem:v0+s8+$0x0], $0xffff  }
0x46a: {  	v1 =	vld.idx.msk [tilespmem:v1+s8+$0x0], $0xffff;
	_ =	sdelay $0x4  }
0x46b: {  	v0 =	vsub.f32 v1, v0;
	_ =	sdelay $0x1  }
0x46c: {  	v0 =	vmul.f32 $1.442695020e+00, v0  }
0x46d: {  	v1 =	vimm.s32 $0x6B  }
0x46e: {  	(erf) = vpow2.f32 v0;
	v0 =	vimm.s32 $0x6A;
	_ =	sdelay $0x3  }
0x46f: {  	v1 =	vld.idx.msk [tilespmem:v1+s8+$0x0], $0xffff  }
0x470: {  	v0 =	vld.idx.msk [tilespmem:v0+s8+$0x0], $0xffff;
	_ =	sdelay $0x4  }
0x471: {  	v2 =	vpop (erf);
	v0 =	vsub.f32 v1, v0  }
0x472: {  	v1 =	vadd.f32 $1.000000000e+00, v2  }
0x473: {  	v0 =	vmul.f32 $1.442695020e+00, v0  }
0x474: {  	(erf) = vrcp.f32 v1;
	v1 =	vimm.s32 $0x6D  }
0x475: {  	(erf) = vpow2.f32 v0;
	v0 =	vimm.s32 $0x6C;
	_ =	sdelay $0x3  }
0x476: {  	v1 =	vld.idx.msk [tilespmem:v1+s8+$0x0], $0xffff  }
0x477: {  	v0 =	vld.idx.msk [tilespmem:v0+s8+$0x0], $0xffff;
	_ =	sdelay $0x3  }
0x478: {  	v3 =	vpop (erf)  }
0x479: {  	v4 =	vpop (erf);
	v0 =	vsub.f32 v1, v0  }
0x47a: {  	v1 =	vadd.f32 $1.000000000e+00, v4  }
0x47b: {  	v0 =	vmul.f32 $1.442695020e+00, v0  }
0x47c: {  	(erf) = vrcp.f32 v1;
	v1 =	vimm.s32 $0x6F  }
0x47d: {  	(erf) = vpow2.f32 v0;
	v0 =	vimm.s32 $0x6E;
	_ =	sdelay $0x3  }
0x47e: {  	v1 =	vld.idx.msk [tilespmem:v1+s8+$0x0], $0xffff  }
0x47f: {  	v0 =	vld.idx.msk [tilespmem:v0+s8+$0x0], $0xffff;
	_ =	sdelay $0x3  }
0x480: {  	v5 =	vpop (erf)  }
0x481: {  	v6 =	vpop (erf);
	v0 =	vsub.f32 v1, v0  }
0x482: {  	v1 =	vadd.f32 $1.000000000e+00, v6  }
0x483: {  	v0 =	vmul.f32 $1.442695020e+00, v0  }
0x484: {  	(erf) = vrcp.f32 v1;
	v1 =	vimm.s32 $0x71  }
0x485: {  	(erf) = vpow2.f32 v0;
	v0 =	vimm.s32 $0x70;
	_ =	sdelay $0x3  }
0x486: {  	v1 =	vld.idx.msk [tilespmem:v1+s8+$0x0], $0xffff  }
0x487: {  	v0 =	vld.idx.msk [tilespmem:v0+s8+$0x0], $0xffff;
	_ =	sdelay $0x3  }
0x488: {  	v7 =	vpop (erf)  }
0x489: {  	v8 =	vpop (erf);
	v0 =	vsub.f32 v1, v0  }
0x48a: {  	v1 =	vadd.f32 $1.000000000e+00, v8  }
0x48b: {  	v0 =	vmul.f32 $1.442695020e+00, v0  }
0x48c: {  	(erf) = vrcp.f32 v1;
	v1 =	vimm.s32 $0x73  }
0x48d: {  	(erf) = vpow2.f32 v0;
	v0 =	vimm.s32 $0x72;
	_ =	sdelay $0x3  }
0x48e: {  	v1 =	vld.idx.msk [tilespmem:v1+s8+$0x0], $0xffff  }
0x48f: {  	v0 =	vld.idx.msk [tilespmem:v0+s8+$0x0], $0xffff;
	_ =	sdelay $0x3  }
0x490: {  	v9 =	vpop (erf)  }
0x491: {  	v10 =	vpop (erf);
	v0 =	vsub.f32 v1, v0  }
0x492: {  	v1 =	vadd.f32 $1.000000000e+00, v10  }
0x493: {  	v0 =	vmul.f32 $1.442695020e+00, v0  }
0x494: {  	(erf) = vrcp.f32 v1;
	v1 =	vimm.s32 $0x75  }
0x495: {  	(erf) = vpow2.f32 v0;
	v0 =	vimm.s32 $0x74;
	_ =	sdelay $0x3  }
0x496: {  	v1 =	vld.idx.msk [tilespmem:v1+s8+$0x0], $0xffff  }
0x497: {  	v0 =	vld.idx.msk [tilespmem:v0+s8+$0x0], $0xffff;
	_ =	sdelay $0x3  }
0x498: {  	v12 =	vpop (erf)  }
0x499: {  	v13 =	vpop (erf);
	v0 =	vsub.f32 v1, v0  }
0x49a: {  	v1 =	vadd.f32 $1.000000000e+00, v13  }
0x49b: {  	v0 =	vmul.f32 $1.442695020e+00, v0  }
0x49c: {  	(erf) = vrcp.f32 v1;
	v1 =	vimm.s32 $0x77  }
0x49d: {  	(erf) = vpow2.f32 v0;
	v0 =	vimm.s32 $0x76;
	_ =	sdelay $0x3  }
0x49e: {  	v1 =	vld.idx.msk [tilespmem:v1+s8+$0x0], $0xffff  }
0x49f: {  	v0 =	vld.idx.msk [tilespmem:v0+s8+$0x0], $0xffff;
	_ =	sdelay $0x3  }
0x4a0: {  	v14 =	vpop (erf)  }
0x4a1: {  	v15 =	vpop (erf);
	v0 =	vsub.f32 v1, v0  }
0x4a2: {  	v1 =	vadd.f32 $1.000000000e+00, v15  }
0x4a3: {  	v0 =	vmul.f32 $1.442695020e+00, v0  }
0x4a4: {  	(erf) = vrcp.f32 v1  }
0x4a5: {  	(erf) = vpow2.f32 v0;
	_ =	sdelay $0x2  }
0x4a6: {  	v1 =	vsub.f32 $1.000000000e+00, v4;
	_ =	sdelay $0x1  }
0x4a7: {  	v27 =	vmul.f32 v5, v1;
	v1 =	vsub.f32 $1.000000000e+00, v8  }
0x4a8: {  	v0 =	vsub.f32 $1.000000000e+00, v2  }
0x4a9: {  	s29 =	simm.s32 $0x10;
	v29 =	vmul.f32 v3, v2;
	v26 =	vmul.f32 v5, v4  }
0x4aa: {  	s28 =	simm.s32 $0x0;
	v5 =	vmov s29;
	v28 =	vmul.f32 v3, v0;
	v0 =	vsub.f32 $1.000000000e+00, v6;
	v2 =	vpop (erf)  }
0x4ab: {  	v4 =	vmov s28;
	v5 =	vmul.u32 $0x48, v5;
	v32 =	vmul.f32 v9, v1;
	v1 =	vpop (erf)  }
0x4ac: {  	v31 =	vmul.f32 v7, v0;
	v0 =	vsub.f32 $1.000000000e+00, v10;
	v3 =	vadd.f32 $1.000000000e+00, v1  }
0x4ad: {  	v4 =	vmul.u32 $0x48, v4;
	v5 =	vbroadcast v5, $0x0  }
0x4ae: {  	v35 =	vmul.f32 v12, v0;
	v0 =	vsub.f32 $1.000000000e+00, v13;
	(erf) = vrcp.f32 v3  }
0x4af: {  	v38 =	vadd.s32 $0x31, v11;
	v39 =	vadd.s32 $0x32, v11;
	v41 =	vadd.s32 $0x30, v11  }
0x4b0: {  	v60 =	vadd.s32 v38, v5;
	v37 =	vmul.f32 v14, v0;
	v0 =	vbroadcast v4, $0x0  }
0x4b1: {  	v40 =	vadd.s32 $0x33, v11;
	v43 =	vadd.s32 $0x37, v11;
	v17 =	vadd.s32 v41, v5  }
0x4b2: {  	v48 =	vadd.s32 $0x36, v11;
	v30 =	vmul.f32 v7, v6;
	v6 =	vadd.s32 v38, v0  }
0x4b3: {  	s30 =	simm.s32 $0x20;
	v34 =	vmul.f32 v9, v8;
	v33 =	vmul.f32 v12, v10;
	v10 =	vadd.s32 v41, v0  }
0x4b4: {  	v8 =	vmov s30;
	v4 =	vsub.f32 $1.000000000e+00, v15;
	v7 =	vadd.s32 v39, v0  }
0x4b5: {  	v36 =	vmul.f32 v14, v13;
	v8 =	vmul.u32 $0x48, v8;
	v9 =	vadd.s32 v40, v0;
	v14 =	vld.idx.msk [tilespmem:v60+s3+$0x0], $0xffff  }
0x4b6: {  	v59 =	vadd.s32 v43, v5;
	v44 =	vmul.f32 v2, v4;
	v4 =	vsub.f32 $1.000000000e+00, v1;
	v17 =	vld.idx.msk [tilespmem:v17+s3+$0x0], $0xffff  }
0x4b7: {  	v8 =	vbroadcast v8, $0x0;
	v16 =	vadd.s32 v48, v5;
	v45 =	vmul.f32 v2, v15;
	v6 =	vld.idx.msk [tilespmem:v6+s3+$0x0], $0xffff;
	v2 =	vpop (erf)  }
0x4b8: {  	v42 =	vadd.s32 $0x34, v11;
	s31 =	simm.s32 $0x30;
	v18 =	vadd.s32 v39, v5;
	v46 =	vmul.f32 v2, v4;
	v4 =	vld.idx.msk [tilespmem:v10+s3+$0x0], $0xffff  }
0x4b9: {  	v49 =	vadd.s32 $0x35, v11;
	v25 =	vmov s31;
	v20 =	vadd.s32 v38, v8;
	v7 =	vld.idx.msk [tilespmem:v7+s3+$0x0], $0xffff  }
0x4ba: {  	v21 =	vadd.s32 v40, v8;
	v24 =	vadd.s32 v43, v8;
	v47 =	vmul.f32 v2, v1;
	v2 =	vld.idx.msk [tilespmem:v9+s3+$0x0], $0xffff  }
0x4bb: {  	v22 =	vadd.s32 v42, v8;
	v58 =	vadd.s32 v42, v0;
	v13 =	vld.idx.msk [tilespmem:v59+s3+$0x0], $0xffff;
	v3 =	vsel vm7, $0x0, v23  }
0x4bc: {  	v25 =	vmul.u32 $0x48, v25;
	v16 =	vld.idx.msk [tilespmem:v16+s3+$0x0], $0xffff;
	(xrf2) =	vadd.scan.msk.f32 $0xffff, v3;
	v3 =	vmul.f32 v14, v27;
	v17 =	vmul.f32 v17, v28  }
0x4bd: {  	v61 =	vadd.s32 v43, v0;
	v18 =	vld.idx.msk [tilespmem:v18+s3+$0x0], $0xffff;
	v6 =	vmul.f32 v6, v27;
	v4 =	vmul.f32 v4, v28  }
0x4be: {  	v20 =	vld.idx.msk [tilespmem:v20+s3+$0x0], $0xffff;
	v3 =	vadd.f32 v3, v26;
	v7 =	vmul.f32 v7, v31;
	v9 =	vadd.s32 v41, v8  }
0x4bf: {  	v63 =	vld.idx.msk [tilespmem:v24+s3+$0x0], $0xffff;
	v6 =	vadd.f32 v6, v26;
	v2 =	vmul.f32 v2, v32;
	v4 =	vadd.f32 v4, v29  }
0x4c0: {  	v53 =	vld.idx.msk [tilespmem:v21+s3+$0x0], $0xffff;
	v17 =	vadd.f32 v17, v29;
	v10 =	vadd.s32 v49, v0;
	v7 =	vadd.f32 v7, v30  }
0x4c1: {  	v21 =	vld.idx.msk [tilespmem:v22+s3+$0x0], $0xffff;
	v2 =	vadd.f32 v2, v34;
	v4 =	vmul.f32 v6, v4;
	v6 =	vadd.s32 v48, v8  }
0x4c2: {  	v25 =	vbroadcast v25, $0x0;
	v12 =	vld.idx.msk [tilespmem:v58+s3+$0x0], $0xffff;
	v58 =	vmul.f32 v3, v17;
	v1 =	vadd.s32 v40, v5  }
0x4c3: {  	v3 =	vld.idx.msk [tilespmem:v61+s3+$0x0], $0xffff;
	v2 =	vmul.f32 v2, v7;
	v7 =	vadd.s32 v39, v8;
	v8 =	vadd.s32 v49, v8  }
0x4c4: {  	v62 =	vmul.f32 v16, v44;
	v20 =	vmul.f32 v20, v27;
	v9 =	vld.idx.msk [tilespmem:v9+s3+$0x0], $0xffff  }
0x4c5: {  	v19 =	vadd.s32 v42, v5;
	v60 =	vadd.s32 v40, v25;
	v13 =	vmul.f32 v13, v46;
	v10 =	vld.idx.msk [tilespmem:v10+s3+$0x0], $0xffff  }
0x4c6: {  	v14 =	vadd.f32 v62, v45;
	v55 =	vadd.f32 v20, v26;
	v61 =	vadd.s32 v48, v25;
	v6 =	vld.idx.msk [tilespmem:v6+s3+$0x0], $0xffff  }
0x4c7: {  	v12 =	vmul.f32 v12, v35;
	v0 =	vadd.s32 v48, v0;
	v13 =	vadd.f32 v13, v47;
	v1 =	vld.idx.msk [tilespmem:v1+s3+$0x0], $0xffff  }
0x4c8: {  	v62 =	vmul.f32 v53, v32;
	v5 =	vadd.s32 v49, v5;
	v16 =	vmul.f32 v63, v46;
	v8 =	vld.idx.msk [tilespmem:v8+s3+$0x0], $0xffff  }
0x4c9: {  	v12 =	vadd.f32 v12, v33;
	v63 =	vmul.f32 v21, v35;
	v56 =	vmul.f32 v13, v14  }
0x4ca: {  	v16 =	vadd.f32 v16, v47;
	v9 =	vmul.f32 v9, v28;
	v10 =	vmul.f32 v10, v37  }
0x4cb: {  	v15 =	vld.idx.msk [tilespmem:v61+s3+$0x0], $0xffff;
	v50 =	vmul.f32 v2, v4;
	v2 =	vadd.s32 v41, v25;
	v6 =	vmul.f32 v6, v44  }
0x4cc: {  	v0 =	vld.idx.msk [tilespmem:v0+s3+$0x0], $0xffff;
	v1 =	vmul.f32 v1, v32;
	v9 =	vadd.f32 v9, v29;
	v10 =	vadd.f32 v10, v36  }
0x4cd: {  	v4 =	vmul.f32 v18, v31;
	v7 =	vld.idx.msk [tilespmem:v7+s3+$0x0], $0xffff;
	v8 =	vmul.f32 v8, v37;
	v6 =	vadd.f32 v6, v45  }
0x4ce: {  	v5 =	vld.idx.msk [tilespmem:v5+s3+$0x0], $0xffff;
	v9 =	vmul.f32 v55, v9;
	v54 =	vmul.f32 v10, v12;
	v10 =	vadd.s32 v43, v25  }
0x4cf: {  	v12 =	vld.idx.msk [tilespmem:v19+s3+$0x0], $0xffff;
	v8 =	vadd.f32 v8, v36;
	v55 =	vmul.f32 v16, v6;
	v6 =	vadd.f32 v63, v33  }
0x4d0: {  	v13 =	vadd.s32 v49, v25;
	v1 =	vadd.f32 v1, v34;
	v4 =	vadd.f32 v4, v30;
	v2 =	vld.idx.msk [tilespmem:v2+s3+$0x0], $0xffff  }
0x4d1: {  	v3 =	vmul.f32 v3, v46;
	v57 =	vmul.f32 v8, v6;
	v6 =	vadd.s32 v42, v25  }
0x4d2: {  	v14 =	vld.idx.msk [tilespmem:v60+s3+$0x0], $0xffff;
	v60 =	vmul.f32 v1, v4;
	v1 =	vadd.s32 v38, v25;
	v7 =	vmul.f32 v7, v31  }
0x4d3: {  	v17 =	vadd.f32 v62, v34;
	v0 =	vmul.f32 v0, v44;
	v5 =	vmul.f32 v5, v37;
	v4 =	vld.idx.msk [tilespmem:v10+s3+$0x0], $0xffff  }
0x4d4: {  	v18 =	vmul.f32 v15, v44;
	v7 =	vadd.f32 v7, v30;
	v8 =	vadd.s32 v39, v25  }
0x4d5: {  	v52 =	vadd.f32 v3, v47;
	v3 =	vmul.f32 v12, v35;
	v10 =	vld.idx.msk [tilespmem:v13+s3+$0x0], $0xffff;
	v19 =	vmul.f32 v2, v28;
	v2, _, _ =	vpop (xrf2)  }
0x4d6: {  	v51 =	vbroadcast v2, $0xF;
	v7 =	vmul.f32 v17, v7;
	v2 =	vld.idx.msk [tilespmem:v6+s3+$0x0], $0xffff  }
0x4d7: {  	v59 =	vadd.f32 v0, v45;
	v61 =	vadd.f32 v5, v36;
	v63 =	vld.idx.msk [tilespmem:v1+s3+$0x0], $0xffff;
	v1 =	vmul.f32 v14, v32  }
0x4d8: {  	v0 =	vadd.f32 v3, v33;
	v53 =	vmul.f32 v7, v9;
	v7 =	vmul.f32 v4, v46  }
0x4d9: {  	s12 =	simm.s32 $0x0;
	v3 =	vadd.f32 v18, v45;
	v62 =	vadd.f32 v19, v29;
	v4 =	vld.idx.msk [tilespmem:v8+s3+$0x0], $0xffff  }
0x4da: {  	s13 =	simm.s32 $0x90F8;
	s14 =	simm.s32 $0x70;
	s11 =	simm.s32 $0x90B8;
	v5 =	vmul.f32 v10, v37;
	v1 =	vadd.f32 v1, v34;
	v6 =	vadd.f32 v7, v47  }
.LBB2_16:
0x4db: {  	s15 =	sadd.s32 $0xFFFFFFD0, s14;
	s16 =	sadd.s32 $0xFFFFFFE0, s14;
	s17 =	sadd.s32 $0xFFFFFFF0, s14;
	v2 =	vmul.f32 v2, v35  }
0x4dc: {  	s12 =	sadd.s32 $0x4, s12;
	v7 =	vmov s15;
	v8 =	vmov s16;
	v3 =	vmul.f32 v6, v3  }
0x4dd: {  	p0 =	slt.u32 s12, $0x1C;
	v5 =	vadd.f32 v5, v36;
	v6 =	vmul.u32 $0x48, v7;
	v7 =	vmul.u32 $0x48, v8  }
0x4de: {  	v4 =	vmul.f32 v4, v31  }
0x4df: {  	v8 =	vmov s17;
	v2 =	vadd.f32 v2, v33;
	v6 =	vbroadcast v6, $0x0  }
0x4e0: {  	v4 =	vadd.f32 v4, v30  }
0x4e1: {  	v12 =	vmul.f32 v63, v27;
	v9 =	vadd.s32 v41, v6;
	v10 =	vadd.s32 v38, v6  }
0x4e2: {  	v0 =	vmul.f32 v61, v0  }
0x4e3: {  	v12 =	vadd.f32 v12, v26;
	v13 =	vadd.s32 v42, v6;
	v14 =	vadd.s32 v49, v6  }
0x4e4: {  	v1 =	vmul.f32 v1, v4;
	v15 =	vadd.s32 v40, v6;
	v16 =	vadd.s32 v43, v6  }
0x4e5: {  	v0 =	vmul.f32 v56, v0;
	v7 =	vbroadcast v7, $0x0;
	v4 =	vadd.s32 v39, v6  }
0x4e6: {  	v17 =	vmul.f32 v60, v58;
	v8 =	vmul.u32 $0x48, v8;
	v6 =	vadd.s32 v48, v6;
	v10 =	vld.idx.msk [tilespmem:v10+s3+$0x0], $0xffff  }
0x4e7: {  	v12 =	vmul.f32 v12, v62;
	v18 =	vadd.s32 v41, v7;
	v19 =	vadd.s32 v38, v7;
	v9 =	vld.idx.msk [tilespmem:v9+s3+$0x0], $0xffff  }
0x4e8: {  	v2 =	vmul.f32 v5, v2;
	v20 =	vadd.s32 v39, v7;
	v21 =	vadd.s32 v43, v7;
	v13 =	vld.idx.msk [tilespmem:v13+s3+$0x0], $0xffff  }
0x4e9: {  	v0 =	vmul.f32 v0, v17;
	v8 =	vbroadcast v8, $0x0;
	v5 =	vld.idx.msk [tilespmem:v16+s3+$0x0], $0xffff;
	v16 =	vadd.s32 v40, v7  }
0x4ea: {  	v17 =	vadd.s32 v42, v7;
	v22 =	vadd.s32 v49, v7;
	v1 =	vmul.f32 v1, v12;
	v14 =	vld.idx.msk [tilespmem:v14+s3+$0x0], $0xffff  }
0x4eb: {  	v2 =	vmul.f32 v3, v2;
	v12 =	vadd.s32 v41, v8;
	v24 =	vadd.s32 v38, v8;
	v6 =	vld.idx.msk [tilespmem:v6+s3+$0x0], $0xffff  }
0x4ec: {  	v0 =	vmul.f32 v0, v51;
	v25 =	vadd.s32 v42, v8;
	v3 =	vld.idx.msk [tilespmem:v4+s3+$0x0], $0xffff;
	v4 =	vadd.s32 v40, v8  }
0x4ed: {  	v56 =	vadd.s32 v48, v8;
	v58 =	vadd.s32 v43, v8;
	v1 =	vmul.f32 v2, v1;
	v21 =	vld.idx.msk [tilespmem:v21+s3+$0x0], $0xffff  }
0x4ee: {  	v52 =	vmul.f32 v52, v59;
	v2 =	vmul.f32 v9, v28;
	v9 =	vld.idx.msk [tilespmem:v15+s3+$0x0], $0xffff;
	v15 =	vadd.s32 v49, v8  }
0x4ef: {  	v1 =	vmul.f32 v1, v51;
	v7 =	vadd.s32 v48, v7;
	v10 =	vmul.f32 v10, v27;
	v19 =	vld.idx.msk [tilespmem:v19+s3+$0x0], $0xffff  }
0x4f0: {  	v52 =	vmul.f32 v52, v54;
	v8 =	vadd.s32 v39, v8;
	v16 =	vld.idx.msk [tilespmem:v16+s3+$0x0], $0xffff  }
0x4f1: {  	v10 =	vadd.f32 v10, v26;
	v5 =	vmul.f32 v5, v46;
	v12 =	vld.idx.msk [tilespmem:v12+s3+$0x0], $0xffff  }
0x4f2: {  	v54 =	vmov s14;
	v13 =	vmul.f32 v13, v35;
	v3 =	vmul.f32 v3, v31;
	v20 =	vld.idx.msk [tilespmem:v20+s3+$0x0], $0xffff  }
0x4f3: {  	v55 =	vmul.f32 v55, v57;
	v54 =	vmul.u32 $0x48, v54;
	v21 =	vmul.f32 v21, v46;
	v25 =	vld.idx.msk [tilespmem:v25+s3+$0x0], $0xffff  }
0x4f4: {  	v50 =	vmul.f32 v52, v50;
	v2 =	vadd.f32 v2, v29;
	v9 =	vmul.f32 v9, v32;
	[tilespmem:s11+$0x0] =	vst.add.f32.msk $0xffff, v1  }
0x4f5: {  	v1 =	vld.idx.msk [tilespmem:v18+s3+$0x0], $0xffff;
	v18 =	vmul.f32 v19, v27;
	v19 =	vbroadcast v54, $0x0  }
0x4f6: {  	v13 =	vadd.f32 v13, v33;
	v9 =	vadd.f32 v9, v34;
	v16 =	vmul.f32 v16, v32;
	v54 =	vld.idx.msk [tilespmem:v58+s3+$0x0], $0xffff  }
0x4f7: {  	v3 =	vadd.f32 v3, v30;
	v7 =	vld.idx.msk [tilespmem:v7+s3+$0x0], $0xffff;
	v57 =	vadd.s32 v41, v19;
	v60 =	vadd.s32 v38, v19  }
0x4f8: {  	v20 =	vmul.f32 v20, v31;
	v58 =	vadd.s32 v40, v19;
	v59 =	vadd.s32 v48, v19;
	v15 =	vld.idx.msk [tilespmem:v15+s3+$0x0], $0xffff  }
0x4f9: {  	v16 =	vadd.f32 v16, v34;
	v62 =	vadd.s32 v39, v19;
	v61 =	vadd.s32 v42, v19;
	v24 =	vld.idx.msk [tilespmem:v24+s3+$0x0], $0xffff  }
0x4fa: {  	v14 =	vmul.f32 v14, v37;
	v52 =	vadd.f32 v5, v47;
	v5 =	vld.idx.msk [tilespmem:v8+s3+$0x0], $0xffff;
	v8 =	vadd.s32 v49, v19  }
0x4fb: {  	v50 =	vmul.f32 v50, v51;
	v1 =	vmul.f32 v1, v28;
	v19 =	vadd.s32 v43, v19;
	v56 =	vld.idx.msk [tilespmem:v56+s3+$0x0], $0xffff  }
0x4fc: {  	v14 =	vadd.f32 v14, v36;
	v3 =	vmul.f32 v9, v3;
	v9 =	vmul.f32 v55, v53;
	v4 =	vld.idx.msk [tilespmem:v4+s3+$0x0], $0xffff  }
0x4fd: {  	v2 =	vmul.f32 v10, v2;
	v10 =	vadd.f32 v18, v26;
	v7 =	vmul.f32 v7, v44;
	[tilespmem:s11+$0xFFFFFFD0] =	vst.add.f32.msk $0xffff, v50  }
0x4fe: {  	v18 =	vmul.f32 v25, v35;
	v9 =	vmul.f32 v9, v51;
	v17 =	vld.idx.msk [tilespmem:v17+s3+$0x0], $0xffff  }
0x4ff: {  	v1 =	vadd.f32 v1, v29;
	v50 =	vmul.f32 v3, v2;
	v3 =	vmul.f32 v15, v37;
	v2 =	vld.idx.msk [tilespmem:v22+s3+$0x0], $0xffff  }
0x500: {  	v15 =	vadd.f32 v21, v47;
	v7 =	vadd.f32 v7, v45;
	v5 =	vmul.f32 v5, v31;
	[tilespmem:s11+$0xFFFFFFF0] =	vst.add.f32.msk $0xffff, v9  }
0x501: {  	v18 =	vadd.f32 v18, v33;
	v9 =	vmul.f32 v24, v27;
	v21 =	vmul.f32 v56, v44;
	[tilespmem:s11+$0xFFFFFFE0] =	vst.add.f32.msk $0xffff, v0;
	s11 =	smov.u32 s13  }
0x502: {  	v22 =	vadd.f32 v3, v36;
	v3 =	vmul.f32 v54, v46;
	v0 =	vmul.f32 v4, v32;
	v4 =	vld.idx.msk [tilespmem:v58+s3+$0x0], $0xffff  }
0x503: {  	v56 =	vmul.f32 v15, v7;
	v7 =	vmul.f32 v12, v28;
	v12 =	vadd.f32 v21, v45;
	v15 =	vld.idx.msk [tilespmem:v59+s3+$0x0], $0xffff  }
0x504: {  	v6 =	vmul.f32 v6, v44;
	v20 =	vadd.f32 v20, v30;
	v17 =	vmul.f32 v17, v35;
	v21 =	vld.idx.msk [tilespmem:v57+s3+$0x0], $0xffff  }
0x505: {  	v24 =	vmul.f32 v2, v37;
	v2 =	vadd.f32 v7, v29;
	v7 =	vadd.f32 v9, v26;
	v9 =	vld.idx.msk [tilespmem:v19+s3+$0x0], $0xffff  }
0x506: {  	v58 =	vmul.f32 v10, v1;
	v1 =	vadd.f32 v5, v30;
	v59 =	vadd.f32 v6, v45;
	v5 =	vld.idx.msk [tilespmem:v8+s3+$0x0], $0xffff  }
0x507: {  	v3 =	vadd.f32 v3, v47;
	v6 =	vadd.f32 v0, v34;
	v7 =	vmul.f32 v7, v2;
	v63 =	vld.idx.msk [tilespmem:v60+s3+$0x0], $0xffff  }
0x508: {  	v54 =	vmul.f32 v14, v13;
	v0 =	vadd.f32 v17, v33;
	v8 =	vmul.f32 v4, v32;
	v2 =	vld.idx.msk [tilespmem:v61+s3+$0x0], $0xffff  }
.Ltmp7:
0x509: {  	v1 =	vmul.f32 v6, v1;
	v61 =	vadd.f32 v24, v36;
	v6 =	vmul.f32 v15, v44;
	(pc) =	sbr.rel @p0 .LBB2_16-.Ltmp7, $4  }
0x50a: {  	v55 =	vmul.f32 v3, v12;
	v10 =	vmul.f32 v21, v28;
	v4 =	vld.idx.msk [tilespmem:v62+s3+$0x0], $0xffff  }
0x50b: {  	v60 =	vmul.f32 v16, v20;
	v3 =	vadd.f32 v6, v45;
	v6 =	vmul.f32 v9, v46  }
0x50c: {  	v57 =	vmul.f32 v22, v18;
	v53 =	vmul.f32 v1, v7;
	v62 =	vadd.f32 v10, v29  }
0x50d: {  	s14 =	sadd.s32 $0x40, s14;
	s13 =	sadd.s32 $0x40, s13;
	v1 =	vadd.f32 v8, v34;
	v5 =	vmul.f32 v5, v37;
	v6 =	vadd.f32 v6, v47  }
0x50e: {  	v2 =	vmul.f32 v2, v35  }
0x50f: {  	v7 =	vmul.f32 v63, v27;
	v4 =	vmul.f32 v4, v31  }
0x510: {  	v5 =	vadd.f32 v5, v36;
	v2 =	vadd.f32 v2, v33  }
0x511: {  	v7 =	vadd.f32 v7, v26;
	v4 =	vadd.f32 v4, v30  }
0x512: {  	v3 =	vmul.f32 v6, v3;
	v2 =	vmul.f32 v5, v2  }
0x513: {  	v1 =	vmul.f32 v1, v4;
	v4 =	vmul.f32 v7, v62  }
0x514: {  	v0 =	vmul.f32 v61, v0  }
0x515: {  	v2 =	vmul.f32 v3, v2;
	v1 =	vmul.f32 v1, v4  }
0x516: {  	v0 =	vmul.f32 v56, v0;
	v4 =	vmul.f32 v60, v58  }
0x517: {  	v1 =	vmul.f32 v2, v1;
	v2 =	vmul.f32 v55, v57  }
0x518: {  	v5 =	vmul.f32 v52, v59;
	v0 =	vmul.f32 v0, v4  }
0x519: {  	v1 =	vmul.f32 v1, v51;
	v2 =	vmul.f32 v2, v53  }
0x51a: {  	v3 =	vmul.f32 v5, v54;
	v0 =	vmul.f32 v0, v51  }
0x51b: {  	[tilespmem:s11+$0x0] =	vst.add.f32.msk $0xffff, v1;
	v1 =	vmul.f32 v2, v51  }
0x51c: {  	v3 =	vmul.f32 v3, v50;
	[tilespmem:s11+$0xFFFFFFE0] =	vst.add.f32.msk $0xffff, v0;
	v0 =	vimm.s32 $0x78  }
0x51d: {  	[tilespmem:s11+$0xFFFFFFF0] =	vst.add.f32.msk $0xffff, v1;
	v1 =	vimm.s32 $0x79  }
0x51e: {  	v3 =	vmul.f32 v3, v51;
	_ =	sdelay $0x1  }
0x51f: {  	[tilespmem:s11+$0xFFFFFFD0] =	vst.add.f32.msk $0xffff, v3  }
0x520: {  	v0 =	vld.idx.msk [tilespmem:v0+s8+$0x0], $0xffff  }
0x521: {  	v1 =	vld.idx.msk [tilespmem:v1+s8+$0x0], $0xffff;
	_ =	sdelay $0x4  }
0x522: {  	v0 =	vsub.f32 v1, v0;
	_ =	sdelay $0x1  }
0x523: {  	v0 =	vmul.f32 $1.442695020e+00, v0  }
0x524: {  	v1 =	vimm.s32 $0x7B  }
0x525: {  	(erf) = vpow2.f32 v0;
	v0 =	vimm.s32 $0x7A;
	_ =	sdelay $0x3  }
0x526: {  	v1 =	vld.idx.msk [tilespmem:v1+s8+$0x0], $0xffff  }
0x527: {  	v0 =	vld.idx.msk [tilespmem:v0+s8+$0x0], $0xffff;
	_ =	sdelay $0x4  }
0x528: {  	v2 =	vpop (erf);
	v0 =	vsub.f32 v1, v0  }
0x529: {  	v1 =	vadd.f32 $1.000000000e+00, v2  }
0x52a: {  	v0 =	vmul.f32 $1.442695020e+00, v0  }
0x52b: {  	(erf) = vrcp.f32 v1;
	v1 =	vimm.s32 $0x7D  }
0x52c: {  	(erf) = vpow2.f32 v0;
	v0 =	vimm.s32 $0x7C;
	_ =	sdelay $0x3  }
0x52d: {  	v1 =	vld.idx.msk [tilespmem:v1+s8+$0x0], $0xffff  }
0x52e: {  	v0 =	vld.idx.msk [tilespmem:v0+s8+$0x0], $0xffff;
	_ =	sdelay $0x3  }
0x52f: {  	v3 =	vpop (erf)  }
0x530: {  	v4 =	vpop (erf);
	v0 =	vsub.f32 v1, v0  }
0x531: {  	v1 =	vadd.f32 $1.000000000e+00, v4  }
0x532: {  	v0 =	vmul.f32 $1.442695020e+00, v0  }
0x533: {  	(erf) = vrcp.f32 v1;
	v1 =	vimm.s32 $0x7F  }
0x534: {  	(erf) = vpow2.f32 v0;
	v0 =	vimm.s32 $0x7E;
	_ =	sdelay $0x3  }
0x535: {  	v1 =	vld.idx.msk [tilespmem:v1+s8+$0x0], $0xffff  }
0x536: {  	v0 =	vld.idx.msk [tilespmem:v0+s8+$0x0], $0xffff;
	_ =	sdelay $0x3  }
0x537: {  	v5 =	vpop (erf)  }
0x538: {  	v6 =	vpop (erf);
	v0 =	vsub.f32 v1, v0  }
0x539: {  	v1 =	vadd.f32 $1.000000000e+00, v6  }
0x53a: {  	v0 =	vmul.f32 $1.442695020e+00, v0  }
0x53b: {  	(erf) = vrcp.f32 v1;
	v1 =	vimm.s32 $0x81  }
0x53c: {  	(erf) = vpow2.f32 v0;
	v0 =	vimm.s32 $0x80;
	_ =	sdelay $0x3  }
0x53d: {  	v1 =	vld.idx.msk [tilespmem:v1+s8+$0x0], $0xffff  }
0x53e: {  	v0 =	vld.idx.msk [tilespmem:v0+s8+$0x0], $0xffff;
	_ =	sdelay $0x3  }
0x53f: {  	v7 =	vpop (erf)  }
0x540: {  	v8 =	vpop (erf);
	v0 =	vsub.f32 v1, v0  }
0x541: {  	v1 =	vadd.f32 $1.000000000e+00, v8  }
0x542: {  	v0 =	vmul.f32 $1.442695020e+00, v0  }
0x543: {  	(erf) = vrcp.f32 v1;
	v1 =	vimm.s32 $0x83  }
0x544: {  	(erf) = vpow2.f32 v0;
	v0 =	vimm.s32 $0x82;
	_ =	sdelay $0x3  }
0x545: {  	v1 =	vld.idx.msk [tilespmem:v1+s8+$0x0], $0xffff  }
0x546: {  	v0 =	vld.idx.msk [tilespmem:v0+s8+$0x0], $0xffff;
	_ =	sdelay $0x3  }
0x547: {  	v9 =	vpop (erf)  }
0x548: {  	v10 =	vpop (erf);
	v0 =	vsub.f32 v1, v0  }
0x549: {  	v1 =	vadd.f32 $1.000000000e+00, v10  }
0x54a: {  	v0 =	vmul.f32 $1.442695020e+00, v0  }
0x54b: {  	(erf) = vrcp.f32 v1;
	v1 =	vimm.s32 $0x85  }
0x54c: {  	(erf) = vpow2.f32 v0;
	v0 =	vimm.s32 $0x84;
	_ =	sdelay $0x3  }
0x54d: {  	v1 =	vld.idx.msk [tilespmem:v1+s8+$0x0], $0xffff  }
0x54e: {  	v0 =	vld.idx.msk [tilespmem:v0+s8+$0x0], $0xffff;
	_ =	sdelay $0x3  }
0x54f: {  	v12 =	vpop (erf)  }
0x550: {  	v13 =	vpop (erf);
	v0 =	vsub.f32 v1, v0  }
0x551: {  	v1 =	vadd.f32 $1.000000000e+00, v13  }
0x552: {  	v0 =	vmul.f32 $1.442695020e+00, v0  }
0x553: {  	(erf) = vrcp.f32 v1;
	v1 =	vimm.s32 $0x87  }
0x554: {  	(erf) = vpow2.f32 v0;
	v0 =	vimm.s32 $0x86;
	_ =	sdelay $0x3  }
0x555: {  	v1 =	vld.idx.msk [tilespmem:v1+s8+$0x0], $0xffff  }
0x556: {  	v0 =	vld.idx.msk [tilespmem:v0+s8+$0x0], $0xffff;
	_ =	sdelay $0x3  }
0x557: {  	v14 =	vpop (erf)  }
0x558: {  	v15 =	vpop (erf);
	v0 =	vsub.f32 v1, v0  }
0x559: {  	v1 =	vadd.f32 $1.000000000e+00, v15  }
0x55a: {  	v0 =	vmul.f32 $1.442695020e+00, v0  }
0x55b: {  	(erf) = vrcp.f32 v1  }
0x55c: {  	v38 =	vadd.s32 $0x39, v11;
	v20 =	vadd.s32 $0x3B, v11;
	(erf) = vpow2.f32 v0  }
0x55d: {  	v41 =	vadd.s32 $0x3C, v11;
	v42 =	vadd.s32 $0x3A, v11;
	v43 =	vadd.s32 $0x38, v11  }
0x55e: {  	s29 =	simm.s32 $0x0;
	v44 =	vadd.s32 $0x3D, v11;
	v45 =	vadd.s32 $0x3E, v11;
	v46 =	vadd.s32 $0x3F, v11  }
0x55f: {  	v27 =	vmul.f32 v5, v4;
	v1 =	vsub.f32 $1.000000000e+00, v4;
	v4 =	vmov s29  }
0x560: {  	v25 =	vmul.f32 v3, v2;
	v30 =	vmul.f32 v7, v6;
	v4 =	vmul.u32 $0x48, v4  }
0x561: {  	s12 =	simm.s32 $0x30;
	v0 =	vsub.f32 $1.000000000e+00, v2;
	v28 =	vmul.f32 v5, v1;
	v1 =	vsub.f32 $1.000000000e+00, v8  }
0x562: {  	v55 =	vmov s12;
	v32 =	vmul.f32 v9, v8;
	v63 =	vmul.f32 v12, v10  }
0x563: {  	s31 =	simm.s32 $0x20;
	v4 =	vbroadcast v4, $0x0;
	v26 =	vmul.f32 v3, v0;
	v0 =	vsub.f32 $1.000000000e+00, v6  }
0x564: {  	v53 =	vmov s31;
	v33 =	vmul.f32 v14, v13;
	v31 =	vmul.f32 v9, v1;
	v2 =	vpop (erf)  }
0x565: {  	v8 =	vadd.s32 v42, v4;
	v29 =	vmul.f32 v7, v0;
	v0 =	vsub.f32 $1.000000000e+00, v10;
	v1 =	vpop (erf)  }
0x566: {  	v6 =	vsub.f32 $1.000000000e+00, v15;
	v39 =	vadd.s32 v43, v4;
	v5 =	vadd.f32 $1.000000000e+00, v1  }
0x567: {  	s30 =	simm.s32 $0x10;
	v40 =	vadd.s32 v44, v4;
	v34 =	vmul.f32 v12, v0;
	v0 =	vsub.f32 $1.000000000e+00, v13  }
0x568: {  	v52 =	vadd.s32 v45, v4;
	v7 =	vmov s30;
	(erf) = vrcp.f32 v5  }
0x569: {  	v7 =	vmul.u32 $0x48, v7;
	v36 =	vmul.f32 v14, v0;
	v0 =	vadd.s32 v38, v4  }
0x56a: {  	v37 =	vmul.f32 v2, v6;
	v35 =	vmul.f32 v2, v15;
	v2 =	vadd.s32 v20, v4;
	v8 =	vld.idx.msk [tilespmem:v8+s3+$0x0], $0xffff  }
0x56b: {  	v13 =	vmul.u32 $0x48, v53;
	v7 =	vbroadcast v7, $0x0;
	v6 =	vadd.s32 v41, v4;
	v9 =	vld.idx.msk [tilespmem:v39+s3+$0x0], $0xffff  }
0x56c: {  	v3 =	vsel vm8, $0x0, v23;
	v4 =	vadd.s32 v46, v4;
	v15 =	vmul.u32 $0x48, v55;
	v10 =	vld.idx.msk [tilespmem:v40+s3+$0x0], $0xffff  }
0x56d: {  	(xrf2) =	vadd.scan.msk.f32 $0xffff, v3;
	v13 =	vbroadcast v13, $0x0;
	v12 =	vld.idx.msk [tilespmem:v52+s3+$0x0], $0xffff;
	v3 =	vadd.s32 v20, v7;
	v56 =	vadd.s32 v41, v7  }
0x56e: {  	v16 =	vadd.s32 v38, v7;
	v22 =	vadd.s32 v46, v7;
	v15 =	vbroadcast v15, $0x0;
	v0 =	vld.idx.msk [tilespmem:v0+s3+$0x0], $0xffff  }
0x56f: {  	v61 =	vadd.s32 v42, v7;
	v17 =	vadd.s32 v38, v13;
	v18 =	vadd.s32 v42, v13;
	v2 =	vld.idx.msk [tilespmem:v2+s3+$0x0], $0xffff  }
0x570: {  	v19 =	vadd.s32 v20, v13;
	v5 =	vsub.f32 $1.000000000e+00, v1;
	v24 =	vadd.s32 v42, v15;
	v6 =	vld.idx.msk [tilespmem:v6+s3+$0x0], $0xffff;
	[tilespmem:$0x1FE80] =	vst v20  }
0x571: {  	v21 =	vadd.s32 v46, v13;
	v20 =	vadd.s32 v20, v15;
	v9 =	vmul.f32 v9, v26;
	v4 =	vld.idx.msk [tilespmem:v4+s3+$0x0], $0xffff;
	v54 =	vpop (erf)  }
0x572: {  	v58 =	vadd.s32 v41, v13;
	v3 =	vld.idx.msk [tilespmem:v3+s3+$0x0], $0xffff;
	v48 =	vmul.f32 v54, v5;
	v5 =	vadd.s32 v44, v7  }
0x573: {  	v8 =	vmul.f32 v8, v29;
	v10 =	vmul.f32 v10, v36;
	v14 =	vld.idx.msk [tilespmem:v56+s3+$0x0], $0xffff;
	v9 =	vadd.f32 v9, v25  }
0x574: {  	v57 =	vld.idx.msk [tilespmem:v16+s3+$0x0], $0xffff;
	v0 =	vmul.f32 v0, v28;
	v47 =	vmul.f32 v54, v1;
	v1 =	vadd.s32 v43, v7  }
0x575: {  	v8 =	vadd.f32 v8, v30;
	v24 =	vld.idx.msk [tilespmem:v24+s3+$0x0], $0xffff;
	v2 =	vmul.f32 v2, v31;
	v6 =	vmul.f32 v6, v34  }
0x576: {  	v49 =	vadd.s32 v46, v15;
	v10 =	vadd.f32 v10, v33;
	v20 =	vld.idx.msk [tilespmem:v20+s3+$0x0], $0xffff;
	v0 =	vadd.f32 v0, v27  }
0x577: {  	v12 =	vmul.f32 v12, v37;
	v6 =	vadd.f32 v6, v63;
	v2 =	vadd.f32 v2, v32;
	v5 =	vld.idx.msk [tilespmem:v5+s3+$0x0], $0xffff  }
0x578: {  	v59 =	vadd.s32 v45, v13;
	v17 =	vld.idx.msk [tilespmem:v17+s3+$0x0], $0xffff;
	v14 =	vmul.f32 v14, v34;
	v0 =	vmul.f32 v0, v9  }
0x579: {  	v12 =	vadd.f32 v12, v35;
	v6 =	vmul.f32 v10, v6;
	v2 =	vmul.f32 v2, v8;
	v1 =	vld.idx.msk [tilespmem:v1+s3+$0x0], $0xffff  }
0x57a: {  	v18 =	vld.idx.msk [tilespmem:v18+s3+$0x0], $0xffff;
	v14 =	vadd.f32 v14, v63;
	v62 =	vmul.f32 v24, v29;
	v4 =	vmul.f32 v4, v48  }
0x57b: {  	v19 =	vld.idx.msk [tilespmem:v19+s3+$0x0], $0xffff;
	v8 =	vadd.s32 v44, v15;
	v0 =	vmul.f32 v2, v0;
	v2 =	vmul.f32 v20, v31  }
0x57c: {  	v60 =	vld.idx.msk [tilespmem:v49+s3+$0x0], $0xffff;
	v9 =	vmul.f32 v57, v28;
	v7 =	vadd.s32 v45, v7;
	v5 =	vmul.f32 v5, v36  }
0x57d: {  	v20 =	vld.idx.msk [tilespmem:v22+s3+$0x0], $0xffff;
	v4 =	vadd.f32 v4, v47;
	v2 =	vadd.f32 v2, v32;
	[tilespmem:$0x1FE90] =	vst v63  }
0x57e: {  	v63 =	vadd.s32 v43, v13;
	v10 =	vld.idx.msk [tilespmem:v59+s3+$0x0], $0xffff;
	v1 =	vmul.f32 v1, v26;
	v5 =	vadd.f32 v5, v33  }
0x57f: {  	v22 =	vadd.f32 v62, v30;
	v9 =	vadd.f32 v9, v27;
	v4 =	vmul.f32 v4, v12;
	v21 =	vld.idx.msk [tilespmem:v21+s3+$0x0], $0xffff  }
0x580: {  	v23 =	vld.idx.msk [tilespmem:v61+s3+$0x0], $0xffff;
	v1 =	vadd.f32 v1, v25;
	v53 =	vmul.f32 v5, v14;
	v5 =	vadd.s32 v41, v15  }
0x581: {  	v56 =	vmul.f32 v2, v22;
	v4 =	vmul.f32 v4, v6;
	v6 =	vld.idx.msk [tilespmem:v58+s3+$0x0], $0xffff;
	v2, _, _ =	vpop (xrf2);
	[tilespmem:$0x1FEA0] =	vst v38  }
0x582: {  	v49 =	vbroadcast v2, $0xF;
	v2 =	vld.idx.msk [tilespmem:v8+s3+$0x0], $0xffff;
	v54 =	vmul.f32 v9, v1;
	v1 =	vadd.s32 v43, v15  }
0x583: {  	v24 =	vld.idx.msk [tilespmem:v63+s3+$0x0], $0xffff;
	[tilespmem:$0x1FEB0] =	vst v31  }
0x584: {  	v3 =	vmul.f32 v3, v31;
	v7 =	vld.idx.msk [tilespmem:v7+s3+$0x0], $0xffff;
	[tilespmem:$0x1FEC0] =	vst v28  }
0x585: {  	v50 =	vmul.f32 v4, v0;
	v0 =	vadd.s32 v38, v15;
	v5 =	vld.idx.msk [tilespmem:v5+s3+$0x0], $0xffff;
	[tilespmem:$0x1FED0] =	vst v35  }
0x586: {  	v39 =	vmul.f32 v18, v29;
	v51 =	vadd.f32 v3, v32;
	v3 =	vmul.f32 v17, v28;
	[tilespmem:$0x1FEE0] =	vst v29  }
0x587: {  	v8 =	vmul.f32 v60, v48;
	v4 =	vadd.s32 v45, v15;
	v40 =	vld.idx.msk [tilespmem:v1+s3+$0x0], $0xffff;
	[tilespmem:$0x1FEF0] =	vst v27  }
0x588: {  	v62 =	vadd.f32 v3, v27;
	v13 =	vadd.s32 v44, v13;
	v61 =	vadd.f32 v39, v30;
	[tilespmem:$0x1FF00] =	vst v36  }
0x589: {  	v38 =	vmul.f32 v19, v31;
	v10 =	vmul.f32 v10, v37;
	v58 =	vadd.f32 v8, v47;
	[tilespmem:$0x1FF10] =	vst v30  }
0x58a: {  	v1 =	vmul.f32 v2, v36;
	v2 =	vmul.f32 v20, v48;
	v3 =	vld.idx.msk [tilespmem:v0+s3+$0x0], $0xffff;
	[tilespmem:$0x1FF20] =	vst v37  }
0x58b: {  	v8 =	vmul.f32 v23, v29;
	v63 =	vadd.f32 v38, v32;
	v52 =	vadd.f32 v10, v35;
	[tilespmem:$0x1FF30] =	vst v33  }
0x58c: {  	v6 =	vmul.f32 v6, v34;
	v57 =	vadd.f32 v2, v47;
	v2 =	vld.idx.msk [tilespmem:v4+s3+$0x0], $0xffff;
	[tilespmem:$0x1FF40] =	vst v25  }
0x58d: {  	v55 =	vadd.f32 v8, v30;
	v8 =	vmul.f32 v24, v26;
	v60 =	vmul.f32 v7, v37;
	[tilespmem:$0x1FF50] =	vst v34  }
0x58e: {  	s13 =	simm.s32 $0x0;
	s14 =	simm.s32 $0x90F8;
	v0 =	vmul.f32 v21, v48;
	v59 =	vadd.f32 v1, v33;
	v4 =	vld.idx.msk [tilespmem:v13+s3+$0x0], $0xffff;
	[tilespmem:$0x1FF60] =	vst v32  }
0x58f: {  	s15 =	simm.s32 $0x70;
	s12 =	simm.s32 $0x90B8;
	s11 =	simm.s32 $0x92A8;
	v1 =	vadd.f32 v8, v25;
	[tilespmem:$0x1FF70] =	vst v26;
	v5 =	vmul.f32 v5, v34;
	v7 =	vmul.f32 v40, v26  }
.LBB2_18:
0x590: {  	v31 =	vld [tilespmem:$0x1FEC0]  }
0x591: {  	v32 =	vld [tilespmem:$0x1FE90]  }
0x592: {  	v30 =	vld [tilespmem:$0x1FEF0]  }
0x593: {  	s16 =	sadd.s32 $0xFFFFFFD0, s15;
	v25 =	vld [tilespmem:$0x1FF40];
	v18 =	vmov s15  }
0x594: {  	v11 =	vld [tilespmem:$0x1FEA0];
	v8 =	vmov s16;
	v18 =	vmul.u32 $0x48, v18  }
0x595: {  	v27 =	vld [tilespmem:$0x1FE80];
	v8 =	vmul.u32 $0x48, v8  }
0x596: {  	s17 =	sadd.s32 $0xFFFFFFE0, s15;
	v40 =	vld [tilespmem:$0x1FF20];
	v18 =	vbroadcast v18, $0x0  }
0x597: {  	s18 =	sadd.s32 $0xFFFFFFF0, s15;
	v39 =	vld [tilespmem:$0x1FF00];
	v51 =	vmul.f32 v51, v55;
	v9 =	vmov s17;
	v8 =	vbroadcast v8, $0x0  }
0x598: {  	v38 =	vld [tilespmem:$0x1FED0];
	v1 =	vmul.f32 v62, v1;
	v20 =	vmov s18;
	v23 =	vadd.s32 v46, v18  }
0x599: {  	v36 =	vld [tilespmem:$0x1FF30];
	v35 =	vmul.f32 v63, v61;
	v0 =	vadd.f32 v0, v47;
	v12 =	vadd.s32 v11, v8  }
0x59a: {  	v29 =	vld [tilespmem:$0x1FF70];
	v9 =	vmul.u32 $0x48, v9;
	v20 =	vmul.u32 $0x48, v20;
	v13 =	vadd.s32 v27, v8  }
0x59b: {  	v33 =	vld [tilespmem:$0x1FEE0];
	v51 =	vmul.f32 v51, v54;
	v3 =	vmul.f32 v3, v31;
	v14 =	vadd.s32 v41, v8  }
0x59c: {  	v54 =	vld [tilespmem:$0x1FF10];
	v1 =	vmul.f32 v35, v1;
	v9 =	vbroadcast v9, $0x0;
	v17 =	vadd.s32 v42, v8  }
0x59d: {  	v7 =	vadd.f32 v7, v25;
	v10 =	vadd.s32 v43, v8;
	v3 =	vadd.f32 v3, v30;
	v23 =	vld.idx.msk [tilespmem:v23+s3+$0x0], $0xffff  }
0x59e: {  	v5 =	vadd.f32 v5, v32;
	v2 =	vmul.f32 v2, v40;
	v34 =	vadd.s32 v44, v9;
	v12 =	vld.idx.msk [tilespmem:v12+s3+$0x0], $0xffff  }
0x59f: {  	v15 =	vadd.s32 v45, v8;
	v19 =	vadd.s32 v43, v9;
	v3 =	vmul.f32 v3, v7;
	v7 =	vld.idx.msk [tilespmem:v13+s3+$0x0], $0xffff  }
0x5a0: {  	v16 =	vadd.s32 v46, v8;
	v8 =	vadd.s32 v44, v8;
	v2 =	vadd.f32 v2, v38;
	v14 =	vld.idx.msk [tilespmem:v14+s3+$0x0], $0xffff  }
0x5a1: {  	v0 =	vmul.f32 v0, v52;
	v6 =	vadd.f32 v6, v32;
	v4 =	vmul.f32 v4, v39;
	v17 =	vld.idx.msk [tilespmem:v17+s3+$0x0], $0xffff  }
0x5a2: {  	v61 =	vadd.s32 v41, v18;
	v5 =	vmul.f32 v59, v5;
	v2 =	vmul.f32 v58, v2;
	v10 =	vld.idx.msk [tilespmem:v10+s3+$0x0], $0xffff  }
0x5a3: {  	v35 =	vadd.s32 v42, v18;
	v22 =	vadd.s32 v41, v9;
	v4 =	vadd.f32 v4, v36;
	v13 =	vld.idx.msk [tilespmem:v34+s3+$0x0], $0xffff  }
0x5a4: {  	v28 =	vadd.s32 v45, v18;
	v21 =	vadd.s32 v27, v9;
	v2 =	vmul.f32 v2, v5;
	v5 =	vld.idx.msk [tilespmem:v19+s3+$0x0], $0xffff  }
0x5a5: {  	v24 =	vadd.s32 v45, v9;
	v4 =	vmul.f32 v4, v6;
	v6 =	vbroadcast v20, $0x0;
	v8 =	vld.idx.msk [tilespmem:v8+s3+$0x0], $0xffff  }
0x5a6: {  	v59 =	vadd.s32 v27, v18;
	v58 =	vadd.f32 v60, v38;
	v20 =	vadd.s32 v11, v9;
	v34 =	vld [tilespmem:$0x1FEB0]  }
0x5a7: {  	v19 =	vadd.s32 v43, v6;
	v37 =	vadd.s32 v11, v6;
	v3 =	vmul.f32 v56, v3;
	v15 =	vld.idx.msk [tilespmem:v15+s3+$0x0], $0xffff  }
0x5a8: {  	v56 =	vadd.s32 v42, v6;
	v60 =	vadd.s32 v27, v6;
	v22 =	vld.idx.msk [tilespmem:v22+s3+$0x0], $0xffff;
	v55 =	vmul.f32 v57, v58  }
0x5a9: {  	v62 =	vadd.s32 v46, v6;
	v16 =	vld.idx.msk [tilespmem:v16+s3+$0x0], $0xffff;
	v0 =	vmul.f32 v0, v4;
	v2 =	vmul.f32 v2, v3  }
0x5aa: {  	v63 =	vadd.s32 v41, v6;
	v11 =	vadd.s32 v11, v18;
	v3 =	vld.idx.msk [tilespmem:v21+s3+$0x0], $0xffff;
	v53 =	vmul.f32 v55, v53  }
0x5ab: {  	v27 =	vadd.s32 v45, v6;
	v0 =	vmul.f32 v0, v1;
	v20 =	vld.idx.msk [tilespmem:v20+s3+$0x0], $0xffff;
	v26 =	vmul.f32 v2, v49  }
0x5ac: {  	v6 =	vadd.s32 v44, v6;
	v51 =	vmul.f32 v53, v51;
	v53 =	vld.idx.msk [tilespmem:v35+s3+$0x0], $0xffff;
	v23 =	vmul.f32 v23, v48  }
0x5ad: {  	v21 =	vadd.s32 v46, v9;
	v35 =	vld [tilespmem:$0x1FF60];
	v0 =	vmul.f32 v0, v49;
	v12 =	vmul.f32 v12, v31  }
0x5ae: {  	v9 =	vadd.s32 v42, v9;
	v2 =	vmul.f32 v10, v29;
	v10 =	vmul.f32 v17, v33;
	v17 =	vld.idx.msk [tilespmem:v37+s3+$0x0], $0xffff  }
0x5af: {  	v7 =	vmul.f32 v7, v34;
	v5 =	vmul.f32 v5, v29;
	v58 =	vld.idx.msk [tilespmem:v60+s3+$0x0], $0xffff;
	v60 =	vadd.s32 v43, v18  }
0x5b0: {  	v37 =	vld [tilespmem:$0x1FF50];
	v18 =	vadd.s32 v44, v18;
	v8 =	vmul.f32 v8, v39;
	v16 =	vmul.f32 v16, v48  }
0x5b1: {  	v56 =	vld.idx.msk [tilespmem:v56+s3+$0x0], $0xffff;
	v15 =	vmul.f32 v15, v40;
	v12 =	vadd.f32 v12, v30;
	v2 =	vadd.f32 v2, v25  }
0x5b2: {  	v13 =	vmul.f32 v13, v39;
	v10 =	vadd.f32 v10, v54;
	v21 =	vld.idx.msk [tilespmem:v21+s3+$0x0], $0xffff;
	v3 =	vmul.f32 v3, v34  }
0x5b3: {  	v8 =	vadd.f32 v8, v36;
	v16 =	vadd.f32 v16, v47;
	v2 =	vmul.f32 v12, v2;
	v12 =	vld.idx.msk [tilespmem:v59+s3+$0x0], $0xffff  }
0x5b4: {  	v59 =	vmul.f32 v51, v49;
	v51 =	vadd.f32 v3, v35;
	v3 =	vld.idx.msk [tilespmem:v27+s3+$0x0], $0xffff;
	v7 =	vadd.f32 v7, v35  }
0x5b5: {  	v15 =	vadd.f32 v15, v38;
	v20 =	vmul.f32 v20, v31;
	v27 =	vld.idx.msk [tilespmem:v63+s3+$0x0], $0xffff;
	v14 =	vmul.f32 v14, v37  }
0x5b6: {  	v5 =	vadd.f32 v5, v25;
	v22 =	vmul.f32 v22, v37;
	v4 =	vmul.f32 v7, v10;
	v7 =	vld.idx.msk [tilespmem:v9+s3+$0x0], $0xffff  }
0x5b7: {  	v13 =	vadd.f32 v13, v36;
	v17 =	vmul.f32 v17, v31;
	v10 =	vmul.f32 v16, v15;
	v15 =	vld.idx.msk [tilespmem:v18+s3+$0x0], $0xffff  }
0x5b8: {  	v9 =	vmul.f32 v58, v34;
	[tilespmem:s12+$0xFFFFFFE0] =	vst.add.f32.msk $0xffff, v59;
	v18 =	vmul.f32 v56, v33;
	v14 =	vadd.f32 v14, v32  }
0x5b9: {  	v58 =	vadd.f32 v23, v47;
	v16 =	vld.idx.msk [tilespmem:v24+s3+$0x0], $0xffff;
	v1 =	vmul.f32 v4, v2;
	v2 =	vadd.f32 v22, v32  }
0x5ba: {  	v24 =	vld.idx.msk [tilespmem:v61+s3+$0x0], $0xffff;
	v61 =	vadd.f32 v18, v54;
	v8 =	vmul.f32 v8, v14;
	v3 =	vmul.f32 v3, v40  }
0x5bb: {  	v4 =	vld.idx.msk [tilespmem:v19+s3+$0x0], $0xffff;
	v63 =	vadd.f32 v9, v35;
	v12 =	vmul.f32 v12, v34;
	v34 =	vmul.f32 v53, v33  }
0x5bc: {  	v32 =	vld.idx.msk [tilespmem:v60+s3+$0x0], $0xffff;
	v53 =	vmul.f32 v13, v2;
	v52 =	vadd.f32 v3, v38;
	v3 =	vmul.f32 v50, v49  }
0x5bd: {  	s13 =	sadd.s32 $0x4, s13;
	v14 =	vld.idx.msk [tilespmem:v62+s3+$0x0], $0xffff;
	v62 =	vadd.f32 v17, v30;
	v7 =	vmul.f32 v7, v33;
	v15 =	vmul.f32 v15, v39  }
0x5be: {  	p0 =	slt.u32 s13, $0x1C;
	[tilespmem:s12+$0xFFFFFFF0] =	vst.add.f32.msk $0xffff, v0;
	v8 =	vmul.f32 v10, v8;
	v39 =	vadd.f32 v20, v30;
	v50 =	vmul.f32 v21, v48  }
.Ltmp8:
0x5bf: {  	v2 =	vld.idx.msk [tilespmem:v28+s3+$0x0], $0xffff;
	v60 =	vmul.f32 v16, v40;
	v55 =	vadd.f32 v7, v54;
	v7 =	vadd.f32 v12, v35;
	(pc) =	sbr.rel @p0 .LBB2_18-.Ltmp8, $4  }
0x5c0: {  	[tilespmem:s12+$0xFFFFFFD0] =	vst.add.f32.msk $0xffff, v3;
	v38 =	vmul.f32 v4, v29;
	v4 =	vadd.f32 v34, v54;
	v54 =	vmul.f32 v39, v5  }
0x5c1: {  	v3 =	vld.idx.msk [tilespmem:v11+s3+$0x0], $0xffff;
	v57 =	vadd.f32 v50, v47;
	v5 =	vmul.f32 v24, v37;
	v50 =	vmul.f32 v8, v1  }
0x5c2: {  	s15 =	sadd.s32 $0x40, s15;
	v59 =	vadd.f32 v15, v36;
	[tilespmem:s12+$0x0] =	vst.add.f32.msk $0xffff, v26;
	v0 =	vmul.f32 v14, v48;
	v56 =	vmul.f32 v7, v4  }
0x5c3: {  	s16 =	simm.s32 $0x90A8;
	s12 =	smov.u32 s14;
	s14 =	sadd.s32 $0x40, s14;
	v4 =	vld.idx.msk [tilespmem:v6+s3+$0x0], $0xffff;
	v1 =	vadd.f32 v38, v25;
	v6 =	vmul.f32 v27, v37;
	v7 =	vmul.f32 v32, v29  }
0x5c4: {  	v8 =	vld [tilespmem:$0x1FEC0]  }
0x5c5: {  	v15 =	vld [tilespmem:$0x1FF20]  }
0x5c6: {  	v16 =	vld [tilespmem:$0x1FEF0]  }
0x5c7: {  	v17 =	vld [tilespmem:$0x1FF00]  }
0x5c8: {  	v18 =	vld [tilespmem:$0x1FF40]  }
0x5c9: {  	v9 =	vld [tilespmem:$0x1FE90]  }
0x5ca: {  	v10 =	vld [tilespmem:$0x1FED0];
	v0 =	vadd.f32 v0, v47  }
0x5cb: {  	v19 =	vld [tilespmem:$0x1FF30];
	v21 =	vmul.f32 v63, v61;
	v1 =	vmul.f32 v62, v1  }
0x5cc: {  	v0 =	vmul.f32 v0, v52  }
0x5cd: {  	v1 =	vmul.f32 v21, v1;
	v3 =	vmul.f32 v3, v8  }
0x5ce: {  	v4 =	vmul.f32 v4, v17;
	v7 =	vadd.f32 v7, v18;
	v5 =	vadd.f32 v5, v9  }
0x5cf: {  	v2 =	vmul.f32 v2, v15;
	v6 =	vadd.f32 v6, v9;
	v3 =	vadd.f32 v3, v16  }
0x5d0: {  	v20 =	vadd.f32 v60, v10;
	v4 =	vadd.f32 v4, v19;
	v5 =	vmul.f32 v59, v5  }
0x5d1: {  	v2 =	vadd.f32 v2, v10;
	v3 =	vmul.f32 v3, v7;
	v7 =	vmul.f32 v51, v55  }
0x5d2: {  	v4 =	vmul.f32 v4, v6;
	v6 =	vmul.f32 v57, v20  }
0x5d3: {  	v2 =	vmul.f32 v58, v2;
	v7 =	vmul.f32 v7, v54  }
0x5d4: {  	v6 =	vmul.f32 v6, v53;
	v0 =	vmul.f32 v0, v4  }
0x5d5: {  	v2 =	vmul.f32 v2, v5;
	v3 =	vmul.f32 v56, v3  }
0x5d6: {  	v6 =	vmul.f32 v6, v7;
	v0 =	vmul.f32 v0, v1  }
0x5d7: {  	v1 =	vmul.f32 v2, v3;
	v2 =	vmul.f32 v50, v49  }
0x5d8: {  	v4 =	vmul.f32 v6, v49  }
0x5d9: {  	v0 =	vmul.f32 v0, v49;
	[tilespmem:s12+$0xFFFFFFD0] =	vst.add.f32.msk $0xffff, v2  }
0x5da: {  	v1 =	vmul.f32 v1, v49;
	[tilespmem:s12+$0xFFFFFFE0] =	vst.add.f32.msk $0xffff, v4  }
0x5db: {  	[tilespmem:s12+$0xFFFFFFF0] =	vst.add.f32.msk $0xffff, v0  }
0x5dc: {  	[tilespmem:s12+$0x0] =	vst.add.f32.msk $0xffff, v1  }
0x5dd: {  	v0 =	vld [tilespmem:s16+$0x10];
	_ =	sdelay $0x3  }
0x5de: {  	v2 =	vld [tilespmem:s16+$0x0]  }
0x5df: {  	s31 =	simm.s32 $0x90E8;
	v3 =	vld [tilespmem:s16+$0xFFFFFFF0];
	v1 =	vand.u32 $0x7FFFFF, v0  }
0x5e0: {  	v41 =	vld [tilespmem:s31+$0xFFFFFFE0];
	v1 =	vor.u32 $0x3F800000, v1  }
0x5e1: {  	v15 =	vld [tilespmem:s31+$0x10];
	v4 =	vmul.f32 $5.000000000e-01, v1  }
0x5e2: {  	vm9 =	vgt.f32 v1, $1.414213540e+00  }
0x5e3: {  	v24 =	vimm.s32 $0xFFFFFF81;
	v42 =	vld [tilespmem:s31+$0x0];
	v5 =	vand.u32 $0x7FFFFF, v2;
	v1 =	vsel vm9, v4, v1  }
0x5e4: {  	v18 =	vld [tilespmem:s31+$0xFFFFFFF0];
	v6 =	vand.u32 $0x7FFFFF, v3;
	v0 =	vshra.s32 v0, $0x17;
	v4 =	vadd.f32 $1.000000000e+00, v1  }
0x5e5: {  	v2 =	vshra.s32 v2, $0x17;
	v3 =	vshra.s32 v3, $0x17;
	v16 =	vshra.s32 v41, $0x17  }
0x5e6: {  	v17 =	vand.u32 $0x7FFFFF, v15;
	v5 =	vor.u32 $0x3F800000, v5;
	(erf) = vrcp.f32 v4  }
0x5e7: {  	v43 =	vshra.s32 v15, $0x17;
	v6 =	vor.u32 $0x3F800000, v6;
	v4 =	vmul.f32 $5.000000000e-01, v5  }
0x5e8: {  	v45 =	vand.u32 $0x7FFFFF, v42;
	vm10 =	vgt.f32 v5, $1.414213540e+00;
	v7 =	vmul.f32 $5.000000000e-01, v6  }
0x5e9: {  	v21 =	vand.u32 $0x7FFFFF, v18;
	vm11 =	vgt.f32 v6, $1.414213540e+00;
	v4 =	vsel vm10, v4, v5  }
0x5ea: {  	v44 =	vor.u32 $0x3F800000, v17;
	v6 =	vsel vm11, v7, v6;
	v7 =	vld [tilespmem:s16+$0xFFFFFFE0];
	v5 =	vadd.f32 $1.000000000e+00, v4  }
0x5eb: {  	v17 =	vor.u32 $0x3F800000, v45;
	v19 =	vmul.f32 $5.000000000e-01, v44;
	v22 =	vadd.f32 $1.000000000e+00, v6  }
0x5ec: {  	v21 =	vor.u32 $0x3F800000, v21;
	v46 =	vmul.f32 $5.000000000e-01, v17;
	(erf) = vrcp.f32 v5  }
0x5ed: {  	v60 =	vshra.s32 v18, $0x17;
	v51 =	vmul.f32 $5.000000000e-01, v21;
	(erf) = vrcp.f32 v22  }
0x5ee: {  	v33 =	vsel vm9, $0xFFFFFF82, v24;
	v11 =	vsel vm10, $0xFFFFFF82, v24;
	v1 =	vadd.f32 $-1.000000000e+00, v1  }
0x5ef: {  	v13 =	vsel vm11, $0xFFFFFF82, v24;
	v0 =	vadd.s32 v0, v33;
	v23 =	vand.u32 $0x7FFFFF, v7;
	v5 =	vpop (erf)  }
0x5f0: {  	v1 =	vmul.f32 v5, v1;
	v5 =	vshra.s32 v7, $0x17;
	v7 =	vor.u32 $0x3F800000, v23  }
0x5f1: {  	v3 =	vadd.s32 v3, v13;
	v2 =	vadd.s32 v2, v11;
	v8 =	vmul.f32 $5.000000000e-01, v7  }
0x5f2: {  	v11 =	vand.u32 $0x7FFFFF, v41;
	vm11 =	vgt.f32 v17, $1.414213540e+00;
	vm12 =	vgt.f32 v7, $1.414213540e+00  }
0x5f3: {  	v6 =	vadd.f32 $-1.000000000e+00, v6;
	v3 =	vcvt.s32.f32 v3;
	v7 =	vsel vm12, v8, v7  }
0x5f4: {  	v2 =	vcvt.s32.f32 v2;
	v11 =	vor.u32 $0x3F800000, v11;
	v35 =	vadd.f32 $1.000000000e+00, v7  }
0x5f5: {  	v0 =	vcvt.s32.f32 v0;
	v49 =	vsel vm11, v46, v17;
	v50 =	vmul.f32 $5.000000000e-01, v11;
	v12 =	vpop (erf)  }
0x5f6: {  	v54 =	vsel vm11, $0xFFFFFF82, v24;
	vm9 =	vgt.f32 v11, $1.414213540e+00;
	v36 =	vpop (erf);
	(erf) = vrcp.f32 v35  }
0x5f7: {  	v0 =	vmul.f32 $6.931471820e-01, v0;
	v30 =	vsel vm9, v50, v11;
	v6 =	vmul.f32 v36, v6  }
0x5f8: {  	vm10 =	vgt.f32 v44, $1.414213540e+00;
	v32 =	vmul.f32 v1, v1;
	v38 =	vsel vm12, $0xFFFFFF82, v24  }
0x5f9: {  	v4 =	vadd.f32 $-1.000000000e+00, v4;
	v5 =	vadd.s32 v5, v38;
	v39 =	vmul.f32 v6, v6  }
0x5fa: {  	v58 =	vadd.f32 $1.000000000e+00, v30;
	v34 =	vmul.f32 $2.222222240e-01, v32;
	v5 =	vcvt.s32.f32 v5  }
0x5fb: {  	v15 =	vsel vm10, v19, v44;
	v4 =	vmul.f32 v12, v4;
	v14 =	vmul.f32 $2.222222240e-01, v39  }
0x5fc: {  	v3 =	vmul.f32 $6.931471820e-01, v3;
	v47 =	vadd.f32 $1.000000000e+00, v15;
	v8 =	vadd.f32 $2.857142980e-01, v34  }
0x5fd: {  	v25 =	vmul.f32 $6.931471820e-01, v5;
	v37 =	vmul.f32 v4, v4;
	v5 =	vadd.f32 $2.857142980e-01, v14  }
0x5fe: {  	v7 =	vadd.f32 $-1.000000000e+00, v7;
	(erf) = vrcp.f32 v47;
	v8 =	vmul.f32 v8, v32  }
0x5ff: {  	v56 =	vadd.f32 $-1.000000000e+00, v15;
	v40 =	vmul.f32 $2.222222240e-01, v37;
	v5 =	vmul.f32 v5, v39;
	v20 =	vpop (erf)  }
0x600: {  	v23 =	vadd.f32 $1.000000000e+00, v49;
	v8 =	vadd.f32 $4.000000060e-01, v8;
	v7 =	vmul.f32 v20, v7  }
0x601: {  	vm12 =	vgt.f32 v21, $1.414213540e+00;
	v12 =	vadd.f32 $2.857142980e-01, v40;
	v5 =	vadd.f32 $4.000000060e-01, v5  }
0x602: {  	v19 =	vsel vm12, v51, v21;
	v8 =	vmul.f32 v8, v32;
	v48 =	vmul.f32 v7, v7  }
0x603: {  	v57 =	vsel vm12, $0xFFFFFF82, v24;
	v12 =	vmul.f32 v12, v37;
	v5 =	vmul.f32 v5, v39  }
0x604: {  	v53 =	vadd.f32 $1.000000000e+00, v19;
	v8 =	vadd.f32 $6.666666860e-01, v8;
	v22 =	vmul.f32 $2.222222240e-01, v48  }
0x605: {  	(erf) = vrcp.f32 v23;
	v12 =	vadd.f32 $4.000000060e-01, v12;
	v5 =	vadd.f32 $6.666666860e-01, v5  }
0x606: {  	(erf) = vrcp.f32 v53;
	v8 =	vmul.f32 v8, v32;
	v22 =	vadd.f32 $2.857142980e-01, v22  }
0x607: {  	v14 =	vshra.s32 v42, $0x17;
	v59 =	vpop (erf);
	v12 =	vmul.f32 v12, v37;
	v5 =	vmul.f32 v5, v39  }
0x608: {  	v27 =	vmul.f32 v59, v56;
	v8 =	vadd.f32 $2.000000000e+00, v8;
	v55 =	vmul.f32 v22, v48  }
0x609: {  	(erf) = vrcp.f32 v58;
	v12 =	vadd.f32 $6.666666860e-01, v12;
	v5 =	vadd.f32 $2.000000000e+00, v5  }
0x60a: {  	v33 =	vmul.f32 v27, v27;
	v1 =	vmul.f32 v8, v1;
	v9 =	vadd.f32 $4.000000060e-01, v55  }
0x60b: {  	v10 =	vmul.f32 v12, v37;
	v5 =	vmul.f32 v5, v6;
	v6 =	vadd.s32 v60, v57  }
0x60c: {  	v0 =	vadd.f32 v1, v0;
	v31 =	vcvt.s32.f32 v6;
	v9 =	vmul.f32 v9, v48  }
0x60d: {  	v6 =	vadd.f32 $2.000000000e+00, v10;
	v1 =	vadd.f32 v5, v3;
	v3 =	vadd.s32 v14, v54  }
0x60e: {  	v2 =	vmul.f32 $6.931471820e-01, v2;
	v63 =	vsel vm9, $0xFFFFFF82, v24;
	v5 =	vadd.f32 $6.666666860e-01, v9  }
0x60f: {  	v52 =	vsel vm10, $0xFFFFFF82, v24;
	v8 =	vadd.f32 $-1.000000000e+00, v49;
	v61 =	vmul.f32 $2.222222240e-01, v33  }
0x610: {  	v62 =	vadd.f32 $-1.000000000e+00, v19;
	v35 =	vcvt.s32.f32 v3;
	v3 =	vpop (erf);
	v5 =	vmul.f32 v5, v48  }
0x611: {  	v4 =	vmul.f32 v6, v4;
	v26 =	vmul.f32 v3, v8;
	v3 =	vadd.f32 $2.857142980e-01, v61;
	v6 =	vpop (erf)  }
0x612: {  	[tilespmem:s11+$0xFFFFFFF0] =	vst v1;
	v1 =	vadd.s32 v16, v63;
	v28 =	vmul.f32 v6, v62;
	v5 =	vadd.f32 $2.000000000e+00, v5  }
0x613: {  	[tilespmem:s11+$0x10] =	vst v0;
	v0 =	vadd.f32 v4, v2;
	v32 =	vmul.f32 v26, v26;
	v3 =	vmul.f32 v3, v33  }
0x614: {  	v29 =	vadd.s32 v43, v52;
	v34 =	vmul.f32 v28, v28;
	v2 =	vmul.f32 v5, v7  }
0x615: {  	s13 =	simm.s32 $0x4;
	s14 =	simm.s32 $0x9128;
	s12 =	simm.s32 $0x92A8;
	[tilespmem:s11+$0x0] =	vst v0;
	v0 =	vcvt.s32.f32 v1;
	v1 =	vpop (erf);
	v4 =	vmul.f32 $2.222222240e-01, v32;
	v3 =	vadd.f32 $4.000000060e-01, v3  }
.LBB2_20:
0x616: {  	v5 =	vld [tilespmem:s14+$0xFFFFFFE0];
	s13 =	sadd.s32 $0x4, s13;
	v6 =	vmul.f32 $2.222222240e-01, v34;
	v2 =	vadd.f32 v2, v25;
	s11 =	sadd.s32 $0x40, s11  }
0x617: {  	v8 =	vcvt.s32.f32 v29;
	v7 =	vld [tilespmem:s14+$0x10];
	p0 =	slt.u32 s13, $0x1C;
	v4 =	vadd.f32 $2.857142980e-01, v4;
	v3 =	vmul.f32 v3, v33  }
0x618: {  	v25 =	vmul.f32 $6.931471820e-01, v0;
	v9 =	vld [tilespmem:s14+$0xFFFFFFF0];
	v0 =	vadd.f32 $2.857142980e-01, v6;
	v6 =	vmul.f32 $6.931471820e-01, v35;
	[tilespmem:s12+$0xFFFFFFE0] =	vst v2;
	s12 =	smov.u32 s11  }
0x619: {  	v8 =	vmul.f32 $6.931471820e-01, v8;
	v2 =	vld [tilespmem:s14+$0x0];
	v4 =	vmul.f32 v4, v32;
	v3 =	vadd.f32 $6.666666860e-01, v3  }
0x61a: {  	v10 =	vadd.f32 $-1.000000000e+00, v30;
	v11 =	vmul.f32 $6.931471820e-01, v31;
	v0 =	vmul.f32 v0, v34  }
0x61b: {  	v12 =	vshra.s32 v5, $0x17;
	v5 =	vand.u32 $0x7FFFFF, v5;
	v4 =	vadd.f32 $4.000000060e-01, v4  }
0x61c: {  	v3 =	vmul.f32 v3, v33;
	v5 =	vor.u32 $0x3F800000, v5;
	v13 =	vand.u32 $0x7FFFFF, v7  }
0x61d: {  	v7 =	vshra.s32 v7, $0x17;
	v0 =	vadd.f32 $4.000000060e-01, v0;
	v13 =	vor.u32 $0x3F800000, v13  }
0x61e: {  	v3 =	vadd.f32 $2.000000000e+00, v3;
	v14 =	vand.u32 $0x7FFFFF, v2;
	v15 =	vmul.f32 $5.000000000e-01, v13  }
0x61f: {  	vm9 =	vgt.f32 v5, $1.414213540e+00;
	vm10 =	vgt.f32 v13, $1.414213540e+00;
	v0 =	vmul.f32 v0, v34  }
0x620: {  	v1 =	vmul.f32 v1, v10;
	v14 =	vor.u32 $0x3F800000, v14;
	v13 =	vsel vm10, v15, v13  }
0x621: {  	v10 =	vmul.f32 $5.000000000e-01, v14;
	v0 =	vadd.f32 $6.666666860e-01, v0;
	v15 =	vadd.f32 $1.000000000e+00, v13  }
0x622: {  	v16 =	vand.u32 $0x7FFFFF, v9;
	v4 =	vmul.f32 v4, v32;
	v2 =	vshra.s32 v2, $0x17  }
0x623: {  	vm11 =	vgt.f32 v14, $1.414213540e+00;
	(erf) = vrcp.f32 v15;
	v15 =	vmul.f32 v1, v1  }
0x624: {  	v16 =	vor.u32 $0x3F800000, v16;
	v3 =	vmul.f32 v3, v27;
	v10 =	vsel vm11, v10, v14  }
0x625: {  	v17 =	vmul.f32 $5.000000000e-01, v16;
	v4 =	vadd.f32 $6.666666860e-01, v4;
	v14 =	vmul.f32 $5.000000000e-01, v5  }
0x626: {  	vm12 =	vgt.f32 v16, $1.414213540e+00;
	v18 =	vadd.f32 $1.000000000e+00, v10;
	v19 =	vmul.f32 $2.222222240e-01, v15  }
0x627: {  	v16 =	vsel vm12, v17, v16;
	v17 =	vsel vm10, $0xFFFFFF82, v24;
	v4 =	vmul.f32 v4, v32  }
0x628: {  	v20 =	vadd.f32 $1.000000000e+00, v16;
	(erf) = vrcp.f32 v18;
	v18 =	vadd.f32 $2.857142980e-01, v19  }
0x629: {  	v29 =	vadd.s32 v7, v17;
	v0 =	vmul.f32 v0, v34;
	v19 =	vsel vm11, $0xFFFFFF82, v24  }
0x62a: {  	v30 =	vsel vm9, v14, v5;
	(erf) = vrcp.f32 v20;
	v5 =	vmul.f32 v18, v15  }
0x62b: {  	v13 =	vadd.f32 $-1.000000000e+00, v13;
	v7 =	vsel vm12, $0xFFFFFF82, v24;
	v0 =	vadd.f32 $2.000000000e+00, v0  }
0x62c: {  	v9 =	vshra.s32 v9, $0x17;
	v14 =	vadd.f32 $1.000000000e+00, v30;
	v17 =	vpop (erf);
	v5 =	vadd.f32 $4.000000060e-01, v5  }
0x62d: {  	v7 =	vadd.s32 v9, v7;
	v0 =	vmul.f32 v0, v28;
	v27 =	vmul.f32 v17, v13  }
0x62e: {  	v3 =	vadd.f32 v3, v8;
	(erf) = vrcp.f32 v14;
	v5 =	vmul.f32 v5, v15  }
0x62f: {  	v31 =	vcvt.s32.f32 v7;
	v0 =	vadd.f32 v0, v11;
	v33 =	vmul.f32 v27, v27  }
0x630: {  	v4 =	vadd.f32 $2.000000000e+00, v4;
	v2 =	vadd.s32 v2, v19;
	v5 =	vadd.f32 $6.666666860e-01, v5;
	[tilespmem:s11+$0x10] =	vst v3  }
0x631: {  	v9 =	vadd.f32 $-1.000000000e+00, v10;
	v35 =	vcvt.s32.f32 v2;
	v2 =	vmul.f32 $2.222222240e-01, v33;
	v7 =	vpop (erf);
	[tilespmem:s11+$0xFFFFFFF0] =	vst v0  }
0x632: {  	v4 =	vmul.f32 v4, v26;
	v0 =	vadd.f32 $-1.000000000e+00, v16;
	v5 =	vmul.f32 v5, v15  }
.Ltmp9:
0x633: {  	v8 =	vsel vm9, $0xFFFFFF82, v24;
	v26 =	vmul.f32 v7, v9;
	v2 =	vadd.f32 $2.857142980e-01, v2;
	v3 =	vpop (erf);
	(pc) =	sbr.rel @p0 .LBB2_20-.Ltmp9, $4  }
0x634: {  	v28 =	vmul.f32 v3, v0;
	v0 =	vadd.f32 $2.000000000e+00, v5;
	v3 =	vadd.f32 v4, v6  }
0x635: {  	v4 =	vadd.s32 v12, v8;
	v32 =	vmul.f32 v26, v26;
	v5 =	vmul.f32 v2, v33  }
0x636: {  	v34 =	vmul.f32 v28, v28;
	v2 =	vmul.f32 v0, v1;
	[tilespmem:s11+$0x0] =	vst v3  }
0x637: {  	s14 =	sadd.s32 $0x40, s14;
	v0 =	vcvt.s32.f32 v4;
	v4 =	vmul.f32 $2.222222240e-01, v32;
	v3 =	vadd.f32 $4.000000060e-01, v5;
	v1 =	vpop (erf)  }
0x638: {  	v5 =	vadd.f32 $-1.000000000e+00, v30;
	_ =	sdelay $0x1  }
0x639: {  	v1 =	vmul.f32 v1, v5;
	_ =	sdelay $0x1  }
0x63a: {  	v6 =	vmul.f32 v1, v1  }
0x63b: {  	v60 =	vmul.f32 $2.222222240e-01, v34  }
0x63c: {  	v4 =	vadd.f32 $2.857142980e-01, v4;
	v7 =	vmul.f32 $2.222222240e-01, v6  }
0x63d: {  	v5 =	vadd.f32 $2.857142980e-01, v60  }
0x63e: {  	v4 =	vmul.f32 v4, v32;
	v7 =	vadd.f32 $2.857142980e-01, v7  }
0x63f: {  	v5 =	vmul.f32 v5, v34  }
0x640: {  	v4 =	vadd.f32 $4.000000060e-01, v4;
	v7 =	vmul.f32 v7, v6  }
0x641: {  	v3 =	vmul.f32 v3, v33;
	v5 =	vadd.f32 $4.000000060e-01, v5  }
0x642: {  	v4 =	vmul.f32 v4, v32;
	v7 =	vadd.f32 $4.000000060e-01, v7  }
0x643: {  	v3 =	vadd.f32 $6.666666860e-01, v3;
	v5 =	vmul.f32 v5, v34  }
0x644: {  	v4 =	vadd.f32 $6.666666860e-01, v4;
	v7 =	vmul.f32 v7, v6  }
0x645: {  	v3 =	vmul.f32 v3, v33;
	v5 =	vadd.f32 $6.666666860e-01, v5  }
0x646: {  	v4 =	vmul.f32 v4, v32;
	v7 =	vadd.f32 $6.666666860e-01, v7  }
0x647: {  	v8 =	vcvt.s32.f32 v29;
	v3 =	vadd.f32 $2.000000000e+00, v3;
	v5 =	vmul.f32 v5, v34  }
0x648: {  	v2 =	vadd.f32 v2, v25;
	v4 =	vadd.f32 $2.000000000e+00, v4;
	v6 =	vmul.f32 v7, v6  }
0x649: {  	v61 =	vmul.f32 $6.931471820e-01, v8;
	v3 =	vmul.f32 v3, v27;
	v5 =	vadd.f32 $2.000000000e+00, v5  }
0x64a: {  	v9 =	vmul.f32 $6.931471820e-01, v35;
	v4 =	vmul.f32 v4, v26;
	v6 =	vadd.f32 $2.000000000e+00, v6  }
0x64b: {  	v8 =	vmul.f32 $6.931471820e-01, v31;
	v3 =	vadd.f32 v3, v61;
	v5 =	vmul.f32 v5, v28  }
0x64c: {  	s11 =	sadd.s32 $0x40, s11;
	v0 =	vmul.f32 $6.931471820e-01, v0;
	[tilespmem:s12+$0xFFFFFFE0] =	vst v2;
	v63 =	vadd.f32 v4, v9;
	v1 =	vmul.f32 v6, v1  }
0x64d: {  	[tilespmem:s11+$0x10] =	vst v3;
	v62 =	vadd.f32 v5, v8  }
0x64e: {  	[tilespmem:s11+$0x0] =	vst v63;
	v0 =	vadd.f32 v1, v0  }
0x64f: {  	[tilespmem:s11+$0xFFFFFFF0] =	vst v62  }
0x650: {  	[tilespmem:s11+$0xFFFFFFE0] =	vst v0  }
0x651: {  	[hbm4b:s5+s3] =	stream.linear.scatter [tilespmem:s9], [sflag:$0x1], $0x200, $0x38;
	[tilespmem:$0x9488] =	vst v63  }
0x652: {  	_ =	swait.ge [sflag:s7], $0x200  }
0x653: {  	v11 =	vld [tilespmem:$0x1FF80]  }
0x654: {  	s10 =	sadd.s32 $0x1, s10;
	v15 =	vld [tilespmem:$0x1FF90]  }
0x655: {  	p0 =	sne.s32 s10, s6;
	v16 =	vld [tilespmem:$0x1FFA0]  }
.Ltmp10:
0x656: {  	v17 =	vld [tilespmem:$0x1FFB0];
	(pc) =	sbr.rel @p0 .LBB2_1-.Ltmp10, $4  }
0x657: {  	v18 =	vld [tilespmem:$0x1FFC0]  }
0x658: {  	v19 =	vld [tilespmem:$0x1FFD0]  }
0x659: {  	[sflag:s7] =	ssyncset.done $0x0;
	v20 =	vld [tilespmem:$0x1FFE0]  }
0x65a: {  	v21 =	vld [tilespmem:$0x1FFF0];
	[sflag:s7] =	ssyncadd.s32 $0xFFFFFE00  }
0x65b: {  	_ =	sfence.sel $0x180000  }
0x65c: {  	[bflag:$0x0] =	sbarrier.arrive $0xFFFF  }
0x65d: {  	p0 =	sne.s32 s0, $0x0;
	_ =	strace $0x90000047  }
0x65e: {  	s0 =	sadd.s32 @!p0 $0x100000, s2;
	[bflag:$0x2] =	sbarrier.arrive $0xFFFF  }
0x65f: {  	[sflag:s0] =	ssyncadd.tile.s32 @!p0 $0x1;
	_ =	shalt  }
.Lfunc_end2:
_tile_overlayer_lowered:
.L_overlay_start_2:
0x660: {  	(tag) =	ssettag $0x2  }
0x661: {  	s0 =	rddreg [dreg:$0x0];
	s2 =	stileid.u32  }
0x662: {  	s1 =	rddreg [dreg:$0x1];
	p0 =	sne.s32 s2, $0x0  }
0x663: {  	s3 =	rddreg [dreg:$0x2];
	[bflag:$0x3] =	sbarrier.arrive $0xFFFF;
	s2 =	simm.s32 @!p0 $0x1C01  }
0x664: {  	[timem:s3], [sflag:s2] =	dma.local @!p0 [hbm:s0], s1  }
0x665: {  	s0 =	simm.s32 @!p0 $0x1  }
0x666: {  	_ =	swait.ge @!p0 [sflag:s0], s1  }
0x667: {  	s1 =	ssub.s32 @!p0 $0x0, s1;
	[sflag:s0] =	ssyncset.done @!p0 $0x0  }
0x668: {  	[sflag:s0] =	ssyncadd.s32 @!p0 s1  }
0x669: {  	[bflag:$0x3] =	sbarrier.arrive $0xFFFF  }
0x66a: {  	_ =	shalt  }

</sc_bundles>
